<compile_context>
chip_gen: v7x
topology: tpu7x:2x2x1
jax: 0.10.2.dev20260603
libtpu: 0.0.44.dev20260713+nightly
codegen_flags: <defaults>
</compile_context>

<pallas_src>
import functools

import jax
import jax.numpy as jnp
from jax import lax
from jax.experimental import pallas as pl
from jax.experimental.pallas import tpu as pltpu
from jax.experimental.pallas import tpu_sc as plsc

KMAX = 16
KMIN = 16

NC = 2
NS = 16
NW = NC * NS
L = 16

TR = 64

SC_ROWS = 36864


def _sc_body(x_hbm, o_hbm, buf0, buf1, outb, sem0, sem1):
    cid = lax.axis_index("c")
    sid = lax.axis_index("s")
    wid = sid * NC + cid
    rows_per_w = SC_ROWS // NW
    ntiles = rows_per_w // TR
    base = wid * rows_per_w
    lane_iota = lax.iota(jnp.int32, L)
    bufs = (buf0, buf1)
    sems = (sem0, sem1)

    def merge(a, b):
        at, ab = a
        bt, bb = b
        tm = jnp.maximum(at, lax.rev(bt, (0,)))
        bm = jnp.minimum(ab, lax.rev(bb, (0,)))
        ts, _ = plsc.sort_key_val(tm, tm)
        bs, _ = plsc.sort_key_val(bm, bm)
        return (ts, bs)

    def compute_tile(buf, row0):
        def row_body(r, acc):
            slots = [None] * 7
            for j in range(36):
                c = buf[r, pl.ds(j * L, L)]
                cs, _ = plsc.sort_key_val(c, c)
                node = (cs, cs)
                k = 0
                while slots[k] is not None:
                    node = merge(slots[k], node)
                    slots[k] = None
                    k += 1
                slots[k] = node
            final = None
            for k in range(7):
                if slots[k] is not None:
                    final = slots[k] if final is None else merge(final, slots[k])
            top, bot = final
            val = (jnp.sum(top) + jnp.sum(bot)) * jnp.float32(0.5 / KMAX)
            lane = lax.rem(r, L)
            acc = jnp.where(lane_iota == lane, val, acc)

            @pl.when(lane == L - 1)
            def _():
                outb[pl.ds(r - (L - 1), L)] = acc

            return acc

        lax.fori_loop(0, TR, row_body, jnp.zeros((L,), jnp.float32))
        pltpu.sync_copy(outb, o_hbm.at[pl.ds(row0, TR)])

    pltpu.async_copy(x_hbm.at[pl.ds(base, TR)], buf0, sem0)
    pltpu.async_copy(x_hbm.at[pl.ds(base + TR, TR)], buf1, sem1)

    def pair_body(p, carry):
        t0 = p * 2
        for b in range(2):
            t = t0 + b
            pltpu.make_async_copy(
                x_hbm.at[pl.ds(base + t * TR, TR)], bufs[b], sems[b]
            ).wait()
            compute_tile(bufs[b], base + t * TR)

            @pl.when(t + 2 < ntiles)
            def _():
                pltpu.async_copy(
                    x_hbm.at[pl.ds(base + (t + 2) * TR, TR)], bufs[b], sems[b]
                )
        return carry

    lax.fori_loop(0, ntiles // 2, pair_body, jnp.int32(0))


def _sc_weldon(flat):
    mesh = plsc.VectorSubcoreMesh(core_axis_name="c", subcore_axis_name="s")
    return pl.kernel(
        _sc_body,
        out_type=jax.ShapeDtypeStruct((SC_ROWS,), jnp.float32),
        mesh=mesh,
        compiler_params=pltpu.CompilerParams(needs_layout_passes=False),
        scratch_types=[
            pltpu.VMEM((TR, 576), jnp.float32),
            pltpu.VMEM((TR, 576), jnp.float32),
            pltpu.VMEM((TR,), jnp.float32),
            pltpu.SemaphoreType.DMA,
            pltpu.SemaphoreType.DMA,
        ],
    )(flat)


def _tc_body(x_ref, o_ref):
    x = x_ref[...]
    r, n = x.shape
    neg_inf = jnp.float32(-jnp.inf)
    pos_inf = jnp.float32(jnp.inf)

    xi = jax.lax.bitcast_convert_type(x, jnp.int32)
    idx = jax.lax.broadcasted_iota(jnp.int32, (r, n), 1)
    xu = jax.lax.bitcast_convert_type((xi & ~1023) | idx, jnp.float32)

    m_hi = jnp.max(xu, axis=1, keepdims=True)
    m_lo = jnp.min(xu, axis=1, keepdims=True)
    acc_hi = m_hi
    acc_lo = m_lo
    for _ in range(KMAX - 1):
        m_hi = jnp.max(jnp.where(xu < m_hi, xu, neg_inf), axis=1, keepdims=True)
        m_lo = jnp.min(jnp.where(xu > m_lo, xu, pos_inf), axis=1, keepdims=True)
        acc_hi = acc_hi + m_hi
        acc_lo = acc_lo + m_lo

    out = (acc_hi / KMAX + acc_lo / KMIN) * 0.5
    o_ref[0, 0] = out[:, 0]


def _tc_weldon(flat, row0):
    rows, n = flat.shape
    R = 512
    b0 = row0 // R
    g = rows // R - b0
    out = pl.pallas_call(
        _tc_body,
        grid=(g,),
        in_specs=[pl.BlockSpec((R, n), lambda i: (i + b0, 0))],
        out_specs=pl.BlockSpec((1, 1, R), lambda i: (i, 0, 0)),
        out_shape=jax.ShapeDtypeStruct((g, 1, R), jnp.float32),
    )(flat)
    return out.reshape(g * R)


def kernel(input):
    b, c, h, w = input.shape
    n = h * w
    rows = b * c
    flat = input.reshape(rows, n)
    parts = []
    if SC_ROWS > 0:
        parts.append(_sc_weldon(flat))
    if SC_ROWS < rows:
        parts.append(_tc_weldon(flat, SC_ROWS))
    out = parts[0] if len(parts) == 1 else jnp.concatenate(parts)
    return out.reshape(b, c)

# --- scband reference (transcript-rebuilt; emitter-appended) ---
"""Pipeline reference for scband-weldon-pool2d-60876866453677 (READ-ONLY COPY).

The authoritative reference and input builder live on the scoring server;
editing this copy changes nothing except your own understanding.
"""

import jax, jax.numpy as jnp
import numpy as np

KMAX = 16
KMIN = 16

def setup_inputs(seed: int = 0) -> dict:
    key = jax.random.key(seed)
    x = jax.random.normal(key, (64, 768, 24, 24), dtype=jnp.float32)
    return {"input": x}

def _get_k(k, n):
    if k <= 0:
        return 0
    elif k < 1:
        return int(round(k * n))
    elif k > n:
        return int(n)
    else:
        return int(k)

def reference(input) -> jnp.ndarray:
    b, c, h, w = input.shape
    n = h * w
    kmax = _get_k(KMAX, n)
    kmin = _get_k(KMIN, n)
    flat = input.reshape(b, c, n)
    # descending sort along last dim
    sorted_desc = jnp.sort(flat, axis=2)[:, :, ::-1]
    out = sorted_desc[:, :, :kmax].sum(axis=2) / kmax
    if kmin > 0:
        out = (out + sorted_desc[:, :, n - kmin:].sum(axis=2) / kmin) / 2.0
    return out.reshape(b, c)

if __name__ == "__main__":
    import jax
    _d = setup_inputs()
    print(jax.jit(kernel)(*tuple(_d.values())))

</pallas_src>

<mosaic_0001>
#map = affine_map<(d0, d1) -> (0, 0)>
#map1 = affine_map<(d0, d1) -> (0)>
module attributes {stable_mosaic.version = 14 : i64} {
  func.func @_sc_body(%arg0: i32, %arg1: i32, %arg2: memref<49152x576xf32, #tpu.memory_space<hbm>>, %arg3: memref<36864xf32, #tpu.memory_space<hbm>>, %arg4: memref<64x576xf32, #tpu.memory_space<vmem>>, %arg5: memref<64x576xf32, #tpu.memory_space<vmem>>, %arg6: memref<64xf32, #tpu.memory_space<vmem>>, %arg7: memref<!tpu.dma_semaphore, #tpu.memory_space<semaphore_mem>>, %arg8: memref<!tpu.dma_semaphore, #tpu.memory_space<semaphore_mem>>) attributes {dimension_semantics = [#tpu.dimension_semantics<core_parallel>, #tpu.dimension_semantics<subcore_parallel>], iteration_bounds = array<i64: 2, 16>, scalar_prefetch = 0 : i64, scratch_operands = 5 : i64, tpu.core_type = #tpu.core_type<sc_vector_subcore>, window_params = [{transform_indices = #map}, {transform_indices = #map1}]} {
    %mul3A = arith.constant 2 : i32
    %mul3A_0 = arith.muli %arg1, %mul3A : i32
    %add3A = arith.addi %mul3A_0, %arg0 : i32
    %mul3A_1 = arith.constant 1152 : i32
    %mul3A_2 = arith.muli %add3A, %mul3A_1 : i32
    %iota3A = tpu.iota {dimensions = array<i32: 0>} : vector<16xi32>
    %dma_start3A = arith.constant 0 : i32
    %dma_start3A_3 = tpu.memref_slice %arg2[%mul3A_2, %dma_start3A] : memref<49152x576xf32, #tpu.memory_space<hbm>> -> memref<64x576xf32, #tpu.memory_space<hbm>>
    %dma_start3A_4 = arith.constant 0 : i32
    %dma_start3A_5 = tpu.memref_slice %arg2[%mul3A_2, %dma_start3A_4] : memref<49152x576xf32, #tpu.memory_space<hbm>> -> memref<64x576xf32, #tpu.memory_space<hbm>>
    tpu.enqueue_dma source(%dma_start3A_5 : memref<64x576xf32, #tpu.memory_space<hbm>>) target(%arg4 : memref<64x576xf32, #tpu.memory_space<vmem>>) target_semaphore(%arg7 : memref<!tpu.dma_semaphore, #tpu.memory_space<semaphore_mem>>)
    %add3A_6 = arith.constant 64 : i32
    %add3A_7 = arith.addi %mul3A_2, %add3A_6 : i32
    %dma_start3A_8 = arith.constant 0 : i32
    %dma_start3A_9 = tpu.memref_slice %arg2[%add3A_7, %dma_start3A_8] : memref<49152x576xf32, #tpu.memory_space<hbm>> -> memref<64x576xf32, #tpu.memory_space<hbm>>
    %dma_start3A_10 = arith.constant 0 : i32
    %dma_start3A_11 = tpu.memref_slice %arg2[%add3A_7, %dma_start3A_10] : memref<49152x576xf32, #tpu.memory_space<hbm>> -> memref<64x576xf32, #tpu.memory_space<hbm>>
    tpu.enqueue_dma source(%dma_start3A_11 : memref<64x576xf32, #tpu.memory_space<hbm>>) target(%arg5 : memref<64x576xf32, #tpu.memory_space<vmem>>) target_semaphore(%arg8 : memref<!tpu.dma_semaphore, #tpu.memory_space<semaphore_mem>>)
    %scan3A = arith.constant 0 : i32
    %scan3A_12 = arith.constant 0 : i32
    %scan3A_13 = arith.constant 9 : i32
    %scan3A_14 = arith.addi %scan3A_12, %scan3A_13 : i32
    %scan3A_15 = arith.constant 1 : i32
    scf.for %scan3A_17 = %scan3A_12 to %scan3A_14 step %scan3A_15  : i32 {
      %mul3A_18 = arith.constant 2 : i32
      %mul3A_19 = arith.muli %scan3A_17, %mul3A_18 : i32
      %add3A_20 = arith.constant 0 : i32
      %add3A_21 = arith.addi %mul3A_19, %add3A_20 : i32
      %mul3A_22 = arith.constant 64 : i32
      %mul3A_23 = arith.muli %add3A_21, %mul3A_22 : i32
      %add3A_24 = arith.addi %mul3A_2, %mul3A_23 : i32
      %dma_wait3A = arith.constant 0 : i32
      %dma_wait3A_25 = tpu.memref_slice %arg2[%add3A_24, %dma_wait3A] : memref<49152x576xf32, #tpu.memory_space<hbm>> -> memref<64x576xf32, #tpu.memory_space<hbm>>
      %dma_wait3A_26 = arith.constant 0 : i32
      %dma_wait3A_27 = tpu.memref_slice %arg2[%add3A_24, %dma_wait3A_26] : memref<49152x576xf32, #tpu.memory_space<hbm>> -> memref<64x576xf32, #tpu.memory_space<hbm>>
      tpu.wait_dma2 semaphore(%arg7 : memref<!tpu.dma_semaphore, #tpu.memory_space<semaphore_mem>>) src(%dma_wait3A_27 : memref<64x576xf32, #tpu.memory_space<hbm>>) dst(%arg4 : memref<64x576xf32, #tpu.memory_space<vmem>>)
      %mul3A_28 = arith.constant 64 : i32
      %mul3A_29 = arith.muli %add3A_21, %mul3A_28 : i32
      %add3A_30 = arith.addi %mul3A_2, %mul3A_29 : i32
      %broadcast_in_dim3A = arith.constant 0.000000e+00 : f32
      %broadcast_in_dim3A_31 = vector.broadcast %broadcast_in_dim3A : f32 to vector<16xf32>
      %scan3A_32 = arith.constant 0 : i32
      %scan3A_33 = arith.constant 64 : i32
      %scan3A_34 = arith.addi %scan3A_32, %scan3A_33 : i32
      %scan3A_35 = arith.constant 1 : i32
      %scan3A_36 = scf.for %scan3A_69 = %scan3A_32 to %scan3A_34 step %scan3A_35 iter_args(%scan3A_70 = %broadcast_in_dim3A_31) -> (vector<16xf32>)  : i32 {
        %get3A = arith.index_cast %scan3A_69 : i32 to index
        %get3A_71 = arith.constant 0 : index
        %get3A_72 = tpu.vector_load %arg4[%get3A, %get3A_71] {strides = array<i32>} : memref<64x576xf32, #tpu.memory_space<vmem>>, vector<16xf32>,
        %masked_sort3A = arith.constant dense<true> : vector<16xi1>
        %masked_sort3A_73, %masked_sort3A_74, %masked_sort3A_75 = tpu.sort %get3A_72, %get3A_72 masked %masked_sort3A : (vector<16xf32>, vector<16xf32>, vector<16xi1>) -> (vector<16xi1>, vector<16xf32>, vector<16xf32>)
        %get3A_76 = arith.index_cast %scan3A_69 : i32 to index
        %get3A_77 = arith.constant 16 : index
        %get3A_78 = tpu.vector_load %arg4[%get3A_76, %get3A_77] {strides = array<i32>} : memref<64x576xf32, #tpu.memory_space<vmem>>, vector<16xf32>,
        %masked_sort3A_79 = arith.constant dense<true> : vector<16xi1>
        %masked_sort3A_80, %masked_sort3A_81, %masked_sort3A_82 = tpu.sort %get3A_78, %get3A_78 masked %masked_sort3A_79 : (vector<16xf32>, vector<16xf32>, vector<16xi1>) -> (vector<16xi1>, vector<16xf32>, vector<16xf32>)
        %rev3A = arith.constant 15 : i32
        %rev3A_83 = vector.broadcast %rev3A : i32 to vector<16xi32>
        %rev3A_84 = tpu.iota {dimensions = array<i32: 0>} : vector<16xi32>
        %rev3A_85 = arith.subi %rev3A_83, %rev3A_84 : vector<16xi32>
        %rev3A_86 = tpu.dynamic_gather %masked_sort3A_81[%rev3A_85] in [0] : vector<16xf32>, vector<16xi32> -> vector<16xf32>
        %max3A = arith.maximumf %masked_sort3A_74, %rev3A_86 : vector<16xf32>
        %rev3A_87 = arith.constant 15 : i32
        %rev3A_88 = vector.broadcast %rev3A_87 : i32 to vector<16xi32>
        %rev3A_89 = tpu.iota {dimensions = array<i32: 0>} : vector<16xi32>
        %rev3A_90 = arith.subi %rev3A_88, %rev3A_89 : vector<16xi32>
        %rev3A_91 = tpu.dynamic_gather %masked_sort3A_81[%rev3A_90] in [0] : vector<16xf32>, vector<16xi32> -> vector<16xf32>
        %min3A = arith.minimumf %masked_sort3A_74, %rev3A_91 : vector<16xf32>
        %masked_sort3A_92 = arith.constant dense<true> : vector<16xi1>
        %masked_sort3A_93, %masked_sort3A_94, %masked_sort3A_95 = tpu.sort %max3A, %max3A masked %masked_sort3A_92 : (vector<16xf32>, vector<16xf32>, vector<16xi1>) -> (vector<16xi1>, vector<16xf32>, vector<16xf32>)
        %masked_sort3A_96 = arith.constant dense<true> : vector<16xi1>
        %masked_sort3A_97, %masked_sort3A_98, %masked_sort3A_99 = tpu.sort %min3A, %min3A masked %masked_sort3A_96 : (vector<16xf32>, vector<16xf32>, vector<16xi1>) -> (vector<16xi1>, vector<16xf32>, vector<16xf32>)
        %get3A_100 = arith.index_cast %scan3A_69 : i32 to index
        %get3A_101 = arith.constant 32 : index
        %get3A_102 = tpu.vector_load %arg4[%get3A_100, %get3A_101] {strides = array<i32>} : memref<64x576xf32, #tpu.memory_space<vmem>>, vector<16xf32>,
        %masked_sort3A_103 = arith.constant dense<true> : vector<16xi1>
        %masked_sort3A_104, %masked_sort3A_105, %masked_sort3A_106 = tpu.sort %get3A_102, %get3A_102 masked %masked_sort3A_103 : (vector<16xf32>, vector<16xf32>, vector<16xi1>) -> (vector<16xi1>, vector<16xf32>, vector<16xf32>)
        %get3A_107 = arith.index_cast %scan3A_69 : i32 to index
        %get3A_108 = arith.constant 48 : index
        %get3A_109 = tpu.vector_load %arg4[%get3A_107, %get3A_108] {strides = array<i32>} : memref<64x576xf32, #tpu.memory_space<vmem>>, vector<16xf32>,
        %masked_sort3A_110 = arith.constant dense<true> : vector<16xi1>
        %masked_sort3A_111, %masked_sort3A_112, %masked_sort3A_113 = tpu.sort %get3A_109, %get3A_109 masked %masked_sort3A_110 : (vector<16xf32>, vector<16xf32>, vector<16xi1>) -> (vector<16xi1>, vector<16xf32>, vector<16xf32>)
        %rev3A_114 = arith.constant 15 : i32
        %rev3A_115 = vector.broadcast %rev3A_114 : i32 to vector<16xi32>
        %rev3A_116 = tpu.iota {dimensions = array<i32: 0>} : vector<16xi32>
        %rev3A_117 = arith.subi %rev3A_115, %rev3A_116 : vector<16xi32>
        %rev3A_118 = tpu.dynamic_gather %masked_sort3A_112[%rev3A_117] in [0] : vector<16xf32>, vector<16xi32> -> vector<16xf32>
        %max3A_119 = arith.maximumf %masked_sort3A_105, %rev3A_118 : vector<16xf32>
        %rev3A_120 = arith.constant 15 : i32
        %rev3A_121 = vector.broadcast %rev3A_120 : i32 to vector<16xi32>
        %rev3A_122 = tpu.iota {dimensions = array<i32: 0>} : vector<16xi32>
        %rev3A_123 = arith.subi %rev3A_121, %rev3A_122 : vector<16xi32>
        %rev3A_124 = tpu.dynamic_gather %masked_sort3A_112[%rev3A_123] in [0] : vector<16xf32>, vector<16xi32> -> vector<16xf32>
        %min3A_125 = arith.minimumf %masked_sort3A_105, %rev3A_124 : vector<16xf32>
        %masked_sort3A_126 = arith.constant dense<true> : vector<16xi1>
        %masked_sort3A_127, %masked_sort3A_128, %masked_sort3A_129 = tpu.sort %max3A_119, %max3A_119 masked %masked_sort3A_126 : (vector<16xf32>, vector<16xf32>, vector<16xi1>) -> (vector<16xi1>, vector<16xf32>, vector<16xf32>)
        %masked_sort3A_130 = arith.constant dense<true> : vector<16xi1>
        %masked_sort3A_131, %masked_sort3A_132, %masked_sort3A_133 = tpu.sort %min3A_125, %min3A_125 masked %masked_sort3A_130 : (vector<16xf32>, vector<16xf32>, vector<16xi1>) -> (vector<16xi1>, vector<16xf32>, vector<16xf32>)
        %rev3A_134 = arith.constant 15 : i32
        %rev3A_135 = vector.broadcast %rev3A_134 : i32 to vector<16xi32>
        %rev3A_136 = tpu.iota {dimensions = array<i32: 0>} : vector<16xi32>
        %rev3A_137 = arith.subi %rev3A_135, %rev3A_136 : vector<16xi32>
        %rev3A_138 = tpu.dynamic_gather %masked_sort3A_128[%rev3A_137] in [0] : vector<16xf32>, vector<16xi32> -> vector<16xf32>
        %max3A_139 = arith.maximumf %masked_sort3A_94, %rev3A_138 : vector<16xf32>
        %rev3A_140 = arith.constant 15 : i32
        %rev3A_141 = vector.broadcast %rev3A_140 : i32 to vector<16xi32>
        %rev3A_142 = tpu.iota {dimensions = array<i32: 0>} : vector<16xi32>
        %rev3A_143 = arith.subi %rev3A_141, %rev3A_142 : vector<16xi32>
        %rev3A_144 = tpu.dynamic_gather %masked_sort3A_132[%rev3A_143] in [0] : vector<16xf32>, vector<16xi32> -> vector<16xf32>
        %min3A_145 = arith.minimumf %masked_sort3A_98, %rev3A_144 : vector<16xf32>
        %masked_sort3A_146 = arith.constant dense<true> : vector<16xi1>
        %masked_sort3A_147, %masked_sort3A_148, %masked_sort3A_149 = tpu.sort %max3A_139, %max3A_139 masked %masked_sort3A_146 : (vector<16xf32>, vector<16xf32>, vector<16xi1>) -> (vector<16xi1>, vector<16xf32>, vector<16xf32>)
        %masked_sort3A_150 = arith.constant dense<true> : vector<16xi1>
        %masked_sort3A_151, %masked_sort3A_152, %masked_sort3A_153 = tpu.sort %min3A_145, %min3A_145 masked %masked_sort3A_150 : (vector<16xf32>, vector<16xf32>, vector<16xi1>) -> (vector<16xi1>, vector<16xf32>, vector<16xf32>)
        %get3A_154 = arith.index_cast %scan3A_69 : i32 to index
        %get3A_155 = arith.constant 64 : index
        %get3A_156 = tpu.vector_load %arg4[%get3A_154, %get3A_155] {strides = array<i32>} : memref<64x576xf32, #tpu.memory_space<vmem>>, vector<16xf32>,
        %masked_sort3A_157 = arith.constant dense<true> : vector<16xi1>
        %masked_sort3A_158, %masked_sort3A_159, %masked_sort3A_160 = tpu.sort %get3A_156, %get3A_156 masked %masked_sort3A_157 : (vector<16xf32>, vector<16xf32>, vector<16xi1>) -> (vector<16xi1>, vector<16xf32>, vector<16xf32>)
        %get3A_161 = arith.index_cast %scan3A_69 : i32 to index
        %get3A_162 = arith.constant 80 : index
        %get3A_163 = tpu.vector_load %arg4[%get3A_161, %get3A_162] {strides = array<i32>} : memref<64x576xf32, #tpu.memory_space<vmem>>, vector<16xf32>,
        %masked_sort3A_164 = arith.constant dense<true> : vector<16xi1>
        %masked_sort3A_165, %masked_sort3A_166, %masked_sort3A_167 = tpu.sort %get3A_163, %get3A_163 masked %masked_sort3A_164 : (vector<16xf32>, vector<16xf32>, vector<16xi1>) -> (vector<16xi1>, vector<16xf32>, vector<16xf32>)
        %rev3A_168 = arith.constant 15 : i32
        %rev3A_169 = vector.broadcast %rev3A_168 : i32 to vector<16xi32>
        %rev3A_170 = tpu.iota {dimensions = array<i32: 0>} : vector<16xi32>
        %rev3A_171 = arith.subi %rev3A_169, %rev3A_170 : vector<16xi32>
        %rev3A_172 = tpu.dynamic_gather %masked_sort3A_166[%rev3A_171] in [0] : vector<16xf32>, vector<16xi32> -> vector<16xf32>
        %max3A_173 = arith.maximumf %masked_sort3A_159, %rev3A_172 : vector<16xf32>
        %rev3A_174 = arith.constant 15 : i32
        %rev3A_175 = vector.broadcast %rev3A_174 : i32 to vector<16xi32>
        %rev3A_176 = tpu.iota {dimensions = array<i32: 0>} : vector<16xi32>
        %rev3A_177 = arith.subi %rev3A_175, %rev3A_176 : vector<16xi32>
        %rev3A_178 = tpu.dynamic_gather %masked_sort3A_166[%rev3A_177] in [0] : vector<16xf32>, vector<16xi32> -> vector<16xf32>
        %min3A_179 = arith.minimumf %masked_sort3A_159, %rev3A_178 : vector<16xf32>
        %masked_sort3A_180 = arith.constant dense<true> : vector<16xi1>
        %masked_sort3A_181, %masked_sort3A_182, %masked_sort3A_183 = tpu.sort %max3A_173, %max3A_173 masked %masked_sort3A_180 : (vector<16xf32>, vector<16xf32>, vector<16xi1>) -> (vector<16xi1>, vector<16xf32>, vector<16xf32>)
        %masked_sort3A_184 = arith.constant dense<true> : vector<16xi1>
        %masked_sort3A_185, %masked_sort3A_186, %masked_sort3A_187 = tpu.sort %min3A_179, %min3A_179 masked %masked_sort3A_184 : (vector<16xf32>, vector<16xf32>, vector<16xi1>) -> (vector<16xi1>, vector<16xf32>, vector<16xf32>)
        %get3A_188 = arith.index_cast %scan3A_69 : i32 to index
        %get3A_189 = arith.constant 96 : index
        %get3A_190 = tpu.vector_load %arg4[%get3A_188, %get3A_189] {strides = array<i32>} : memref<64x576xf32, #tpu.memory_space<vmem>>, vector<16xf32>,
        %masked_sort3A_191 = arith.constant dense<true> : vector<16xi1>
        %masked_sort3A_192, %masked_sort3A_193, %masked_sort3A_194 = tpu.sort %get3A_190, %get3A_190 masked %masked_sort3A_191 : (vector<16xf32>, vector<16xf32>, vector<16xi1>) -> (vector<16xi1>, vector<16xf32>, vector<16xf32>)
        %get3A_195 = arith.index_cast %scan3A_69 : i32 to index
        %get3A_196 = arith.constant 112 : index
        %get3A_197 = tpu.vector_load %arg4[%get3A_195, %get3A_196] {strides = array<i32>} : memref<64x576xf32, #tpu.memory_space<vmem>>, vector<16xf32>,
        %masked_sort3A_198 = arith.constant dense<true> : vector<16xi1>
        %masked_sort3A_199, %masked_sort3A_200, %masked_sort3A_201 = tpu.sort %get3A_197, %get3A_197 masked %masked_sort3A_198 : (vector<16xf32>, vector<16xf32>, vector<16xi1>) -> (vector<16xi1>, vector<16xf32>, vector<16xf32>)
        %rev3A_202 = arith.constant 15 : i32
        %rev3A_203 = vector.broadcast %rev3A_202 : i32 to vector<16xi32>
        %rev3A_204 = tpu.iota {dimensions = array<i32: 0>} : vector<16xi32>
        %rev3A_205 = arith.subi %rev3A_203, %rev3A_204 : vector<16xi32>
        %rev3A_206 = tpu.dynamic_gather %masked_sort3A_200[%rev3A_205] in [0] : vector<16xf32>, vector<16xi32> -> vector<16xf32>
        %max3A_207 = arith.maximumf %masked_sort3A_193, %rev3A_206 : vector<16xf32>
        %rev3A_208 = arith.constant 15 : i32
        %rev3A_209 = vector.broadcast %rev3A_208 : i32 to vector<16xi32>
        %rev3A_210 = tpu.iota {dimensions = array<i32: 0>} : vector<16xi32>
        %rev3A_211 = arith.subi %rev3A_209, %rev3A_210 : vector<16xi32>
        %rev3A_212 = tpu.dynamic_gather %masked_sort3A_200[%rev3A_211] in [0] : vector<16xf32>, vector<16xi32> -> vector<16xf32>
        %min3A_213 = arith.minimumf %masked_sort3A_193, %rev3A_212 : vector<16xf32>
        %masked_sort3A_214 = arith.constant dense<true> : vector<16xi1>
        %masked_sort3A_215, %masked_sort3A_216, %masked_sort3A_217 = tpu.sort %max3A_207, %max3A_207 masked %masked_sort3A_214 : (vector<16xf32>, vector<16xf32>, vector<16xi1>) -> (vector<16xi1>, vector<16xf32>, vector<16xf32>)
        %masked_sort3A_218 = arith.constant dense<true> : vector<16xi1>
        %masked_sort3A_219, %masked_sort3A_220, %masked_sort3A_221 = tpu.sort %min3A_213, %min3A_213 masked %masked_sort3A_218 : (vector<16xf32>, vector<16xf32>, vector<16xi1>) -> (vector<16xi1>, vector<16xf32>, vector<16xf32>)
        %rev3A_222 = arith.constant 15 : i32
        %rev3A_223 = vector.broadcast %rev3A_222 : i32 to vector<16xi32>
        %rev3A_224 = tpu.iota {dimensions = array<i32: 0>} : vector<16xi32>
        %rev3A_225 = arith.subi %rev3A_223, %rev3A_224 : vector<16xi32>
        %rev3A_226 = tpu.dynamic_gather %masked_sort3A_216[%rev3A_225] in [0] : vector<16xf32>, vector<16xi32> -> vector<16xf32>
        %max3A_227 = arith.maximumf %masked_sort3A_182, %rev3A_226 : vector<16xf32>
        %rev3A_228 = arith.constant 15 : i32
        %rev3A_229 = vector.broadcast %rev3A_228 : i32 to vector<16xi32>
        %rev3A_230 = tpu.iota {dimensions = array<i32: 0>} : vector<16xi32>
        %rev3A_231 = arith.subi %rev3A_229, %rev3A_230 : vector<16xi32>
        %rev3A_232 = tpu.dynamic_gather %masked_sort3A_220[%rev3A_231] in [0] : vector<16xf32>, vector<16xi32> -> vector<16xf32>
        %min3A_233 = arith.minimumf %masked_sort3A_186, %rev3A_232 : vector<16xf32>
        %masked_sort3A_234 = arith.constant dense<true> : vector<16xi1>
        %masked_sort3A_235, %masked_sort3A_236, %masked_sort3A_237 = tpu.sort %max3A_227, %max3A_227 masked %masked_sort3A_234 : (vector<16xf32>, vector<16xf32>, vector<16xi1>) -> (vector<16xi1>, vector<16xf32>, vector<16xf32>)
        %masked_sort3A_238 = arith.constant dense<true> : vector<16xi1>
        %masked_sort3A_239, %masked_sort3A_240, %masked_sort3A_241 = tpu.sort %min3A_233, %min3A_233 masked %masked_sort3A_238 : (vector<16xf32>, vector<16xf32>, vector<16xi1>) -> (vector<16xi1>, vector<16xf32>, vector<16xf32>)
        %rev3A_242 = arith.constant 15 : i32
        %rev3A_243 = vector.broadcast %rev3A_242 : i32 to vector<16xi32>
        %rev3A_244 = tpu.iota {dimensions = array<i32: 0>} : vector<16xi32>
        %rev3A_245 = arith.subi %rev3A_243, %rev3A_244 : vector<16xi32>
        %rev3A_246 = tpu.dynamic_gather %masked_sort3A_236[%rev3A_245] in [0] : vector<16xf32>, vector<16xi32> -> vector<16xf32>
        %max3A_247 = arith.maximumf %masked_sort3A_148, %rev3A_246 : vector<16xf32>
        %rev3A_248 = arith.constant 15 : i32
        %rev3A_249 = vector.broadcast %rev3A_248 : i32 to vector<16xi32>
        %rev3A_250 = tpu.iota {dimensions = array<i32: 0>} : vector<16xi32>
        %rev3A_251 = arith.subi %rev3A_249, %rev3A_250 : vector<16xi32>
        %rev3A_252 = tpu.dynamic_gather %masked_sort3A_240[%rev3A_251] in [0] : vector<16xf32>, vector<16xi32> -> vector<16xf32>
        %min3A_253 = arith.minimumf %masked_sort3A_152, %rev3A_252 : vector<16xf32>
        %masked_sort3A_254 = arith.constant dense<true> : vector<16xi1>
        %masked_sort3A_255, %masked_sort3A_256, %masked_sort3A_257 = tpu.sort %max3A_247, %max3A_247 masked %masked_sort3A_254 : (vector<16xf32>, vector<16xf32>, vector<16xi1>) -> (vector<16xi1>, vector<16xf32>, vector<16xf32>)
        %masked_sort3A_258 = arith.constant dense<true> : vector<16xi1>
        %masked_sort3A_259, %masked_sort3A_260, %masked_sort3A_261 = tpu.sort %min3A_253, %min3A_253 masked %masked_sort3A_258 : (vector<16xf32>, vector<16xf32>, vector<16xi1>) -> (vector<16xi1>, vector<16xf32>, vector<16xf32>)
        %get3A_262 = arith.index_cast %scan3A_69 : i32 to index
        %get3A_263 = arith.constant 128 : index
        %get3A_264 = tpu.vector_load %arg4[%get3A_262, %get3A_263] {strides = array<i32>} : memref<64x576xf32, #tpu.memory_space<vmem>>, vector<16xf32>,
        %masked_sort3A_265 = arith.constant dense<true> : vector<16xi1>
        %masked_sort3A_266, %masked_sort3A_267, %masked_sort3A_268 = tpu.sort %get3A_264, %get3A_264 masked %masked_sort3A_265 : (vector<16xf32>, vector<16xf32>, vector<16xi1>) -> (vector<16xi1>, vector<16xf32>, vector<16xf32>)
        %get3A_269 = arith.index_cast %scan3A_69 : i32 to index
        %get3A_270 = arith.constant 144 : index
        %get3A_271 = tpu.vector_load %arg4[%get3A_269, %get3A_270] {strides = array<i32>} : memref<64x576xf32, #tpu.memory_space<vmem>>, vector<16xf32>,
        %masked_sort3A_272 = arith.constant dense<true> : vector<16xi1>
        %masked_sort3A_273, %masked_sort3A_274, %masked_sort3A_275 = tpu.sort %get3A_271, %get3A_271 masked %masked_sort3A_272 : (vector<16xf32>, vector<16xf32>, vector<16xi1>) -> (vector<16xi1>, vector<16xf32>, vector<16xf32>)
        %rev3A_276 = arith.constant 15 : i32
        %rev3A_277 = vector.broadcast %rev3A_276 : i32 to vector<16xi32>
        %rev3A_278 = tpu.iota {dimensions = array<i32: 0>} : vector<16xi32>
        %rev3A_279 = arith.subi %rev3A_277, %rev3A_278 : vector<16xi32>
        %rev3A_280 = tpu.dynamic_gather %masked_sort3A_274[%rev3A_279] in [0] : vector<16xf32>, vector<16xi32> -> vector<16xf32>
        %max3A_281 = arith.maximumf %masked_sort3A_267, %rev3A_280 : vector<16xf32>
        %rev3A_282 = arith.constant 15 : i32
        %rev3A_283 = vector.broadcast %rev3A_282 : i32 to vector<16xi32>
        %rev3A_284 = tpu.iota {dimensions = array<i32: 0>} : vector<16xi32>
        %rev3A_285 = arith.subi %rev3A_283, %rev3A_284 : vector<16xi32>
        %rev3A_286 = tpu.dynamic_gather %masked_sort3A_274[%rev3A_285] in [0] : vector<16xf32>, vector<16xi32> -> vector<16xf32>
        %min3A_287 = arith.minimumf %masked_sort3A_267, %rev3A_286 : vector<16xf32>
        %masked_sort3A_288 = arith.constant dense<true> : vector<16xi1>
        %masked_sort3A_289, %masked_sort3A_290, %masked_sort3A_291 = tpu.sort %max3A_281, %max3A_281 masked %masked_sort3A_288 : (vector<16xf32>, vector<16xf32>, vector<16xi1>) -> (vector<16xi1>, vector<16xf32>, vector<16xf32>)
        %masked_sort3A_292 = arith.constant dense<true> : vector<16xi1>
        %masked_sort3A_293, %masked_sort3A_294, %masked_sort3A_295 = tpu.sort %min3A_287, %min3A_287 masked %masked_sort3A_292 : (vector<16xf32>, vector<16xf32>, vector<16xi1>) -> (vector<16xi1>, vector<16xf32>, vector<16xf32>)
        %get3A_296 = arith.index_cast %scan3A_69 : i32 to index
        %get3A_297 = arith.constant 160 : index
        %get3A_298 = tpu.vector_load %arg4[%get3A_296, %get3A_297] {strides = array<i32>} : memref<64x576xf32, #tpu.memory_space<vmem>>, vector<16xf32>,
        %masked_sort3A_299 = arith.constant dense<true> : vector<16xi1>
        %masked_sort3A_300, %masked_sort3A_301, %masked_sort3A_302 = tpu.sort %get3A_298, %get3A_298 masked %masked_sort3A_299 : (vector<16xf32>, vector<16xf32>, vector<16xi1>) -> (vector<16xi1>, vector<16xf32>, vector<16xf32>)
        %get3A_303 = arith.index_cast %scan3A_69 : i32 to index
        %get3A_304 = arith.constant 176 : index
        %get3A_305 = tpu.vector_load %arg4[%get3A_303, %get3A_304] {strides = array<i32>} : memref<64x576xf32, #tpu.memory_space<vmem>>, vector<16xf32>,
        %masked_sort3A_306 = arith.constant dense<true> : vector<16xi1>
        %masked_sort3A_307, %masked_sort3A_308, %masked_sort3A_309 = tpu.sort %get3A_305, %get3A_305 masked %masked_sort3A_306 : (vector<16xf32>, vector<16xf32>, vector<16xi1>) -> (vector<16xi1>, vector<16xf32>, vector<16xf32>)
        %rev3A_310 = arith.constant 15 : i32
        %rev3A_311 = vector.broadcast %rev3A_310 : i32 to vector<16xi32>
        %rev3A_312 = tpu.iota {dimensions = array<i32: 0>} : vector<16xi32>
        %rev3A_313 = arith.subi %rev3A_311, %rev3A_312 : vector<16xi32>
        %rev3A_314 = tpu.dynamic_gather %masked_sort3A_308[%rev3A_313] in [0] : vector<16xf32>, vector<16xi32> -> vector<16xf32>
        %max3A_315 = arith.maximumf %masked_sort3A_301, %rev3A_314 : vector<16xf32>
        %rev3A_316 = arith.constant 15 : i32
        %rev3A_317 = vector.broadcast %rev3A_316 : i32 to vector<16xi32>
        %rev3A_318 = tpu.iota {dimensions = array<i32: 0>} : vector<16xi32>
        %rev3A_319 = arith.subi %rev3A_317, %rev3A_318 : vector<16xi32>
        %rev3A_320 = tpu.dynamic_gather %masked_sort3A_308[%rev3A_319] in [0] : vector<16xf32>, vector<16xi32> -> vector<16xf32>
        %min3A_321 = arith.minimumf %masked_sort3A_301, %rev3A_320 : vector<16xf32>
        %masked_sort3A_322 = arith.constant dense<true> : vector<16xi1>
        %masked_sort3A_323, %masked_sort3A_324, %masked_sort3A_325 = tpu.sort %max3A_315, %max3A_315 masked %masked_sort3A_322 : (vector<16xf32>, vector<16xf32>, vector<16xi1>) -> (vector<16xi1>, vector<16xf32>, vector<16xf32>)
        %masked_sort3A_326 = arith.constant dense<true> : vector<16xi1>
        %masked_sort3A_327, %masked_sort3A_328, %masked_sort3A_329 = tpu.sort %min3A_321, %min3A_321 masked %masked_sort3A_326 : (vector<16xf32>, vector<16xf32>, vector<16xi1>) -> (vector<16xi1>, vector<16xf32>, vector<16xf32>)
        %rev3A_330 = arith.constant 15 : i32
        %rev3A_331 = vector.broadcast %rev3A_330 : i32 to vector<16xi32>
        %rev3A_332 = tpu.iota {dimensions = array<i32: 0>} : vector<16xi32>
        %rev3A_333 = arith.subi %rev3A_331, %rev3A_332 : vector<16xi32>
        %rev3A_334 = tpu.dynamic_gather %masked_sort3A_324[%rev3A_333] in [0] : vector<16xf32>, vector<16xi32> -> vector<16xf32>
        %max3A_335 = arith.maximumf %masked_sort3A_290, %rev3A_334 : vector<16xf32>
        %rev3A_336 = arith.constant 15 : i32
        %rev3A_337 = vector.broadcast %rev3A_336 : i32 to vector<16xi32>
        %rev3A_338 = tpu.iota {dimensions = array<i32: 0>} : vector<16xi32>
        %rev3A_339 = arith.subi %rev3A_337, %rev3A_338 : vector<16xi32>
        %rev3A_340 = tpu.dynamic_gather %masked_sort3A_328[%rev3A_339] in [0] : vector<16xf32>, vector<16xi32> -> vector<16xf32>
        %min3A_341 = arith.minimumf %masked_sort3A_294, %rev3A_340 : vector<16xf32>
        %masked_sort3A_342 = arith.constant dense<true> : vector<16xi1>
        %masked_sort3A_343, %masked_sort3A_344, %masked_sort3A_345 = tpu.sort %max3A_335, %max3A_335 masked %masked_sort3A_342 : (vector<16xf32>, vector<16xf32>, vector<16xi1>) -> (vector<16xi1>, vector<16xf32>, vector<16xf32>)
        %masked_sort3A_346 = arith.constant dense<true> : vector<16xi1>
        %masked_sort3A_347, %masked_sort3A_348, %masked_sort3A_349 = tpu.sort %min3A_341, %min3A_341 masked %masked_sort3A_346 : (vector<16xf32>, vector<16xf32>, vector<16xi1>) -> (vector<16xi1>, vector<16xf32>, vector<16xf32>)
        %get3A_350 = arith.index_cast %scan3A_69 : i32 to index
        %get3A_351 = arith.constant 192 : index
        %get3A_352 = tpu.vector_load %arg4[%get3A_350, %get3A_351] {strides = array<i32>} : memref<64x576xf32, #tpu.memory_space<vmem>>, vector<16xf32>,
        %masked_sort3A_353 = arith.constant dense<true> : vector<16xi1>
        %masked_sort3A_354, %masked_sort3A_355, %masked_sort3A_356 = tpu.sort %get3A_352, %get3A_352 masked %masked_sort3A_353 : (vector<16xf32>, vector<16xf32>, vector<16xi1>) -> (vector<16xi1>, vector<16xf32>, vector<16xf32>)
        %get3A_357 = arith.index_cast %scan3A_69 : i32 to index
        %get3A_358 = arith.constant 208 : index
        %get3A_359 = tpu.vector_load %arg4[%get3A_357, %get3A_358] {strides = array<i32>} : memref<64x576xf32, #tpu.memory_space<vmem>>, vector<16xf32>,
        %masked_sort3A_360 = arith.constant dense<true> : vector<16xi1>
        %masked_sort3A_361, %masked_sort3A_362, %masked_sort3A_363 = tpu.sort %get3A_359, %get3A_359 masked %masked_sort3A_360 : (vector<16xf32>, vector<16xf32>, vector<16xi1>) -> (vector<16xi1>, vector<16xf32>, vector<16xf32>)
        %rev3A_364 = arith.constant 15 : i32
        %rev3A_365 = vector.broadcast %rev3A_364 : i32 to vector<16xi32>
        %rev3A_366 = tpu.iota {dimensions = array<i32: 0>} : vector<16xi32>
        %rev3A_367 = arith.subi %rev3A_365, %rev3A_366 : vector<16xi32>
        %rev3A_368 = tpu.dynamic_gather %masked_sort3A_362[%rev3A_367] in [0] : vector<16xf32>, vector<16xi32> -> vector<16xf32>
        %max3A_369 = arith.maximumf %masked_sort3A_355, %rev3A_368 : vector<16xf32>
        %rev3A_370 = arith.constant 15 : i32
        %rev3A_371 = vector.broadcast %rev3A_370 : i32 to vector<16xi32>
        %rev3A_372 = tpu.iota {dimensions = array<i32: 0>} : vector<16xi32>
        %rev3A_373 = arith.subi %rev3A_371, %rev3A_372 : vector<16xi32>
        %rev3A_374 = tpu.dynamic_gather %masked_sort3A_362[%rev3A_373] in [0] : vector<16xf32>, vector<16xi32> -> vector<16xf32>
        %min3A_375 = arith.minimumf %masked_sort3A_355, %rev3A_374 : vector<16xf32>
        %masked_sort3A_376 = arith.constant dense<true> : vector<16xi1>
        %masked_sort3A_377, %masked_sort3A_378, %masked_sort3A_379 = tpu.sort %max3A_369, %max3A_369 masked %masked_sort3A_376 : (vector<16xf32>, vector<16xf32>, vector<16xi1>) -> (vector<16xi1>, vector<16xf32>, vector<16xf32>)
        %masked_sort3A_380 = arith.constant dense<true> : vector<16xi1>
        %masked_sort3A_381, %masked_sort3A_382, %masked_sort3A_383 = tpu.sort %min3A_375, %min3A_375 masked %masked_sort3A_380 : (vector<16xf32>, vector<16xf32>, vector<16xi1>) -> (vector<16xi1>, vector<16xf32>, vector<16xf32>)
        %get3A_384 = arith.index_cast %scan3A_69 : i32 to index
        %get3A_385 = arith.constant 224 : index
        %get3A_386 = tpu.vector_load %arg4[%get3A_384, %get3A_385] {strides = array<i32>} : memref<64x576xf32, #tpu.memory_space<vmem>>, vector<16xf32>,
        %masked_sort3A_387 = arith.constant dense<true> : vector<16xi1>
        %masked_sort3A_388, %masked_sort3A_389, %masked_sort3A_390 = tpu.sort %get3A_386, %get3A_386 masked %masked_sort3A_387 : (vector<16xf32>, vector<16xf32>, vector<16xi1>) -> (vector<16xi1>, vector<16xf32>, vector<16xf32>)
        %get3A_391 = arith.index_cast %scan3A_69 : i32 to index
        %get3A_392 = arith.constant 240 : index
        %get3A_393 = tpu.vector_load %arg4[%get3A_391, %get3A_392] {strides = array<i32>} : memref<64x576xf32, #tpu.memory_space<vmem>>, vector<16xf32>,
        %masked_sort3A_394 = arith.constant dense<true> : vector<16xi1>
        %masked_sort3A_395, %masked_sort3A_396, %masked_sort3A_397 = tpu.sort %get3A_393, %get3A_393 masked %masked_sort3A_394 : (vector<16xf32>, vector<16xf32>, vector<16xi1>) -> (vector<16xi1>, vector<16xf32>, vector<16xf32>)
        %rev3A_398 = arith.constant 15 : i32
        %rev3A_399 = vector.broadcast %rev3A_398 : i32 to vector<16xi32>
        %rev3A_400 = tpu.iota {dimensions = array<i32: 0>} : vector<16xi32>
        %rev3A_401 = arith.subi %rev3A_399, %rev3A_400 : vector<16xi32>
        %rev3A_402 = tpu.dynamic_gather %masked_sort3A_396[%rev3A_401] in [0] : vector<16xf32>, vector<16xi32> -> vector<16xf32>
        %max3A_403 = arith.maximumf %masked_sort3A_389, %rev3A_402 : vector<16xf32>
        %rev3A_404 = arith.constant 15 : i32
        %rev3A_405 = vector.broadcast %rev3A_404 : i32 to vector<16xi32>
        %rev3A_406 = tpu.iota {dimensions = array<i32: 0>} : vector<16xi32>
        %rev3A_407 = arith.subi %rev3A_405, %rev3A_406 : vector<16xi32>
        %rev3A_408 = tpu.dynamic_gather %masked_sort3A_396[%rev3A_407] in [0] : vector<16xf32>, vector<16xi32> -> vector<16xf32>
        %min3A_409 = arith.minimumf %masked_sort3A_389, %rev3A_408 : vector<16xf32>
        %masked_sort3A_410 = arith.constant dense<true> : vector<16xi1>
        %masked_sort3A_411, %masked_sort3A_412, %masked_sort3A_413 = tpu.sort %max3A_403, %max3A_403 masked %masked_sort3A_410 : (vector<16xf32>, vector<16xf32>, vector<16xi1>) -> (vector<16xi1>, vector<16xf32>, vector<16xf32>)
        %masked_sort3A_414 = arith.constant dense<true> : vector<16xi1>
        %masked_sort3A_415, %masked_sort3A_416, %masked_sort3A_417 = tpu.sort %min3A_409, %min3A_409 masked %masked_sort3A_414 : (vector<16xf32>, vector<16xf32>, vector<16xi1>) -> (vector<16xi1>, vector<16xf32>, vector<16xf32>)
        %rev3A_418 = arith.constant 15 : i32
        %rev3A_419 = vector.broadcast %rev3A_418 : i32 to vector<16xi32>
        %rev3A_420 = tpu.iota {dimensions = array<i32: 0>} : vector<16xi32>
        %rev3A_421 = arith.subi %rev3A_419, %rev3A_420 : vector<16xi32>
        %rev3A_422 = tpu.dynamic_gather %masked_sort3A_412[%rev3A_421] in [0] : vector<16xf32>, vector<16xi32> -> vector<16xf32>
        %max3A_423 = arith.maximumf %masked_sort3A_378, %rev3A_422 : vector<16xf32>
        %rev3A_424 = arith.constant 15 : i32
        %rev3A_425 = vector.broadcast %rev3A_424 : i32 to vector<16xi32>
        %rev3A_426 = tpu.iota {dimensions = array<i32: 0>} : vector<16xi32>
        %rev3A_427 = arith.subi %rev3A_425, %rev3A_426 : vector<16xi32>
        %rev3A_428 = tpu.dynamic_gather %masked_sort3A_416[%rev3A_427] in [0] : vector<16xf32>, vector<16xi32> -> vector<16xf32>
        %min3A_429 = arith.minimumf %masked_sort3A_382, %rev3A_428 : vector<16xf32>
        %masked_sort3A_430 = arith.constant dense<true> : vector<16xi1>
        %masked_sort3A_431, %masked_sort3A_432, %masked_sort3A_433 = tpu.sort %max3A_423, %max3A_423 masked %masked_sort3A_430 : (vector<16xf32>, vector<16xf32>, vector<16xi1>) -> (vector<16xi1>, vector<16xf32>, vector<16xf32>)
        %masked_sort3A_434 = arith.constant dense<true> : vector<16xi1>
        %masked_sort3A_435, %masked_sort3A_436, %masked_sort3A_437 = tpu.sort %min3A_429, %min3A_429 masked %masked_sort3A_434 : (vector<16xf32>, vector<16xf32>, vector<16xi1>) -> (vector<16xi1>, vector<16xf32>, vector<16xf32>)
        %rev3A_438 = arith.constant 15 : i32
        %rev3A_439 = vector.broadcast %rev3A_438 : i32 to vector<16xi32>
        %rev3A_440 = tpu.iota {dimensions = array<i32: 0>} : vector<16xi32>
        %rev3A_441 = arith.subi %rev3A_439, %rev3A_440 : vector<16xi32>
        %rev3A_442 = tpu.dynamic_gather %masked_sort3A_432[%rev3A_441] in [0] : vector<16xf32>, vector<16xi32> -> vector<16xf32>
        %max3A_443 = arith.maximumf %masked_sort3A_344, %rev3A_442 : vector<16xf32>
        %rev3A_444 = arith.constant 15 : i32
        %rev3A_445 = vector.broadcast %rev3A_444 : i32 to vector<16xi32>
        %rev3A_446 = tpu.iota {dimensions = array<i32: 0>} : vector<16xi32>
        %rev3A_447 = arith.subi %rev3A_445, %rev3A_446 : vector<16xi32>
        %rev3A_448 = tpu.dynamic_gather %masked_sort3A_436[%rev3A_447] in [0] : vector<16xf32>, vector<16xi32> -> vector<16xf32>
        %min3A_449 = arith.minimumf %masked_sort3A_348, %rev3A_448 : vector<16xf32>
        %masked_sort3A_450 = arith.constant dense<true> : vector<16xi1>
        %masked_sort3A_451, %masked_sort3A_452, %masked_sort3A_453 = tpu.sort %max3A_443, %max3A_443 masked %masked_sort3A_450 : (vector<16xf32>, vector<16xf32>, vector<16xi1>) -> (vector<16xi1>, vector<16xf32>, vector<16xf32>)
        %masked_sort3A_454 = arith.constant dense<true> : vector<16xi1>
        %masked_sort3A_455, %masked_sort3A_456, %masked_sort3A_457 = tpu.sort %min3A_449, %min3A_449 masked %masked_sort3A_454 : (vector<16xf32>, vector<16xf32>, vector<16xi1>) -> (vector<16xi1>, vector<16xf32>, vector<16xf32>)
        %rev3A_458 = arith.constant 15 : i32
        %rev3A_459 = vector.broadcast %rev3A_458 : i32 to vector<16xi32>
        %rev3A_460 = tpu.iota {dimensions = array<i32: 0>} : vector<16xi32>
        %rev3A_461 = arith.subi %rev3A_459, %rev3A_460 : vector<16xi32>
        %rev3A_462 = tpu.dynamic_gather %masked_sort3A_452[%rev3A_461] in [0] : vector<16xf32>, vector<16xi32> -> vector<16xf32>
        %max3A_463 = arith.maximumf %masked_sort3A_256, %rev3A_462 : vector<16xf32>
        %rev3A_464 = arith.constant 15 : i32
        %rev3A_465 = vector.broadcast %rev3A_464 : i32 to vector<16xi32>
        %rev3A_466 = tpu.iota {dimensions = array<i32: 0>} : vector<16xi32>
        %rev3A_467 = arith.subi %rev3A_465, %rev3A_466 : vector<16xi32>
        %rev3A_468 = tpu.dynamic_gather %masked_sort3A_456[%rev3A_467] in [0] : vector<16xf32>, vector<16xi32> -> vector<16xf32>
        %min3A_469 = arith.minimumf %masked_sort3A_260, %rev3A_468 : vector<16xf32>
        %masked_sort3A_470 = arith.constant dense<true> : vector<16xi1>
        %masked_sort3A_471, %masked_sort3A_472, %masked_sort3A_473 = tpu.sort %max3A_463, %max3A_463 masked %masked_sort3A_470 : (vector<16xf32>, vector<16xf32>, vector<16xi1>) -> (vector<16xi1>, vector<16xf32>, vector<16xf32>)
        %masked_sort3A_474 = arith.constant dense<true> : vector<16xi1>
        %masked_sort3A_475, %masked_sort3A_476, %masked_sort3A_477 = tpu.sort %min3A_469, %min3A_469 masked %masked_sort3A_474 : (vector<16xf32>, vector<16xf32>, vector<16xi1>) -> (vector<16xi1>, vector<16xf32>, vector<16xf32>)
        %get3A_478 = arith.index_cast %scan3A_69 : i32 to index
        %get3A_479 = arith.constant 256 : index
        %get3A_480 = tpu.vector_load %arg4[%get3A_478, %get3A_479] {strides = array<i32>} : memref<64x576xf32, #tpu.memory_space<vmem>>, vector<16xf32>,
        %masked_sort3A_481 = arith.constant dense<true> : vector<16xi1>
        %masked_sort3A_482, %masked_sort3A_483, %masked_sort3A_484 = tpu.sort %get3A_480, %get3A_480 masked %masked_sort3A_481 : (vector<16xf32>, vector<16xf32>, vector<16xi1>) -> (vector<16xi1>, vector<16xf32>, vector<16xf32>)
        %get3A_485 = arith.index_cast %scan3A_69 : i32 to index
        %get3A_486 = arith.constant 272 : index
        %get3A_487 = tpu.vector_load %arg4[%get3A_485, %get3A_486] {strides = array<i32>} : memref<64x576xf32, #tpu.memory_space<vmem>>, vector<16xf32>,
        %masked_sort3A_488 = arith.constant dense<true> : vector<16xi1>
        %masked_sort3A_489, %masked_sort3A_490, %masked_sort3A_491 = tpu.sort %get3A_487, %get3A_487 masked %masked_sort3A_488 : (vector<16xf32>, vector<16xf32>, vector<16xi1>) -> (vector<16xi1>, vector<16xf32>, vector<16xf32>)
        %rev3A_492 = arith.constant 15 : i32
        %rev3A_493 = vector.broadcast %rev3A_492 : i32 to vector<16xi32>
        %rev3A_494 = tpu.iota {dimensions = array<i32: 0>} : vector<16xi32>
        %rev3A_495 = arith.subi %rev3A_493, %rev3A_494 : vector<16xi32>
        %rev3A_496 = tpu.dynamic_gather %masked_sort3A_490[%rev3A_495] in [0] : vector<16xf32>, vector<16xi32> -> vector<16xf32>
        %max3A_497 = arith.maximumf %masked_sort3A_483, %rev3A_496 : vector<16xf32>
        %rev3A_498 = arith.constant 15 : i32
        %rev3A_499 = vector.broadcast %rev3A_498 : i32 to vector<16xi32>
        %rev3A_500 = tpu.iota {dimensions = array<i32: 0>} : vector<16xi32>
        %rev3A_501 = arith.subi %rev3A_499, %rev3A_500 : vector<16xi32>
        %rev3A_502 = tpu.dynamic_gather %masked_sort3A_490[%rev3A_501] in [0] : vector<16xf32>, vector<16xi32> -> vector<16xf32>
        %min3A_503 = arith.minimumf %masked_sort3A_483, %rev3A_502 : vector<16xf32>
        %masked_sort3A_504 = arith.constant dense<true> : vector<16xi1>
        %masked_sort3A_505, %masked_sort3A_506, %masked_sort3A_507 = tpu.sort %max3A_497, %max3A_497 masked %masked_sort3A_504 : (vector<16xf32>, vector<16xf32>, vector<16xi1>) -> (vector<16xi1>, vector<16xf32>, vector<16xf32>)
        %masked_sort3A_508 = arith.constant dense<true> : vector<16xi1>
        %masked_sort3A_509, %masked_sort3A_510, %masked_sort3A_511 = tpu.sort %min3A_503, %min3A_503 masked %masked_sort3A_508 : (vector<16xf32>, vector<16xf32>, vector<16xi1>) -> (vector<16xi1>, vector<16xf32>, vector<16xf32>)
        %get3A_512 = arith.index_cast %scan3A_69 : i32 to index
        %get3A_513 = arith.constant 288 : index
        %get3A_514 = tpu.vector_load %arg4[%get3A_512, %get3A_513] {strides = array<i32>} : memref<64x576xf32, #tpu.memory_space<vmem>>, vector<16xf32>,
        %masked_sort3A_515 = arith.constant dense<true> : vector<16xi1>
        %masked_sort3A_516, %masked_sort3A_517, %masked_sort3A_518 = tpu.sort %get3A_514, %get3A_514 masked %masked_sort3A_515 : (vector<16xf32>, vector<16xf32>, vector<16xi1>) -> (vector<16xi1>, vector<16xf32>, vector<16xf32>)
        %get3A_519 = arith.index_cast %scan3A_69 : i32 to index
        %get3A_520 = arith.constant 304 : index
        %get3A_521 = tpu.vector_load %arg4[%get3A_519, %get3A_520] {strides = array<i32>} : memref<64x576xf32, #tpu.memory_space<vmem>>, vector<16xf32>,
        %masked_sort3A_522 = arith.constant dense<true> : vector<16xi1>
        %masked_sort3A_523, %masked_sort3A_524, %masked_sort3A_525 = tpu.sort %get3A_521, %get3A_521 masked %masked_sort3A_522 : (vector<16xf32>, vector<16xf32>, vector<16xi1>) -> (vector<16xi1>, vector<16xf32>, vector<16xf32>)
        %rev3A_526 = arith.constant 15 : i32
        %rev3A_527 = vector.broadcast %rev3A_526 : i32 to vector<16xi32>
        %rev3A_528 = tpu.iota {dimensions = array<i32: 0>} : vector<16xi32>
        %rev3A_529 = arith.subi %rev3A_527, %rev3A_528 : vector<16xi32>
        %rev3A_530 = tpu.dynamic_gather %masked_sort3A_524[%rev3A_529] in [0] : vector<16xf32>, vector<16xi32> -> vector<16xf32>
        %max3A_531 = arith.maximumf %masked_sort3A_517, %rev3A_530 : vector<16xf32>
        %rev3A_532 = arith.constant 15 : i32
        %rev3A_533 = vector.broadcast %rev3A_532 : i32 to vector<16xi32>
        %rev3A_534 = tpu.iota {dimensions = array<i32: 0>} : vector<16xi32>
        %rev3A_535 = arith.subi %rev3A_533, %rev3A_534 : vector<16xi32>
        %rev3A_536 = tpu.dynamic_gather %masked_sort3A_524[%rev3A_535] in [0] : vector<16xf32>, vector<16xi32> -> vector<16xf32>
        %min3A_537 = arith.minimumf %masked_sort3A_517, %rev3A_536 : vector<16xf32>
        %masked_sort3A_538 = arith.constant dense<true> : vector<16xi1>
        %masked_sort3A_539, %masked_sort3A_540, %masked_sort3A_541 = tpu.sort %max3A_531, %max3A_531 masked %masked_sort3A_538 : (vector<16xf32>, vector<16xf32>, vector<16xi1>) -> (vector<16xi1>, vector<16xf32>, vector<16xf32>)
        %masked_sort3A_542 = arith.constant dense<true> : vector<16xi1>
        %masked_sort3A_543, %masked_sort3A_544, %masked_sort3A_545 = tpu.sort %min3A_537, %min3A_537 masked %masked_sort3A_542 : (vector<16xf32>, vector<16xf32>, vector<16xi1>) -> (vector<16xi1>, vector<16xf32>, vector<16xf32>)
        %rev3A_546 = arith.constant 15 : i32
        %rev3A_547 = vector.broadcast %rev3A_546 : i32 to vector<16xi32>
        %rev3A_548 = tpu.iota {dimensions = array<i32: 0>} : vector<16xi32>
        %rev3A_549 = arith.subi %rev3A_547, %rev3A_548 : vector<16xi32>
        %rev3A_550 = tpu.dynamic_gather %masked_sort3A_540[%rev3A_549] in [0] : vector<16xf32>, vector<16xi32> -> vector<16xf32>
        %max3A_551 = arith.maximumf %masked_sort3A_506, %rev3A_550 : vector<16xf32>
        %rev3A_552 = arith.constant 15 : i32
        %rev3A_553 = vector.broadcast %rev3A_552 : i32 to vector<16xi32>
        %rev3A_554 = tpu.iota {dimensions = array<i32: 0>} : vector<16xi32>
        %rev3A_555 = arith.subi %rev3A_553, %rev3A_554 : vector<16xi32>
        %rev3A_556 = tpu.dynamic_gather %masked_sort3A_544[%rev3A_555] in [0] : vector<16xf32>, vector<16xi32> -> vector<16xf32>
        %min3A_557 = arith.minimumf %masked_sort3A_510, %rev3A_556 : vector<16xf32>
        %masked_sort3A_558 = arith.constant dense<true> : vector<16xi1>
        %masked_sort3A_559, %masked_sort3A_560, %masked_sort3A_561 = tpu.sort %max3A_551, %max3A_551 masked %masked_sort3A_558 : (vector<16xf32>, vector<16xf32>, vector<16xi1>) -> (vector<16xi1>, vector<16xf32>, vector<16xf32>)
        %masked_sort3A_562 = arith.constant dense<true> : vector<16xi1>
        %masked_sort3A_563, %masked_sort3A_564, %masked_sort3A_565 = tpu.sort %min3A_557, %min3A_557 masked %masked_sort3A_562 : (vector<16xf32>, vector<16xf32>, vector<16xi1>) -> (vector<16xi1>, vector<16xf32>, vector<16xf32>)
        %get3A_566 = arith.index_cast %scan3A_69 : i32 to index
        %get3A_567 = arith.constant 320 : index
        %get3A_568 = tpu.vector_load %arg4[%get3A_566, %get3A_567] {strides = array<i32>} : memref<64x576xf32, #tpu.memory_space<vmem>>, vector<16xf32>,
        %masked_sort3A_569 = arith.constant dense<true> : vector<16xi1>
        %masked_sort3A_570, %masked_sort3A_571, %masked_sort3A_572 = tpu.sort %get3A_568, %get3A_568 masked %masked_sort3A_569 : (vector<16xf32>, vector<16xf32>, vector<16xi1>) -> (vector<16xi1>, vector<16xf32>, vector<16xf32>)
        %get3A_573 = arith.index_cast %scan3A_69 : i32 to index
        %get3A_574 = arith.constant 336 : index
        %get3A_575 = tpu.vector_load %arg4[%get3A_573, %get3A_574] {strides = array<i32>} : memref<64x576xf32, #tpu.memory_space<vmem>>, vector<16xf32>,
        %masked_sort3A_576 = arith.constant dense<true> : vector<16xi1>
        %masked_sort3A_577, %masked_sort3A_578, %masked_sort3A_579 = tpu.sort %get3A_575, %get3A_575 masked %masked_sort3A_576 : (vector<16xf32>, vector<16xf32>, vector<16xi1>) -> (vector<16xi1>, vector<16xf32>, vector<16xf32>)
        %rev3A_580 = arith.constant 15 : i32
        %rev3A_581 = vector.broadcast %rev3A_580 : i32 to vector<16xi32>
        %rev3A_582 = tpu.iota {dimensions = array<i32: 0>} : vector<16xi32>
        %rev3A_583 = arith.subi %rev3A_581, %rev3A_582 : vector<16xi32>
        %rev3A_584 = tpu.dynamic_gather %masked_sort3A_578[%rev3A_583] in [0] : vector<16xf32>, vector<16xi32> -> vector<16xf32>
        %max3A_585 = arith.maximumf %masked_sort3A_571, %rev3A_584 : vector<16xf32>
        %rev3A_586 = arith.constant 15 : i32
        %rev3A_587 = vector.broadcast %rev3A_586 : i32 to vector<16xi32>
        %rev3A_588 = tpu.iota {dimensions = array<i32: 0>} : vector<16xi32>
        %rev3A_589 = arith.subi %rev3A_587, %rev3A_588 : vector<16xi32>
        %rev3A_590 = tpu.dynamic_gather %masked_sort3A_578[%rev3A_589] in [0] : vector<16xf32>, vector<16xi32> -> vector<16xf32>
        %min3A_591 = arith.minimumf %masked_sort3A_571, %rev3A_590 : vector<16xf32>
        %masked_sort3A_592 = arith.constant dense<true> : vector<16xi1>
        %masked_sort3A_593, %masked_sort3A_594, %masked_sort3A_595 = tpu.sort %max3A_585, %max3A_585 masked %masked_sort3A_592 : (vector<16xf32>, vector<16xf32>, vector<16xi1>) -> (vector<16xi1>, vector<16xf32>, vector<16xf32>)
        %masked_sort3A_596 = arith.constant dense<true> : vector<16xi1>
        %masked_sort3A_597, %masked_sort3A_598, %masked_sort3A_599 = tpu.sort %min3A_591, %min3A_591 masked %masked_sort3A_596 : (vector<16xf32>, vector<16xf32>, vector<16xi1>) -> (vector<16xi1>, vector<16xf32>, vector<16xf32>)
        %get3A_600 = arith.index_cast %scan3A_69 : i32 to index
        %get3A_601 = arith.constant 352 : index
        %get3A_602 = tpu.vector_load %arg4[%get3A_600, %get3A_601] {strides = array<i32>} : memref<64x576xf32, #tpu.memory_space<vmem>>, vector<16xf32>,
        %masked_sort3A_603 = arith.constant dense<true> : vector<16xi1>
        %masked_sort3A_604, %masked_sort3A_605, %masked_sort3A_606 = tpu.sort %get3A_602, %get3A_602 masked %masked_sort3A_603 : (vector<16xf32>, vector<16xf32>, vector<16xi1>) -> (vector<16xi1>, vector<16xf32>, vector<16xf32>)
        %get3A_607 = arith.index_cast %scan3A_69 : i32 to index
        %get3A_608 = arith.constant 368 : index
        %get3A_609 = tpu.vector_load %arg4[%get3A_607, %get3A_608] {strides = array<i32>} : memref<64x576xf32, #tpu.memory_space<vmem>>, vector<16xf32>,
        %masked_sort3A_610 = arith.constant dense<true> : vector<16xi1>
        %masked_sort3A_611, %masked_sort3A_612, %masked_sort3A_613 = tpu.sort %get3A_609, %get3A_609 masked %masked_sort3A_610 : (vector<16xf32>, vector<16xf32>, vector<16xi1>) -> (vector<16xi1>, vector<16xf32>, vector<16xf32>)
        %rev3A_614 = arith.constant 15 : i32
        %rev3A_615 = vector.broadcast %rev3A_614 : i32 to vector<16xi32>
        %rev3A_616 = tpu.iota {dimensions = array<i32: 0>} : vector<16xi32>
        %rev3A_617 = arith.subi %rev3A_615, %rev3A_616 : vector<16xi32>
        %rev3A_618 = tpu.dynamic_gather %masked_sort3A_612[%rev3A_617] in [0] : vector<16xf32>, vector<16xi32> -> vector<16xf32>
        %max3A_619 = arith.maximumf %masked_sort3A_605, %rev3A_618 : vector<16xf32>
        %rev3A_620 = arith.constant 15 : i32
        %rev3A_621 = vector.broadcast %rev3A_620 : i32 to vector<16xi32>
        %rev3A_622 = tpu.iota {dimensions = array<i32: 0>} : vector<16xi32>
        %rev3A_623 = arith.subi %rev3A_621, %rev3A_622 : vector<16xi32>
        %rev3A_624 = tpu.dynamic_gather %masked_sort3A_612[%rev3A_623] in [0] : vector<16xf32>, vector<16xi32> -> vector<16xf32>
        %min3A_625 = arith.minimumf %masked_sort3A_605, %rev3A_624 : vector<16xf32>
        %masked_sort3A_626 = arith.constant dense<true> : vector<16xi1>
        %masked_sort3A_627, %masked_sort3A_628, %masked_sort3A_629 = tpu.sort %max3A_619, %max3A_619 masked %masked_sort3A_626 : (vector<16xf32>, vector<16xf32>, vector<16xi1>) -> (vector<16xi1>, vector<16xf32>, vector<16xf32>)
        %masked_sort3A_630 = arith.constant dense<true> : vector<16xi1>
        %masked_sort3A_631, %masked_sort3A_632, %masked_sort3A_633 = tpu.sort %min3A_625, %min3A_625 masked %masked_sort3A_630 : (vector<16xf32>, vector<16xf32>, vector<16xi1>) -> (vector<16xi1>, vector<16xf32>, vector<16xf32>)
        %rev3A_634 = arith.constant 15 : i32
        %rev3A_635 = vector.broadcast %rev3A_634 : i32 to vector<16xi32>
        %rev3A_636 = tpu.iota {dimensions = array<i32: 0>} : vector<16xi32>
        %rev3A_637 = arith.subi %rev3A_635, %rev3A_636 : vector<16xi32>
        %rev3A_638 = tpu.dynamic_gather %masked_sort3A_628[%rev3A_637] in [0] : vector<16xf32>, vector<16xi32> -> vector<16xf32>
        %max3A_639 = arith.maximumf %masked_sort3A_594, %rev3A_638 : vector<16xf32>
        %rev3A_640 = arith.constant 15 : i32
        %rev3A_641 = vector.broadcast %rev3A_640 : i32 to vector<16xi32>
        %rev3A_642 = tpu.iota {dimensions = array<i32: 0>} : vector<16xi32>
        %rev3A_643 = arith.subi %rev3A_641, %rev3A_642 : vector<16xi32>
        %rev3A_644 = tpu.dynamic_gather %masked_sort3A_632[%rev3A_643] in [0] : vector<16xf32>, vector<16xi32> -> vector<16xf32>
        %min3A_645 = arith.minimumf %masked_sort3A_598, %rev3A_644 : vector<16xf32>
        %masked_sort3A_646 = arith.constant dense<true> : vector<16xi1>
        %masked_sort3A_647, %masked_sort3A_648, %masked_sort3A_649 = tpu.sort %max3A_639, %max3A_639 masked %masked_sort3A_646 : (vector<16xf32>, vector<16xf32>, vector<16xi1>) -> (vector<16xi1>, vector<16xf32>, vector<16xf32>)
        %masked_sort3A_650 = arith.constant dense<true> : vector<16xi1>
        %masked_sort3A_651, %masked_sort3A_652, %masked_sort3A_653 = tpu.sort %min3A_645, %min3A_645 masked %masked_sort3A_650 : (vector<16xf32>, vector<16xf32>, vector<16xi1>) -> (vector<16xi1>, vector<16xf32>, vector<16xf32>)
        %rev3A_654 = arith.constant 15 : i32
        %rev3A_655 = vector.broadcast %rev3A_654 : i32 to vector<16xi32>
        %rev3A_656 = tpu.iota {dimensions = array<i32: 0>} : vector<16xi32>
        %rev3A_657 = arith.subi %rev3A_655, %rev3A_656 : vector<16xi32>
        %rev3A_658 = tpu.dynamic_gather %masked_sort3A_648[%rev3A_657] in [0] : vector<16xf32>, vector<16xi32> -> vector<16xf32>
        %max3A_659 = arith.maximumf %masked_sort3A_560, %rev3A_658 : vector<16xf32>
        %rev3A_660 = arith.constant 15 : i32
        %rev3A_661 = vector.broadcast %rev3A_660 : i32 to vector<16xi32>
        %rev3A_662 = tpu.iota {dimensions = array<i32: 0>} : vector<16xi32>
        %rev3A_663 = arith.subi %rev3A_661, %rev3A_662 : vector<16xi32>
        %rev3A_664 = tpu.dynamic_gather %masked_sort3A_652[%rev3A_663] in [0] : vector<16xf32>, vector<16xi32> -> vector<16xf32>
        %min3A_665 = arith.minimumf %masked_sort3A_564, %rev3A_664 : vector<16xf32>
        %masked_sort3A_666 = arith.constant dense<true> : vector<16xi1>
        %masked_sort3A_667, %masked_sort3A_668, %masked_sort3A_669 = tpu.sort %max3A_659, %max3A_659 masked %masked_sort3A_666 : (vector<16xf32>, vector<16xf32>, vector<16xi1>) -> (vector<16xi1>, vector<16xf32>, vector<16xf32>)
        %masked_sort3A_670 = arith.constant dense<true> : vector<16xi1>
        %masked_sort3A_671, %masked_sort3A_672, %masked_sort3A_673 = tpu.sort %min3A_665, %min3A_665 masked %masked_sort3A_670 : (vector<16xf32>, vector<16xf32>, vector<16xi1>) -> (vector<16xi1>, vector<16xf32>, vector<16xf32>)
        %get3A_674 = arith.index_cast %scan3A_69 : i32 to index
        %get3A_675 = arith.constant 384 : index
        %get3A_676 = tpu.vector_load %arg4[%get3A_674, %get3A_675] {strides = array<i32>} : memref<64x576xf32, #tpu.memory_space<vmem>>, vector<16xf32>,
        %masked_sort3A_677 = arith.constant dense<true> : vector<16xi1>
        %masked_sort3A_678, %masked_sort3A_679, %masked_sort3A_680 = tpu.sort %get3A_676, %get3A_676 masked %masked_sort3A_677 : (vector<16xf32>, vector<16xf32>, vector<16xi1>) -> (vector<16xi1>, vector<16xf32>, vector<16xf32>)
        %get3A_681 = arith.index_cast %scan3A_69 : i32 to index
        %get3A_682 = arith.constant 400 : index
        %get3A_683 = tpu.vector_load %arg4[%get3A_681, %get3A_682] {strides = array<i32>} : memref<64x576xf32, #tpu.memory_space<vmem>>, vector<16xf32>,
        %masked_sort3A_684 = arith.constant dense<true> : vector<16xi1>
        %masked_sort3A_685, %masked_sort3A_686, %masked_sort3A_687 = tpu.sort %get3A_683, %get3A_683 masked %masked_sort3A_684 : (vector<16xf32>, vector<16xf32>, vector<16xi1>) -> (vector<16xi1>, vector<16xf32>, vector<16xf32>)
        %rev3A_688 = arith.constant 15 : i32
        %rev3A_689 = vector.broadcast %rev3A_688 : i32 to vector<16xi32>
        %rev3A_690 = tpu.iota {dimensions = array<i32: 0>} : vector<16xi32>
        %rev3A_691 = arith.subi %rev3A_689, %rev3A_690 : vector<16xi32>
        %rev3A_692 = tpu.dynamic_gather %masked_sort3A_686[%rev3A_691] in [0] : vector<16xf32>, vector<16xi32> -> vector<16xf32>
        %max3A_693 = arith.maximumf %masked_sort3A_679, %rev3A_692 : vector<16xf32>
        %rev3A_694 = arith.constant 15 : i32
        %rev3A_695 = vector.broadcast %rev3A_694 : i32 to vector<16xi32>
        %rev3A_696 = tpu.iota {dimensions = array<i32: 0>} : vector<16xi32>
        %rev3A_697 = arith.subi %rev3A_695, %rev3A_696 : vector<16xi32>
        %rev3A_698 = tpu.dynamic_gather %masked_sort3A_686[%rev3A_697] in [0] : vector<16xf32>, vector<16xi32> -> vector<16xf32>
        %min3A_699 = arith.minimumf %masked_sort3A_679, %rev3A_698 : vector<16xf32>
        %masked_sort3A_700 = arith.constant dense<true> : vector<16xi1>
        %masked_sort3A_701, %masked_sort3A_702, %masked_sort3A_703 = tpu.sort %max3A_693, %max3A_693 masked %masked_sort3A_700 : (vector<16xf32>, vector<16xf32>, vector<16xi1>) -> (vector<16xi1>, vector<16xf32>, vector<16xf32>)
        %masked_sort3A_704 = arith.constant dense<true> : vector<16xi1>
        %masked_sort3A_705, %masked_sort3A_706, %masked_sort3A_707 = tpu.sort %min3A_699, %min3A_699 masked %masked_sort3A_704 : (vector<16xf32>, vector<16xf32>, vector<16xi1>) -> (vector<16xi1>, vector<16xf32>, vector<16xf32>)
        %get3A_708 = arith.index_cast %scan3A_69 : i32 to index
        %get3A_709 = arith.constant 416 : index
        %get3A_710 = tpu.vector_load %arg4[%get3A_708, %get3A_709] {strides = array<i32>} : memref<64x576xf32, #tpu.memory_space<vmem>>, vector<16xf32>,
        %masked_sort3A_711 = arith.constant dense<true> : vector<16xi1>
        %masked_sort3A_712, %masked_sort3A_713, %masked_sort3A_714 = tpu.sort %get3A_710, %get3A_710 masked %masked_sort3A_711 : (vector<16xf32>, vector<16xf32>, vector<16xi1>) -> (vector<16xi1>, vector<16xf32>, vector<16xf32>)
        %get3A_715 = arith.index_cast %scan3A_69 : i32 to index
        %get3A_716 = arith.constant 432 : index
        %get3A_717 = tpu.vector_load %arg4[%get3A_715, %get3A_716] {strides = array<i32>} : memref<64x576xf32, #tpu.memory_space<vmem>>, vector<16xf32>,
        %masked_sort3A_718 = arith.constant dense<true> : vector<16xi1>
        %masked_sort3A_719, %masked_sort3A_720, %masked_sort3A_721 = tpu.sort %get3A_717, %get3A_717 masked %masked_sort3A_718 : (vector<16xf32>, vector<16xf32>, vector<16xi1>) -> (vector<16xi1>, vector<16xf32>, vector<16xf32>)
        %rev3A_722 = arith.constant 15 : i32
        %rev3A_723 = vector.broadcast %rev3A_722 : i32 to vector<16xi32>
        %rev3A_724 = tpu.iota {dimensions = array<i32: 0>} : vector<16xi32>
        %rev3A_725 = arith.subi %rev3A_723, %rev3A_724 : vector<16xi32>
        %rev3A_726 = tpu.dynamic_gather %masked_sort3A_720[%rev3A_725] in [0] : vector<16xf32>, vector<16xi32> -> vector<16xf32>
        %max3A_727 = arith.maximumf %masked_sort3A_713, %rev3A_726 : vector<16xf32>
        %rev3A_728 = arith.constant 15 : i32
        %rev3A_729 = vector.broadcast %rev3A_728 : i32 to vector<16xi32>
        %rev3A_730 = tpu.iota {dimensions = array<i32: 0>} : vector<16xi32>
        %rev3A_731 = arith.subi %rev3A_729, %rev3A_730 : vector<16xi32>
        %rev3A_732 = tpu.dynamic_gather %masked_sort3A_720[%rev3A_731] in [0] : vector<16xf32>, vector<16xi32> -> vector<16xf32>
        %min3A_733 = arith.minimumf %masked_sort3A_713, %rev3A_732 : vector<16xf32>
        %masked_sort3A_734 = arith.constant dense<true> : vector<16xi1>
        %masked_sort3A_735, %masked_sort3A_736, %masked_sort3A_737 = tpu.sort %max3A_727, %max3A_727 masked %masked_sort3A_734 : (vector<16xf32>, vector<16xf32>, vector<16xi1>) -> (vector<16xi1>, vector<16xf32>, vector<16xf32>)
        %masked_sort3A_738 = arith.constant dense<true> : vector<16xi1>
        %masked_sort3A_739, %masked_sort3A_740, %masked_sort3A_741 = tpu.sort %min3A_733, %min3A_733 masked %masked_sort3A_738 : (vector<16xf32>, vector<16xf32>, vector<16xi1>) -> (vector<16xi1>, vector<16xf32>, vector<16xf32>)
        %rev3A_742 = arith.constant 15 : i32
        %rev3A_743 = vector.broadcast %rev3A_742 : i32 to vector<16xi32>
        %rev3A_744 = tpu.iota {dimensions = array<i32: 0>} : vector<16xi32>
        %rev3A_745 = arith.subi %rev3A_743, %rev3A_744 : vector<16xi32>
        %rev3A_746 = tpu.dynamic_gather %masked_sort3A_736[%rev3A_745] in [0] : vector<16xf32>, vector<16xi32> -> vector<16xf32>
        %max3A_747 = arith.maximumf %masked_sort3A_702, %rev3A_746 : vector<16xf32>
        %rev3A_748 = arith.constant 15 : i32
        %rev3A_749 = vector.broadcast %rev3A_748 : i32 to vector<16xi32>
        %rev3A_750 = tpu.iota {dimensions = array<i32: 0>} : vector<16xi32>
        %rev3A_751 = arith.subi %rev3A_749, %rev3A_750 : vector<16xi32>
        %rev3A_752 = tpu.dynamic_gather %masked_sort3A_740[%rev3A_751] in [0] : vector<16xf32>, vector<16xi32> -> vector<16xf32>
        %min3A_753 = arith.minimumf %masked_sort3A_706, %rev3A_752 : vector<16xf32>
        %masked_sort3A_754 = arith.constant dense<true> : vector<16xi1>
        %masked_sort3A_755, %masked_sort3A_756, %masked_sort3A_757 = tpu.sort %max3A_747, %max3A_747 masked %masked_sort3A_754 : (vector<16xf32>, vector<16xf32>, vector<16xi1>) -> (vector<16xi1>, vector<16xf32>, vector<16xf32>)
        %masked_sort3A_758 = arith.constant dense<true> : vector<16xi1>
        %masked_sort3A_759, %masked_sort3A_760, %masked_sort3A_761 = tpu.sort %min3A_753, %min3A_753 masked %masked_sort3A_758 : (vector<16xf32>, vector<16xf32>, vector<16xi1>) -> (vector<16xi1>, vector<16xf32>, vector<16xf32>)
        %get3A_762 = arith.index_cast %scan3A_69 : i32 to index
        %get3A_763 = arith.constant 448 : index
        %get3A_764 = tpu.vector_load %arg4[%get3A_762, %get3A_763] {strides = array<i32>} : memref<64x576xf32, #tpu.memory_space<vmem>>, vector<16xf32>,
        %masked_sort3A_765 = arith.constant dense<true> : vector<16xi1>
        %masked_sort3A_766, %masked_sort3A_767, %masked_sort3A_768 = tpu.sort %get3A_764, %get3A_764 masked %masked_sort3A_765 : (vector<16xf32>, vector<16xf32>, vector<16xi1>) -> (vector<16xi1>, vector<16xf32>, vector<16xf32>)
        %get3A_769 = arith.index_cast %scan3A_69 : i32 to index
        %get3A_770 = arith.constant 464 : index
        %get3A_771 = tpu.vector_load %arg4[%get3A_769, %get3A_770] {strides = array<i32>} : memref<64x576xf32, #tpu.memory_space<vmem>>, vector<16xf32>,
        %masked_sort3A_772 = arith.constant dense<true> : vector<16xi1>
        %masked_sort3A_773, %masked_sort3A_774, %masked_sort3A_775 = tpu.sort %get3A_771, %get3A_771 masked %masked_sort3A_772 : (vector<16xf32>, vector<16xf32>, vector<16xi1>) -> (vector<16xi1>, vector<16xf32>, vector<16xf32>)
        %rev3A_776 = arith.constant 15 : i32
        %rev3A_777 = vector.broadcast %rev3A_776 : i32 to vector<16xi32>
        %rev3A_778 = tpu.iota {dimensions = array<i32: 0>} : vector<16xi32>
        %rev3A_779 = arith.subi %rev3A_777, %rev3A_778 : vector<16xi32>
        %rev3A_780 = tpu.dynamic_gather %masked_sort3A_774[%rev3A_779] in [0] : vector<16xf32>, vector<16xi32> -> vector<16xf32>
        %max3A_781 = arith.maximumf %masked_sort3A_767, %rev3A_780 : vector<16xf32>
        %rev3A_782 = arith.constant 15 : i32
        %rev3A_783 = vector.broadcast %rev3A_782 : i32 to vector<16xi32>
        %rev3A_784 = tpu.iota {dimensions = array<i32: 0>} : vector<16xi32>
        %rev3A_785 = arith.subi %rev3A_783, %rev3A_784 : vector<16xi32>
        %rev3A_786 = tpu.dynamic_gather %masked_sort3A_774[%rev3A_785] in [0] : vector<16xf32>, vector<16xi32> -> vector<16xf32>
        %min3A_787 = arith.minimumf %masked_sort3A_767, %rev3A_786 : vector<16xf32>
        %masked_sort3A_788 = arith.constant dense<true> : vector<16xi1>
        %masked_sort3A_789, %masked_sort3A_790, %masked_sort3A_791 = tpu.sort %max3A_781, %max3A_781 masked %masked_sort3A_788 : (vector<16xf32>, vector<16xf32>, vector<16xi1>) -> (vector<16xi1>, vector<16xf32>, vector<16xf32>)
        %masked_sort3A_792 = arith.constant dense<true> : vector<16xi1>
        %masked_sort3A_793, %masked_sort3A_794, %masked_sort3A_795 = tpu.sort %min3A_787, %min3A_787 masked %masked_sort3A_792 : (vector<16xf32>, vector<16xf32>, vector<16xi1>) -> (vector<16xi1>, vector<16xf32>, vector<16xf32>)
        %get3A_796 = arith.index_cast %scan3A_69 : i32 to index
        %get3A_797 = arith.constant 480 : index
        %get3A_798 = tpu.vector_load %arg4[%get3A_796, %get3A_797] {strides = array<i32>} : memref<64x576xf32, #tpu.memory_space<vmem>>, vector<16xf32>,
        %masked_sort3A_799 = arith.constant dense<true> : vector<16xi1>
        %masked_sort3A_800, %masked_sort3A_801, %masked_sort3A_802 = tpu.sort %get3A_798, %get3A_798 masked %masked_sort3A_799 : (vector<16xf32>, vector<16xf32>, vector<16xi1>) -> (vector<16xi1>, vector<16xf32>, vector<16xf32>)
        %get3A_803 = arith.index_cast %scan3A_69 : i32 to index
        %get3A_804 = arith.constant 496 : index
        %get3A_805 = tpu.vector_load %arg4[%get3A_803, %get3A_804] {strides = array<i32>} : memref<64x576xf32, #tpu.memory_space<vmem>>, vector<16xf32>,
        %masked_sort3A_806 = arith.constant dense<true> : vector<16xi1>
        %masked_sort3A_807, %masked_sort3A_808, %masked_sort3A_809 = tpu.sort %get3A_805, %get3A_805 masked %masked_sort3A_806 : (vector<16xf32>, vector<16xf32>, vector<16xi1>) -> (vector<16xi1>, vector<16xf32>, vector<16xf32>)
        %rev3A_810 = arith.constant 15 : i32
        %rev3A_811 = vector.broadcast %rev3A_810 : i32 to vector<16xi32>
        %rev3A_812 = tpu.iota {dimensions = array<i32: 0>} : vector<16xi32>
        %rev3A_813 = arith.subi %rev3A_811, %rev3A_812 : vector<16xi32>
        %rev3A_814 = tpu.dynamic_gather %masked_sort3A_808[%rev3A_813] in [0] : vector<16xf32>, vector<16xi32> -> vector<16xf32>
        %max3A_815 = arith.maximumf %masked_sort3A_801, %rev3A_814 : vector<16xf32>
        %rev3A_816 = arith.constant 15 : i32
        %rev3A_817 = vector.broadcast %rev3A_816 : i32 to vector<16xi32>
        %rev3A_818 = tpu.iota {dimensions = array<i32: 0>} : vector<16xi32>
        %rev3A_819 = arith.subi %rev3A_817, %rev3A_818 : vector<16xi32>
        %rev3A_820 = tpu.dynamic_gather %masked_sort3A_808[%rev3A_819] in [0] : vector<16xf32>, vector<16xi32> -> vector<16xf32>
        %min3A_821 = arith.minimumf %masked_sort3A_801, %rev3A_820 : vector<16xf32>
        %masked_sort3A_822 = arith.constant dense<true> : vector<16xi1>
        %masked_sort3A_823, %masked_sort3A_824, %masked_sort3A_825 = tpu.sort %max3A_815, %max3A_815 masked %masked_sort3A_822 : (vector<16xf32>, vector<16xf32>, vector<16xi1>) -> (vector<16xi1>, vector<16xf32>, vector<16xf32>)
        %masked_sort3A_826 = arith.constant dense<true> : vector<16xi1>
        %masked_sort3A_827, %masked_sort3A_828, %masked_sort3A_829 = tpu.sort %min3A_821, %min3A_821 masked %masked_sort3A_826 : (vector<16xf32>, vector<16xf32>, vector<16xi1>) -> (vector<16xi1>, vector<16xf32>, vector<16xf32>)
        %rev3A_830 = arith.constant 15 : i32
        %rev3A_831 = vector.broadcast %rev3A_830 : i32 to vector<16xi32>
        %rev3A_832 = tpu.iota {dimensions = array<i32: 0>} : vector<16xi32>
        %rev3A_833 = arith.subi %rev3A_831, %rev3A_832 : vector<16xi32>
        %rev3A_834 = tpu.dynamic_gather %masked_sort3A_824[%rev3A_833] in [0] : vector<16xf32>, vector<16xi32> -> vector<16xf32>
        %max3A_835 = arith.maximumf %masked_sort3A_790, %rev3A_834 : vector<16xf32>
        %rev3A_836 = arith.constant 15 : i32
        %rev3A_837 = vector.broadcast %rev3A_836 : i32 to vector<16xi32>
        %rev3A_838 = tpu.iota {dimensions = array<i32: 0>} : vector<16xi32>
        %rev3A_839 = arith.subi %rev3A_837, %rev3A_838 : vector<16xi32>
        %rev3A_840 = tpu.dynamic_gather %masked_sort3A_828[%rev3A_839] in [0] : vector<16xf32>, vector<16xi32> -> vector<16xf32>
        %min3A_841 = arith.minimumf %masked_sort3A_794, %rev3A_840 : vector<16xf32>
        %masked_sort3A_842 = arith.constant dense<true> : vector<16xi1>
        %masked_sort3A_843, %masked_sort3A_844, %masked_sort3A_845 = tpu.sort %max3A_835, %max3A_835 masked %masked_sort3A_842 : (vector<16xf32>, vector<16xf32>, vector<16xi1>) -> (vector<16xi1>, vector<16xf32>, vector<16xf32>)
        %masked_sort3A_846 = arith.constant dense<true> : vector<16xi1>
        %masked_sort3A_847, %masked_sort3A_848, %masked_sort3A_849 = tpu.sort %min3A_841, %min3A_841 masked %masked_sort3A_846 : (vector<16xf32>, vector<16xf32>, vector<16xi1>) -> (vector<16xi1>, vector<16xf32>, vector<16xf32>)
        %rev3A_850 = arith.constant 15 : i32
        %rev3A_851 = vector.broadcast %rev3A_850 : i32 to vector<16xi32>
        %rev3A_852 = tpu.iota {dimensions = array<i32: 0>} : vector<16xi32>
        %rev3A_853 = arith.subi %rev3A_851, %rev3A_852 : vector<16xi32>
        %rev3A_854 = tpu.dynamic_gather %masked_sort3A_844[%rev3A_853] in [0] : vector<16xf32>, vector<16xi32> -> vector<16xf32>
        %max3A_855 = arith.maximumf %masked_sort3A_756, %rev3A_854 : vector<16xf32>
        %rev3A_856 = arith.constant 15 : i32
        %rev3A_857 = vector.broadcast %rev3A_856 : i32 to vector<16xi32>
        %rev3A_858 = tpu.iota {dimensions = array<i32: 0>} : vector<16xi32>
        %rev3A_859 = arith.subi %rev3A_857, %rev3A_858 : vector<16xi32>
        %rev3A_860 = tpu.dynamic_gather %masked_sort3A_848[%rev3A_859] in [0] : vector<16xf32>, vector<16xi32> -> vector<16xf32>
        %min3A_861 = arith.minimumf %masked_sort3A_760, %rev3A_860 : vector<16xf32>
        %masked_sort3A_862 = arith.constant dense<true> : vector<16xi1>
        %masked_sort3A_863, %masked_sort3A_864, %masked_sort3A_865 = tpu.sort %max3A_855, %max3A_855 masked %masked_sort3A_862 : (vector<16xf32>, vector<16xf32>, vector<16xi1>) -> (vector<16xi1>, vector<16xf32>, vector<16xf32>)
        %masked_sort3A_866 = arith.constant dense<true> : vector<16xi1>
        %masked_sort3A_867, %masked_sort3A_868, %masked_sort3A_869 = tpu.sort %min3A_861, %min3A_861 masked %masked_sort3A_866 : (vector<16xf32>, vector<16xf32>, vector<16xi1>) -> (vector<16xi1>, vector<16xf32>, vector<16xf32>)
        %rev3A_870 = arith.constant 15 : i32
        %rev3A_871 = vector.broadcast %rev3A_870 : i32 to vector<16xi32>
        %rev3A_872 = tpu.iota {dimensions = array<i32: 0>} : vector<16xi32>
        %rev3A_873 = arith.subi %rev3A_871, %rev3A_872 : vector<16xi32>
        %rev3A_874 = tpu.dynamic_gather %masked_sort3A_864[%rev3A_873] in [0] : vector<16xf32>, vector<16xi32> -> vector<16xf32>
        %max3A_875 = arith.maximumf %masked_sort3A_668, %rev3A_874 : vector<16xf32>
        %rev3A_876 = arith.constant 15 : i32
        %rev3A_877 = vector.broadcast %rev3A_876 : i32 to vector<16xi32>
        %rev3A_878 = tpu.iota {dimensions = array<i32: 0>} : vector<16xi32>
        %rev3A_879 = arith.subi %rev3A_877, %rev3A_878 : vector<16xi32>
        %rev3A_880 = tpu.dynamic_gather %masked_sort3A_868[%rev3A_879] in [0] : vector<16xf32>, vector<16xi32> -> vector<16xf32>
        %min3A_881 = arith.minimumf %masked_sort3A_672, %rev3A_880 : vector<16xf32>
        %masked_sort3A_882 = arith.constant dense<true> : vector<16xi1>
        %masked_sort3A_883, %masked_sort3A_884, %masked_sort3A_885 = tpu.sort %max3A_875, %max3A_875 masked %masked_sort3A_882 : (vector<16xf32>, vector<16xf32>, vector<16xi1>) -> (vector<16xi1>, vector<16xf32>, vector<16xf32>)
        %masked_sort3A_886 = arith.constant dense<true> : vector<16xi1>
        %masked_sort3A_887, %masked_sort3A_888, %masked_sort3A_889 = tpu.sort %min3A_881, %min3A_881 masked %masked_sort3A_886 : (vector<16xf32>, vector<16xf32>, vector<16xi1>) -> (vector<16xi1>, vector<16xf32>, vector<16xf32>)
        %rev3A_890 = arith.constant 15 : i32
        %rev3A_891 = vector.broadcast %rev3A_890 : i32 to vector<16xi32>
        %rev3A_892 = tpu.iota {dimensions = array<i32: 0>} : vector<16xi32>
        %rev3A_893 = arith.subi %rev3A_891, %rev3A_892 : vector<16xi32>
        %rev3A_894 = tpu.dynamic_gather %masked_sort3A_884[%rev3A_893] in [0] : vector<16xf32>, vector<16xi32> -> vector<16xf32>
        %max3A_895 = arith.maximumf %masked_sort3A_472, %rev3A_894 : vector<16xf32>
        %rev3A_896 = arith.constant 15 : i32
        %rev3A_897 = vector.broadcast %rev3A_896 : i32 to vector<16xi32>
        %rev3A_898 = tpu.iota {dimensions = array<i32: 0>} : vector<16xi32>
        %rev3A_899 = arith.subi %rev3A_897, %rev3A_898 : vector<16xi32>
        %rev3A_900 = tpu.dynamic_gather %masked_sort3A_888[%rev3A_899] in [0] : vector<16xf32>, vector<16xi32> -> vector<16xf32>
        %min3A_901 = arith.minimumf %masked_sort3A_476, %rev3A_900 : vector<16xf32>
        %masked_sort3A_902 = arith.constant dense<true> : vector<16xi1>
        %masked_sort3A_903, %masked_sort3A_904, %masked_sort3A_905 = tpu.sort %max3A_895, %max3A_895 masked %masked_sort3A_902 : (vector<16xf32>, vector<16xf32>, vector<16xi1>) -> (vector<16xi1>, vector<16xf32>, vector<16xf32>)
        %masked_sort3A_906 = arith.constant dense<true> : vector<16xi1>
        %masked_sort3A_907, %masked_sort3A_908, %masked_sort3A_909 = tpu.sort %min3A_901, %min3A_901 masked %masked_sort3A_906 : (vector<16xf32>, vector<16xf32>, vector<16xi1>) -> (vector<16xi1>, vector<16xf32>, vector<16xf32>)
        %get3A_910 = arith.index_cast %scan3A_69 : i32 to index
        %get3A_911 = arith.constant 512 : index
        %get3A_912 = tpu.vector_load %arg4[%get3A_910, %get3A_911] {strides = array<i32>} : memref<64x576xf32, #tpu.memory_space<vmem>>, vector<16xf32>,
        %masked_sort3A_913 = arith.constant dense<true> : vector<16xi1>
        %masked_sort3A_914, %masked_sort3A_915, %masked_sort3A_916 = tpu.sort %get3A_912, %get3A_912 masked %masked_sort3A_913 : (vector<16xf32>, vector<16xf32>, vector<16xi1>) -> (vector<16xi1>, vector<16xf32>, vector<16xf32>)
        %get3A_917 = arith.index_cast %scan3A_69 : i32 to index
        %get3A_918 = arith.constant 528 : index
        %get3A_919 = tpu.vector_load %arg4[%get3A_917, %get3A_918] {strides = array<i32>} : memref<64x576xf32, #tpu.memory_space<vmem>>, vector<16xf32>,
        %masked_sort3A_920 = arith.constant dense<true> : vector<16xi1>
        %masked_sort3A_921, %masked_sort3A_922, %masked_sort3A_923 = tpu.sort %get3A_919, %get3A_919 masked %masked_sort3A_920 : (vector<16xf32>, vector<16xf32>, vector<16xi1>) -> (vector<16xi1>, vector<16xf32>, vector<16xf32>)
        %rev3A_924 = arith.constant 15 : i32
        %rev3A_925 = vector.broadcast %rev3A_924 : i32 to vector<16xi32>
        %rev3A_926 = tpu.iota {dimensions = array<i32: 0>} : vector<16xi32>
        %rev3A_927 = arith.subi %rev3A_925, %rev3A_926 : vector<16xi32>
        %rev3A_928 = tpu.dynamic_gather %masked_sort3A_922[%rev3A_927] in [0] : vector<16xf32>, vector<16xi32> -> vector<16xf32>
        %max3A_929 = arith.maximumf %masked_sort3A_915, %rev3A_928 : vector<16xf32>
        %rev3A_930 = arith.constant 15 : i32
        %rev3A_931 = vector.broadcast %rev3A_930 : i32 to vector<16xi32>
        %rev3A_932 = tpu.iota {dimensions = array<i32: 0>} : vector<16xi32>
        %rev3A_933 = arith.subi %rev3A_931, %rev3A_932 : vector<16xi32>
        %rev3A_934 = tpu.dynamic_gather %masked_sort3A_922[%rev3A_933] in [0] : vector<16xf32>, vector<16xi32> -> vector<16xf32>
        %min3A_935 = arith.minimumf %masked_sort3A_915, %rev3A_934 : vector<16xf32>
        %masked_sort3A_936 = arith.constant dense<true> : vector<16xi1>
        %masked_sort3A_937, %masked_sort3A_938, %masked_sort3A_939 = tpu.sort %max3A_929, %max3A_929 masked %masked_sort3A_936 : (vector<16xf32>, vector<16xf32>, vector<16xi1>) -> (vector<16xi1>, vector<16xf32>, vector<16xf32>)
        %masked_sort3A_940 = arith.constant dense<true> : vector<16xi1>
        %masked_sort3A_941, %masked_sort3A_942, %masked_sort3A_943 = tpu.sort %min3A_935, %min3A_935 masked %masked_sort3A_940 : (vector<16xf32>, vector<16xf32>, vector<16xi1>) -> (vector<16xi1>, vector<16xf32>, vector<16xf32>)
        %get3A_944 = arith.index_cast %scan3A_69 : i32 to index
        %get3A_945 = arith.constant 544 : index
        %get3A_946 = tpu.vector_load %arg4[%get3A_944, %get3A_945] {strides = array<i32>} : memref<64x576xf32, #tpu.memory_space<vmem>>, vector<16xf32>,
        %masked_sort3A_947 = arith.constant dense<true> : vector<16xi1>
        %masked_sort3A_948, %masked_sort3A_949, %masked_sort3A_950 = tpu.sort %get3A_946, %get3A_946 masked %masked_sort3A_947 : (vector<16xf32>, vector<16xf32>, vector<16xi1>) -> (vector<16xi1>, vector<16xf32>, vector<16xf32>)
        %get3A_951 = arith.index_cast %scan3A_69 : i32 to index
        %get3A_952 = arith.constant 560 : index
        %get3A_953 = tpu.vector_load %arg4[%get3A_951, %get3A_952] {strides = array<i32>} : memref<64x576xf32, #tpu.memory_space<vmem>>, vector<16xf32>,
        %masked_sort3A_954 = arith.constant dense<true> : vector<16xi1>
        %masked_sort3A_955, %masked_sort3A_956, %masked_sort3A_957 = tpu.sort %get3A_953, %get3A_953 masked %masked_sort3A_954 : (vector<16xf32>, vector<16xf32>, vector<16xi1>) -> (vector<16xi1>, vector<16xf32>, vector<16xf32>)
        %rev3A_958 = arith.constant 15 : i32
        %rev3A_959 = vector.broadcast %rev3A_958 : i32 to vector<16xi32>
        %rev3A_960 = tpu.iota {dimensions = array<i32: 0>} : vector<16xi32>
        %rev3A_961 = arith.subi %rev3A_959, %rev3A_960 : vector<16xi32>
        %rev3A_962 = tpu.dynamic_gather %masked_sort3A_956[%rev3A_961] in [0] : vector<16xf32>, vector<16xi32> -> vector<16xf32>
        %max3A_963 = arith.maximumf %masked_sort3A_949, %rev3A_962 : vector<16xf32>
        %rev3A_964 = arith.constant 15 : i32
        %rev3A_965 = vector.broadcast %rev3A_964 : i32 to vector<16xi32>
        %rev3A_966 = tpu.iota {dimensions = array<i32: 0>} : vector<16xi32>
        %rev3A_967 = arith.subi %rev3A_965, %rev3A_966 : vector<16xi32>
        %rev3A_968 = tpu.dynamic_gather %masked_sort3A_956[%rev3A_967] in [0] : vector<16xf32>, vector<16xi32> -> vector<16xf32>
        %min3A_969 = arith.minimumf %masked_sort3A_949, %rev3A_968 : vector<16xf32>
        %masked_sort3A_970 = arith.constant dense<true> : vector<16xi1>
        %masked_sort3A_971, %masked_sort3A_972, %masked_sort3A_973 = tpu.sort %max3A_963, %max3A_963 masked %masked_sort3A_970 : (vector<16xf32>, vector<16xf32>, vector<16xi1>) -> (vector<16xi1>, vector<16xf32>, vector<16xf32>)
        %masked_sort3A_974 = arith.constant dense<true> : vector<16xi1>
        %masked_sort3A_975, %masked_sort3A_976, %masked_sort3A_977 = tpu.sort %min3A_969, %min3A_969 masked %masked_sort3A_974 : (vector<16xf32>, vector<16xf32>, vector<16xi1>) -> (vector<16xi1>, vector<16xf32>, vector<16xf32>)
        %rev3A_978 = arith.constant 15 : i32
        %rev3A_979 = vector.broadcast %rev3A_978 : i32 to vector<16xi32>
        %rev3A_980 = tpu.iota {dimensions = array<i32: 0>} : vector<16xi32>
        %rev3A_981 = arith.subi %rev3A_979, %rev3A_980 : vector<16xi32>
        %rev3A_982 = tpu.dynamic_gather %masked_sort3A_972[%rev3A_981] in [0] : vector<16xf32>, vector<16xi32> -> vector<16xf32>
        %max3A_983 = arith.maximumf %masked_sort3A_938, %rev3A_982 : vector<16xf32>
        %rev3A_984 = arith.constant 15 : i32
        %rev3A_985 = vector.broadcast %rev3A_984 : i32 to vector<16xi32>
        %rev3A_986 = tpu.iota {dimensions = array<i32: 0>} : vector<16xi32>
        %rev3A_987 = arith.subi %rev3A_985, %rev3A_986 : vector<16xi32>
        %rev3A_988 = tpu.dynamic_gather %masked_sort3A_976[%rev3A_987] in [0] : vector<16xf32>, vector<16xi32> -> vector<16xf32>
        %min3A_989 = arith.minimumf %masked_sort3A_942, %rev3A_988 : vector<16xf32>
        %masked_sort3A_990 = arith.constant dense<true> : vector<16xi1>
        %masked_sort3A_991, %masked_sort3A_992, %masked_sort3A_993 = tpu.sort %max3A_983, %max3A_983 masked %masked_sort3A_990 : (vector<16xf32>, vector<16xf32>, vector<16xi1>) -> (vector<16xi1>, vector<16xf32>, vector<16xf32>)
        %masked_sort3A_994 = arith.constant dense<true> : vector<16xi1>
        %masked_sort3A_995, %masked_sort3A_996, %masked_sort3A_997 = tpu.sort %min3A_989, %min3A_989 masked %masked_sort3A_994 : (vector<16xf32>, vector<16xf32>, vector<16xi1>) -> (vector<16xi1>, vector<16xf32>, vector<16xf32>)
        %rev3A_998 = arith.constant 15 : i32
        %rev3A_999 = vector.broadcast %rev3A_998 : i32 to vector<16xi32>
        %rev3A_1000 = tpu.iota {dimensions = array<i32: 0>} : vector<16xi32>
        %rev3A_1001 = arith.subi %rev3A_999, %rev3A_1000 : vector<16xi32>
        %rev3A_1002 = tpu.dynamic_gather %masked_sort3A_904[%rev3A_1001] in [0] : vector<16xf32>, vector<16xi32> -> vector<16xf32>
        %max3A_1003 = arith.maximumf %masked_sort3A_992, %rev3A_1002 : vector<16xf32>
        %rev3A_1004 = arith.constant 15 : i32
        %rev3A_1005 = vector.broadcast %rev3A_1004 : i32 to vector<16xi32>
        %rev3A_1006 = tpu.iota {dimensions = array<i32: 0>} : vector<16xi32>
        %rev3A_1007 = arith.subi %rev3A_1005, %rev3A_1006 : vector<16xi32>
        %rev3A_1008 = tpu.dynamic_gather %masked_sort3A_908[%rev3A_1007] in [0] : vector<16xf32>, vector<16xi32> -> vector<16xf32>
        %min3A_1009 = arith.minimumf %masked_sort3A_996, %rev3A_1008 : vector<16xf32>
        %masked_sort3A_1010 = arith.constant dense<true> : vector<16xi1>
        %masked_sort3A_1011, %masked_sort3A_1012, %masked_sort3A_1013 = tpu.sort %max3A_1003, %max3A_1003 masked %masked_sort3A_1010 : (vector<16xf32>, vector<16xf32>, vector<16xi1>) -> (vector<16xi1>, vector<16xf32>, vector<16xf32>)
        %masked_sort3A_1014 = arith.constant dense<true> : vector<16xi1>
        %masked_sort3A_1015, %masked_sort3A_1016, %masked_sort3A_1017 = tpu.sort %min3A_1009, %min3A_1009 masked %masked_sort3A_1014 : (vector<16xf32>, vector<16xf32>, vector<16xi1>) -> (vector<16xi1>, vector<16xf32>, vector<16xf32>)
        %reduce_sum3A = arith.constant true
        %reduce_sum3A_1018 = vector.broadcast %reduce_sum3A : i1 to vector<16xi1>
        %reduce_sum3A_1019 = tpu.scan <sum>, %masked_sort3A_1012 masked %reduce_sum3A_1018 : vector<16xf32>, vector<16xi1> -> vector<16xf32>
        %reduce_sum3A_1020 = vector.extract %reduce_sum3A_1019[15] : f32 from vector<16xf32>
        %reduce_sum3A_1021 = arith.constant true
        %reduce_sum3A_1022 = vector.broadcast %reduce_sum3A_1021 : i1 to vector<16xi1>
        %reduce_sum3A_1023 = tpu.scan <sum>, %masked_sort3A_1016 masked %reduce_sum3A_1022 : vector<16xf32>, vector<16xi1> -> vector<16xf32>
        %reduce_sum3A_1024 = vector.extract %reduce_sum3A_1023[15] : f32 from vector<16xf32>
        %add3A_1025 = arith.addf %reduce_sum3A_1020, %reduce_sum3A_1024 : f32
        %mul3A_1026 = arith.constant 3.125000e-02 : f32
        %mul3A_1027 = arith.mulf %add3A_1025, %mul3A_1026 : f32
        %rem3A = arith.constant 16 : i32
        %rem3A_1028 = arith.remsi %scan3A_69, %rem3A : i32
        %eq3A = vector.broadcast %rem3A_1028 : i32 to vector<16xi32>
        %eq3A_1029 = arith.cmpi eq, %iota3A, %eq3A : vector<16xi32>
        %broadcast_in_dim3A_1030 = vector.broadcast %mul3A_1027 : f32 to vector<16xf32>
        %select_n3A = arith.select %eq3A_1029, %broadcast_in_dim3A_1030, %scan3A_70 : vector<16xi1>, vector<16xf32>
        %eq3A_1031 = arith.constant 15 : i32
        %eq3A_1032 = arith.cmpi eq, %rem3A_1028, %eq3A_1031 : i32
        %convert_element_type3A_1033 = arith.extui %eq3A_1032 : i1 to i32
        %cond3A_1034 = arith.constant 0 : i32
        %cond3A_1035 = arith.cmpi ne, %convert_element_type3A_1033, %cond3A_1034 : i32
        scf.if %cond3A_1035 {
          %sub3A = arith.constant 15 : i32
          %sub3A_1036 = arith.subi %scan3A_69, %sub3A : i32
          %swap3A = arith.index_cast %sub3A_1036 : i32 to index
          %swap3A_1037 = tpu.vector_load %arg6[%swap3A] {strides = array<i32>} : memref<64xf32, #tpu.memory_space<vmem>>, vector<16xf32>,
          tpu.vector_store %arg6[%swap3A], %select_n3A {strides = array<i32>} : memref<64xf32, #tpu.memory_space<vmem>>, vector<16xf32>,
        } else {
        }
        scf.yield %select_n3A : vector<16xf32>
      }
      %scan3A_37 = arith.constant 64 : i32
      "tpu.region"() ({
        %run_scoped3A = tpu.sem_alloc : memref<!tpu.dma_semaphore, #tpu.memory_space<semaphore_mem>>
        %dma_start3A_69 = tpu.memref_slice %arg3[%add3A_30] : memref<36864xf32, #tpu.memory_space<hbm>> -> memref<64xf32, #tpu.memory_space<hbm>>
        %dma_start3A_70 = tpu.memref_slice %arg3[%add3A_30] : memref<36864xf32, #tpu.memory_space<hbm>> -> memref<64xf32, #tpu.memory_space<hbm>>
        tpu.enqueue_dma source(%arg6 : memref<64xf32, #tpu.memory_space<vmem>>) target(%dma_start3A_70 : memref<64xf32, #tpu.memory_space<hbm>>) target_semaphore(%run_scoped3A : memref<!tpu.dma_semaphore, #tpu.memory_space<semaphore_mem>>)
        %dma_wait3A_71 = tpu.memref_slice %arg3[%add3A_30] : memref<36864xf32, #tpu.memory_space<hbm>> -> memref<64xf32, #tpu.memory_space<hbm>>
        %dma_wait3A_72 = tpu.memref_slice %arg3[%add3A_30] : memref<36864xf32, #tpu.memory_space<hbm>> -> memref<64xf32, #tpu.memory_space<hbm>>
        tpu.wait_dma2 semaphore(%run_scoped3A : memref<!tpu.dma_semaphore, #tpu.memory_space<semaphore_mem>>) src(%arg6 : memref<64xf32, #tpu.memory_space<vmem>>) dst(%dma_wait3A_72 : memref<64xf32, #tpu.memory_space<hbm>>)
        tpu.yield
      }) : () -> ()
      %add3A_38 = arith.constant 2 : i32
      %add3A_39 = arith.addi %add3A_21, %add3A_38 : i32
      %lt3A = arith.constant 18 : i32
      %lt3A_40 = arith.cmpi slt, %add3A_39, %lt3A : i32
      %convert_element_type3A = arith.extui %lt3A_40 : i1 to i32
      %cond3A = arith.constant 0 : i32
      %cond3A_41 = arith.cmpi ne, %convert_element_type3A, %cond3A : i32
      scf.if %cond3A_41 {
        %add3A_69 = arith.constant 2 : i32
        %add3A_70 = arith.addi %add3A_21, %add3A_69 : i32
        %mul3A_71 = arith.constant 64 : i32
        %mul3A_72 = arith.muli %add3A_70, %mul3A_71 : i32
        %add3A_73 = arith.addi %mul3A_2, %mul3A_72 : i32
        %dma_start3A_74 = arith.constant 0 : i32
        %dma_start3A_75 = tpu.memref_slice %arg2[%add3A_73, %dma_start3A_74] : memref<49152x576xf32, #tpu.memory_space<hbm>> -> memref<64x576xf32, #tpu.memory_space<hbm>>
        %dma_start3A_76 = arith.constant 0 : i32
        %dma_start3A_77 = tpu.memref_slice %arg2[%add3A_73, %dma_start3A_76] : memref<49152x576xf32, #tpu.memory_space<hbm>> -> memref<64x576xf32, #tpu.memory_space<hbm>>
        tpu.enqueue_dma source(%dma_start3A_77 : memref<64x576xf32, #tpu.memory_space<hbm>>) target(%arg4 : memref<64x576xf32, #tpu.memory_space<vmem>>) target_semaphore(%arg7 : memref<!tpu.dma_semaphore, #tpu.memory_space<semaphore_mem>>)
      } else {
      }
      %add3A_42 = arith.constant 1 : i32
      %add3A_43 = arith.addi %mul3A_19, %add3A_42 : i32
      %mul3A_44 = arith.constant 64 : i32
      %mul3A_45 = arith.muli %add3A_43, %mul3A_44 : i32
      %add3A_46 = arith.addi %mul3A_2, %mul3A_45 : i32
      %dma_wait3A_47 = arith.constant 0 : i32
      %dma_wait3A_48 = tpu.memref_slice %arg2[%add3A_46, %dma_wait3A_47] : memref<49152x576xf32, #tpu.memory_space<hbm>> -> memref<64x576xf32, #tpu.memory_space<hbm>>
      %dma_wait3A_49 = arith.constant 0 : i32
      %dma_wait3A_50 = tpu.memref_slice %arg2[%add3A_46, %dma_wait3A_49] : memref<49152x576xf32, #tpu.memory_space<hbm>> -> memref<64x576xf32, #tpu.memory_space<hbm>>
      tpu.wait_dma2 semaphore(%arg8 : memref<!tpu.dma_semaphore, #tpu.memory_space<semaphore_mem>>) src(%dma_wait3A_50 : memref<64x576xf32, #tpu.memory_space<hbm>>) dst(%arg5 : memref<64x576xf32, #tpu.memory_space<vmem>>)
      %mul3A_51 = arith.constant 64 : i32
      %mul3A_52 = arith.muli %add3A_43, %mul3A_51 : i32
      %add3A_53 = arith.addi %mul3A_2, %mul3A_52 : i32
      %broadcast_in_dim3A_54 = arith.constant 0.000000e+00 : f32
      %broadcast_in_dim3A_55 = vector.broadcast %broadcast_in_dim3A_54 : f32 to vector<16xf32>
      %scan3A_56 = arith.constant 0 : i32
      %scan3A_57 = arith.constant 64 : i32
      %scan3A_58 = arith.addi %scan3A_56, %scan3A_57 : i32
      %scan3A_59 = arith.constant 1 : i32
      %scan3A_60 = scf.for %scan3A_69 = %scan3A_56 to %scan3A_58 step %scan3A_59 iter_args(%scan3A_70 = %broadcast_in_dim3A_55) -> (vector<16xf32>)  : i32 {
        %get3A = arith.index_cast %scan3A_69 : i32 to index
        %get3A_71 = arith.constant 0 : index
        %get3A_72 = tpu.vector_load %arg5[%get3A, %get3A_71] {strides = array<i32>} : memref<64x576xf32, #tpu.memory_space<vmem>>, vector<16xf32>,
        %masked_sort3A = arith.constant dense<true> : vector<16xi1>
        %masked_sort3A_73, %masked_sort3A_74, %masked_sort3A_75 = tpu.sort %get3A_72, %get3A_72 masked %masked_sort3A : (vector<16xf32>, vector<16xf32>, vector<16xi1>) -> (vector<16xi1>, vector<16xf32>, vector<16xf32>)
        %get3A_76 = arith.index_cast %scan3A_69 : i32 to index
        %get3A_77 = arith.constant 16 : index
        %get3A_78 = tpu.vector_load %arg5[%get3A_76, %get3A_77] {strides = array<i32>} : memref<64x576xf32, #tpu.memory_space<vmem>>, vector<16xf32>,
        %masked_sort3A_79 = arith.constant dense<true> : vector<16xi1>
        %masked_sort3A_80, %masked_sort3A_81, %masked_sort3A_82 = tpu.sort %get3A_78, %get3A_78 masked %masked_sort3A_79 : (vector<16xf32>, vector<16xf32>, vector<16xi1>) -> (vector<16xi1>, vector<16xf32>, vector<16xf32>)
        %rev3A = arith.constant 15 : i32
        %rev3A_83 = vector.broadcast %rev3A : i32 to vector<16xi32>
        %rev3A_84 = tpu.iota {dimensions = array<i32: 0>} : vector<16xi32>
        %rev3A_85 = arith.subi %rev3A_83, %rev3A_84 : vector<16xi32>
        %rev3A_86 = tpu.dynamic_gather %masked_sort3A_81[%rev3A_85] in [0] : vector<16xf32>, vector<16xi32> -> vector<16xf32>
        %max3A = arith.maximumf %masked_sort3A_74, %rev3A_86 : vector<16xf32>
        %rev3A_87 = arith.constant 15 : i32
        %rev3A_88 = vector.broadcast %rev3A_87 : i32 to vector<16xi32>
        %rev3A_89 = tpu.iota {dimensions = array<i32: 0>} : vector<16xi32>
        %rev3A_90 = arith.subi %rev3A_88, %rev3A_89 : vector<16xi32>
        %rev3A_91 = tpu.dynamic_gather %masked_sort3A_81[%rev3A_90] in [0] : vector<16xf32>, vector<16xi32> -> vector<16xf32>
        %min3A = arith.minimumf %masked_sort3A_74, %rev3A_91 : vector<16xf32>
        %masked_sort3A_92 = arith.constant dense<true> : vector<16xi1>
        %masked_sort3A_93, %masked_sort3A_94, %masked_sort3A_95 = tpu.sort %max3A, %max3A masked %masked_sort3A_92 : (vector<16xf32>, vector<16xf32>, vector<16xi1>) -> (vector<16xi1>, vector<16xf32>, vector<16xf32>)
        %masked_sort3A_96 = arith.constant dense<true> : vector<16xi1>
        %masked_sort3A_97, %masked_sort3A_98, %masked_sort3A_99 = tpu.sort %min3A, %min3A masked %masked_sort3A_96 : (vector<16xf32>, vector<16xf32>, vector<16xi1>) -> (vector<16xi1>, vector<16xf32>, vector<16xf32>)
        %get3A_100 = arith.index_cast %scan3A_69 : i32 to index
        %get3A_101 = arith.constant 32 : index
        %get3A_102 = tpu.vector_load %arg5[%get3A_100, %get3A_101] {strides = array<i32>} : memref<64x576xf32, #tpu.memory_space<vmem>>, vector<16xf32>,
        %masked_sort3A_103 = arith.constant dense<true> : vector<16xi1>
        %masked_sort3A_104, %masked_sort3A_105, %masked_sort3A_106 = tpu.sort %get3A_102, %get3A_102 masked %masked_sort3A_103 : (vector<16xf32>, vector<16xf32>, vector<16xi1>) -> (vector<16xi1>, vector<16xf32>, vector<16xf32>)
        %get3A_107 = arith.index_cast %scan3A_69 : i32 to index
        %get3A_108 = arith.constant 48 : index
        %get3A_109 = tpu.vector_load %arg5[%get3A_107, %get3A_108] {strides = array<i32>} : memref<64x576xf32, #tpu.memory_space<vmem>>, vector<16xf32>,
        %masked_sort3A_110 = arith.constant dense<true> : vector<16xi1>
        %masked_sort3A_111, %masked_sort3A_112, %masked_sort3A_113 = tpu.sort %get3A_109, %get3A_109 masked %masked_sort3A_110 : (vector<16xf32>, vector<16xf32>, vector<16xi1>) -> (vector<16xi1>, vector<16xf32>, vector<16xf32>)
        %rev3A_114 = arith.constant 15 : i32
        %rev3A_115 = vector.broadcast %rev3A_114 : i32 to vector<16xi32>
        %rev3A_116 = tpu.iota {dimensions = array<i32: 0>} : vector<16xi32>
        %rev3A_117 = arith.subi %rev3A_115, %rev3A_116 : vector<16xi32>
        %rev3A_118 = tpu.dynamic_gather %masked_sort3A_112[%rev3A_117] in [0] : vector<16xf32>, vector<16xi32> -> vector<16xf32>
        %max3A_119 = arith.maximumf %masked_sort3A_105, %rev3A_118 : vector<16xf32>
        %rev3A_120 = arith.constant 15 : i32
        %rev3A_121 = vector.broadcast %rev3A_120 : i32 to vector<16xi32>
        %rev3A_122 = tpu.iota {dimensions = array<i32: 0>} : vector<16xi32>
        %rev3A_123 = arith.subi %rev3A_121, %rev3A_122 : vector<16xi32>
        %rev3A_124 = tpu.dynamic_gather %masked_sort3A_112[%rev3A_123] in [0] : vector<16xf32>, vector<16xi32> -> vector<16xf32>
        %min3A_125 = arith.minimumf %masked_sort3A_105, %rev3A_124 : vector<16xf32>
        %masked_sort3A_126 = arith.constant dense<true> : vector<16xi1>
        %masked_sort3A_127, %masked_sort3A_128, %masked_sort3A_129 = tpu.sort %max3A_119, %max3A_119 masked %masked_sort3A_126 : (vector<16xf32>, vector<16xf32>, vector<16xi1>) -> (vector<16xi1>, vector<16xf32>, vector<16xf32>)
        %masked_sort3A_130 = arith.constant dense<true> : vector<16xi1>
        %masked_sort3A_131, %masked_sort3A_132, %masked_sort3A_133 = tpu.sort %min3A_125, %min3A_125 masked %masked_sort3A_130 : (vector<16xf32>, vector<16xf32>, vector<16xi1>) -> (vector<16xi1>, vector<16xf32>, vector<16xf32>)
        %rev3A_134 = arith.constant 15 : i32
        %rev3A_135 = vector.broadcast %rev3A_134 : i32 to vector<16xi32>
        %rev3A_136 = tpu.iota {dimensions = array<i32: 0>} : vector<16xi32>
        %rev3A_137 = arith.subi %rev3A_135, %rev3A_136 : vector<16xi32>
        %rev3A_138 = tpu.dynamic_gather %masked_sort3A_128[%rev3A_137] in [0] : vector<16xf32>, vector<16xi32> -> vector<16xf32>
        %max3A_139 = arith.maximumf %masked_sort3A_94, %rev3A_138 : vector<16xf32>
        %rev3A_140 = arith.constant 15 : i32
        %rev3A_141 = vector.broadcast %rev3A_140 : i32 to vector<16xi32>
        %rev3A_142 = tpu.iota {dimensions = array<i32: 0>} : vector<16xi32>
        %rev3A_143 = arith.subi %rev3A_141, %rev3A_142 : vector<16xi32>
        %rev3A_144 = tpu.dynamic_gather %masked_sort3A_132[%rev3A_143] in [0] : vector<16xf32>, vector<16xi32> -> vector<16xf32>
        %min3A_145 = arith.minimumf %masked_sort3A_98, %rev3A_144 : vector<16xf32>
        %masked_sort3A_146 = arith.constant dense<true> : vector<16xi1>
        %masked_sort3A_147, %masked_sort3A_148, %masked_sort3A_149 = tpu.sort %max3A_139, %max3A_139 masked %masked_sort3A_146 : (vector<16xf32>, vector<16xf32>, vector<16xi1>) -> (vector<16xi1>, vector<16xf32>, vector<16xf32>)
        %masked_sort3A_150 = arith.constant dense<true> : vector<16xi1>
        %masked_sort3A_151, %masked_sort3A_152, %masked_sort3A_153 = tpu.sort %min3A_145, %min3A_145 masked %masked_sort3A_150 : (vector<16xf32>, vector<16xf32>, vector<16xi1>) -> (vector<16xi1>, vector<16xf32>, vector<16xf32>)
        %get3A_154 = arith.index_cast %scan3A_69 : i32 to index
        %get3A_155 = arith.constant 64 : index
        %get3A_156 = tpu.vector_load %arg5[%get3A_154, %get3A_155] {strides = array<i32>} : memref<64x576xf32, #tpu.memory_space<vmem>>, vector<16xf32>,
        %masked_sort3A_157 = arith.constant dense<true> : vector<16xi1>
        %masked_sort3A_158, %masked_sort3A_159, %masked_sort3A_160 = tpu.sort %get3A_156, %get3A_156 masked %masked_sort3A_157 : (vector<16xf32>, vector<16xf32>, vector<16xi1>) -> (vector<16xi1>, vector<16xf32>, vector<16xf32>)
        %get3A_161 = arith.index_cast %scan3A_69 : i32 to index
        %get3A_162 = arith.constant 80 : index
        %get3A_163 = tpu.vector_load %arg5[%get3A_161, %get3A_162] {strides = array<i32>} : memref<64x576xf32, #tpu.memory_space<vmem>>, vector<16xf32>,
        %masked_sort3A_164 = arith.constant dense<true> : vector<16xi1>
        %masked_sort3A_165, %masked_sort3A_166, %masked_sort3A_167 = tpu.sort %get3A_163, %get3A_163 masked %masked_sort3A_164 : (vector<16xf32>, vector<16xf32>, vector<16xi1>) -> (vector<16xi1>, vector<16xf32>, vector<16xf32>)
        %rev3A_168 = arith.constant 15 : i32
        %rev3A_169 = vector.broadcast %rev3A_168 : i32 to vector<16xi32>
        %rev3A_170 = tpu.iota {dimensions = array<i32: 0>} : vector<16xi32>
        %rev3A_171 = arith.subi %rev3A_169, %rev3A_170 : vector<16xi32>
        %rev3A_172 = tpu.dynamic_gather %masked_sort3A_166[%rev3A_171] in [0] : vector<16xf32>, vector<16xi32> -> vector<16xf32>
        %max3A_173 = arith.maximumf %masked_sort3A_159, %rev3A_172 : vector<16xf32>
        %rev3A_174 = arith.constant 15 : i32
        %rev3A_175 = vector.broadcast %rev3A_174 : i32 to vector<16xi32>
        %rev3A_176 = tpu.iota {dimensions = array<i32: 0>} : vector<16xi32>
        %rev3A_177 = arith.subi %rev3A_175, %rev3A_176 : vector<16xi32>
        %rev3A_178 = tpu.dynamic_gather %masked_sort3A_166[%rev3A_177] in [0] : vector<16xf32>, vector<16xi32> -> vector<16xf32>
        %min3A_179 = arith.minimumf %masked_sort3A_159, %rev3A_178 : vector<16xf32>
        %masked_sort3A_180 = arith.constant dense<true> : vector<16xi1>
        %masked_sort3A_181, %masked_sort3A_182, %masked_sort3A_183 = tpu.sort %max3A_173, %max3A_173 masked %masked_sort3A_180 : (vector<16xf32>, vector<16xf32>, vector<16xi1>) -> (vector<16xi1>, vector<16xf32>, vector<16xf32>)
        %masked_sort3A_184 = arith.constant dense<true> : vector<16xi1>
        %masked_sort3A_185, %masked_sort3A_186, %masked_sort3A_187 = tpu.sort %min3A_179, %min3A_179 masked %masked_sort3A_184 : (vector<16xf32>, vector<16xf32>, vector<16xi1>) -> (vector<16xi1>, vector<16xf32>, vector<16xf32>)
        %get3A_188 = arith.index_cast %scan3A_69 : i32 to index
        %get3A_189 = arith.constant 96 : index
        %get3A_190 = tpu.vector_load %arg5[%get3A_188, %get3A_189] {strides = array<i32>} : memref<64x576xf32, #tpu.memory_space<vmem>>, vector<16xf32>,
        %masked_sort3A_191 = arith.constant dense<true> : vector<16xi1>
        %masked_sort3A_192, %masked_sort3A_193, %masked_sort3A_194 = tpu.sort %get3A_190, %get3A_190 masked %masked_sort3A_191 : (vector<16xf32>, vector<16xf32>, vector<16xi1>) -> (vector<16xi1>, vector<16xf32>, vector<16xf32>)
        %get3A_195 = arith.index_cast %scan3A_69 : i32 to index
        %get3A_196 = arith.constant 112 : index
        %get3A_197 = tpu.vector_load %arg5[%get3A_195, %get3A_196] {strides = array<i32>} : memref<64x576xf32, #tpu.memory_space<vmem>>, vector<16xf32>,
        %masked_sort3A_198 = arith.constant dense<true> : vector<16xi1>
        %masked_sort3A_199, %masked_sort3A_200, %masked_sort3A_201 = tpu.sort %get3A_197, %get3A_197 masked %masked_sort3A_198 : (vector<16xf32>, vector<16xf32>, vector<16xi1>) -> (vector<16xi1>, vector<16xf32>, vector<16xf32>)
        %rev3A_202 = arith.constant 15 : i32
        %rev3A_203 = vector.broadcast %rev3A_202 : i32 to vector<16xi32>
        %rev3A_204 = tpu.iota {dimensions = array<i32: 0>} : vector<16xi32>
        %rev3A_205 = arith.subi %rev3A_203, %rev3A_204 : vector<16xi32>
        %rev3A_206 = tpu.dynamic_gather %masked_sort3A_200[%rev3A_205] in [0] : vector<16xf32>, vector<16xi32> -> vector<16xf32>
        %max3A_207 = arith.maximumf %masked_sort3A_193, %rev3A_206 : vector<16xf32>
        %rev3A_208 = arith.constant 15 : i32
        %rev3A_209 = vector.broadcast %rev3A_208 : i32 to vector<16xi32>
        %rev3A_210 = tpu.iota {dimensions = array<i32: 0>} : vector<16xi32>
        %rev3A_211 = arith.subi %rev3A_209, %rev3A_210 : vector<16xi32>
        %rev3A_212 = tpu.dynamic_gather %masked_sort3A_200[%rev3A_211] in [0] : vector<16xf32>, vector<16xi32> -> vector<16xf32>
        %min3A_213 = arith.minimumf %masked_sort3A_193, %rev3A_212 : vector<16xf32>
        %masked_sort3A_214 = arith.constant dense<true> : vector<16xi1>
        %masked_sort3A_215, %masked_sort3A_216, %masked_sort3A_217 = tpu.sort %max3A_207, %max3A_207 masked %masked_sort3A_214 : (vector<16xf32>, vector<16xf32>, vector<16xi1>) -> (vector<16xi1>, vector<16xf32>, vector<16xf32>)
        %masked_sort3A_218 = arith.constant dense<true> : vector<16xi1>
        %masked_sort3A_219, %masked_sort3A_220, %masked_sort3A_221 = tpu.sort %min3A_213, %min3A_213 masked %masked_sort3A_218 : (vector<16xf32>, vector<16xf32>, vector<16xi1>) -> (vector<16xi1>, vector<16xf32>, vector<16xf32>)
        %rev3A_222 = arith.constant 15 : i32
        %rev3A_223 = vector.broadcast %rev3A_222 : i32 to vector<16xi32>
        %rev3A_224 = tpu.iota {dimensions = array<i32: 0>} : vector<16xi32>
        %rev3A_225 = arith.subi %rev3A_223, %rev3A_224 : vector<16xi32>
        %rev3A_226 = tpu.dynamic_gather %masked_sort3A_216[%rev3A_225] in [0] : vector<16xf32>, vector<16xi32> -> vector<16xf32>
        %max3A_227 = arith.maximumf %masked_sort3A_182, %rev3A_226 : vector<16xf32>
        %rev3A_228 = arith.constant 15 : i32
        %rev3A_229 = vector.broadcast %rev3A_228 : i32 to vector<16xi32>
        %rev3A_230 = tpu.iota {dimensions = array<i32: 0>} : vector<16xi32>
        %rev3A_231 = arith.subi %rev3A_229, %rev3A_230 : vector<16xi32>
        %rev3A_232 = tpu.dynamic_gather %masked_sort3A_220[%rev3A_231] in [0] : vector<16xf32>, vector<16xi32> -> vector<16xf32>
        %min3A_233 = arith.minimumf %masked_sort3A_186, %rev3A_232 : vector<16xf32>
        %masked_sort3A_234 = arith.constant dense<true> : vector<16xi1>
        %masked_sort3A_235, %masked_sort3A_236, %masked_sort3A_237 = tpu.sort %max3A_227, %max3A_227 masked %masked_sort3A_234 : (vector<16xf32>, vector<16xf32>, vector<16xi1>) -> (vector<16xi1>, vector<16xf32>, vector<16xf32>)
        %masked_sort3A_238 = arith.constant dense<true> : vector<16xi1>
        %masked_sort3A_239, %masked_sort3A_240, %masked_sort3A_241 = tpu.sort %min3A_233, %min3A_233 masked %masked_sort3A_238 : (vector<16xf32>, vector<16xf32>, vector<16xi1>) -> (vector<16xi1>, vector<16xf32>, vector<16xf32>)
        %rev3A_242 = arith.constant 15 : i32
        %rev3A_243 = vector.broadcast %rev3A_242 : i32 to vector<16xi32>
        %rev3A_244 = tpu.iota {dimensions = array<i32: 0>} : vector<16xi32>
        %rev3A_245 = arith.subi %rev3A_243, %rev3A_244 : vector<16xi32>
        %rev3A_246 = tpu.dynamic_gather %masked_sort3A_236[%rev3A_245] in [0] : vector<16xf32>, vector<16xi32> -> vector<16xf32>
        %max3A_247 = arith.maximumf %masked_sort3A_148, %rev3A_246 : vector<16xf32>
        %rev3A_248 = arith.constant 15 : i32
        %rev3A_249 = vector.broadcast %rev3A_248 : i32 to vector<16xi32>
        %rev3A_250 = tpu.iota {dimensions = array<i32: 0>} : vector<16xi32>
        %rev3A_251 = arith.subi %rev3A_249, %rev3A_250 : vector<16xi32>
        %rev3A_252 = tpu.dynamic_gather %masked_sort3A_240[%rev3A_251] in [0] : vector<16xf32>, vector<16xi32> -> vector<16xf32>
        %min3A_253 = arith.minimumf %masked_sort3A_152, %rev3A_252 : vector<16xf32>
        %masked_sort3A_254 = arith.constant dense<true> : vector<16xi1>
        %masked_sort3A_255, %masked_sort3A_256, %masked_sort3A_257 = tpu.sort %max3A_247, %max3A_247 masked %masked_sort3A_254 : (vector<16xf32>, vector<16xf32>, vector<16xi1>) -> (vector<16xi1>, vector<16xf32>, vector<16xf32>)
        %masked_sort3A_258 = arith.constant dense<true> : vector<16xi1>
        %masked_sort3A_259, %masked_sort3A_260, %masked_sort3A_261 = tpu.sort %min3A_253, %min3A_253 masked %masked_sort3A_258 : (vector<16xf32>, vector<16xf32>, vector<16xi1>) -> (vector<16xi1>, vector<16xf32>, vector<16xf32>)
        %get3A_262 = arith.index_cast %scan3A_69 : i32 to index
        %get3A_263 = arith.constant 128 : index
        %get3A_264 = tpu.vector_load %arg5[%get3A_262, %get3A_263] {strides = array<i32>} : memref<64x576xf32, #tpu.memory_space<vmem>>, vector<16xf32>,
        %masked_sort3A_265 = arith.constant dense<true> : vector<16xi1>
        %masked_sort3A_266, %masked_sort3A_267, %masked_sort3A_268 = tpu.sort %get3A_264, %get3A_264 masked %masked_sort3A_265 : (vector<16xf32>, vector<16xf32>, vector<16xi1>) -> (vector<16xi1>, vector<16xf32>, vector<16xf32>)
        %get3A_269 = arith.index_cast %scan3A_69 : i32 to index
        %get3A_270 = arith.constant 144 : index
        %get3A_271 = tpu.vector_load %arg5[%get3A_269, %get3A_270] {strides = array<i32>} : memref<64x576xf32, #tpu.memory_space<vmem>>, vector<16xf32>,
        %masked_sort3A_272 = arith.constant dense<true> : vector<16xi1>
        %masked_sort3A_273, %masked_sort3A_274, %masked_sort3A_275 = tpu.sort %get3A_271, %get3A_271 masked %masked_sort3A_272 : (vector<16xf32>, vector<16xf32>, vector<16xi1>) -> (vector<16xi1>, vector<16xf32>, vector<16xf32>)
        %rev3A_276 = arith.constant 15 : i32
        %rev3A_277 = vector.broadcast %rev3A_276 : i32 to vector<16xi32>
        %rev3A_278 = tpu.iota {dimensions = array<i32: 0>} : vector<16xi32>
        %rev3A_279 = arith.subi %rev3A_277, %rev3A_278 : vector<16xi32>
        %rev3A_280 = tpu.dynamic_gather %masked_sort3A_274[%rev3A_279] in [0] : vector<16xf32>, vector<16xi32> -> vector<16xf32>
        %max3A_281 = arith.maximumf %masked_sort3A_267, %rev3A_280 : vector<16xf32>
        %rev3A_282 = arith.constant 15 : i32
        %rev3A_283 = vector.broadcast %rev3A_282 : i32 to vector<16xi32>
        %rev3A_284 = tpu.iota {dimensions = array<i32: 0>} : vector<16xi32>
        %rev3A_285 = arith.subi %rev3A_283, %rev3A_284 : vector<16xi32>
        %rev3A_286 = tpu.dynamic_gather %masked_sort3A_274[%rev3A_285] in [0] : vector<16xf32>, vector<16xi32> -> vector<16xf32>
        %min3A_287 = arith.minimumf %masked_sort3A_267, %rev3A_286 : vector<16xf32>
        %masked_sort3A_288 = arith.constant dense<true> : vector<16xi1>
        %masked_sort3A_289, %masked_sort3A_290, %masked_sort3A_291 = tpu.sort %max3A_281, %max3A_281 masked %masked_sort3A_288 : (vector<16xf32>, vector<16xf32>, vector<16xi1>) -> (vector<16xi1>, vector<16xf32>, vector<16xf32>)
        %masked_sort3A_292 = arith.constant dense<true> : vector<16xi1>
        %masked_sort3A_293, %masked_sort3A_294, %masked_sort3A_295 = tpu.sort %min3A_287, %min3A_287 masked %masked_sort3A_292 : (vector<16xf32>, vector<16xf32>, vector<16xi1>) -> (vector<16xi1>, vector<16xf32>, vector<16xf32>)
        %get3A_296 = arith.index_cast %scan3A_69 : i32 to index
        %get3A_297 = arith.constant 160 : index
        %get3A_298 = tpu.vector_load %arg5[%get3A_296, %get3A_297] {strides = array<i32>} : memref<64x576xf32, #tpu.memory_space<vmem>>, vector<16xf32>,
        %masked_sort3A_299 = arith.constant dense<true> : vector<16xi1>
        %masked_sort3A_300, %masked_sort3A_301, %masked_sort3A_302 = tpu.sort %get3A_298, %get3A_298 masked %masked_sort3A_299 : (vector<16xf32>, vector<16xf32>, vector<16xi1>) -> (vector<16xi1>, vector<16xf32>, vector<16xf32>)
        %get3A_303 = arith.index_cast %scan3A_69 : i32 to index
        %get3A_304 = arith.constant 176 : index
        %get3A_305 = tpu.vector_load %arg5[%get3A_303, %get3A_304] {strides = array<i32>} : memref<64x576xf32, #tpu.memory_space<vmem>>, vector<16xf32>,
        %masked_sort3A_306 = arith.constant dense<true> : vector<16xi1>
        %masked_sort3A_307, %masked_sort3A_308, %masked_sort3A_309 = tpu.sort %get3A_305, %get3A_305 masked %masked_sort3A_306 : (vector<16xf32>, vector<16xf32>, vector<16xi1>) -> (vector<16xi1>, vector<16xf32>, vector<16xf32>)
        %rev3A_310 = arith.constant 15 : i32
        %rev3A_311 = vector.broadcast %rev3A_310 : i32 to vector<16xi32>
        %rev3A_312 = tpu.iota {dimensions = array<i32: 0>} : vector<16xi32>
        %rev3A_313 = arith.subi %rev3A_311, %rev3A_312 : vector<16xi32>
        %rev3A_314 = tpu.dynamic_gather %masked_sort3A_308[%rev3A_313] in [0] : vector<16xf32>, vector<16xi32> -> vector<16xf32>
        %max3A_315 = arith.maximumf %masked_sort3A_301, %rev3A_314 : vector<16xf32>
        %rev3A_316 = arith.constant 15 : i32
        %rev3A_317 = vector.broadcast %rev3A_316 : i32 to vector<16xi32>
        %rev3A_318 = tpu.iota {dimensions = array<i32: 0>} : vector<16xi32>
        %rev3A_319 = arith.subi %rev3A_317, %rev3A_318 : vector<16xi32>
        %rev3A_320 = tpu.dynamic_gather %masked_sort3A_308[%rev3A_319] in [0] : vector<16xf32>, vector<16xi32> -> vector<16xf32>
        %min3A_321 = arith.minimumf %masked_sort3A_301, %rev3A_320 : vector<16xf32>
        %masked_sort3A_322 = arith.constant dense<true> : vector<16xi1>
        %masked_sort3A_323, %masked_sort3A_324, %masked_sort3A_325 = tpu.sort %max3A_315, %max3A_315 masked %masked_sort3A_322 : (vector<16xf32>, vector<16xf32>, vector<16xi1>) -> (vector<16xi1>, vector<16xf32>, vector<16xf32>)
        %masked_sort3A_326 = arith.constant dense<true> : vector<16xi1>
        %masked_sort3A_327, %masked_sort3A_328, %masked_sort3A_329 = tpu.sort %min3A_321, %min3A_321 masked %masked_sort3A_326 : (vector<16xf32>, vector<16xf32>, vector<16xi1>) -> (vector<16xi1>, vector<16xf32>, vector<16xf32>)
        %rev3A_330 = arith.constant 15 : i32
        %rev3A_331 = vector.broadcast %rev3A_330 : i32 to vector<16xi32>
        %rev3A_332 = tpu.iota {dimensions = array<i32: 0>} : vector<16xi32>
        %rev3A_333 = arith.subi %rev3A_331, %rev3A_332 : vector<16xi32>
        %rev3A_334 = tpu.dynamic_gather %masked_sort3A_324[%rev3A_333] in [0] : vector<16xf32>, vector<16xi32> -> vector<16xf32>
        %max3A_335 = arith.maximumf %masked_sort3A_290, %rev3A_334 : vector<16xf32>
        %rev3A_336 = arith.constant 15 : i32
        %rev3A_337 = vector.broadcast %rev3A_336 : i32 to vector<16xi32>
        %rev3A_338 = tpu.iota {dimensions = array<i32: 0>} : vector<16xi32>
        %rev3A_339 = arith.subi %rev3A_337, %rev3A_338 : vector<16xi32>
        %rev3A_340 = tpu.dynamic_gather %masked_sort3A_328[%rev3A_339] in [0] : vector<16xf32>, vector<16xi32> -> vector<16xf32>
        %min3A_341 = arith.minimumf %masked_sort3A_294, %rev3A_340 : vector<16xf32>
        %masked_sort3A_342 = arith.constant dense<true> : vector<16xi1>
        %masked_sort3A_343, %masked_sort3A_344, %masked_sort3A_345 = tpu.sort %max3A_335, %max3A_335 masked %masked_sort3A_342 : (vector<16xf32>, vector<16xf32>, vector<16xi1>) -> (vector<16xi1>, vector<16xf32>, vector<16xf32>)
        %masked_sort3A_346 = arith.constant dense<true> : vector<16xi1>
        %masked_sort3A_347, %masked_sort3A_348, %masked_sort3A_349 = tpu.sort %min3A_341, %min3A_341 masked %masked_sort3A_346 : (vector<16xf32>, vector<16xf32>, vector<16xi1>) -> (vector<16xi1>, vector<16xf32>, vector<16xf32>)
        %get3A_350 = arith.index_cast %scan3A_69 : i32 to index
        %get3A_351 = arith.constant 192 : index
        %get3A_352 = tpu.vector_load %arg5[%get3A_350, %get3A_351] {strides = array<i32>} : memref<64x576xf32, #tpu.memory_space<vmem>>, vector<16xf32>,
        %masked_sort3A_353 = arith.constant dense<true> : vector<16xi1>
        %masked_sort3A_354, %masked_sort3A_355, %masked_sort3A_356 = tpu.sort %get3A_352, %get3A_352 masked %masked_sort3A_353 : (vector<16xf32>, vector<16xf32>, vector<16xi1>) -> (vector<16xi1>, vector<16xf32>, vector<16xf32>)
        %get3A_357 = arith.index_cast %scan3A_69 : i32 to index
        %get3A_358 = arith.constant 208 : index
        %get3A_359 = tpu.vector_load %arg5[%get3A_357, %get3A_358] {strides = array<i32>} : memref<64x576xf32, #tpu.memory_space<vmem>>, vector<16xf32>,
        %masked_sort3A_360 = arith.constant dense<true> : vector<16xi1>
        %masked_sort3A_361, %masked_sort3A_362, %masked_sort3A_363 = tpu.sort %get3A_359, %get3A_359 masked %masked_sort3A_360 : (vector<16xf32>, vector<16xf32>, vector<16xi1>) -> (vector<16xi1>, vector<16xf32>, vector<16xf32>)
        %rev3A_364 = arith.constant 15 : i32
        %rev3A_365 = vector.broadcast %rev3A_364 : i32 to vector<16xi32>
        %rev3A_366 = tpu.iota {dimensions = array<i32: 0>} : vector<16xi32>
        %rev3A_367 = arith.subi %rev3A_365, %rev3A_366 : vector<16xi32>
        %rev3A_368 = tpu.dynamic_gather %masked_sort3A_362[%rev3A_367] in [0] : vector<16xf32>, vector<16xi32> -> vector<16xf32>
        %max3A_369 = arith.maximumf %masked_sort3A_355, %rev3A_368 : vector<16xf32>
        %rev3A_370 = arith.constant 15 : i32
        %rev3A_371 = vector.broadcast %rev3A_370 : i32 to vector<16xi32>
        %rev3A_372 = tpu.iota {dimensions = array<i32: 0>} : vector<16xi32>
        %rev3A_373 = arith.subi %rev3A_371, %rev3A_372 : vector<16xi32>
        %rev3A_374 = tpu.dynamic_gather %masked_sort3A_362[%rev3A_373] in [0] : vector<16xf32>, vector<16xi32> -> vector<16xf32>
        %min3A_375 = arith.minimumf %masked_sort3A_355, %rev3A_374 : vector<16xf32>
        %masked_sort3A_376 = arith.constant dense<true> : vector<16xi1>
        %masked_sort3A_377, %masked_sort3A_378, %masked_sort3A_379 = tpu.sort %max3A_369, %max3A_369 masked %masked_sort3A_376 : (vector<16xf32>, vector<16xf32>, vector<16xi1>) -> (vector<16xi1>, vector<16xf32>, vector<16xf32>)
        %masked_sort3A_380 = arith.constant dense<true> : vector<16xi1>
        %masked_sort3A_381, %masked_sort3A_382, %masked_sort3A_383 = tpu.sort %min3A_375, %min3A_375 masked %masked_sort3A_380 : (vector<16xf32>, vector<16xf32>, vector<16xi1>) -> (vector<16xi1>, vector<16xf32>, vector<16xf32>)
        %get3A_384 = arith.index_cast %scan3A_69 : i32 to index
        %get3A_385 = arith.constant 224 : index
        %get3A_386 = tpu.vector_load %arg5[%get3A_384, %get3A_385] {strides = array<i32>} : memref<64x576xf32, #tpu.memory_space<vmem>>, vector<16xf32>,
        %masked_sort3A_387 = arith.constant dense<true> : vector<16xi1>
        %masked_sort3A_388, %masked_sort3A_389, %masked_sort3A_390 = tpu.sort %get3A_386, %get3A_386 masked %masked_sort3A_387 : (vector<16xf32>, vector<16xf32>, vector<16xi1>) -> (vector<16xi1>, vector<16xf32>, vector<16xf32>)
        %get3A_391 = arith.index_cast %scan3A_69 : i32 to index
        %get3A_392 = arith.constant 240 : index
        %get3A_393 = tpu.vector_load %arg5[%get3A_391, %get3A_392] {strides = array<i32>} : memref<64x576xf32, #tpu.memory_space<vmem>>, vector<16xf32>,
        %masked_sort3A_394 = arith.constant dense<true> : vector<16xi1>
        %masked_sort3A_395, %masked_sort3A_396, %masked_sort3A_397 = tpu.sort %get3A_393, %get3A_393 masked %masked_sort3A_394 : (vector<16xf32>, vector<16xf32>, vector<16xi1>) -> (vector<16xi1>, vector<16xf32>, vector<16xf32>)
        %rev3A_398 = arith.constant 15 : i32
        %rev3A_399 = vector.broadcast %rev3A_398 : i32 to vector<16xi32>
        %rev3A_400 = tpu.iota {dimensions = array<i32: 0>} : vector<16xi32>
        %rev3A_401 = arith.subi %rev3A_399, %rev3A_400 : vector<16xi32>
        %rev3A_402 = tpu.dynamic_gather %masked_sort3A_396[%rev3A_401] in [0] : vector<16xf32>, vector<16xi32> -> vector<16xf32>
        %max3A_403 = arith.maximumf %masked_sort3A_389, %rev3A_402 : vector<16xf32>
        %rev3A_404 = arith.constant 15 : i32
        %rev3A_405 = vector.broadcast %rev3A_404 : i32 to vector<16xi32>
        %rev3A_406 = tpu.iota {dimensions = array<i32: 0>} : vector<16xi32>
        %rev3A_407 = arith.subi %rev3A_405, %rev3A_406 : vector<16xi32>
        %rev3A_408 = tpu.dynamic_gather %masked_sort3A_396[%rev3A_407] in [0] : vector<16xf32>, vector<16xi32> -> vector<16xf32>
        %min3A_409 = arith.minimumf %masked_sort3A_389, %rev3A_408 : vector<16xf32>
        %masked_sort3A_410 = arith.constant dense<true> : vector<16xi1>
        %masked_sort3A_411, %masked_sort3A_412, %masked_sort3A_413 = tpu.sort %max3A_403, %max3A_403 masked %masked_sort3A_410 : (vector<16xf32>, vector<16xf32>, vector<16xi1>) -> (vector<16xi1>, vector<16xf32>, vector<16xf32>)
        %masked_sort3A_414 = arith.constant dense<true> : vector<16xi1>
        %masked_sort3A_415, %masked_sort3A_416, %masked_sort3A_417 = tpu.sort %min3A_409, %min3A_409 masked %masked_sort3A_414 : (vector<16xf32>, vector<16xf32>, vector<16xi1>) -> (vector<16xi1>, vector<16xf32>, vector<16xf32>)
        %rev3A_418 = arith.constant 15 : i32
        %rev3A_419 = vector.broadcast %rev3A_418 : i32 to vector<16xi32>
        %rev3A_420 = tpu.iota {dimensions = array<i32: 0>} : vector<16xi32>
        %rev3A_421 = arith.subi %rev3A_419, %rev3A_420 : vector<16xi32>
        %rev3A_422 = tpu.dynamic_gather %masked_sort3A_412[%rev3A_421] in [0] : vector<16xf32>, vector<16xi32> -> vector<16xf32>
        %max3A_423 = arith.maximumf %masked_sort3A_378, %rev3A_422 : vector<16xf32>
        %rev3A_424 = arith.constant 15 : i32
        %rev3A_425 = vector.broadcast %rev3A_424 : i32 to vector<16xi32>
        %rev3A_426 = tpu.iota {dimensions = array<i32: 0>} : vector<16xi32>
        %rev3A_427 = arith.subi %rev3A_425, %rev3A_426 : vector<16xi32>
        %rev3A_428 = tpu.dynamic_gather %masked_sort3A_416[%rev3A_427] in [0] : vector<16xf32>, vector<16xi32> -> vector<16xf32>
        %min3A_429 = arith.minimumf %masked_sort3A_382, %rev3A_428 : vector<16xf32>
        %masked_sort3A_430 = arith.constant dense<true> : vector<16xi1>
        %masked_sort3A_431, %masked_sort3A_432, %masked_sort3A_433 = tpu.sort %max3A_423, %max3A_423 masked %masked_sort3A_430 : (vector<16xf32>, vector<16xf32>, vector<16xi1>) -> (vector<16xi1>, vector<16xf32>, vector<16xf32>)
        %masked_sort3A_434 = arith.constant dense<true> : vector<16xi1>
        %masked_sort3A_435, %masked_sort3A_436, %masked_sort3A_437 = tpu.sort %min3A_429, %min3A_429 masked %masked_sort3A_434 : (vector<16xf32>, vector<16xf32>, vector<16xi1>) -> (vector<16xi1>, vector<16xf32>, vector<16xf32>)
        %rev3A_438 = arith.constant 15 : i32
        %rev3A_439 = vector.broadcast %rev3A_438 : i32 to vector<16xi32>
        %rev3A_440 = tpu.iota {dimensions = array<i32: 0>} : vector<16xi32>
        %rev3A_441 = arith.subi %rev3A_439, %rev3A_440 : vector<16xi32>
        %rev3A_442 = tpu.dynamic_gather %masked_sort3A_432[%rev3A_441] in [0] : vector<16xf32>, vector<16xi32> -> vector<16xf32>
        %max3A_443 = arith.maximumf %masked_sort3A_344, %rev3A_442 : vector<16xf32>
        %rev3A_444 = arith.constant 15 : i32
        %rev3A_445 = vector.broadcast %rev3A_444 : i32 to vector<16xi32>
        %rev3A_446 = tpu.iota {dimensions = array<i32: 0>} : vector<16xi32>
        %rev3A_447 = arith.subi %rev3A_445, %rev3A_446 : vector<16xi32>
        %rev3A_448 = tpu.dynamic_gather %masked_sort3A_436[%rev3A_447] in [0] : vector<16xf32>, vector<16xi32> -> vector<16xf32>
        %min3A_449 = arith.minimumf %masked_sort3A_348, %rev3A_448 : vector<16xf32>
        %masked_sort3A_450 = arith.constant dense<true> : vector<16xi1>
        %masked_sort3A_451, %masked_sort3A_452, %masked_sort3A_453 = tpu.sort %max3A_443, %max3A_443 masked %masked_sort3A_450 : (vector<16xf32>, vector<16xf32>, vector<16xi1>) -> (vector<16xi1>, vector<16xf32>, vector<16xf32>)
        %masked_sort3A_454 = arith.constant dense<true> : vector<16xi1>
        %masked_sort3A_455, %masked_sort3A_456, %masked_sort3A_457 = tpu.sort %min3A_449, %min3A_449 masked %masked_sort3A_454 : (vector<16xf32>, vector<16xf32>, vector<16xi1>) -> (vector<16xi1>, vector<16xf32>, vector<16xf32>)
        %rev3A_458 = arith.constant 15 : i32
        %rev3A_459 = vector.broadcast %rev3A_458 : i32 to vector<16xi32>
        %rev3A_460 = tpu.iota {dimensions = array<i32: 0>} : vector<16xi32>
        %rev3A_461 = arith.subi %rev3A_459, %rev3A_460 : vector<16xi32>
        %rev3A_462 = tpu.dynamic_gather %masked_sort3A_452[%rev3A_461] in [0] : vector<16xf32>, vector<16xi32> -> vector<16xf32>
        %max3A_463 = arith.maximumf %masked_sort3A_256, %rev3A_462 : vector<16xf32>
        %rev3A_464 = arith.constant 15 : i32
        %rev3A_465 = vector.broadcast %rev3A_464 : i32 to vector<16xi32>
        %rev3A_466 = tpu.iota {dimensions = array<i32: 0>} : vector<16xi32>
        %rev3A_467 = arith.subi %rev3A_465, %rev3A_466 : vector<16xi32>
        %rev3A_468 = tpu.dynamic_gather %masked_sort3A_456[%rev3A_467] in [0] : vector<16xf32>, vector<16xi32> -> vector<16xf32>
        %min3A_469 = arith.minimumf %masked_sort3A_260, %rev3A_468 : vector<16xf32>
        %masked_sort3A_470 = arith.constant dense<true> : vector<16xi1>
        %masked_sort3A_471, %masked_sort3A_472, %masked_sort3A_473 = tpu.sort %max3A_463, %max3A_463 masked %masked_sort3A_470 : (vector<16xf32>, vector<16xf32>, vector<16xi1>) -> (vector<16xi1>, vector<16xf32>, vector<16xf32>)
        %masked_sort3A_474 = arith.constant dense<true> : vector<16xi1>
        %masked_sort3A_475, %masked_sort3A_476, %masked_sort3A_477 = tpu.sort %min3A_469, %min3A_469 masked %masked_sort3A_474 : (vector<16xf32>, vector<16xf32>, vector<16xi1>) -> (vector<16xi1>, vector<16xf32>, vector<16xf32>)
        %get3A_478 = arith.index_cast %scan3A_69 : i32 to index
        %get3A_479 = arith.constant 256 : index
        %get3A_480 = tpu.vector_load %arg5[%get3A_478, %get3A_479] {strides = array<i32>} : memref<64x576xf32, #tpu.memory_space<vmem>>, vector<16xf32>,
        %masked_sort3A_481 = arith.constant dense<true> : vector<16xi1>
        %masked_sort3A_482, %masked_sort3A_483, %masked_sort3A_484 = tpu.sort %get3A_480, %get3A_480 masked %masked_sort3A_481 : (vector<16xf32>, vector<16xf32>, vector<16xi1>) -> (vector<16xi1>, vector<16xf32>, vector<16xf32>)
        %get3A_485 = arith.index_cast %scan3A_69 : i32 to index
        %get3A_486 = arith.constant 272 : index
        %get3A_487 = tpu.vector_load %arg5[%get3A_485, %get3A_486] {strides = array<i32>} : memref<64x576xf32, #tpu.memory_space<vmem>>, vector<16xf32>,
        %masked_sort3A_488 = arith.constant dense<true> : vector<16xi1>
        %masked_sort3A_489, %masked_sort3A_490, %masked_sort3A_491 = tpu.sort %get3A_487, %get3A_487 masked %masked_sort3A_488 : (vector<16xf32>, vector<16xf32>, vector<16xi1>) -> (vector<16xi1>, vector<16xf32>, vector<16xf32>)
        %rev3A_492 = arith.constant 15 : i32
        %rev3A_493 = vector.broadcast %rev3A_492 : i32 to vector<16xi32>
        %rev3A_494 = tpu.iota {dimensions = array<i32: 0>} : vector<16xi32>
        %rev3A_495 = arith.subi %rev3A_493, %rev3A_494 : vector<16xi32>
        %rev3A_496 = tpu.dynamic_gather %masked_sort3A_490[%rev3A_495] in [0] : vector<16xf32>, vector<16xi32> -> vector<16xf32>
        %max3A_497 = arith.maximumf %masked_sort3A_483, %rev3A_496 : vector<16xf32>
        %rev3A_498 = arith.constant 15 : i32
        %rev3A_499 = vector.broadcast %rev3A_498 : i32 to vector<16xi32>
        %rev3A_500 = tpu.iota {dimensions = array<i32: 0>} : vector<16xi32>
        %rev3A_501 = arith.subi %rev3A_499, %rev3A_500 : vector<16xi32>
        %rev3A_502 = tpu.dynamic_gather %masked_sort3A_490[%rev3A_501] in [0] : vector<16xf32>, vector<16xi32> -> vector<16xf32>
        %min3A_503 = arith.minimumf %masked_sort3A_483, %rev3A_502 : vector<16xf32>
        %masked_sort3A_504 = arith.constant dense<true> : vector<16xi1>
        %masked_sort3A_505, %masked_sort3A_506, %masked_sort3A_507 = tpu.sort %max3A_497, %max3A_497 masked %masked_sort3A_504 : (vector<16xf32>, vector<16xf32>, vector<16xi1>) -> (vector<16xi1>, vector<16xf32>, vector<16xf32>)
        %masked_sort3A_508 = arith.constant dense<true> : vector<16xi1>
        %masked_sort3A_509, %masked_sort3A_510, %masked_sort3A_511 = tpu.sort %min3A_503, %min3A_503 masked %masked_sort3A_508 : (vector<16xf32>, vector<16xf32>, vector<16xi1>) -> (vector<16xi1>, vector<16xf32>, vector<16xf32>)
        %get3A_512 = arith.index_cast %scan3A_69 : i32 to index
        %get3A_513 = arith.constant 288 : index
        %get3A_514 = tpu.vector_load %arg5[%get3A_512, %get3A_513] {strides = array<i32>} : memref<64x576xf32, #tpu.memory_space<vmem>>, vector<16xf32>,
        %masked_sort3A_515 = arith.constant dense<true> : vector<16xi1>
        %masked_sort3A_516, %masked_sort3A_517, %masked_sort3A_518 = tpu.sort %get3A_514, %get3A_514 masked %masked_sort3A_515 : (vector<16xf32>, vector<16xf32>, vector<16xi1>) -> (vector<16xi1>, vector<16xf32>, vector<16xf32>)
        %get3A_519 = arith.index_cast %scan3A_69 : i32 to index
        %get3A_520 = arith.constant 304 : index
        %get3A_521 = tpu.vector_load %arg5[%get3A_519, %get3A_520] {strides = array<i32>} : memref<64x576xf32, #tpu.memory_space<vmem>>, vector<16xf32>,
        %masked_sort3A_522 = arith.constant dense<true> : vector<16xi1>
        %masked_sort3A_523, %masked_sort3A_524, %masked_sort3A_525 = tpu.sort %get3A_521, %get3A_521 masked %masked_sort3A_522 : (vector<16xf32>, vector<16xf32>, vector<16xi1>) -> (vector<16xi1>, vector<16xf32>, vector<16xf32>)
        %rev3A_526 = arith.constant 15 : i32
        %rev3A_527 = vector.broadcast %rev3A_526 : i32 to vector<16xi32>
        %rev3A_528 = tpu.iota {dimensions = array<i32: 0>} : vector<16xi32>
        %rev3A_529 = arith.subi %rev3A_527, %rev3A_528 : vector<16xi32>
        %rev3A_530 = tpu.dynamic_gather %masked_sort3A_524[%rev3A_529] in [0] : vector<16xf32>, vector<16xi32> -> vector<16xf32>
        %max3A_531 = arith.maximumf %masked_sort3A_517, %rev3A_530 : vector<16xf32>
        %rev3A_532 = arith.constant 15 : i32
        %rev3A_533 = vector.broadcast %rev3A_532 : i32 to vector<16xi32>
        %rev3A_534 = tpu.iota {dimensions = array<i32: 0>} : vector<16xi32>
        %rev3A_535 = arith.subi %rev3A_533, %rev3A_534 : vector<16xi32>
        %rev3A_536 = tpu.dynamic_gather %masked_sort3A_524[%rev3A_535] in [0] : vector<16xf32>, vector<16xi32> -> vector<16xf32>
        %min3A_537 = arith.minimumf %masked_sort3A_517, %rev3A_536 : vector<16xf32>
        %masked_sort3A_538 = arith.constant dense<true> : vector<16xi1>
        %masked_sort3A_539, %masked_sort3A_540, %masked_sort3A_541 = tpu.sort %max3A_531, %max3A_531 masked %masked_sort3A_538 : (vector<16xf32>, vector<16xf32>, vector<16xi1>) -> (vector<16xi1>, vector<16xf32>, vector<16xf32>)
        %masked_sort3A_542 = arith.constant dense<true> : vector<16xi1>
        %masked_sort3A_543, %masked_sort3A_544, %masked_sort3A_545 = tpu.sort %min3A_537, %min3A_537 masked %masked_sort3A_542 : (vector<16xf32>, vector<16xf32>, vector<16xi1>) -> (vector<16xi1>, vector<16xf32>, vector<16xf32>)
        %rev3A_546 = arith.constant 15 : i32
        %rev3A_547 = vector.broadcast %rev3A_546 : i32 to vector<16xi32>
        %rev3A_548 = tpu.iota {dimensions = array<i32: 0>} : vector<16xi32>
        %rev3A_549 = arith.subi %rev3A_547, %rev3A_548 : vector<16xi32>
        %rev3A_550 = tpu.dynamic_gather %masked_sort3A_540[%rev3A_549] in [0] : vector<16xf32>, vector<16xi32> -> vector<16xf32>
        %max3A_551 = arith.maximumf %masked_sort3A_506, %rev3A_550 : vector<16xf32>
        %rev3A_552 = arith.constant 15 : i32
        %rev3A_553 = vector.broadcast %rev3A_552 : i32 to vector<16xi32>
        %rev3A_554 = tpu.iota {dimensions = array<i32: 0>} : vector<16xi32>
        %rev3A_555 = arith.subi %rev3A_553, %rev3A_554 : vector<16xi32>
        %rev3A_556 = tpu.dynamic_gather %masked_sort3A_544[%rev3A_555] in [0] : vector<16xf32>, vector<16xi32> -> vector<16xf32>
        %min3A_557 = arith.minimumf %masked_sort3A_510, %rev3A_556 : vector<16xf32>
        %masked_sort3A_558 = arith.constant dense<true> : vector<16xi1>
        %masked_sort3A_559, %masked_sort3A_560, %masked_sort3A_561 = tpu.sort %max3A_551, %max3A_551 masked %masked_sort3A_558 : (vector<16xf32>, vector<16xf32>, vector<16xi1>) -> (vector<16xi1>, vector<16xf32>, vector<16xf32>)
        %masked_sort3A_562 = arith.constant dense<true> : vector<16xi1>
        %masked_sort3A_563, %masked_sort3A_564, %masked_sort3A_565 = tpu.sort %min3A_557, %min3A_557 masked %masked_sort3A_562 : (vector<16xf32>, vector<16xf32>, vector<16xi1>) -> (vector<16xi1>, vector<16xf32>, vector<16xf32>)
        %get3A_566 = arith.index_cast %scan3A_69 : i32 to index
        %get3A_567 = arith.constant 320 : index
        %get3A_568 = tpu.vector_load %arg5[%get3A_566, %get3A_567] {strides = array<i32>} : memref<64x576xf32, #tpu.memory_space<vmem>>, vector<16xf32>,
        %masked_sort3A_569 = arith.constant dense<true> : vector<16xi1>
        %masked_sort3A_570, %masked_sort3A_571, %masked_sort3A_572 = tpu.sort %get3A_568, %get3A_568 masked %masked_sort3A_569 : (vector<16xf32>, vector<16xf32>, vector<16xi1>) -> (vector<16xi1>, vector<16xf32>, vector<16xf32>)
        %get3A_573 = arith.index_cast %scan3A_69 : i32 to index
        %get3A_574 = arith.constant 336 : index
        %get3A_575 = tpu.vector_load %arg5[%get3A_573, %get3A_574] {strides = array<i32>} : memref<64x576xf32, #tpu.memory_space<vmem>>, vector<16xf32>,
        %masked_sort3A_576 = arith.constant dense<true> : vector<16xi1>
        %masked_sort3A_577, %masked_sort3A_578, %masked_sort3A_579 = tpu.sort %get3A_575, %get3A_575 masked %masked_sort3A_576 : (vector<16xf32>, vector<16xf32>, vector<16xi1>) -> (vector<16xi1>, vector<16xf32>, vector<16xf32>)
        %rev3A_580 = arith.constant 15 : i32
        %rev3A_581 = vector.broadcast %rev3A_580 : i32 to vector<16xi32>
        %rev3A_582 = tpu.iota {dimensions = array<i32: 0>} : vector<16xi32>
        %rev3A_583 = arith.subi %rev3A_581, %rev3A_582 : vector<16xi32>
        %rev3A_584 = tpu.dynamic_gather %masked_sort3A_578[%rev3A_583] in [0] : vector<16xf32>, vector<16xi32> -> vector<16xf32>
        %max3A_585 = arith.maximumf %masked_sort3A_571, %rev3A_584 : vector<16xf32>
        %rev3A_586 = arith.constant 15 : i32
        %rev3A_587 = vector.broadcast %rev3A_586 : i32 to vector<16xi32>
        %rev3A_588 = tpu.iota {dimensions = array<i32: 0>} : vector<16xi32>
        %rev3A_589 = arith.subi %rev3A_587, %rev3A_588 : vector<16xi32>
        %rev3A_590 = tpu.dynamic_gather %masked_sort3A_578[%rev3A_589] in [0] : vector<16xf32>, vector<16xi32> -> vector<16xf32>
        %min3A_591 = arith.minimumf %masked_sort3A_571, %rev3A_590 : vector<16xf32>
        %masked_sort3A_592 = arith.constant dense<true> : vector<16xi1>
        %masked_sort3A_593, %masked_sort3A_594, %masked_sort3A_595 = tpu.sort %max3A_585, %max3A_585 masked %masked_sort3A_592 : (vector<16xf32>, vector<16xf32>, vector<16xi1>) -> (vector<16xi1>, vector<16xf32>, vector<16xf32>)
        %masked_sort3A_596 = arith.constant dense<true> : vector<16xi1>
        %masked_sort3A_597, %masked_sort3A_598, %masked_sort3A_599 = tpu.sort %min3A_591, %min3A_591 masked %masked_sort3A_596 : (vector<16xf32>, vector<16xf32>, vector<16xi1>) -> (vector<16xi1>, vector<16xf32>, vector<16xf32>)
        %get3A_600 = arith.index_cast %scan3A_69 : i32 to index
        %get3A_601 = arith.constant 352 : index
        %get3A_602 = tpu.vector_load %arg5[%get3A_600, %get3A_601] {strides = array<i32>} : memref<64x576xf32, #tpu.memory_space<vmem>>, vector<16xf32>,
        %masked_sort3A_603 = arith.constant dense<true> : vector<16xi1>
        %masked_sort3A_604, %masked_sort3A_605, %masked_sort3A_606 = tpu.sort %get3A_602, %get3A_602 masked %masked_sort3A_603 : (vector<16xf32>, vector<16xf32>, vector<16xi1>) -> (vector<16xi1>, vector<16xf32>, vector<16xf32>)
        %get3A_607 = arith.index_cast %scan3A_69 : i32 to index
        %get3A_608 = arith.constant 368 : index
        %get3A_609 = tpu.vector_load %arg5[%get3A_607, %get3A_608] {strides = array<i32>} : memref<64x576xf32, #tpu.memory_space<vmem>>, vector<16xf32>,
        %masked_sort3A_610 = arith.constant dense<true> : vector<16xi1>
        %masked_sort3A_611, %masked_sort3A_612, %masked_sort3A_613 = tpu.sort %get3A_609, %get3A_609 masked %masked_sort3A_610 : (vector<16xf32>, vector<16xf32>, vector<16xi1>) -> (vector<16xi1>, vector<16xf32>, vector<16xf32>)
        %rev3A_614 = arith.constant 15 : i32
        %rev3A_615 = vector.broadcast %rev3A_614 : i32 to vector<16xi32>
        %rev3A_616 = tpu.iota {dimensions = array<i32: 0>} : vector<16xi32>
        %rev3A_617 = arith.subi %rev3A_615, %rev3A_616 : vector<16xi32>
        %rev3A_618 = tpu.dynamic_gather %masked_sort3A_612[%rev3A_617] in [0] : vector<16xf32>, vector<16xi32> -> vector<16xf32>
        %max3A_619 = arith.maximumf %masked_sort3A_605, %rev3A_618 : vector<16xf32>
        %rev3A_620 = arith.constant 15 : i32
        %rev3A_621 = vector.broadcast %rev3A_620 : i32 to vector<16xi32>
        %rev3A_622 = tpu.iota {dimensions = array<i32: 0>} : vector<16xi32>
        %rev3A_623 = arith.subi %rev3A_621, %rev3A_622 : vector<16xi32>
        %rev3A_624 = tpu.dynamic_gather %masked_sort3A_612[%rev3A_623] in [0] : vector<16xf32>, vector<16xi32> -> vector<16xf32>
        %min3A_625 = arith.minimumf %masked_sort3A_605, %rev3A_624 : vector<16xf32>
        %masked_sort3A_626 = arith.constant dense<true> : vector<16xi1>
        %masked_sort3A_627, %masked_sort3A_628, %masked_sort3A_629 = tpu.sort %max3A_619, %max3A_619 masked %masked_sort3A_626 : (vector<16xf32>, vector<16xf32>, vector<16xi1>) -> (vector<16xi1>, vector<16xf32>, vector<16xf32>)
        %masked_sort3A_630 = arith.constant dense<true> : vector<16xi1>
        %masked_sort3A_631, %masked_sort3A_632, %masked_sort3A_633 = tpu.sort %min3A_625, %min3A_625 masked %masked_sort3A_630 : (vector<16xf32>, vector<16xf32>, vector<16xi1>) -> (vector<16xi1>, vector<16xf32>, vector<16xf32>)
        %rev3A_634 = arith.constant 15 : i32
        %rev3A_635 = vector.broadcast %rev3A_634 : i32 to vector<16xi32>
        %rev3A_636 = tpu.iota {dimensions = array<i32: 0>} : vector<16xi32>
        %rev3A_637 = arith.subi %rev3A_635, %rev3A_636 : vector<16xi32>
        %rev3A_638 = tpu.dynamic_gather %masked_sort3A_628[%rev3A_637] in [0] : vector<16xf32>, vector<16xi32> -> vector<16xf32>
        %max3A_639 = arith.maximumf %masked_sort3A_594, %rev3A_638 : vector<16xf32>
        %rev3A_640 = arith.constant 15 : i32
        %rev3A_641 = vector.broadcast %rev3A_640 : i32 to vector<16xi32>
        %rev3A_642 = tpu.iota {dimensions = array<i32: 0>} : vector<16xi32>
        %rev3A_643 = arith.subi %rev3A_641, %rev3A_642 : vector<16xi32>
        %rev3A_644 = tpu.dynamic_gather %masked_sort3A_632[%rev3A_643] in [0] : vector<16xf32>, vector<16xi32> -> vector<16xf32>
        %min3A_645 = arith.minimumf %masked_sort3A_598, %rev3A_644 : vector<16xf32>
        %masked_sort3A_646 = arith.constant dense<true> : vector<16xi1>
        %masked_sort3A_647, %masked_sort3A_648, %masked_sort3A_649 = tpu.sort %max3A_639, %max3A_639 masked %masked_sort3A_646 : (vector<16xf32>, vector<16xf32>, vector<16xi1>) -> (vector<16xi1>, vector<16xf32>, vector<16xf32>)
        %masked_sort3A_650 = arith.constant dense<true> : vector<16xi1>
        %masked_sort3A_651, %masked_sort3A_652, %masked_sort3A_653 = tpu.sort %min3A_645, %min3A_645 masked %masked_sort3A_650 : (vector<16xf32>, vector<16xf32>, vector<16xi1>) -> (vector<16xi1>, vector<16xf32>, vector<16xf32>)
        %rev3A_654 = arith.constant 15 : i32
        %rev3A_655 = vector.broadcast %rev3A_654 : i32 to vector<16xi32>
        %rev3A_656 = tpu.iota {dimensions = array<i32: 0>} : vector<16xi32>
        %rev3A_657 = arith.subi %rev3A_655, %rev3A_656 : vector<16xi32>
        %rev3A_658 = tpu.dynamic_gather %masked_sort3A_648[%rev3A_657] in [0] : vector<16xf32>, vector<16xi32> -> vector<16xf32>
        %max3A_659 = arith.maximumf %masked_sort3A_560, %rev3A_658 : vector<16xf32>
        %rev3A_660 = arith.constant 15 : i32
        %rev3A_661 = vector.broadcast %rev3A_660 : i32 to vector<16xi32>
        %rev3A_662 = tpu.iota {dimensions = array<i32: 0>} : vector<16xi32>
        %rev3A_663 = arith.subi %rev3A_661, %rev3A_662 : vector<16xi32>
        %rev3A_664 = tpu.dynamic_gather %masked_sort3A_652[%rev3A_663] in [0] : vector<16xf32>, vector<16xi32> -> vector<16xf32>
        %min3A_665 = arith.minimumf %masked_sort3A_564, %rev3A_664 : vector<16xf32>
        %masked_sort3A_666 = arith.constant dense<true> : vector<16xi1>
        %masked_sort3A_667, %masked_sort3A_668, %masked_sort3A_669 = tpu.sort %max3A_659, %max3A_659 masked %masked_sort3A_666 : (vector<16xf32>, vector<16xf32>, vector<16xi1>) -> (vector<16xi1>, vector<16xf32>, vector<16xf32>)
        %masked_sort3A_670 = arith.constant dense<true> : vector<16xi1>
        %masked_sort3A_671, %masked_sort3A_672, %masked_sort3A_673 = tpu.sort %min3A_665, %min3A_665 masked %masked_sort3A_670 : (vector<16xf32>, vector<16xf32>, vector<16xi1>) -> (vector<16xi1>, vector<16xf32>, vector<16xf32>)
        %get3A_674 = arith.index_cast %scan3A_69 : i32 to index
        %get3A_675 = arith.constant 384 : index
        %get3A_676 = tpu.vector_load %arg5[%get3A_674, %get3A_675] {strides = array<i32>} : memref<64x576xf32, #tpu.memory_space<vmem>>, vector<16xf32>,
        %masked_sort3A_677 = arith.constant dense<true> : vector<16xi1>
        %masked_sort3A_678, %masked_sort3A_679, %masked_sort3A_680 = tpu.sort %get3A_676, %get3A_676 masked %masked_sort3A_677 : (vector<16xf32>, vector<16xf32>, vector<16xi1>) -> (vector<16xi1>, vector<16xf32>, vector<16xf32>)
        %get3A_681 = arith.index_cast %scan3A_69 : i32 to index
        %get3A_682 = arith.constant 400 : index
        %get3A_683 = tpu.vector_load %arg5[%get3A_681, %get3A_682] {strides = array<i32>} : memref<64x576xf32, #tpu.memory_space<vmem>>, vector<16xf32>,
        %masked_sort3A_684 = arith.constant dense<true> : vector<16xi1>
        %masked_sort3A_685, %masked_sort3A_686, %masked_sort3A_687 = tpu.sort %get3A_683, %get3A_683 masked %masked_sort3A_684 : (vector<16xf32>, vector<16xf32>, vector<16xi1>) -> (vector<16xi1>, vector<16xf32>, vector<16xf32>)
        %rev3A_688 = arith.constant 15 : i32
        %rev3A_689 = vector.broadcast %rev3A_688 : i32 to vector<16xi32>
        %rev3A_690 = tpu.iota {dimensions = array<i32: 0>} : vector<16xi32>
        %rev3A_691 = arith.subi %rev3A_689, %rev3A_690 : vector<16xi32>
        %rev3A_692 = tpu.dynamic_gather %masked_sort3A_686[%rev3A_691] in [0] : vector<16xf32>, vector<16xi32> -> vector<16xf32>
        %max3A_693 = arith.maximumf %masked_sort3A_679, %rev3A_692 : vector<16xf32>
        %rev3A_694 = arith.constant 15 : i32
        %rev3A_695 = vector.broadcast %rev3A_694 : i32 to vector<16xi32>
        %rev3A_696 = tpu.iota {dimensions = array<i32: 0>} : vector<16xi32>
        %rev3A_697 = arith.subi %rev3A_695, %rev3A_696 : vector<16xi32>
        %rev3A_698 = tpu.dynamic_gather %masked_sort3A_686[%rev3A_697] in [0] : vector<16xf32>, vector<16xi32> -> vector<16xf32>
        %min3A_699 = arith.minimumf %masked_sort3A_679, %rev3A_698 : vector<16xf32>
        %masked_sort3A_700 = arith.constant dense<true> : vector<16xi1>
        %masked_sort3A_701, %masked_sort3A_702, %masked_sort3A_703 = tpu.sort %max3A_693, %max3A_693 masked %masked_sort3A_700 : (vector<16xf32>, vector<16xf32>, vector<16xi1>) -> (vector<16xi1>, vector<16xf32>, vector<16xf32>)
        %masked_sort3A_704 = arith.constant dense<true> : vector<16xi1>
        %masked_sort3A_705, %masked_sort3A_706, %masked_sort3A_707 = tpu.sort %min3A_699, %min3A_699 masked %masked_sort3A_704 : (vector<16xf32>, vector<16xf32>, vector<16xi1>) -> (vector<16xi1>, vector<16xf32>, vector<16xf32>)
        %get3A_708 = arith.index_cast %scan3A_69 : i32 to index
        %get3A_709 = arith.constant 416 : index
        %get3A_710 = tpu.vector_load %arg5[%get3A_708, %get3A_709] {strides = array<i32>} : memref<64x576xf32, #tpu.memory_space<vmem>>, vector<16xf32>,
        %masked_sort3A_711 = arith.constant dense<true> : vector<16xi1>
        %masked_sort3A_712, %masked_sort3A_713, %masked_sort3A_714 = tpu.sort %get3A_710, %get3A_710 masked %masked_sort3A_711 : (vector<16xf32>, vector<16xf32>, vector<16xi1>) -> (vector<16xi1>, vector<16xf32>, vector<16xf32>)
        %get3A_715 = arith.index_cast %scan3A_69 : i32 to index
        %get3A_716 = arith.constant 432 : index
        %get3A_717 = tpu.vector_load %arg5[%get3A_715, %get3A_716] {strides = array<i32>} : memref<64x576xf32, #tpu.memory_space<vmem>>, vector<16xf32>,
        %masked_sort3A_718 = arith.constant dense<true> : vector<16xi1>
        %masked_sort3A_719, %masked_sort3A_720, %masked_sort3A_721 = tpu.sort %get3A_717, %get3A_717 masked %masked_sort3A_718 : (vector<16xf32>, vector<16xf32>, vector<16xi1>) -> (vector<16xi1>, vector<16xf32>, vector<16xf32>)
        %rev3A_722 = arith.constant 15 : i32
        %rev3A_723 = vector.broadcast %rev3A_722 : i32 to vector<16xi32>
        %rev3A_724 = tpu.iota {dimensions = array<i32: 0>} : vector<16xi32>
        %rev3A_725 = arith.subi %rev3A_723, %rev3A_724 : vector<16xi32>
        %rev3A_726 = tpu.dynamic_gather %masked_sort3A_720[%rev3A_725] in [0] : vector<16xf32>, vector<16xi32> -> vector<16xf32>
        %max3A_727 = arith.maximumf %masked_sort3A_713, %rev3A_726 : vector<16xf32>
        %rev3A_728 = arith.constant 15 : i32
        %rev3A_729 = vector.broadcast %rev3A_728 : i32 to vector<16xi32>
        %rev3A_730 = tpu.iota {dimensions = array<i32: 0>} : vector<16xi32>
        %rev3A_731 = arith.subi %rev3A_729, %rev3A_730 : vector<16xi32>
        %rev3A_732 = tpu.dynamic_gather %masked_sort3A_720[%rev3A_731] in [0] : vector<16xf32>, vector<16xi32> -> vector<16xf32>
        %min3A_733 = arith.minimumf %masked_sort3A_713, %rev3A_732 : vector<16xf32>
        %masked_sort3A_734 = arith.constant dense<true> : vector<16xi1>
        %masked_sort3A_735, %masked_sort3A_736, %masked_sort3A_737 = tpu.sort %max3A_727, %max3A_727 masked %masked_sort3A_734 : (vector<16xf32>, vector<16xf32>, vector<16xi1>) -> (vector<16xi1>, vector<16xf32>, vector<16xf32>)
        %masked_sort3A_738 = arith.constant dense<true> : vector<16xi1>
        %masked_sort3A_739, %masked_sort3A_740, %masked_sort3A_741 = tpu.sort %min3A_733, %min3A_733 masked %masked_sort3A_738 : (vector<16xf32>, vector<16xf32>, vector<16xi1>) -> (vector<16xi1>, vector<16xf32>, vector<16xf32>)
        %rev3A_742 = arith.constant 15 : i32
        %rev3A_743 = vector.broadcast %rev3A_742 : i32 to vector<16xi32>
        %rev3A_744 = tpu.iota {dimensions = array<i32: 0>} : vector<16xi32>
        %rev3A_745 = arith.subi %rev3A_743, %rev3A_744 : vector<16xi32>
        %rev3A_746 = tpu.dynamic_gather %masked_sort3A_736[%rev3A_745] in [0] : vector<16xf32>, vector<16xi32> -> vector<16xf32>
        %max3A_747 = arith.maximumf %masked_sort3A_702, %rev3A_746 : vector<16xf32>
        %rev3A_748 = arith.constant 15 : i32
        %rev3A_749 = vector.broadcast %rev3A_748 : i32 to vector<16xi32>
        %rev3A_750 = tpu.iota {dimensions = array<i32: 0>} : vector<16xi32>
        %rev3A_751 = arith.subi %rev3A_749, %rev3A_750 : vector<16xi32>
        %rev3A_752 = tpu.dynamic_gather %masked_sort3A_740[%rev3A_751] in [0] : vector<16xf32>, vector<16xi32> -> vector<16xf32>
        %min3A_753 = arith.minimumf %masked_sort3A_706, %rev3A_752 : vector<16xf32>
        %masked_sort3A_754 = arith.constant dense<true> : vector<16xi1>
        %masked_sort3A_755, %masked_sort3A_756, %masked_sort3A_757 = tpu.sort %max3A_747, %max3A_747 masked %masked_sort3A_754 : (vector<16xf32>, vector<16xf32>, vector<16xi1>) -> (vector<16xi1>, vector<16xf32>, vector<16xf32>)
        %masked_sort3A_758 = arith.constant dense<true> : vector<16xi1>
        %masked_sort3A_759, %masked_sort3A_760, %masked_sort3A_761 = tpu.sort %min3A_753, %min3A_753 masked %masked_sort3A_758 : (vector<16xf32>, vector<16xf32>, vector<16xi1>) -> (vector<16xi1>, vector<16xf32>, vector<16xf32>)
        %get3A_762 = arith.index_cast %scan3A_69 : i32 to index
        %get3A_763 = arith.constant 448 : index
        %get3A_764 = tpu.vector_load %arg5[%get3A_762, %get3A_763] {strides = array<i32>} : memref<64x576xf32, #tpu.memory_space<vmem>>, vector<16xf32>,
        %masked_sort3A_765 = arith.constant dense<true> : vector<16xi1>
        %masked_sort3A_766, %masked_sort3A_767, %masked_sort3A_768 = tpu.sort %get3A_764, %get3A_764 masked %masked_sort3A_765 : (vector<16xf32>, vector<16xf32>, vector<16xi1>) -> (vector<16xi1>, vector<16xf32>, vector<16xf32>)
        %get3A_769 = arith.index_cast %scan3A_69 : i32 to index
        %get3A_770 = arith.constant 464 : index
        %get3A_771 = tpu.vector_load %arg5[%get3A_769, %get3A_770] {strides = array<i32>} : memref<64x576xf32, #tpu.memory_space<vmem>>, vector<16xf32>,
        %masked_sort3A_772 = arith.constant dense<true> : vector<16xi1>
        %masked_sort3A_773, %masked_sort3A_774, %masked_sort3A_775 = tpu.sort %get3A_771, %get3A_771 masked %masked_sort3A_772 : (vector<16xf32>, vector<16xf32>, vector<16xi1>) -> (vector<16xi1>, vector<16xf32>, vector<16xf32>)
        %rev3A_776 = arith.constant 15 : i32
        %rev3A_777 = vector.broadcast %rev3A_776 : i32 to vector<16xi32>
        %rev3A_778 = tpu.iota {dimensions = array<i32: 0>} : vector<16xi32>
        %rev3A_779 = arith.subi %rev3A_777, %rev3A_778 : vector<16xi32>
        %rev3A_780 = tpu.dynamic_gather %masked_sort3A_774[%rev3A_779] in [0] : vector<16xf32>, vector<16xi32> -> vector<16xf32>
        %max3A_781 = arith.maximumf %masked_sort3A_767, %rev3A_780 : vector<16xf32>
        %rev3A_782 = arith.constant 15 : i32
        %rev3A_783 = vector.broadcast %rev3A_782 : i32 to vector<16xi32>
        %rev3A_784 = tpu.iota {dimensions = array<i32: 0>} : vector<16xi32>
        %rev3A_785 = arith.subi %rev3A_783, %rev3A_784 : vector<16xi32>
        %rev3A_786 = tpu.dynamic_gather %masked_sort3A_774[%rev3A_785] in [0] : vector<16xf32>, vector<16xi32> -> vector<16xf32>
        %min3A_787 = arith.minimumf %masked_sort3A_767, %rev3A_786 : vector<16xf32>
        %masked_sort3A_788 = arith.constant dense<true> : vector<16xi1>
        %masked_sort3A_789, %masked_sort3A_790, %masked_sort3A_791 = tpu.sort %max3A_781, %max3A_781 masked %masked_sort3A_788 : (vector<16xf32>, vector<16xf32>, vector<16xi1>) -> (vector<16xi1>, vector<16xf32>, vector<16xf32>)
        %masked_sort3A_792 = arith.constant dense<true> : vector<16xi1>
        %masked_sort3A_793, %masked_sort3A_794, %masked_sort3A_795 = tpu.sort %min3A_787, %min3A_787 masked %masked_sort3A_792 : (vector<16xf32>, vector<16xf32>, vector<16xi1>) -> (vector<16xi1>, vector<16xf32>, vector<16xf32>)
        %get3A_796 = arith.index_cast %scan3A_69 : i32 to index
        %get3A_797 = arith.constant 480 : index
        %get3A_798 = tpu.vector_load %arg5[%get3A_796, %get3A_797] {strides = array<i32>} : memref<64x576xf32, #tpu.memory_space<vmem>>, vector<16xf32>,
        %masked_sort3A_799 = arith.constant dense<true> : vector<16xi1>
        %masked_sort3A_800, %masked_sort3A_801, %masked_sort3A_802 = tpu.sort %get3A_798, %get3A_798 masked %masked_sort3A_799 : (vector<16xf32>, vector<16xf32>, vector<16xi1>) -> (vector<16xi1>, vector<16xf32>, vector<16xf32>)
        %get3A_803 = arith.index_cast %scan3A_69 : i32 to index
        %get3A_804 = arith.constant 496 : index
        %get3A_805 = tpu.vector_load %arg5[%get3A_803, %get3A_804] {strides = array<i32>} : memref<64x576xf32, #tpu.memory_space<vmem>>, vector<16xf32>,
        %masked_sort3A_806 = arith.constant dense<true> : vector<16xi1>
        %masked_sort3A_807, %masked_sort3A_808, %masked_sort3A_809 = tpu.sort %get3A_805, %get3A_805 masked %masked_sort3A_806 : (vector<16xf32>, vector<16xf32>, vector<16xi1>) -> (vector<16xi1>, vector<16xf32>, vector<16xf32>)
        %rev3A_810 = arith.constant 15 : i32
        %rev3A_811 = vector.broadcast %rev3A_810 : i32 to vector<16xi32>
        %rev3A_812 = tpu.iota {dimensions = array<i32: 0>} : vector<16xi32>
        %rev3A_813 = arith.subi %rev3A_811, %rev3A_812 : vector<16xi32>
        %rev3A_814 = tpu.dynamic_gather %masked_sort3A_808[%rev3A_813] in [0] : vector<16xf32>, vector<16xi32> -> vector<16xf32>
        %max3A_815 = arith.maximumf %masked_sort3A_801, %rev3A_814 : vector<16xf32>
        %rev3A_816 = arith.constant 15 : i32
        %rev3A_817 = vector.broadcast %rev3A_816 : i32 to vector<16xi32>
        %rev3A_818 = tpu.iota {dimensions = array<i32: 0>} : vector<16xi32>
        %rev3A_819 = arith.subi %rev3A_817, %rev3A_818 : vector<16xi32>
        %rev3A_820 = tpu.dynamic_gather %masked_sort3A_808[%rev3A_819] in [0] : vector<16xf32>, vector<16xi32> -> vector<16xf32>
        %min3A_821 = arith.minimumf %masked_sort3A_801, %rev3A_820 : vector<16xf32>
        %masked_sort3A_822 = arith.constant dense<true> : vector<16xi1>
        %masked_sort3A_823, %masked_sort3A_824, %masked_sort3A_825 = tpu.sort %max3A_815, %max3A_815 masked %masked_sort3A_822 : (vector<16xf32>, vector<16xf32>, vector<16xi1>) -> (vector<16xi1>, vector<16xf32>, vector<16xf32>)
        %masked_sort3A_826 = arith.constant dense<true> : vector<16xi1>
        %masked_sort3A_827, %masked_sort3A_828, %masked_sort3A_829 = tpu.sort %min3A_821, %min3A_821 masked %masked_sort3A_826 : (vector<16xf32>, vector<16xf32>, vector<16xi1>) -> (vector<16xi1>, vector<16xf32>, vector<16xf32>)
        %rev3A_830 = arith.constant 15 : i32
        %rev3A_831 = vector.broadcast %rev3A_830 : i32 to vector<16xi32>
        %rev3A_832 = tpu.iota {dimensions = array<i32: 0>} : vector<16xi32>
        %rev3A_833 = arith.subi %rev3A_831, %rev3A_832 : vector<16xi32>
        %rev3A_834 = tpu.dynamic_gather %masked_sort3A_824[%rev3A_833] in [0] : vector<16xf32>, vector<16xi32> -> vector<16xf32>
        %max3A_835 = arith.maximumf %masked_sort3A_790, %rev3A_834 : vector<16xf32>
        %rev3A_836 = arith.constant 15 : i32
        %rev3A_837 = vector.broadcast %rev3A_836 : i32 to vector<16xi32>
        %rev3A_838 = tpu.iota {dimensions = array<i32: 0>} : vector<16xi32>
        %rev3A_839 = arith.subi %rev3A_837, %rev3A_838 : vector<16xi32>
        %rev3A_840 = tpu.dynamic_gather %masked_sort3A_828[%rev3A_839] in [0] : vector<16xf32>, vector<16xi32> -> vector<16xf32>
        %min3A_841 = arith.minimumf %masked_sort3A_794, %rev3A_840 : vector<16xf32>
        %masked_sort3A_842 = arith.constant dense<true> : vector<16xi1>
        %masked_sort3A_843, %masked_sort3A_844, %masked_sort3A_845 = tpu.sort %max3A_835, %max3A_835 masked %masked_sort3A_842 : (vector<16xf32>, vector<16xf32>, vector<16xi1>) -> (vector<16xi1>, vector<16xf32>, vector<16xf32>)
        %masked_sort3A_846 = arith.constant dense<true> : vector<16xi1>
        %masked_sort3A_847, %masked_sort3A_848, %masked_sort3A_849 = tpu.sort %min3A_841, %min3A_841 masked %masked_sort3A_846 : (vector<16xf32>, vector<16xf32>, vector<16xi1>) -> (vector<16xi1>, vector<16xf32>, vector<16xf32>)
        %rev3A_850 = arith.constant 15 : i32
        %rev3A_851 = vector.broadcast %rev3A_850 : i32 to vector<16xi32>
        %rev3A_852 = tpu.iota {dimensions = array<i32: 0>} : vector<16xi32>
        %rev3A_853 = arith.subi %rev3A_851, %rev3A_852 : vector<16xi32>
        %rev3A_854 = tpu.dynamic_gather %masked_sort3A_844[%rev3A_853] in [0] : vector<16xf32>, vector<16xi32> -> vector<16xf32>
        %max3A_855 = arith.maximumf %masked_sort3A_756, %rev3A_854 : vector<16xf32>
        %rev3A_856 = arith.constant 15 : i32
        %rev3A_857 = vector.broadcast %rev3A_856 : i32 to vector<16xi32>
        %rev3A_858 = tpu.iota {dimensions = array<i32: 0>} : vector<16xi32>
        %rev3A_859 = arith.subi %rev3A_857, %rev3A_858 : vector<16xi32>
        %rev3A_860 = tpu.dynamic_gather %masked_sort3A_848[%rev3A_859] in [0] : vector<16xf32>, vector<16xi32> -> vector<16xf32>
        %min3A_861 = arith.minimumf %masked_sort3A_760, %rev3A_860 : vector<16xf32>
        %masked_sort3A_862 = arith.constant dense<true> : vector<16xi1>
        %masked_sort3A_863, %masked_sort3A_864, %masked_sort3A_865 = tpu.sort %max3A_855, %max3A_855 masked %masked_sort3A_862 : (vector<16xf32>, vector<16xf32>, vector<16xi1>) -> (vector<16xi1>, vector<16xf32>, vector<16xf32>)
        %masked_sort3A_866 = arith.constant dense<true> : vector<16xi1>
        %masked_sort3A_867, %masked_sort3A_868, %masked_sort3A_869 = tpu.sort %min3A_861, %min3A_861 masked %masked_sort3A_866 : (vector<16xf32>, vector<16xf32>, vector<16xi1>) -> (vector<16xi1>, vector<16xf32>, vector<16xf32>)
        %rev3A_870 = arith.constant 15 : i32
        %rev3A_871 = vector.broadcast %rev3A_870 : i32 to vector<16xi32>
        %rev3A_872 = tpu.iota {dimensions = array<i32: 0>} : vector<16xi32>
        %rev3A_873 = arith.subi %rev3A_871, %rev3A_872 : vector<16xi32>
        %rev3A_874 = tpu.dynamic_gather %masked_sort3A_864[%rev3A_873] in [0] : vector<16xf32>, vector<16xi32> -> vector<16xf32>
        %max3A_875 = arith.maximumf %masked_sort3A_668, %rev3A_874 : vector<16xf32>
        %rev3A_876 = arith.constant 15 : i32
        %rev3A_877 = vector.broadcast %rev3A_876 : i32 to vector<16xi32>
        %rev3A_878 = tpu.iota {dimensions = array<i32: 0>} : vector<16xi32>
        %rev3A_879 = arith.subi %rev3A_877, %rev3A_878 : vector<16xi32>
        %rev3A_880 = tpu.dynamic_gather %masked_sort3A_868[%rev3A_879] in [0] : vector<16xf32>, vector<16xi32> -> vector<16xf32>
        %min3A_881 = arith.minimumf %masked_sort3A_672, %rev3A_880 : vector<16xf32>
        %masked_sort3A_882 = arith.constant dense<true> : vector<16xi1>
        %masked_sort3A_883, %masked_sort3A_884, %masked_sort3A_885 = tpu.sort %max3A_875, %max3A_875 masked %masked_sort3A_882 : (vector<16xf32>, vector<16xf32>, vector<16xi1>) -> (vector<16xi1>, vector<16xf32>, vector<16xf32>)
        %masked_sort3A_886 = arith.constant dense<true> : vector<16xi1>
        %masked_sort3A_887, %masked_sort3A_888, %masked_sort3A_889 = tpu.sort %min3A_881, %min3A_881 masked %masked_sort3A_886 : (vector<16xf32>, vector<16xf32>, vector<16xi1>) -> (vector<16xi1>, vector<16xf32>, vector<16xf32>)
        %rev3A_890 = arith.constant 15 : i32
        %rev3A_891 = vector.broadcast %rev3A_890 : i32 to vector<16xi32>
        %rev3A_892 = tpu.iota {dimensions = array<i32: 0>} : vector<16xi32>
        %rev3A_893 = arith.subi %rev3A_891, %rev3A_892 : vector<16xi32>
        %rev3A_894 = tpu.dynamic_gather %masked_sort3A_884[%rev3A_893] in [0] : vector<16xf32>, vector<16xi32> -> vector<16xf32>
        %max3A_895 = arith.maximumf %masked_sort3A_472, %rev3A_894 : vector<16xf32>
        %rev3A_896 = arith.constant 15 : i32
        %rev3A_897 = vector.broadcast %rev3A_896 : i32 to vector<16xi32>
        %rev3A_898 = tpu.iota {dimensions = array<i32: 0>} : vector<16xi32>
        %rev3A_899 = arith.subi %rev3A_897, %rev3A_898 : vector<16xi32>
        %rev3A_900 = tpu.dynamic_gather %masked_sort3A_888[%rev3A_899] in [0] : vector<16xf32>, vector<16xi32> -> vector<16xf32>
        %min3A_901 = arith.minimumf %masked_sort3A_476, %rev3A_900 : vector<16xf32>
        %masked_sort3A_902 = arith.constant dense<true> : vector<16xi1>
        %masked_sort3A_903, %masked_sort3A_904, %masked_sort3A_905 = tpu.sort %max3A_895, %max3A_895 masked %masked_sort3A_902 : (vector<16xf32>, vector<16xf32>, vector<16xi1>) -> (vector<16xi1>, vector<16xf32>, vector<16xf32>)
        %masked_sort3A_906 = arith.constant dense<true> : vector<16xi1>
        %masked_sort3A_907, %masked_sort3A_908, %masked_sort3A_909 = tpu.sort %min3A_901, %min3A_901 masked %masked_sort3A_906 : (vector<16xf32>, vector<16xf32>, vector<16xi1>) -> (vector<16xi1>, vector<16xf32>, vector<16xf32>)
        %get3A_910 = arith.index_cast %scan3A_69 : i32 to index
        %get3A_911 = arith.constant 512 : index
        %get3A_912 = tpu.vector_load %arg5[%get3A_910, %get3A_911] {strides = array<i32>} : memref<64x576xf32, #tpu.memory_space<vmem>>, vector<16xf32>,
        %masked_sort3A_913 = arith.constant dense<true> : vector<16xi1>
        %masked_sort3A_914, %masked_sort3A_915, %masked_sort3A_916 = tpu.sort %get3A_912, %get3A_912 masked %masked_sort3A_913 : (vector<16xf32>, vector<16xf32>, vector<16xi1>) -> (vector<16xi1>, vector<16xf32>, vector<16xf32>)
        %get3A_917 = arith.index_cast %scan3A_69 : i32 to index
        %get3A_918 = arith.constant 528 : index
        %get3A_919 = tpu.vector_load %arg5[%get3A_917, %get3A_918] {strides = array<i32>} : memref<64x576xf32, #tpu.memory_space<vmem>>, vector<16xf32>,
        %masked_sort3A_920 = arith.constant dense<true> : vector<16xi1>
        %masked_sort3A_921, %masked_sort3A_922, %masked_sort3A_923 = tpu.sort %get3A_919, %get3A_919 masked %masked_sort3A_920 : (vector<16xf32>, vector<16xf32>, vector<16xi1>) -> (vector<16xi1>, vector<16xf32>, vector<16xf32>)
        %rev3A_924 = arith.constant 15 : i32
        %rev3A_925 = vector.broadcast %rev3A_924 : i32 to vector<16xi32>
        %rev3A_926 = tpu.iota {dimensions = array<i32: 0>} : vector<16xi32>
        %rev3A_927 = arith.subi %rev3A_925, %rev3A_926 : vector<16xi32>
        %rev3A_928 = tpu.dynamic_gather %masked_sort3A_922[%rev3A_927] in [0] : vector<16xf32>, vector<16xi32> -> vector<16xf32>
        %max3A_929 = arith.maximumf %masked_sort3A_915, %rev3A_928 : vector<16xf32>
        %rev3A_930 = arith.constant 15 : i32
        %rev3A_931 = vector.broadcast %rev3A_930 : i32 to vector<16xi32>
        %rev3A_932 = tpu.iota {dimensions = array<i32: 0>} : vector<16xi32>
        %rev3A_933 = arith.subi %rev3A_931, %rev3A_932 : vector<16xi32>
        %rev3A_934 = tpu.dynamic_gather %masked_sort3A_922[%rev3A_933] in [0] : vector<16xf32>, vector<16xi32> -> vector<16xf32>
        %min3A_935 = arith.minimumf %masked_sort3A_915, %rev3A_934 : vector<16xf32>
        %masked_sort3A_936 = arith.constant dense<true> : vector<16xi1>
        %masked_sort3A_937, %masked_sort3A_938, %masked_sort3A_939 = tpu.sort %max3A_929, %max3A_929 masked %masked_sort3A_936 : (vector<16xf32>, vector<16xf32>, vector<16xi1>) -> (vector<16xi1>, vector<16xf32>, vector<16xf32>)
        %masked_sort3A_940 = arith.constant dense<true> : vector<16xi1>
        %masked_sort3A_941, %masked_sort3A_942, %masked_sort3A_943 = tpu.sort %min3A_935, %min3A_935 masked %masked_sort3A_940 : (vector<16xf32>, vector<16xf32>, vector<16xi1>) -> (vector<16xi1>, vector<16xf32>, vector<16xf32>)
        %get3A_944 = arith.index_cast %scan3A_69 : i32 to index
        %get3A_945 = arith.constant 544 : index
        %get3A_946 = tpu.vector_load %arg5[%get3A_944, %get3A_945] {strides = array<i32>} : memref<64x576xf32, #tpu.memory_space<vmem>>, vector<16xf32>,
        %masked_sort3A_947 = arith.constant dense<true> : vector<16xi1>
        %masked_sort3A_948, %masked_sort3A_949, %masked_sort3A_950 = tpu.sort %get3A_946, %get3A_946 masked %masked_sort3A_947 : (vector<16xf32>, vector<16xf32>, vector<16xi1>) -> (vector<16xi1>, vector<16xf32>, vector<16xf32>)
        %get3A_951 = arith.index_cast %scan3A_69 : i32 to index
        %get3A_952 = arith.constant 560 : index
        %get3A_953 = tpu.vector_load %arg5[%get3A_951, %get3A_952] {strides = array<i32>} : memref<64x576xf32, #tpu.memory_space<vmem>>, vector<16xf32>,
        %masked_sort3A_954 = arith.constant dense<true> : vector<16xi1>
        %masked_sort3A_955, %masked_sort3A_956, %masked_sort3A_957 = tpu.sort %get3A_953, %get3A_953 masked %masked_sort3A_954 : (vector<16xf32>, vector<16xf32>, vector<16xi1>) -> (vector<16xi1>, vector<16xf32>, vector<16xf32>)
        %rev3A_958 = arith.constant 15 : i32
        %rev3A_959 = vector.broadcast %rev3A_958 : i32 to vector<16xi32>
        %rev3A_960 = tpu.iota {dimensions = array<i32: 0>} : vector<16xi32>
        %rev3A_961 = arith.subi %rev3A_959, %rev3A_960 : vector<16xi32>
        %rev3A_962 = tpu.dynamic_gather %masked_sort3A_956[%rev3A_961] in [0] : vector<16xf32>, vector<16xi32> -> vector<16xf32>
        %max3A_963 = arith.maximumf %masked_sort3A_949, %rev3A_962 : vector<16xf32>
        %rev3A_964 = arith.constant 15 : i32
        %rev3A_965 = vector.broadcast %rev3A_964 : i32 to vector<16xi32>
        %rev3A_966 = tpu.iota {dimensions = array<i32: 0>} : vector<16xi32>
        %rev3A_967 = arith.subi %rev3A_965, %rev3A_966 : vector<16xi32>
        %rev3A_968 = tpu.dynamic_gather %masked_sort3A_956[%rev3A_967] in [0] : vector<16xf32>, vector<16xi32> -> vector<16xf32>
        %min3A_969 = arith.minimumf %masked_sort3A_949, %rev3A_968 : vector<16xf32>
        %masked_sort3A_970 = arith.constant dense<true> : vector<16xi1>
        %masked_sort3A_971, %masked_sort3A_972, %masked_sort3A_973 = tpu.sort %max3A_963, %max3A_963 masked %masked_sort3A_970 : (vector<16xf32>, vector<16xf32>, vector<16xi1>) -> (vector<16xi1>, vector<16xf32>, vector<16xf32>)
        %masked_sort3A_974 = arith.constant dense<true> : vector<16xi1>
        %masked_sort3A_975, %masked_sort3A_976, %masked_sort3A_977 = tpu.sort %min3A_969, %min3A_969 masked %masked_sort3A_974 : (vector<16xf32>, vector<16xf32>, vector<16xi1>) -> (vector<16xi1>, vector<16xf32>, vector<16xf32>)
        %rev3A_978 = arith.constant 15 : i32
        %rev3A_979 = vector.broadcast %rev3A_978 : i32 to vector<16xi32>
        %rev3A_980 = tpu.iota {dimensions = array<i32: 0>} : vector<16xi32>
        %rev3A_981 = arith.subi %rev3A_979, %rev3A_980 : vector<16xi32>
        %rev3A_982 = tpu.dynamic_gather %masked_sort3A_972[%rev3A_981] in [0] : vector<16xf32>, vector<16xi32> -> vector<16xf32>
        %max3A_983 = arith.maximumf %masked_sort3A_938, %rev3A_982 : vector<16xf32>
        %rev3A_984 = arith.constant 15 : i32
        %rev3A_985 = vector.broadcast %rev3A_984 : i32 to vector<16xi32>
        %rev3A_986 = tpu.iota {dimensions = array<i32: 0>} : vector<16xi32>
        %rev3A_987 = arith.subi %rev3A_985, %rev3A_986 : vector<16xi32>
        %rev3A_988 = tpu.dynamic_gather %masked_sort3A_976[%rev3A_987] in [0] : vector<16xf32>, vector<16xi32> -> vector<16xf32>
        %min3A_989 = arith.minimumf %masked_sort3A_942, %rev3A_988 : vector<16xf32>
        %masked_sort3A_990 = arith.constant dense<true> : vector<16xi1>
        %masked_sort3A_991, %masked_sort3A_992, %masked_sort3A_993 = tpu.sort %max3A_983, %max3A_983 masked %masked_sort3A_990 : (vector<16xf32>, vector<16xf32>, vector<16xi1>) -> (vector<16xi1>, vector<16xf32>, vector<16xf32>)
        %masked_sort3A_994 = arith.constant dense<true> : vector<16xi1>
        %masked_sort3A_995, %masked_sort3A_996, %masked_sort3A_997 = tpu.sort %min3A_989, %min3A_989 masked %masked_sort3A_994 : (vector<16xf32>, vector<16xf32>, vector<16xi1>) -> (vector<16xi1>, vector<16xf32>, vector<16xf32>)
        %rev3A_998 = arith.constant 15 : i32
        %rev3A_999 = vector.broadcast %rev3A_998 : i32 to vector<16xi32>
        %rev3A_1000 = tpu.iota {dimensions = array<i32: 0>} : vector<16xi32>
        %rev3A_1001 = arith.subi %rev3A_999, %rev3A_1000 : vector<16xi32>
        %rev3A_1002 = tpu.dynamic_gather %masked_sort3A_904[%rev3A_1001] in [0] : vector<16xf32>, vector<16xi32> -> vector<16xf32>
        %max3A_1003 = arith.maximumf %masked_sort3A_992, %rev3A_1002 : vector<16xf32>
        %rev3A_1004 = arith.constant 15 : i32
        %rev3A_1005 = vector.broadcast %rev3A_1004 : i32 to vector<16xi32>
        %rev3A_1006 = tpu.iota {dimensions = array<i32: 0>} : vector<16xi32>
        %rev3A_1007 = arith.subi %rev3A_1005, %rev3A_1006 : vector<16xi32>
        %rev3A_1008 = tpu.dynamic_gather %masked_sort3A_908[%rev3A_1007] in [0] : vector<16xf32>, vector<16xi32> -> vector<16xf32>
        %min3A_1009 = arith.minimumf %masked_sort3A_996, %rev3A_1008 : vector<16xf32>
        %masked_sort3A_1010 = arith.constant dense<true> : vector<16xi1>
        %masked_sort3A_1011, %masked_sort3A_1012, %masked_sort3A_1013 = tpu.sort %max3A_1003, %max3A_1003 masked %masked_sort3A_1010 : (vector<16xf32>, vector<16xf32>, vector<16xi1>) -> (vector<16xi1>, vector<16xf32>, vector<16xf32>)
        %masked_sort3A_1014 = arith.constant dense<true> : vector<16xi1>
        %masked_sort3A_1015, %masked_sort3A_1016, %masked_sort3A_1017 = tpu.sort %min3A_1009, %min3A_1009 masked %masked_sort3A_1014 : (vector<16xf32>, vector<16xf32>, vector<16xi1>) -> (vector<16xi1>, vector<16xf32>, vector<16xf32>)
        %reduce_sum3A = arith.constant true
        %reduce_sum3A_1018 = vector.broadcast %reduce_sum3A : i1 to vector<16xi1>
        %reduce_sum3A_1019 = tpu.scan <sum>, %masked_sort3A_1012 masked %reduce_sum3A_1018 : vector<16xf32>, vector<16xi1> -> vector<16xf32>
        %reduce_sum3A_1020 = vector.extract %reduce_sum3A_1019[15] : f32 from vector<16xf32>
        %reduce_sum3A_1021 = arith.constant true
        %reduce_sum3A_1022 = vector.broadcast %reduce_sum3A_1021 : i1 to vector<16xi1>
        %reduce_sum3A_1023 = tpu.scan <sum>, %masked_sort3A_1016 masked %reduce_sum3A_1022 : vector<16xf32>, vector<16xi1> -> vector<16xf32>
        %reduce_sum3A_1024 = vector.extract %reduce_sum3A_1023[15] : f32 from vector<16xf32>
        %add3A_1025 = arith.addf %reduce_sum3A_1020, %reduce_sum3A_1024 : f32
        %mul3A_1026 = arith.constant 3.125000e-02 : f32
        %mul3A_1027 = arith.mulf %add3A_1025, %mul3A_1026 : f32
        %rem3A = arith.constant 16 : i32
        %rem3A_1028 = arith.remsi %scan3A_69, %rem3A : i32
        %eq3A = vector.broadcast %rem3A_1028 : i32 to vector<16xi32>
        %eq3A_1029 = arith.cmpi eq, %iota3A, %eq3A : vector<16xi32>
        %broadcast_in_dim3A_1030 = vector.broadcast %mul3A_1027 : f32 to vector<16xf32>
        %select_n3A = arith.select %eq3A_1029, %broadcast_in_dim3A_1030, %scan3A_70 : vector<16xi1>, vector<16xf32>
        %eq3A_1031 = arith.constant 15 : i32
        %eq3A_1032 = arith.cmpi eq, %rem3A_1028, %eq3A_1031 : i32
        %convert_element_type3A_1033 = arith.extui %eq3A_1032 : i1 to i32
        %cond3A_1034 = arith.constant 0 : i32
        %cond3A_1035 = arith.cmpi ne, %convert_element_type3A_1033, %cond3A_1034 : i32
        scf.if %cond3A_1035 {
          %sub3A = arith.constant 15 : i32
          %sub3A_1036 = arith.subi %scan3A_69, %sub3A : i32
          %swap3A = arith.index_cast %sub3A_1036 : i32 to index
          %swap3A_1037 = tpu.vector_load %arg6[%swap3A] {strides = array<i32>} : memref<64xf32, #tpu.memory_space<vmem>>, vector<16xf32>,
          tpu.vector_store %arg6[%swap3A], %select_n3A {strides = array<i32>} : memref<64xf32, #tpu.memory_space<vmem>>, vector<16xf32>,
        } else {
        }
        scf.yield %select_n3A : vector<16xf32>
      }
      %scan3A_61 = arith.constant 64 : i32
      "tpu.region"() ({
        %run_scoped3A = tpu.sem_alloc : memref<!tpu.dma_semaphore, #tpu.memory_space<semaphore_mem>>
        %dma_start3A_69 = tpu.memref_slice %arg3[%add3A_53] : memref<36864xf32, #tpu.memory_space<hbm>> -> memref<64xf32, #tpu.memory_space<hbm>>
        %dma_start3A_70 = tpu.memref_slice %arg3[%add3A_53] : memref<36864xf32, #tpu.memory_space<hbm>> -> memref<64xf32, #tpu.memory_space<hbm>>
        tpu.enqueue_dma source(%arg6 : memref<64xf32, #tpu.memory_space<vmem>>) target(%dma_start3A_70 : memref<64xf32, #tpu.memory_space<hbm>>) target_semaphore(%run_scoped3A : memref<!tpu.dma_semaphore, #tpu.memory_space<semaphore_mem>>)
        %dma_wait3A_71 = tpu.memref_slice %arg3[%add3A_53] : memref<36864xf32, #tpu.memory_space<hbm>> -> memref<64xf32, #tpu.memory_space<hbm>>
        %dma_wait3A_72 = tpu.memref_slice %arg3[%add3A_53] : memref<36864xf32, #tpu.memory_space<hbm>> -> memref<64xf32, #tpu.memory_space<hbm>>
        tpu.wait_dma2 semaphore(%run_scoped3A : memref<!tpu.dma_semaphore, #tpu.memory_space<semaphore_mem>>) src(%arg6 : memref<64xf32, #tpu.memory_space<vmem>>) dst(%dma_wait3A_72 : memref<64xf32, #tpu.memory_space<hbm>>)
        tpu.yield
      }) : () -> ()
      %add3A_62 = arith.constant 2 : i32
      %add3A_63 = arith.addi %add3A_43, %add3A_62 : i32
      %lt3A_64 = arith.constant 18 : i32
      %lt3A_65 = arith.cmpi slt, %add3A_63, %lt3A_64 : i32
      %convert_element_type3A_66 = arith.extui %lt3A_65 : i1 to i32
      %cond3A_67 = arith.constant 0 : i32
      %cond3A_68 = arith.cmpi ne, %convert_element_type3A_66, %cond3A_67 : i32
      scf.if %cond3A_68 {
        %add3A_69 = arith.constant 2 : i32
        %add3A_70 = arith.addi %add3A_43, %add3A_69 : i32
        %mul3A_71 = arith.constant 64 : i32
        %mul3A_72 = arith.muli %add3A_70, %mul3A_71 : i32
        %add3A_73 = arith.addi %mul3A_2, %mul3A_72 : i32
        %dma_start3A_74 = arith.constant 0 : i32
        %dma_start3A_75 = tpu.memref_slice %arg2[%add3A_73, %dma_start3A_74] : memref<49152x576xf32, #tpu.memory_space<hbm>> -> memref<64x576xf32, #tpu.memory_space<hbm>>
        %dma_start3A_76 = arith.constant 0 : i32
        %dma_start3A_77 = tpu.memref_slice %arg2[%add3A_73, %dma_start3A_76] : memref<49152x576xf32, #tpu.memory_space<hbm>> -> memref<64x576xf32, #tpu.memory_space<hbm>>
        tpu.enqueue_dma source(%dma_start3A_77 : memref<64x576xf32, #tpu.memory_space<hbm>>) target(%arg5 : memref<64x576xf32, #tpu.memory_space<vmem>>) target_semaphore(%arg8 : memref<!tpu.dma_semaphore, #tpu.memory_space<semaphore_mem>>)
      } else {
      }
    }
    %scan3A_16 = arith.constant 9 : i32
    return
  }
}

module attributes {stable_mosaic.version = 14 : i64} {
  func.func @_tc_body(%arg0: i32, %arg1: memref<512x576xf32, #tpu.memory_space<vmem>>, %arg2: memref<1x1x512xf32, #tpu.memory_space<vmem>>) attributes {dimension_semantics = [#tpu.dimension_semantics<arbitrary>], iteration_bounds = array<i64: 24>, scalar_prefetch = 0 : i64, scratch_operands = 0 : i64, tpu.core_type = #tpu.core_type<tc>, window_params = [{transform_indices = @transform_0, window_bounds = array<i64: 512, 576>}, {transform_indices = @transform_1, window_bounds = array<i64: 1, 1, 512>}]} {
    %get3A = arith.constant 0 : index
    %get3A_0 = arith.constant 0 : index
    %get3A_1 = vector.load %arg1[%get3A, %get3A_0] : memref<512x576xf32, #tpu.memory_space<vmem>>, vector<512x576xf32>
    %bitcast_convert_type3A = tpu.bitcast %get3A_1 : vector<512x576xf32> -> vector<512x576xi32>
    %iota3A = tpu.iota {dimensions = array<i32: 1>} : vector<512x576xi32>
    %and3A = arith.constant -1024 : i32
    %and3A_2 = vector.broadcast %and3A : i32 to vector<512x576xi32>
    %and3A_3 = arith.andi %bitcast_convert_type3A, %and3A_2 : vector<512x576xi32>
    %or3A = arith.ori %and3A_3, %iota3A : vector<512x576xi32>
    %bitcast_convert_type3A_4 = tpu.bitcast %or3A : vector<512x576xi32> -> vector<512x576xf32>
    %reduce_max3A = arith.constant dense<0xFF800000> : vector<512xf32>
    %reduce_max3A_5 = vector.multi_reduction <maximumf>, %bitcast_convert_type3A_4, %reduce_max3A [1] : vector<512x576xf32> to vector<512xf32>
    %broadcast_in_dim3A = vector.shape_cast %reduce_max3A_5 : vector<512xf32> to vector<512x1xf32>
    %reduce_min3A = arith.constant dense<0x7F800000> : vector<512xf32>
    %reduce_min3A_6 = vector.multi_reduction <minimumf>, %bitcast_convert_type3A_4, %reduce_min3A [1] : vector<512x576xf32> to vector<512xf32>
    %broadcast_in_dim3A_7 = vector.shape_cast %reduce_min3A_6 : vector<512xf32> to vector<512x1xf32>
    %lt3A = vector.broadcast %broadcast_in_dim3A : vector<512x1xf32> to vector<512x576xf32>
    %lt3A_8 = arith.cmpf olt, %bitcast_convert_type3A_4, %lt3A : vector<512x576xf32>
    %jit3A = arith.constant 0xFF800000 : f32
    %broadcast_in_dim3A_9 = vector.broadcast %jit3A : f32 to vector<512x576xf32>
    %select_n3A = arith.select %lt3A_8, %bitcast_convert_type3A_4, %broadcast_in_dim3A_9 : vector<512x576xi1>, vector<512x576xf32>
    %reduce_max3A_10 = arith.constant dense<0xFF800000> : vector<512xf32>
    %reduce_max3A_11 = vector.multi_reduction <maximumf>, %select_n3A, %reduce_max3A_10 [1] : vector<512x576xf32> to vector<512xf32>
    %broadcast_in_dim3A_12 = vector.shape_cast %reduce_max3A_11 : vector<512xf32> to vector<512x1xf32>
    %gt3A = vector.broadcast %broadcast_in_dim3A_7 : vector<512x1xf32> to vector<512x576xf32>
    %gt3A_13 = arith.cmpf ogt, %bitcast_convert_type3A_4, %gt3A : vector<512x576xf32>
    %jit3A_14 = arith.constant 0x7F800000 : f32
    %broadcast_in_dim3A_15 = vector.broadcast %jit3A_14 : f32 to vector<512x576xf32>
    %select_n3A_16 = arith.select %gt3A_13, %bitcast_convert_type3A_4, %broadcast_in_dim3A_15 : vector<512x576xi1>, vector<512x576xf32>
    %reduce_min3A_17 = arith.constant dense<0x7F800000> : vector<512xf32>
    %reduce_min3A_18 = vector.multi_reduction <minimumf>, %select_n3A_16, %reduce_min3A_17 [1] : vector<512x576xf32> to vector<512xf32>
    %broadcast_in_dim3A_19 = vector.shape_cast %reduce_min3A_18 : vector<512xf32> to vector<512x1xf32>
    %add3A = arith.addf %broadcast_in_dim3A, %broadcast_in_dim3A_12 : vector<512x1xf32>
    %add3A_20 = arith.addf %broadcast_in_dim3A_7, %broadcast_in_dim3A_19 : vector<512x1xf32>
    %lt3A_21 = vector.broadcast %broadcast_in_dim3A_12 : vector<512x1xf32> to vector<512x576xf32>
    %lt3A_22 = arith.cmpf olt, %bitcast_convert_type3A_4, %lt3A_21 : vector<512x576xf32>
    %jit3A_23 = arith.constant 0xFF800000 : f32
    %broadcast_in_dim3A_24 = vector.broadcast %jit3A_23 : f32 to vector<512x576xf32>
    %select_n3A_25 = arith.select %lt3A_22, %bitcast_convert_type3A_4, %broadcast_in_dim3A_24 : vector<512x576xi1>, vector<512x576xf32>
    %reduce_max3A_26 = arith.constant dense<0xFF800000> : vector<512xf32>
    %reduce_max3A_27 = vector.multi_reduction <maximumf>, %select_n3A_25, %reduce_max3A_26 [1] : vector<512x576xf32> to vector<512xf32>
    %broadcast_in_dim3A_28 = vector.shape_cast %reduce_max3A_27 : vector<512xf32> to vector<512x1xf32>
    %gt3A_29 = vector.broadcast %broadcast_in_dim3A_19 : vector<512x1xf32> to vector<512x576xf32>
    %gt3A_30 = arith.cmpf ogt, %bitcast_convert_type3A_4, %gt3A_29 : vector<512x576xf32>
    %jit3A_31 = arith.constant 0x7F800000 : f32
    %broadcast_in_dim3A_32 = vector.broadcast %jit3A_31 : f32 to vector<512x576xf32>
    %select_n3A_33 = arith.select %gt3A_30, %bitcast_convert_type3A_4, %broadcast_in_dim3A_32 : vector<512x576xi1>, vector<512x576xf32>
    %reduce_min3A_34 = arith.constant dense<0x7F800000> : vector<512xf32>
    %reduce_min3A_35 = vector.multi_reduction <minimumf>, %select_n3A_33, %reduce_min3A_34 [1] : vector<512x576xf32> to vector<512xf32>
    %broadcast_in_dim3A_36 = vector.shape_cast %reduce_min3A_35 : vector<512xf32> to vector<512x1xf32>
    %add3A_37 = arith.addf %add3A, %broadcast_in_dim3A_28 : vector<512x1xf32>
    %add3A_38 = arith.addf %add3A_20, %broadcast_in_dim3A_36 : vector<512x1xf32>
    %lt3A_39 = vector.broadcast %broadcast_in_dim3A_28 : vector<512x1xf32> to vector<512x576xf32>
    %lt3A_40 = arith.cmpf olt, %bitcast_convert_type3A_4, %lt3A_39 : vector<512x576xf32>
    %jit3A_41 = arith.constant 0xFF800000 : f32
    %broadcast_in_dim3A_42 = vector.broadcast %jit3A_41 : f32 to vector<512x576xf32>
    %select_n3A_43 = arith.select %lt3A_40, %bitcast_convert_type3A_4, %broadcast_in_dim3A_42 : vector<512x576xi1>, vector<512x576xf32>
    %reduce_max3A_44 = arith.constant dense<0xFF800000> : vector<512xf32>
    %reduce_max3A_45 = vector.multi_reduction <maximumf>, %select_n3A_43, %reduce_max3A_44 [1] : vector<512x576xf32> to vector<512xf32>
    %broadcast_in_dim3A_46 = vector.shape_cast %reduce_max3A_45 : vector<512xf32> to vector<512x1xf32>
    %gt3A_47 = vector.broadcast %broadcast_in_dim3A_36 : vector<512x1xf32> to vector<512x576xf32>
    %gt3A_48 = arith.cmpf ogt, %bitcast_convert_type3A_4, %gt3A_47 : vector<512x576xf32>
    %jit3A_49 = arith.constant 0x7F800000 : f32
    %broadcast_in_dim3A_50 = vector.broadcast %jit3A_49 : f32 to vector<512x576xf32>
    %select_n3A_51 = arith.select %gt3A_48, %bitcast_convert_type3A_4, %broadcast_in_dim3A_50 : vector<512x576xi1>, vector<512x576xf32>
    %reduce_min3A_52 = arith.constant dense<0x7F800000> : vector<512xf32>
    %reduce_min3A_53 = vector.multi_reduction <minimumf>, %select_n3A_51, %reduce_min3A_52 [1] : vector<512x576xf32> to vector<512xf32>
    %broadcast_in_dim3A_54 = vector.shape_cast %reduce_min3A_53 : vector<512xf32> to vector<512x1xf32>
    %add3A_55 = arith.addf %add3A_37, %broadcast_in_dim3A_46 : vector<512x1xf32>
    %add3A_56 = arith.addf %add3A_38, %broadcast_in_dim3A_54 : vector<512x1xf32>
    %lt3A_57 = vector.broadcast %broadcast_in_dim3A_46 : vector<512x1xf32> to vector<512x576xf32>
    %lt3A_58 = arith.cmpf olt, %bitcast_convert_type3A_4, %lt3A_57 : vector<512x576xf32>
    %jit3A_59 = arith.constant 0xFF800000 : f32
    %broadcast_in_dim3A_60 = vector.broadcast %jit3A_59 : f32 to vector<512x576xf32>
    %select_n3A_61 = arith.select %lt3A_58, %bitcast_convert_type3A_4, %broadcast_in_dim3A_60 : vector<512x576xi1>, vector<512x576xf32>
    %reduce_max3A_62 = arith.constant dense<0xFF800000> : vector<512xf32>
    %reduce_max3A_63 = vector.multi_reduction <maximumf>, %select_n3A_61, %reduce_max3A_62 [1] : vector<512x576xf32> to vector<512xf32>
    %broadcast_in_dim3A_64 = vector.shape_cast %reduce_max3A_63 : vector<512xf32> to vector<512x1xf32>
    %gt3A_65 = vector.broadcast %broadcast_in_dim3A_54 : vector<512x1xf32> to vector<512x576xf32>
    %gt3A_66 = arith.cmpf ogt, %bitcast_convert_type3A_4, %gt3A_65 : vector<512x576xf32>
    %jit3A_67 = arith.constant 0x7F800000 : f32
    %broadcast_in_dim3A_68 = vector.broadcast %jit3A_67 : f32 to vector<512x576xf32>
    %select_n3A_69 = arith.select %gt3A_66, %bitcast_convert_type3A_4, %broadcast_in_dim3A_68 : vector<512x576xi1>, vector<512x576xf32>
    %reduce_min3A_70 = arith.constant dense<0x7F800000> : vector<512xf32>
    %reduce_min3A_71 = vector.multi_reduction <minimumf>, %select_n3A_69, %reduce_min3A_70 [1] : vector<512x576xf32> to vector<512xf32>
    %broadcast_in_dim3A_72 = vector.shape_cast %reduce_min3A_71 : vector<512xf32> to vector<512x1xf32>
    %add3A_73 = arith.addf %add3A_55, %broadcast_in_dim3A_64 : vector<512x1xf32>
    %add3A_74 = arith.addf %add3A_56, %broadcast_in_dim3A_72 : vector<512x1xf32>
    %lt3A_75 = vector.broadcast %broadcast_in_dim3A_64 : vector<512x1xf32> to vector<512x576xf32>
    %lt3A_76 = arith.cmpf olt, %bitcast_convert_type3A_4, %lt3A_75 : vector<512x576xf32>
    %jit3A_77 = arith.constant 0xFF800000 : f32
    %broadcast_in_dim3A_78 = vector.broadcast %jit3A_77 : f32 to vector<512x576xf32>
    %select_n3A_79 = arith.select %lt3A_76, %bitcast_convert_type3A_4, %broadcast_in_dim3A_78 : vector<512x576xi1>, vector<512x576xf32>
    %reduce_max3A_80 = arith.constant dense<0xFF800000> : vector<512xf32>
    %reduce_max3A_81 = vector.multi_reduction <maximumf>, %select_n3A_79, %reduce_max3A_80 [1] : vector<512x576xf32> to vector<512xf32>
    %broadcast_in_dim3A_82 = vector.shape_cast %reduce_max3A_81 : vector<512xf32> to vector<512x1xf32>
    %gt3A_83 = vector.broadcast %broadcast_in_dim3A_72 : vector<512x1xf32> to vector<512x576xf32>
    %gt3A_84 = arith.cmpf ogt, %bitcast_convert_type3A_4, %gt3A_83 : vector<512x576xf32>
    %jit3A_85 = arith.constant 0x7F800000 : f32
    %broadcast_in_dim3A_86 = vector.broadcast %jit3A_85 : f32 to vector<512x576xf32>
    %select_n3A_87 = arith.select %gt3A_84, %bitcast_convert_type3A_4, %broadcast_in_dim3A_86 : vector<512x576xi1>, vector<512x576xf32>
    %reduce_min3A_88 = arith.constant dense<0x7F800000> : vector<512xf32>
    %reduce_min3A_89 = vector.multi_reduction <minimumf>, %select_n3A_87, %reduce_min3A_88 [1] : vector<512x576xf32> to vector<512xf32>
    %broadcast_in_dim3A_90 = vector.shape_cast %reduce_min3A_89 : vector<512xf32> to vector<512x1xf32>
    %add3A_91 = arith.addf %add3A_73, %broadcast_in_dim3A_82 : vector<512x1xf32>
    %add3A_92 = arith.addf %add3A_74, %broadcast_in_dim3A_90 : vector<512x1xf32>
    %lt3A_93 = vector.broadcast %broadcast_in_dim3A_82 : vector<512x1xf32> to vector<512x576xf32>
    %lt3A_94 = arith.cmpf olt, %bitcast_convert_type3A_4, %lt3A_93 : vector<512x576xf32>
    %jit3A_95 = arith.constant 0xFF800000 : f32
    %broadcast_in_dim3A_96 = vector.broadcast %jit3A_95 : f32 to vector<512x576xf32>
    %select_n3A_97 = arith.select %lt3A_94, %bitcast_convert_type3A_4, %broadcast_in_dim3A_96 : vector<512x576xi1>, vector<512x576xf32>
    %reduce_max3A_98 = arith.constant dense<0xFF800000> : vector<512xf32>
    %reduce_max3A_99 = vector.multi_reduction <maximumf>, %select_n3A_97, %reduce_max3A_98 [1] : vector<512x576xf32> to vector<512xf32>
    %broadcast_in_dim3A_100 = vector.shape_cast %reduce_max3A_99 : vector<512xf32> to vector<512x1xf32>
    %gt3A_101 = vector.broadcast %broadcast_in_dim3A_90 : vector<512x1xf32> to vector<512x576xf32>
    %gt3A_102 = arith.cmpf ogt, %bitcast_convert_type3A_4, %gt3A_101 : vector<512x576xf32>
    %jit3A_103 = arith.constant 0x7F800000 : f32
    %broadcast_in_dim3A_104 = vector.broadcast %jit3A_103 : f32 to vector<512x576xf32>
    %select_n3A_105 = arith.select %gt3A_102, %bitcast_convert_type3A_4, %broadcast_in_dim3A_104 : vector<512x576xi1>, vector<512x576xf32>
    %reduce_min3A_106 = arith.constant dense<0x7F800000> : vector<512xf32>
    %reduce_min3A_107 = vector.multi_reduction <minimumf>, %select_n3A_105, %reduce_min3A_106 [1] : vector<512x576xf32> to vector<512xf32>
    %broadcast_in_dim3A_108 = vector.shape_cast %reduce_min3A_107 : vector<512xf32> to vector<512x1xf32>
    %add3A_109 = arith.addf %add3A_91, %broadcast_in_dim3A_100 : vector<512x1xf32>
    %add3A_110 = arith.addf %add3A_92, %broadcast_in_dim3A_108 : vector<512x1xf32>
    %lt3A_111 = vector.broadcast %broadcast_in_dim3A_100 : vector<512x1xf32> to vector<512x576xf32>
    %lt3A_112 = arith.cmpf olt, %bitcast_convert_type3A_4, %lt3A_111 : vector<512x576xf32>
    %jit3A_113 = arith.constant 0xFF800000 : f32
    %broadcast_in_dim3A_114 = vector.broadcast %jit3A_113 : f32 to vector<512x576xf32>
    %select_n3A_115 = arith.select %lt3A_112, %bitcast_convert_type3A_4, %broadcast_in_dim3A_114 : vector<512x576xi1>, vector<512x576xf32>
    %reduce_max3A_116 = arith.constant dense<0xFF800000> : vector<512xf32>
    %reduce_max3A_117 = vector.multi_reduction <maximumf>, %select_n3A_115, %reduce_max3A_116 [1] : vector<512x576xf32> to vector<512xf32>
    %broadcast_in_dim3A_118 = vector.shape_cast %reduce_max3A_117 : vector<512xf32> to vector<512x1xf32>
    %gt3A_119 = vector.broadcast %broadcast_in_dim3A_108 : vector<512x1xf32> to vector<512x576xf32>
    %gt3A_120 = arith.cmpf ogt, %bitcast_convert_type3A_4, %gt3A_119 : vector<512x576xf32>
    %jit3A_121 = arith.constant 0x7F800000 : f32
    %broadcast_in_dim3A_122 = vector.broadcast %jit3A_121 : f32 to vector<512x576xf32>
    %select_n3A_123 = arith.select %gt3A_120, %bitcast_convert_type3A_4, %broadcast_in_dim3A_122 : vector<512x576xi1>, vector<512x576xf32>
    %reduce_min3A_124 = arith.constant dense<0x7F800000> : vector<512xf32>
    %reduce_min3A_125 = vector.multi_reduction <minimumf>, %select_n3A_123, %reduce_min3A_124 [1] : vector<512x576xf32> to vector<512xf32>
    %broadcast_in_dim3A_126 = vector.shape_cast %reduce_min3A_125 : vector<512xf32> to vector<512x1xf32>
    %add3A_127 = arith.addf %add3A_109, %broadcast_in_dim3A_118 : vector<512x1xf32>
    %add3A_128 = arith.addf %add3A_110, %broadcast_in_dim3A_126 : vector<512x1xf32>
    %lt3A_129 = vector.broadcast %broadcast_in_dim3A_118 : vector<512x1xf32> to vector<512x576xf32>
    %lt3A_130 = arith.cmpf olt, %bitcast_convert_type3A_4, %lt3A_129 : vector<512x576xf32>
    %jit3A_131 = arith.constant 0xFF800000 : f32
    %broadcast_in_dim3A_132 = vector.broadcast %jit3A_131 : f32 to vector<512x576xf32>
    %select_n3A_133 = arith.select %lt3A_130, %bitcast_convert_type3A_4, %broadcast_in_dim3A_132 : vector<512x576xi1>, vector<512x576xf32>
    %reduce_max3A_134 = arith.constant dense<0xFF800000> : vector<512xf32>
    %reduce_max3A_135 = vector.multi_reduction <maximumf>, %select_n3A_133, %reduce_max3A_134 [1] : vector<512x576xf32> to vector<512xf32>
    %broadcast_in_dim3A_136 = vector.shape_cast %reduce_max3A_135 : vector<512xf32> to vector<512x1xf32>
    %gt3A_137 = vector.broadcast %broadcast_in_dim3A_126 : vector<512x1xf32> to vector<512x576xf32>
    %gt3A_138 = arith.cmpf ogt, %bitcast_convert_type3A_4, %gt3A_137 : vector<512x576xf32>
    %jit3A_139 = arith.constant 0x7F800000 : f32
    %broadcast_in_dim3A_140 = vector.broadcast %jit3A_139 : f32 to vector<512x576xf32>
    %select_n3A_141 = arith.select %gt3A_138, %bitcast_convert_type3A_4, %broadcast_in_dim3A_140 : vector<512x576xi1>, vector<512x576xf32>
    %reduce_min3A_142 = arith.constant dense<0x7F800000> : vector<512xf32>
    %reduce_min3A_143 = vector.multi_reduction <minimumf>, %select_n3A_141, %reduce_min3A_142 [1] : vector<512x576xf32> to vector<512xf32>
    %broadcast_in_dim3A_144 = vector.shape_cast %reduce_min3A_143 : vector<512xf32> to vector<512x1xf32>
    %add3A_145 = arith.addf %add3A_127, %broadcast_in_dim3A_136 : vector<512x1xf32>
    %add3A_146 = arith.addf %add3A_128, %broadcast_in_dim3A_144 : vector<512x1xf32>
    %lt3A_147 = vector.broadcast %broadcast_in_dim3A_136 : vector<512x1xf32> to vector<512x576xf32>
    %lt3A_148 = arith.cmpf olt, %bitcast_convert_type3A_4, %lt3A_147 : vector<512x576xf32>
    %jit3A_149 = arith.constant 0xFF800000 : f32
    %broadcast_in_dim3A_150 = vector.broadcast %jit3A_149 : f32 to vector<512x576xf32>
    %select_n3A_151 = arith.select %lt3A_148, %bitcast_convert_type3A_4, %broadcast_in_dim3A_150 : vector<512x576xi1>, vector<512x576xf32>
    %reduce_max3A_152 = arith.constant dense<0xFF800000> : vector<512xf32>
    %reduce_max3A_153 = vector.multi_reduction <maximumf>, %select_n3A_151, %reduce_max3A_152 [1] : vector<512x576xf32> to vector<512xf32>
    %broadcast_in_dim3A_154 = vector.shape_cast %reduce_max3A_153 : vector<512xf32> to vector<512x1xf32>
    %gt3A_155 = vector.broadcast %broadcast_in_dim3A_144 : vector<512x1xf32> to vector<512x576xf32>
    %gt3A_156 = arith.cmpf ogt, %bitcast_convert_type3A_4, %gt3A_155 : vector<512x576xf32>
    %jit3A_157 = arith.constant 0x7F800000 : f32
    %broadcast_in_dim3A_158 = vector.broadcast %jit3A_157 : f32 to vector<512x576xf32>
    %select_n3A_159 = arith.select %gt3A_156, %bitcast_convert_type3A_4, %broadcast_in_dim3A_158 : vector<512x576xi1>, vector<512x576xf32>
    %reduce_min3A_160 = arith.constant dense<0x7F800000> : vector<512xf32>
    %reduce_min3A_161 = vector.multi_reduction <minimumf>, %select_n3A_159, %reduce_min3A_160 [1] : vector<512x576xf32> to vector<512xf32>
    %broadcast_in_dim3A_162 = vector.shape_cast %reduce_min3A_161 : vector<512xf32> to vector<512x1xf32>
    %add3A_163 = arith.addf %add3A_145, %broadcast_in_dim3A_154 : vector<512x1xf32>
    %add3A_164 = arith.addf %add3A_146, %broadcast_in_dim3A_162 : vector<512x1xf32>
    %lt3A_165 = vector.broadcast %broadcast_in_dim3A_154 : vector<512x1xf32> to vector<512x576xf32>
    %lt3A_166 = arith.cmpf olt, %bitcast_convert_type3A_4, %lt3A_165 : vector<512x576xf32>
    %jit3A_167 = arith.constant 0xFF800000 : f32
    %broadcast_in_dim3A_168 = vector.broadcast %jit3A_167 : f32 to vector<512x576xf32>
    %select_n3A_169 = arith.select %lt3A_166, %bitcast_convert_type3A_4, %broadcast_in_dim3A_168 : vector<512x576xi1>, vector<512x576xf32>
    %reduce_max3A_170 = arith.constant dense<0xFF800000> : vector<512xf32>
    %reduce_max3A_171 = vector.multi_reduction <maximumf>, %select_n3A_169, %reduce_max3A_170 [1] : vector<512x576xf32> to vector<512xf32>
    %broadcast_in_dim3A_172 = vector.shape_cast %reduce_max3A_171 : vector<512xf32> to vector<512x1xf32>
    %gt3A_173 = vector.broadcast %broadcast_in_dim3A_162 : vector<512x1xf32> to vector<512x576xf32>
    %gt3A_174 = arith.cmpf ogt, %bitcast_convert_type3A_4, %gt3A_173 : vector<512x576xf32>
    %jit3A_175 = arith.constant 0x7F800000 : f32
    %broadcast_in_dim3A_176 = vector.broadcast %jit3A_175 : f32 to vector<512x576xf32>
    %select_n3A_177 = arith.select %gt3A_174, %bitcast_convert_type3A_4, %broadcast_in_dim3A_176 : vector<512x576xi1>, vector<512x576xf32>
    %reduce_min3A_178 = arith.constant dense<0x7F800000> : vector<512xf32>
    %reduce_min3A_179 = vector.multi_reduction <minimumf>, %select_n3A_177, %reduce_min3A_178 [1] : vector<512x576xf32> to vector<512xf32>
    %broadcast_in_dim3A_180 = vector.shape_cast %reduce_min3A_179 : vector<512xf32> to vector<512x1xf32>
    %add3A_181 = arith.addf %add3A_163, %broadcast_in_dim3A_172 : vector<512x1xf32>
    %add3A_182 = arith.addf %add3A_164, %broadcast_in_dim3A_180 : vector<512x1xf32>
    %lt3A_183 = vector.broadcast %broadcast_in_dim3A_172 : vector<512x1xf32> to vector<512x576xf32>
    %lt3A_184 = arith.cmpf olt, %bitcast_convert_type3A_4, %lt3A_183 : vector<512x576xf32>
    %jit3A_185 = arith.constant 0xFF800000 : f32
    %broadcast_in_dim3A_186 = vector.broadcast %jit3A_185 : f32 to vector<512x576xf32>
    %select_n3A_187 = arith.select %lt3A_184, %bitcast_convert_type3A_4, %broadcast_in_dim3A_186 : vector<512x576xi1>, vector<512x576xf32>
    %reduce_max3A_188 = arith.constant dense<0xFF800000> : vector<512xf32>
    %reduce_max3A_189 = vector.multi_reduction <maximumf>, %select_n3A_187, %reduce_max3A_188 [1] : vector<512x576xf32> to vector<512xf32>
    %broadcast_in_dim3A_190 = vector.shape_cast %reduce_max3A_189 : vector<512xf32> to vector<512x1xf32>
    %gt3A_191 = vector.broadcast %broadcast_in_dim3A_180 : vector<512x1xf32> to vector<512x576xf32>
    %gt3A_192 = arith.cmpf ogt, %bitcast_convert_type3A_4, %gt3A_191 : vector<512x576xf32>
    %jit3A_193 = arith.constant 0x7F800000 : f32
    %broadcast_in_dim3A_194 = vector.broadcast %jit3A_193 : f32 to vector<512x576xf32>
    %select_n3A_195 = arith.select %gt3A_192, %bitcast_convert_type3A_4, %broadcast_in_dim3A_194 : vector<512x576xi1>, vector<512x576xf32>
    %reduce_min3A_196 = arith.constant dense<0x7F800000> : vector<512xf32>
    %reduce_min3A_197 = vector.multi_reduction <minimumf>, %select_n3A_195, %reduce_min3A_196 [1] : vector<512x576xf32> to vector<512xf32>
    %broadcast_in_dim3A_198 = vector.shape_cast %reduce_min3A_197 : vector<512xf32> to vector<512x1xf32>
    %add3A_199 = arith.addf %add3A_181, %broadcast_in_dim3A_190 : vector<512x1xf32>
    %add3A_200 = arith.addf %add3A_182, %broadcast_in_dim3A_198 : vector<512x1xf32>
    %lt3A_201 = vector.broadcast %broadcast_in_dim3A_190 : vector<512x1xf32> to vector<512x576xf32>
    %lt3A_202 = arith.cmpf olt, %bitcast_convert_type3A_4, %lt3A_201 : vector<512x576xf32>
    %jit3A_203 = arith.constant 0xFF800000 : f32
    %broadcast_in_dim3A_204 = vector.broadcast %jit3A_203 : f32 to vector<512x576xf32>
    %select_n3A_205 = arith.select %lt3A_202, %bitcast_convert_type3A_4, %broadcast_in_dim3A_204 : vector<512x576xi1>, vector<512x576xf32>
    %reduce_max3A_206 = arith.constant dense<0xFF800000> : vector<512xf32>
    %reduce_max3A_207 = vector.multi_reduction <maximumf>, %select_n3A_205, %reduce_max3A_206 [1] : vector<512x576xf32> to vector<512xf32>
    %broadcast_in_dim3A_208 = vector.shape_cast %reduce_max3A_207 : vector<512xf32> to vector<512x1xf32>
    %gt3A_209 = vector.broadcast %broadcast_in_dim3A_198 : vector<512x1xf32> to vector<512x576xf32>
    %gt3A_210 = arith.cmpf ogt, %bitcast_convert_type3A_4, %gt3A_209 : vector<512x576xf32>
    %jit3A_211 = arith.constant 0x7F800000 : f32
    %broadcast_in_dim3A_212 = vector.broadcast %jit3A_211 : f32 to vector<512x576xf32>
    %select_n3A_213 = arith.select %gt3A_210, %bitcast_convert_type3A_4, %broadcast_in_dim3A_212 : vector<512x576xi1>, vector<512x576xf32>
    %reduce_min3A_214 = arith.constant dense<0x7F800000> : vector<512xf32>
    %reduce_min3A_215 = vector.multi_reduction <minimumf>, %select_n3A_213, %reduce_min3A_214 [1] : vector<512x576xf32> to vector<512xf32>
    %broadcast_in_dim3A_216 = vector.shape_cast %reduce_min3A_215 : vector<512xf32> to vector<512x1xf32>
    %add3A_217 = arith.addf %add3A_199, %broadcast_in_dim3A_208 : vector<512x1xf32>
    %add3A_218 = arith.addf %add3A_200, %broadcast_in_dim3A_216 : vector<512x1xf32>
    %lt3A_219 = vector.broadcast %broadcast_in_dim3A_208 : vector<512x1xf32> to vector<512x576xf32>
    %lt3A_220 = arith.cmpf olt, %bitcast_convert_type3A_4, %lt3A_219 : vector<512x576xf32>
    %jit3A_221 = arith.constant 0xFF800000 : f32
    %broadcast_in_dim3A_222 = vector.broadcast %jit3A_221 : f32 to vector<512x576xf32>
    %select_n3A_223 = arith.select %lt3A_220, %bitcast_convert_type3A_4, %broadcast_in_dim3A_222 : vector<512x576xi1>, vector<512x576xf32>
    %reduce_max3A_224 = arith.constant dense<0xFF800000> : vector<512xf32>
    %reduce_max3A_225 = vector.multi_reduction <maximumf>, %select_n3A_223, %reduce_max3A_224 [1] : vector<512x576xf32> to vector<512xf32>
    %broadcast_in_dim3A_226 = vector.shape_cast %reduce_max3A_225 : vector<512xf32> to vector<512x1xf32>
    %gt3A_227 = vector.broadcast %broadcast_in_dim3A_216 : vector<512x1xf32> to vector<512x576xf32>
    %gt3A_228 = arith.cmpf ogt, %bitcast_convert_type3A_4, %gt3A_227 : vector<512x576xf32>
    %jit3A_229 = arith.constant 0x7F800000 : f32
    %broadcast_in_dim3A_230 = vector.broadcast %jit3A_229 : f32 to vector<512x576xf32>
    %select_n3A_231 = arith.select %gt3A_228, %bitcast_convert_type3A_4, %broadcast_in_dim3A_230 : vector<512x576xi1>, vector<512x576xf32>
    %reduce_min3A_232 = arith.constant dense<0x7F800000> : vector<512xf32>
    %reduce_min3A_233 = vector.multi_reduction <minimumf>, %select_n3A_231, %reduce_min3A_232 [1] : vector<512x576xf32> to vector<512xf32>
    %broadcast_in_dim3A_234 = vector.shape_cast %reduce_min3A_233 : vector<512xf32> to vector<512x1xf32>
    %add3A_235 = arith.addf %add3A_217, %broadcast_in_dim3A_226 : vector<512x1xf32>
    %add3A_236 = arith.addf %add3A_218, %broadcast_in_dim3A_234 : vector<512x1xf32>
    %lt3A_237 = vector.broadcast %broadcast_in_dim3A_226 : vector<512x1xf32> to vector<512x576xf32>
    %lt3A_238 = arith.cmpf olt, %bitcast_convert_type3A_4, %lt3A_237 : vector<512x576xf32>
    %jit3A_239 = arith.constant 0xFF800000 : f32
    %broadcast_in_dim3A_240 = vector.broadcast %jit3A_239 : f32 to vector<512x576xf32>
    %select_n3A_241 = arith.select %lt3A_238, %bitcast_convert_type3A_4, %broadcast_in_dim3A_240 : vector<512x576xi1>, vector<512x576xf32>
    %reduce_max3A_242 = arith.constant dense<0xFF800000> : vector<512xf32>
    %reduce_max3A_243 = vector.multi_reduction <maximumf>, %select_n3A_241, %reduce_max3A_242 [1] : vector<512x576xf32> to vector<512xf32>
    %broadcast_in_dim3A_244 = vector.shape_cast %reduce_max3A_243 : vector<512xf32> to vector<512x1xf32>
    %gt3A_245 = vector.broadcast %broadcast_in_dim3A_234 : vector<512x1xf32> to vector<512x576xf32>
    %gt3A_246 = arith.cmpf ogt, %bitcast_convert_type3A_4, %gt3A_245 : vector<512x576xf32>
    %jit3A_247 = arith.constant 0x7F800000 : f32
    %broadcast_in_dim3A_248 = vector.broadcast %jit3A_247 : f32 to vector<512x576xf32>
    %select_n3A_249 = arith.select %gt3A_246, %bitcast_convert_type3A_4, %broadcast_in_dim3A_248 : vector<512x576xi1>, vector<512x576xf32>
    %reduce_min3A_250 = arith.constant dense<0x7F800000> : vector<512xf32>
    %reduce_min3A_251 = vector.multi_reduction <minimumf>, %select_n3A_249, %reduce_min3A_250 [1] : vector<512x576xf32> to vector<512xf32>
    %broadcast_in_dim3A_252 = vector.shape_cast %reduce_min3A_251 : vector<512xf32> to vector<512x1xf32>
    %add3A_253 = arith.addf %add3A_235, %broadcast_in_dim3A_244 : vector<512x1xf32>
    %add3A_254 = arith.addf %add3A_236, %broadcast_in_dim3A_252 : vector<512x1xf32>
    %lt3A_255 = vector.broadcast %broadcast_in_dim3A_244 : vector<512x1xf32> to vector<512x576xf32>
    %lt3A_256 = arith.cmpf olt, %bitcast_convert_type3A_4, %lt3A_255 : vector<512x576xf32>
    %jit3A_257 = arith.constant 0xFF800000 : f32
    %broadcast_in_dim3A_258 = vector.broadcast %jit3A_257 : f32 to vector<512x576xf32>
    %select_n3A_259 = arith.select %lt3A_256, %bitcast_convert_type3A_4, %broadcast_in_dim3A_258 : vector<512x576xi1>, vector<512x576xf32>
    %reduce_max3A_260 = arith.constant dense<0xFF800000> : vector<512xf32>
    %reduce_max3A_261 = vector.multi_reduction <maximumf>, %select_n3A_259, %reduce_max3A_260 [1] : vector<512x576xf32> to vector<512xf32>
    %broadcast_in_dim3A_262 = vector.shape_cast %reduce_max3A_261 : vector<512xf32> to vector<512x1xf32>
    %gt3A_263 = vector.broadcast %broadcast_in_dim3A_252 : vector<512x1xf32> to vector<512x576xf32>
    %gt3A_264 = arith.cmpf ogt, %bitcast_convert_type3A_4, %gt3A_263 : vector<512x576xf32>
    %jit3A_265 = arith.constant 0x7F800000 : f32
    %broadcast_in_dim3A_266 = vector.broadcast %jit3A_265 : f32 to vector<512x576xf32>
    %select_n3A_267 = arith.select %gt3A_264, %bitcast_convert_type3A_4, %broadcast_in_dim3A_266 : vector<512x576xi1>, vector<512x576xf32>
    %reduce_min3A_268 = arith.constant dense<0x7F800000> : vector<512xf32>
    %reduce_min3A_269 = vector.multi_reduction <minimumf>, %select_n3A_267, %reduce_min3A_268 [1] : vector<512x576xf32> to vector<512xf32>
    %broadcast_in_dim3A_270 = vector.shape_cast %reduce_min3A_269 : vector<512xf32> to vector<512x1xf32>
    %add3A_271 = arith.addf %add3A_253, %broadcast_in_dim3A_262 : vector<512x1xf32>
    %add3A_272 = arith.addf %add3A_254, %broadcast_in_dim3A_270 : vector<512x1xf32>
    %div3A = arith.constant 1.600000e+01 : f32
    %div3A_273 = vector.broadcast %div3A : f32 to vector<512x1xf32>
    %div3A_274 = arith.divf %add3A_271, %div3A_273 : vector<512x1xf32>
    %div3A_275 = arith.constant 1.600000e+01 : f32
    %div3A_276 = vector.broadcast %div3A_275 : f32 to vector<512x1xf32>
    %div3A_277 = arith.divf %add3A_272, %div3A_276 : vector<512x1xf32>
    %add3A_278 = arith.addf %div3A_274, %div3A_277 : vector<512x1xf32>
    %mul3A = arith.constant 5.000000e-01 : f32
    %mul3A_279 = vector.broadcast %mul3A : f32 to vector<512x1xf32>
    %mul3A_280 = arith.mulf %add3A_278, %mul3A_279 : vector<512x1xf32>
    %squeeze3A = vector.shape_cast %mul3A_280 : vector<512x1xf32> to vector<512xf32>
    %swap3A = arith.constant 0 : index
    %swap3A_281 = arith.constant 0 : index
    %swap3A_282 = arith.constant 0 : index
    %swap3A_283 = vector.load %arg2[%swap3A, %swap3A_281, %swap3A_282] : memref<1x1x512xf32, #tpu.memory_space<vmem>>, vector<1x1x512xf32>
    %swap3A_284 = vector.shape_cast %swap3A_283 : vector<1x1x512xf32> to vector<512xf32>
    %swap3A_285 = vector.shape_cast %squeeze3A : vector<512xf32> to vector<1x1x512xf32>
    tpu.vector_store %arg2[%swap3A, %swap3A_281, %swap3A_282], %swap3A_285 {strides = array<i32>} : memref<1x1x512xf32, #tpu.memory_space<vmem>>, vector<1x1x512xf32>,
    return
  }
  func.func @transform_0(%arg0: i32) -> (i32, i32) {
    %add3A = arith.constant 72 : i32
    %add3A_0 = arith.addi %arg0, %add3A : i32
    %c0_i32 = arith.constant 0 : i32
    %c0_i32_1 = arith.constant 0 : i32
    return %add3A_0, %c0_i32 : i32, i32
  }
  func.func @transform_1(%arg0: i32) -> (i32, i32, i32) {
    %c0_i32 = arith.constant 0 : i32
    %c0_i32_0 = arith.constant 0 : i32
    %c0_i32_1 = arith.constant 0 : i32
    return %arg0, %c0_i32, %c0_i32_0 : i32, i32, i32
  }
}

</mosaic_0001>

<sc_bundles>
// kernel: kernel.4.cloned.1.call-start
scs
__scs_entry_jumppad:
0x0: {  	(pc) =	sbr.rel $0x88, $3  }
0x1: {  	(tag) =	ssettag $0x0;
	lr =	simm.s32 $0x1  }
0x2: {  	[smem:$0x3FA0] =	sst lr;
	_ =	strace $0xD0000000  }
0x3: {  	_ = 	snop  }
0x4: {  	_ = 	snop  }
0x5: {  	_ = 	snop  }
0x6: {  	_ = 	snop  }
0x7: {  	_ = 	snop  }
__scs_overlays_trampoline_lowered:
0x8: {  	[smem:$0x3FAF] =	sst s0  }
0x9: {  	[smem:$0x3FB0] =	sst s1  }
0xa: {  	[smem:$0x3FB1] =	sst s2  }
0xb: {  	[smem:$0x3FB2] =	sst s3  }
0xc: {  	[smem:$0x3FB3] =	sst s4  }
0xd: {  	[smem:$0x3FB4] =	sst s5  }
0xe: {  	[smem:$0x3FB5] =	sst s6  }
0xf: {  	[smem:$0x3FB6] =	sst s7  }
0x10: {  	[smem:$0x3FB7] =	sst s8  }
0x11: {  	[smem:$0x3FB8] =	sst s9;
	s0 =	simm.s32 @!p0 $0x0  }
0x12: {  	s1 =	sld [smem:$0x3F9E];
	s0 =	simm.s32 @p0 $0x1  }
0x13: {  	[smem:$0x3FB9] =	sst s0;
	s0 =	simm.s32 @!p1 $0x0  }
0x14: {  	s2 =	sld [smem:$0x3F9D];
	s0 =	simm.s32 @p1 $0x1  }
0x15: {  	[smem:$0x3FBA] =	sst s0;
	s0 =	simm.s32 @!p2 $0x0  }
0x16: {  	s3 =	sld [smem:$0x3FDB];
	s0 =	simm.s32 @p2 $0x1  }
0x17: {  	s4 =	simm.s32 $0x1BF5;
	[smem:$0x3FBC] =	sst s0  }
0x18: {  	s0 =	sld [smem:$0x3F9F];
	_ =	swait.ge [sflag:s4], $0x0  }
0x19: {  	s7 =	sld [smem:$0x3FA0]  }
0x1a: {  	s8 =	sadd.s32 $0xFFFFE003, lr  }
0x1b: {  	s9 =	sadd.s32 $0xFFFFFEF7, lr;
	s5 =	simm.s32 $0xFFFFFFFF;
	p2 =	slt.u32 s8, $0xFFFFF086  }
0x1c: {  	p1 =	slt.u32 s9, $0xF7A;
	s5 =	simm.s32 @!p2 $0x0  }
0x1d: {  	s5 =	simm.s32 @p1 $0x1;
	p0 =	seq.s32 s7, s2  }
0x1e: {  	s7 =	smul.u32 @!p0 $0xF7A, s2;
	p2 =	seq.s32 @!p0 s5, $0x0  }
0x1f: {  	s9 =	smul.u32 $0xF7A, s1;
	s8 =	simm.s32 @!p0 $0x1BF5;
	p2 =	por !p2, p0  }
0x20: {  	[sflag:s8] =	ssyncset.s32 @!p0 $0xFFFFF086;
	s6 =	sadd.s32 @!p0 s3, s7;
	s7 =	simm.s32 @!p0 $0x108  }
0x21: {  	s3 =	sadd.s32 s3, s9;
	s6 =	sadd.s32 @!p0 $0x88, s6;
	s7 =	simm.s32 @p2 $0x1082  }
0x22: {  	[simem:s7], [sflag:s8] =	dma.local @!p0 [hbm:s6], $0xF7A  }
0x23: {  	s9 =	sor.u32 $0xD0000000, s2;
	s6 =	simm.s32 $0x108;
	_ =	swait.ge @!p0 [sflag:s8], $0x0  }
0x24: {  	s3 =	sadd.s32 $0x88, s3;
	s6 =	simm.s32 @!p1 $0x1082;
	[sflag:s4] =	ssyncset.s32 $0xFFFFF086  }
0x25: {  	[simem:s6], [sflag:s4] =	dma.local [hbm:s3], $0xF7A  }
0x26: {  	[smem:$0x3FA0] =	sst s1;
	(tag) =	ssettag s2;
	_ =	strace s9  }
0x27: {  	s1 =	sld [smem:$0x3FB0]  }
0x28: {  	s2 =	sld [smem:$0x3FB1]  }
0x29: {  	s4 =	sld [smem:$0x3FB3]  }
0x2a: {  	p0 =	seq.s32 s5, $0x0;
	s5 =	sld [smem:$0x3FB4]  }
0x2b: {  	s6 =	sld [smem:$0x3FB5]  }
0x2c: {  	s7 =	sld [smem:$0x3FB6]  }
0x2d: {  	s3 =	simm.s32 $0x108;
	s8 =	sld [smem:$0x3FB7]  }
0x2e: {  	s3 =	simm.s32 @!p0 $0x1082;
	s9 =	sld [smem:$0x3FB8]  }
0x2f: {  	lr =	sadd.s32 s0, s3;
	s0 =	sld [smem:$0x3FAF]  }
0x30: {  	s3 =	sld [smem:$0x3FB2]  }
0x31: {  	[smem:$0x3FBB] =	sst s10  }
0x32: {  	s10 =	sld [smem:$0x3FB9];
	_ =	sdelay $0x3  }
0x33: {  	p0 =	seq.s32 s10, $0x1;
	s10 =	sld [smem:$0x3FBB];
	_ =	sdelay $0x3  }
0x34: {  	[smem:$0x3FBB] =	sst s10  }
0x35: {  	s10 =	sld [smem:$0x3FBA];
	_ =	sdelay $0x3  }
0x36: {  	p1 =	seq.s32 s10, $0x1;
	s10 =	sld [smem:$0x3FBB];
	_ =	sdelay $0x3  }
0x37: {  	[smem:$0x3FBB] =	sst s10  }
0x38: {  	s10 =	sld [smem:$0x3FBC]  }
0x39: {  	_ = 	snop;
	(pc) =	sbr.ind lr, $3  }
0x3a: {  	_ = 	snop  }
0x3b: {  	_ = 	snop  }
0x3c: {  	p2 =	seq.s32 s10, $0x1;
	s10 =	sld [smem:$0x3FBB]  }
0x3d: {  	_ =	shalt  }
0x3e: {  	_ =	shalt  }
0x3f: {  	_ =	shalt  }
0x40: {  	_ =	shalt  }
0x41: {  	_ =	shalt  }
0x42: {  	_ =	shalt  }
0x43: {  	_ =	shalt  }
0x44: {  	_ =	shalt  }
0x45: {  	_ =	shalt  }
0x46: {  	_ =	shalt  }
0x47: {  	_ =	shalt  }
0x48: {  	_ =	shalt  }
0x49: {  	_ =	shalt  }
0x4a: {  	_ =	shalt  }
0x4b: {  	_ =	shalt  }
0x4c: {  	_ =	shalt  }
0x4d: {  	_ =	shalt  }
0x4e: {  	_ =	shalt  }
0x4f: {  	_ =	shalt  }
0x50: {  	_ =	shalt  }
0x51: {  	_ =	shalt  }
0x52: {  	_ =	shalt  }
0x53: {  	_ =	shalt  }
0x54: {  	_ =	shalt  }
0x55: {  	_ =	shalt  }
0x56: {  	_ =	shalt  }
0x57: {  	_ =	shalt  }
0x58: {  	_ =	shalt  }
0x59: {  	_ =	shalt  }
0x5a: {  	_ =	shalt  }
0x5b: {  	_ =	shalt  }
0x5c: {  	_ =	shalt  }
0x5d: {  	_ =	shalt  }
0x5e: {  	_ =	shalt  }
0x5f: {  	_ =	shalt  }
0x60: {  	_ =	shalt  }
0x61: {  	_ =	shalt  }
0x62: {  	_ =	shalt  }
0x63: {  	_ =	shalt  }
0x64: {  	_ =	shalt  }
0x65: {  	_ =	shalt  }
0x66: {  	_ =	shalt  }
0x67: {  	_ =	shalt  }
0x68: {  	_ =	shalt  }
0x69: {  	_ =	shalt  }
0x6a: {  	_ =	shalt  }
0x6b: {  	_ =	shalt  }
0x6c: {  	_ =	shalt  }
0x6d: {  	_ =	shalt  }
0x6e: {  	_ =	shalt  }
0x6f: {  	_ =	shalt  }
0x70: {  	_ =	shalt  }
0x71: {  	_ =	shalt  }
0x72: {  	_ =	shalt  }
0x73: {  	_ =	shalt  }
0x74: {  	_ =	shalt  }
0x75: {  	_ =	shalt  }
0x76: {  	_ =	shalt  }
0x77: {  	_ =	shalt  }
0x78: {  	_ =	shalt  }
0x79: {  	_ =	shalt  }
0x7a: {  	_ =	shalt  }
0x7b: {  	_ =	shalt  }
0x7c: {  	_ =	shalt  }
0x7d: {  	_ =	shalt  }
0x7e: {  	_ =	shalt  }
0x7f: {  	_ =	shalt  }
0x80: {  	_ =	shalt  }
0x81: {  	_ =	shalt  }
0x82: {  	_ =	shalt  }
0x83: {  	_ =	shalt  }
0x84: {  	_ =	shalt  }
0x85: {  	_ =	shalt  }
0x86: {  	_ =	shalt  }
0x87: {  	_ =	shalt  }
.Lfunc_end0:
.L_simem_size_0:
called_computation.1_lowered:
.L_overlay_start_0:
0x88: {  	s2 =	sld [smem:$0x3FD9]  }
0x89: {  	s3 =	sld [smem:$0x3FFE];
	_ =	sdelay $0x1  }
0x8a: {  	s1 =	srdreg.scid  }
0x8b: {  	s0 =	sand.u32 $0x1, s1  }
0x8c: {  	s17 =	sshll.u32 s0, $0xA;
	s2 =	sadd.s32 s3, s2  }
0x8d: {  	s2 =	sadd.s32 s2, s17  }
0x8e: {  	[smem:$0x3FC7] =	sst s2  }
0x8f: {  	_ = 	snop  }
0x90: {  	s2 =	sld [smem:$0x3FD0];
	(tm) =	ssettm $0x1  }
0x91: {  	s18 =	sld [smem:$0x3FFB];
	_ =	sdelay $0x3  }
0x92: {  	_ =	strace s18  }
0x93: {  	s3 =	sld [smem:$0x3FFC];
	_ =	sdelay $0x3  }
0x94: {  	_ =	strace s3  }
0x95: {  	s3 =	sld [smem:$0x3FFD];
	_ =	sdelay $0x3  }
0x96: {  	_ =	strace s3  }
0x97: {  	_ =	strace $0x8FFFFFFF  }
0x98: {  	s19 =	sld [smem:$0x3FDB];
	_ =	sdelay $0x1  }
0x99: {  	s4 =	simm.s32 $_scs_section_size  }
0x9a: {  	s5 =	simm.s32 $_size__tile_overlayer_lowered;
	s6 =	simm.s32 $_tile_overlayer_lowered  }
0x9b: {  	s22 =	simm.s32 $0x1BFF;
	s21 =	sshll.u32 s6, $0x1;
	s3 =	sadd.s32 s4, s19  }
0x9c: {  	s7 =	simm.s32 $0x0;
	s20 =	sshll.u32 s5, $0x1;
	s5 =	sadd.s32 s21, s3  }
0x9d: {  	[timem:s7], [sflag:s22] =	dma.local [hbm:s5], s20  }
0x9e: {  	_ =	swait.ge [sflag:s22], s20  }
0x9f: {  	s4 =	ssub.s32 $0x0, s20;
	[sflag:s22] =	ssyncset.done $0x0  }
0xa0: {  	[sflag:s22] =	ssyncadd.s32 s4;
	_ =	sdelay $0x1  }
0xa1: {  	s23 =	simm.s32 $0x1B8B  }
0xa2: {  	_ =	swait.ge [sflag:s23], $0x1  }
0xa3: {  	[sflag:s23] =	ssyncset.done $0x0  }
0xa4: {  	s25 =	simm.s32 $0x1B8E;
	s24 =	sld [smem:$0x3FFE];
	[sflag:s23] =	ssyncadd.s32 $0xFFFFFFFF  }
0xa5: {  	s26 =	simm.s32 $execute0_lowered;
	[smem:$0x3FD2] =	sst s25  }
0xa6: {  	s5 =	sshll.u32 s26, $0x1;
	_ =	strace $0x80000049;
	[dreg:$0x1] =	wrdreg $0xFFFFFFFF  }
0xa7: {  	s28 =	simm.s32 $_size_execute0_lowered;
	s3 =	sadd.s32 s3, s5;
	[dreg:$0x0] =	wrdreg $0x0  }
0xa8: {  	s5 =	sshll.u32 s28, $0x1;
	[dreg:$0x2] =	wrdreg s3  }
0xa9: {  	[dreg:$0x3] =	wrdreg s5  }
0xaa: {  	[dreg:$0x4] =	wrdreg $0xC0  }
0xab: {  	_ =	task [dreg:s7], $0x5FFFF  }
0xac: {  	[dreg:$0x1] =	wrdreg $0xFFFFFFFF  }
0xad: {  	[dreg:$0x0] =	wrdreg $0x60  }
0xae: {  	[dreg:$0x2] =	wrdreg s24  }
0xaf: {  	[dreg:$0x3] =	wrdreg s2  }
0xb0: {  	[dreg:$0x4] =	wrdreg $0x9  }
0xb1: {  	_ =	task.clear_ibuf [dreg:s7], $0x5FFFF;
	_ =	strace $0x90000049  }
0xb2: {  	s29 =	simm.s32 $0x9;
	_ =	strace $0x8000004B  }
0xb3: {  	_ =	swait.ge [sflag:s29], $0x1  }
0xb4: {  	[sflag:s29] =	ssyncadd.s32 $0xFFFFFFFF  }
0xb5: {  	_ =	strace $0x9000004B  }
0xb6: {  	_ =	sfence  }
0xb7: {  	s30 =	sld [smem:$0x0];
	_ =	sdelay $0x2  }
0xb8: {  	s31 =	sshll.u32 s1, $0xD;
	s1 =	sshrl.u32 s1, $0x2  }
0xb9: {  	s3 =	sand.u32 $0x4000, s31;
	s1 =	sadd.s32 s1, s30  }
0xba: {  	s0 =	sor.u32 s3, s0;
	s1 =	sshll.u32 s1, $0x11  }
0xbb: {  	s0 =	sor.u32 s1, s0  }
0xbc: {  	s0 =	sadd.s32 $0x8F2B, s0  }
0xbd: {  	[sflag:s0] =	ssyncadd.remote.s32 $0x1  }
0xbe: {  	_ =	sfence.sel $0xFFFF  }
0xbf: {  	[dreg:$0x0] =	wrdreg $0xFFFFFFFF;
	(pc) =	sbr.abs _section_cstart, $3  }
0xc0: {  	[dreg:$0x1] =	wrdreg $0xFFFFFFFF  }
0xc1: {  	_ =	task.clear_ibuf [dreg:s7], $0x2FFFF;
	_ =	strace $0x9FFFFFFF  }
0xc2: {  	(tm) =	ssettm $0x7FFFFFFF  }
0xc3: {  	_ =	shalt  }
tec
execute0_lowered:
.L_overlay_start_1:
0x0: {  	(tag) =	ssettag $0x1  }
0x1: {  	s1 =	srdreg.scid;
	s0 =	stileid.u32  }
0x2: {  	s5 =	rddreg [dreg:$0x0];
	s6 =	sand.u32 $0x1, s1;
	s31 =	sshll.u32 s0, $0x1  }
0x3: {  	s3 =	rddreg [dreg:$0x1];
	s1 =	sor.u32 s6, s31  }
0x4: {  	s4 =	simm.s32 $0x0;
	s12 =	simm.s32 $0xA000;
	s2 =	smul.u32 $0x480, s1  }
0x5: {  	s13 =	simm.s32 $0x1;
	s14 =	simm.s32 $0x14000;
	s15 =	simm.s32 $0x3  }
0x6: {  	s16 =	simm.s32 $0x2;
	s17 =	simm.s32 $0x0;
	s7 =	sshrl.u32 s2, $0x3  }
0x7: {  	[smem:$0x7FF] =	sst s4;
	s6 =	ssub.s32 $0x2, s6;
	s8 =	smul.u32 $0x1400, s7  }
.Ltmp0:
0x8: {  	s5 =	sadd.s32 $0x6C0800, s5;
	s9 =	sshrl.u32 s6, $0x1;
	(pc) =	sbr.rel .LBB2_1-.Ltmp0, $4  }
0x9: {  	v0 =	vlaneseq.u32;
	s1 =	rddreg [dreg:$0x2];
	_ =	strace $0x8000004A;
	s11 =	ssub.s32 s6, s9  }
0xa: {  	v1 =	vmul.u32 $0xFFFFFFFF, v0;
	s9 =	sor.u32 $0x40, s2;
	s7 =	smul.u32 $0x280, s7;
	s8 =	sshrl.u32 s8, $0x3  }
0xb: {  	s10 =	sadd.s32 $0xC0, s2;
	s11 =	smax.u32 s11, $0x1;
	s8 =	sadd.s32 s5, s8  }
0xc: {  	v1 =	vadd.s32 $0xF, v1;
	s6 =	sadd.s32 s5, s7;
	s7 =	sadd.s32 $0x1400, s8;
	s8 =	sadd.s32 $0x80, s2  }
.LBB2_8:
0xd: {  	s17 =	sadd.s32 $0x1, s17  }
0xe: {  	p0 =	sne.s32 s17, s11  }
.Ltmp1:
0xf: {  	_ = 	snop;
	(pc) =	sbr.rel @!p0 .LBB2_9-.Ltmp1, $1  }
0x10: {  	_ =	sdelay $0x3  }
.LBB2_1:
0x11: {  	[tilespmem:s4], [sflag:$0x1] =	stream.linear.gather [hbm4b:s6+s4], $0xA000, $0x38;
	[tilespmem:$0x14080] =	vst v63  }
0x12: {  	s18 =	simm.s32 $0x0  }
0x13: {  	[tilespmem:s12], [sflag:$0x2] =	stream.linear.gather [hbm4b:s7+s4], $0xA000, $0x38;
	[tilespmem:$0x14080] =	vst v63  }
.LBB2_2:
0x14: {  	s19 =	simm.s32 $0x0  }
0x15: {  	s20 =	smul.u32 $0x5000, s19  }
0x16: {  	_ =	swait.ge [sflag:s13], $0xA000;
	s26 =	simm.s32 $0x0  }
0x17: {  	[sflag:s13] =	ssyncset.done $0x0;
	s21 =	sand.u32 $0x380, s26;
	s20 =	sshra.s32 s20, $0x2  }
0x18: {  	[sflag:s13] =	ssyncadd.s32 $0xFFFF6000;
	s20 =	sor.u32 s21, s20  }
0x19: {  	v2 =	vld [tilespmem:s20+$0x0]  }
0x1a: {  	v3 =	vld [tilespmem:s20+$0x10]  }
0x1b: {  	v4 =	vld [tilespmem:s20+$0x30]  }
0x1c: {  	v5 =	vld [tilespmem:s20+$0x20]  }
0x1d: {  	v6 =	vld [tilespmem:s20+$0x50]  }
0x1e: {  	v7 =	vld [tilespmem:s20+$0x40];
	(xrf1) =	vsort.ascd.msk.f32 $0xffff, v2, v2  }
0x1f: {  	v13 =	vld [tilespmem:s20+$0x400];
	(xrf1) =	vsort.ascd.msk.f32 $0xffff, v3, v3  }
0x20: {  	v2 =	vld [tilespmem:s20+$0x410];
	(xrf1) =	vsort.ascd.msk.f32 $0xffff, v4, v4  }
0x21: {  	v3 =	vld [tilespmem:s20+$0x810];
	(xrf1) =	vsort.ascd.msk.f32 $0xffff, v5, v5  }
0x22: {  	v5 =	vld [tilespmem:s20+$0x800];
	(xrf1) =	vsort.ascd.msk.f32 $0xffff, v6, v6;
	_ =	sdelay $0x1  }
0x23: {  	(xrf1) =	vsort.ascd.msk.f32 $0xffff, v7, v7  }
0x24: {  	(xrf1) =	vsort.ascd.msk.f32 $0xffff, v2, v2  }
0x25: {  	(xrf1) =	vsort.ascd.msk.f32 $0xffff, v3, v3  }
0x26: {  	(xrf1) =	vsort.ascd.msk.f32 $0xffff, v13, v13  }
0x27: {  	(xrf1) =	vsort.ascd.msk.f32 $0xffff, v5, v5  }
0x28: {  	v3 =	vld [tilespmem:s20+$0x70];
	_ =	sdelay $0x1  }
0x29: {  	v14 =	vld [tilespmem:s20+$0x60]  }
0x2a: {  	v2, _, _ =	vpop (xrf1)  }
0x2b: {  	v15, _, _ =	vpop (xrf1)  }
0x2c: {  	(xrf1) =	vsort.ascd.msk.f32 $0xffff, v3, v3;
	v4 =	vperm.xlane v15, v1;
	v3, _, _ =	vpop (xrf1)  }
0x2d: {  	v3 =	vperm.xlane v3, v1;
	v16, _, _ =	vpop (xrf1)  }
0x2e: {  	(xrf1) =	vsort.ascd.msk.f32 $0xffff, v14, v14;
	v17 =	vmax.f32 v2, v4;
	v18, _, _ =	vpop (xrf1)  }
0x2f: {  	v8 =	vmax.f32 v16, v3;
	v7 =	vperm.xlane v18, v1;
	v3 =	vmin.f32 v16, v3  }
0x30: {  	(xrf1) =	vsort.ascd.msk.f32 $0xffff, v17, v17;
	v9, _, _ =	vpop (xrf1)  }
0x31: {  	(xrf1) =	vsort.ascd.msk.f32 $0xffff, v8, v8;
	v19, _, _ =	vpop (xrf1)  }
0x32: {  	v10 =	vld [tilespmem:s20+$0x420];
	v20 =	vmax.f32 v9, v7;
	v5 =	vperm.xlane v19, v1;
	(xrf1) =	vsort.ascd.msk.f32 $0xffff, v3, v3;
	v3, _, _ =	vpop (xrf1)  }
0x33: {  	v11 =	vld [tilespmem:s20+$0x440];
	v9 =	vmin.f32 v9, v7;
	(xrf1) =	vsort.ascd.msk.f32 $0xffff, v20, v20;
	v6 =	vperm.xlane v3, v1;
	v7, _, _ =	vpop (xrf1)  }
0x34: {  	v12 =	vld [tilespmem:s20+$0x820];
	(xrf1) =	vsort.ascd.msk.f32 $0xffff, v9, v9;
	v3 =	vmax.f32 v7, v5;
	v8, _, _ =	vpop (xrf1)  }
0x35: {  	v13 =	vld [tilespmem:s20+$0x840];
	v21 =	vmax.f32 v8, v6;
	(xrf1) =	vsort.ascd.msk.f32 $0xffff, v3, v3  }
0x36: {  	v3 =	vld [tilespmem:s20+$0x430];
	(xrf1) =	vsort.ascd.msk.f32 $0xffff, v21, v21  }
0x37: {  	v22 =	vld [tilespmem:s20+$0xC00];
	(xrf1) =	vsort.ascd.msk.f32 $0xffff, v10, v10  }
0x38: {  	v23 =	vld [tilespmem:s20+$0x450];
	(xrf1) =	vsort.ascd.msk.f32 $0xffff, v11, v11  }
0x39: {  	(xrf1) =	vsort.ascd.msk.f32 $0xffff, v12, v12  }
0x3a: {  	v24 =	vld [tilespmem:s20+$0x830];
	v25, _, _ =	vpop (xrf1);
	(xrf1) =	vsort.ascd.msk.f32 $0xffff, v13, v13  }
0x3b: {  	v26 =	vld [tilespmem:s20+$0x850];
	v12 =	vperm.xlane v25, v1;
	(xrf1) =	vsort.ascd.msk.f32 $0xffff, v3, v3  }
0x3c: {  	v14 =	vld [tilespmem:s20+$0xC10];
	v15, _, _ =	vpop (xrf1);
	(xrf1) =	vsort.ascd.msk.f32 $0xffff, v22, v22  }
0x3d: {  	v27 =	vld [tilespmem:s20+$0x460];
	v3 =	vmax.f32 v15, v12;
	(xrf1) =	vsort.ascd.msk.f32 $0xffff, v23, v23  }
0x3e: {  	v28 =	vld [tilespmem:s20+$0x470];
	v16, _, _ =	vpop (xrf1);
	(xrf1) =	vsort.ascd.msk.f32 $0xffff, v3, v3  }
0x3f: {  	v17 =	vld [tilespmem:s20+$0x860];
	v18, _, _ =	vpop (xrf1);
	(xrf1) =	vsort.ascd.msk.f32 $0xffff, v24, v24  }
0x40: {  	v29 =	vld [tilespmem:s20+$0x870];
	v3, _, _ =	vpop (xrf1);
	(xrf1) =	vsort.ascd.msk.f32 $0xffff, v26, v26  }
0x41: {  	v30 =	vld [tilespmem:s20+$0xC30];
	v19, _, _ =	vpop (xrf1);
	(xrf1) =	vsort.ascd.msk.f32 $0xffff, v14, v14  }
0x42: {  	v31 =	vld [tilespmem:s20+$0xC70];
	v20, _, _ =	vpop (xrf1);
	(xrf1) =	vsort.ascd.msk.f32 $0xffff, v27, v27  }
0x43: {  	v32 =	vld [tilespmem:s20+$0xC50];
	v21, _, _ =	vpop (xrf1);
	(xrf1) =	vsort.ascd.msk.f32 $0xffff, v28, v28  }
0x44: {  	v33 =	vld [tilespmem:s20+$0xC60];
	v22, _, _ =	vpop (xrf1);
	(xrf1) =	vsort.ascd.msk.f32 $0xffff, v17, v17  }
0x45: {  	v34 =	vld [tilespmem:s20+$0xC20];
	v23, _, _ =	vpop (xrf1);
	(xrf1) =	vsort.ascd.msk.f32 $0xffff, v29, v29  }
0x46: {  	v35 =	vld [tilespmem:s20+$0xC40];
	v24, _, _ =	vpop (xrf1);
	(xrf1) =	vsort.ascd.msk.f32 $0xffff, v30, v30  }
0x47: {  	v36, _, _ =	vpop (xrf1);
	(xrf1) =	vsort.ascd.msk.f32 $0xffff, v31, v31  }
0x48: {  	v37, _, _ =	vpop (xrf1);
	(xrf1) =	vsort.ascd.msk.f32 $0xffff, v32, v32  }
0x49: {  	v38, _, _ =	vpop (xrf1);
	(xrf1) =	vsort.ascd.msk.f32 $0xffff, v33, v33  }
0x4a: {  	v9 =	vperm.xlane v38, v1;
	v39, _, _ =	vpop (xrf1);
	(xrf1) =	vsort.ascd.msk.f32 $0xffff, v34, v34  }
0x4b: {  	v12 =	vmin.f32 v15, v12;
	v40, _, _ =	vpop (xrf1);
	(xrf1) =	vsort.ascd.msk.f32 $0xffff, v35, v35  }
0x4c: {  	v41 =	vmax.f32 v23, v9;
	v15 =	vperm.xlane v40, v1;
	v42, _, _ =	vpop (xrf1);
	(xrf1) =	vsort.ascd.msk.f32 $0xffff, v12, v12  }
0x4d: {  	v9 =	vmin.f32 v23, v9;
	(xrf1) =	vsort.ascd.msk.f32 $0xffff, v41, v41;
	v43, _, _ =	vpop (xrf1)  }
0x4e: {  	v44 =	vmax.f32 v24, v15;
	v11 =	vperm.xlane v43, v1;
	(xrf1) =	vsort.ascd.msk.f32 $0xffff, v9, v9;
	v45, _, _ =	vpop (xrf1)  }
0x4f: {  	v15 =	vmin.f32 v24, v15;
	(xrf1) =	vsort.ascd.msk.f32 $0xffff, v44, v44;
	v46, _, _ =	vpop (xrf1)  }
0x50: {  	v9 =	vperm.xlane v45, v1;
	v47 =	vmax.f32 v36, v11;
	(xrf1) =	vsort.ascd.msk.f32 $0xffff, v15, v15;
	v48, _, _ =	vpop (xrf1)  }
0x51: {  	v11 =	vmin.f32 v36, v11;
	v12 =	vperm.xlane v46, v1;
	v49, _, _ =	vpop (xrf1);
	(xrf1) =	vsort.ascd.msk.f32 $0xffff, v47, v47  }
0x52: {  	v50 =	vmax.f32 v37, v9;
	v13 =	vperm.xlane v49, v1;
	(xrf1) =	vsort.ascd.msk.f32 $0xffff, v11, v11;
	v51, _, _ =	vpop (xrf1)  }
0x53: {  	v52 =	vmax.f32 v39, v12;
	(xrf1) =	vsort.ascd.msk.f32 $0xffff, v50, v50;
	v53, _, _ =	vpop (xrf1)  }
0x54: {  	v25 =	vmax.f32 v48, v13;
	v23 =	vperm.xlane v53, v1;
	(xrf1) =	vsort.ascd.msk.f32 $0xffff, v52, v52;
	v54, _, _ =	vpop (xrf1)  }
0x55: {  	v13 =	vmin.f32 v48, v13;
	(xrf1) =	vsort.ascd.msk.f32 $0xffff, v25, v25;
	v55, _, _ =	vpop (xrf1)  }
0x56: {  	v56 =	vmax.f32 v51, v23;
	v15 =	vperm.xlane v55, v1;
	(xrf1) =	vsort.ascd.msk.f32 $0xffff, v13, v13;
	v57, _, _ =	vpop (xrf1)  }
0x57: {  	v58 =	vperm.xlane v54, v1;
	v11 =	vmin.f32 v51, v23;
	(xrf1) =	vsort.ascd.msk.f32 $0xffff, v56, v56;
	v59, _, _ =	vpop (xrf1)  }
0x58: {  	v13 =	vperm.xlane v57, v1;
	v60 =	vmax.f32 v59, v15;
	(xrf1) =	vsort.ascd.msk.f32 $0xffff, v11, v11;
	v61, _, _ =	vpop (xrf1)  }
0x59: {  	v26 =	vmax.f32 v61, v58;
	v27, _, _ =	vpop (xrf1);
	(xrf1) =	vsort.ascd.msk.f32 $0xffff, v60, v60  }
0x5a: {  	v62 =	vmax.f32 v27, v13;
	v28, _, _ =	vpop (xrf1);
	(xrf1) =	vsort.ascd.msk.f32 $0xffff, v26, v26  }
0x5b: {  	v15 =	vmin.f32 v59, v15;
	v63, _, _ =	vpop (xrf1);
	(xrf1) =	vsort.ascd.msk.f32 $0xffff, v62, v62  }
0x5c: {  	v11 =	vmin.f32 v61, v58;
	v26, _, _ =	vpop (xrf1);
	(xrf1) =	vsort.ascd.msk.f32 $0xffff, v15, v15  }
0x5d: {  	v13 =	vmin.f32 v27, v13;
	v29, _, _ =	vpop (xrf1);
	(xrf1) =	vsort.ascd.msk.f32 $0xffff, v11, v11  }
0x5e: {  	v9 =	vmin.f32 v37, v9;
	v30, _, _ =	vpop (xrf1);
	(xrf1) =	vsort.ascd.msk.f32 $0xffff, v13, v13  }
0x5f: {  	v2 =	vmin.f32 v2, v4;
	v10 =	vmin.f32 v39, v12;
	v31, _, _ =	vpop (xrf1);
	(xrf1) =	vsort.ascd.msk.f32 $0xffff, v9, v9  }
0x60: {  	v5 =	vmin.f32 v7, v5;
	v35 =	vperm.xlane v42, v1;
	v32, _, _ =	vpop (xrf1);
	(xrf1) =	vsort.ascd.msk.f32 $0xffff, v10, v10  }
0x61: {  	v6 =	vmin.f32 v8, v6;
	v33 =	vperm.xlane v18, v1;
	(xrf1) =	vsort.ascd.msk.f32 $0xffff, v5, v5;
	v34, _, _ =	vpop (xrf1)  }
0x62: {  	v4 =	vmax.f32 v19, v35;
	(xrf1) =	vsort.ascd.msk.f32 $0xffff, v6, v6;
	v36, _, _ =	vpop (xrf1)  }
0x63: {  	v37 =	vmax.f32 v16, v33;
	v38 =	vperm.xlane v28, v1;
	(xrf1) =	vsort.ascd.msk.f32 $0xffff, v2, v2;
	v2, _, _ =	vpop (xrf1)  }
0x64: {  	v39 =	vperm.xlane v63, v1;
	(xrf1) =	vsort.ascd.msk.f32 $0xffff, v37, v37;
	v40, _, _ =	vpop (xrf1);
	v2 =	vperm.xlane v2, v1  }
0x65: {  	v9 =	vmin.f32 v20, v38;
	v12 =	vperm.xlane v31, v1;
	(xrf1) =	vsort.ascd.msk.f32 $0xffff, v4, v4;
	v41, _, _ =	vpop (xrf1)  }
0x66: {  	v10 =	vmax.f32 v21, v39;
	(xrf1) =	vsort.ascd.msk.f32 $0xffff, v9, v9;
	v42, _, _ =	vpop (xrf1);
	v2 =	vmax.f32 v29, v2  }
0x67: {  	v12 =	vmax.f32 v22, v12;
	(xrf1) =	vsort.ascd.msk.f32 $0xffff, v10, v10;
	v43, _, _ =	vpop (xrf1)  }
0x68: {  	v8 =	vperm.xlane v40, v1;
	(xrf1) =	vsort.ascd.msk.f32 $0xffff, v12, v12;
	v44, _, _ =	vpop (xrf1)  }
0x69: {  	v10 =	vperm.xlane v43, v1;
	(xrf1) =	vsort.ascd.msk.f32 $0xffff, v2, v2;
	v2, _, _ =	vpop (xrf1)  }
0x6a: {  	v51 =	vperm.xlane v26, v1;
	v4 =	vperm.xlane v41, v1;
	v8 =	vmin.f32 v30, v8;
	v46, _, _ =	vpop (xrf1)  }
0x6b: {  	v45 =	vperm.xlane v44, v1;
	v2 =	vmax.f32 v2, v10;
	(xrf1) =	vsort.ascd.msk.f32 $0xffff, v8, v8;
	v48, _, _ =	vpop (xrf1)  }
0x6c: {  	v4 =	vmax.f32 v34, v4;
	v47 =	vperm.xlane v46, v1;
	(xrf1) =	vsort.ascd.msk.f32 $0xffff, v2, v2;
	v49, _, _ =	vpop (xrf1)  }
0x6d: {  	v2 =	vperm.xlane v42, v1;
	v6 =	vmax.f32 v36, v45;
	(xrf1) =	vsort.ascd.msk.f32 $0xffff, v4, v4;
	v50, _, _ =	vpop (xrf1)  }
0x6e: {  	v8 =	vperm.xlane v48, v1;
	v4 =	vmin.f32 v49, v47;
	(xrf1) =	vsort.ascd.msk.f32 $0xffff, v6, v6;
	v52, _, _ =	vpop (xrf1)  }
0x6f: {  	v3 =	vperm.xlane v3, v1;
	v2 =	vmin.f32 v50, v2;
	(xrf1) =	vsort.ascd.msk.f32 $0xffff, v4, v4;
	v54, _, _ =	vpop (xrf1)  }
0x70: {  	v5 =	vmin.f32 v52, v8;
	(xrf1) =	vsort.ascd.msk.f32 $0xffff, v2, v2;
	v2 =	vmin.f32 v54, v51;
	v55, _, _ =	vpop (xrf1)  }
0x71: {  	v53 =	vperm.xlane v32, v1;
	(xrf1) =	vsort.ascd.msk.f32 $0xffff, v5, v5;
	v56, _, _ =	vpop (xrf1)  }
0x72: {  	(xrf1) =	vsort.ascd.msk.f32 $0xffff, v2, v2;
	v3 =	vmin.f32 v56, v3  }
0x73: {  	v4 =	vmin.f32 v55, v53;
	v2, _, _ =	vpop (xrf1)  }
0x74: {  	v57 =	vld [tilespmem:s20+$0x1000];
	(xrf1) =	vsort.ascd.msk.f32 $0xffff, v4, v4;
	v58, _, _ =	vpop (xrf1)  }
0x75: {  	v59 =	vld [tilespmem:s20+$0x1010];
	(xrf1) =	vsort.ascd.msk.f32 $0xffff, v3, v3;
	v3, _, _ =	vpop (xrf1)  }
0x76: {  	v60 =	vld [tilespmem:s20+$0x1020];
	v61, _, _ =	vpop (xrf1)  }
0x77: {  	v62 =	vld [tilespmem:s20+$0x1030];
	v63, _, _ =	vpop (xrf1)  }
0x78: {  	v18 =	vperm.xlane v58, v1;
	v16, _, _ =	vpop (xrf1)  }
0x79: {  	(xrf1) =	vsort.ascd.msk.f32 $0xffff, v57, v57;
	v17, _, _ =	vpop (xrf1)  }
0x7a: {  	v2 =	vmax.f32 v2, v18;
	(xrf1) =	vsort.ascd.msk.f32 $0xffff, v59, v59;
	v19, _, _ =	vpop (xrf1)  }
0x7b: {  	(xrf1) =	vsort.ascd.msk.f32 $0xffff, v60, v60;
	v5 =	vperm.xlane v19, v1;
	v20, _, _ =	vpop (xrf1)  }
0x7c: {  	v21 =	vperm.xlane v16, v1;
	(xrf1) =	vsort.ascd.msk.f32 $0xffff, v62, v62;
	v22, _, _ =	vpop (xrf1)  }
0x7d: {  	v6 =	vperm.xlane v20, v1;
	(xrf1) =	vsort.ascd.msk.f32 $0xffff, v2, v2;
	v5 =	vmax.f32 v22, v5;
	v2, _, _ =	vpop (xrf1)  }
0x7e: {  	v4 =	vmax.f32 v61, v21;
	v23, _, _ =	vpop (xrf1);
	(xrf1) =	vsort.ascd.msk.f32 $0xffff, v5, v5  }
0x7f: {  	v2 =	vperm.xlane v2, v1;
	v6 =	vmax.f32 v63, v6;
	(xrf1) =	vsort.ascd.msk.f32 $0xffff, v4, v4;
	v25, _, _ =	vpop (xrf1)  }
0x80: {  	v24 =	vperm.xlane v17, v1;
	v26, _, _ =	vpop (xrf1);
	(xrf1) =	vsort.ascd.msk.f32 $0xffff, v6, v6  }
0x81: {  	v7 =	vperm.xlane v23, v1;
	v2 =	vmin.f32 v25, v2  }
0x82: {  	v4 =	vmin.f32 v26, v24;
	v27, _, _ =	vpop (xrf1);
	(xrf1) =	vsort.ascd.msk.f32 $0xffff, v2, v2;
	v2 =	vperm.xlane v3, v1  }
0x83: {  	v3 =	vmin.f32 v27, v7;
	(xrf1) =	vsort.ascd.msk.f32 $0xffff, v4, v4;
	v28, _, _ =	vpop (xrf1)  }
0x84: {  	(xrf1) =	vsort.ascd.msk.f32 $0xffff, v3, v3;
	v2 =	vmin.f32 v28, v2;
	_ =	sdelay $0x1  }
0x85: {  	(xrf1) =	vsort.ascd.msk.f32 $0xffff, v2, v2  }
0x86: {  	v2, _, _ =	vpop (xrf1)  }
0x87: {  	v3, _, _ =	vpop (xrf1)  }
0x88: {  	v29, _, _ =	vpop (xrf1)  }
0x89: {  	v30, _, _ =	vpop (xrf1)  }
0x8a: {  	v31, _, _ =	vpop (xrf1)  }
0x8b: {  	v3 =	vperm.xlane v3, v1;
	v32, _, _ =	vpop (xrf1)  }
0x8c: {  	v7 =	vperm.xlane v32, v1;
	v33, _, _ =	vpop (xrf1)  }
0x8d: {  	v34 =	vmax.f32 v2, v3;
	v5 =	vperm.xlane v30, v1;
	v35, _, _ =	vpop (xrf1)  }
0x8e: {  	(xrf1) =	vsort.ascd.msk.f32 $0xffff, v34, v34;
	v8 =	vperm.xlane v33, v1;
	v7 =	vmax.f32 v35, v7  }
0x8f: {  	v38 =	vmax.f32 v29, v5;
	v36, _, _ =	vpop (xrf1);
	(xrf1) =	vsort.ascd.msk.f32 $0xffff, v7, v7  }
0x90: {  	v37 =	vperm.xlane v36, v1;
	v39, _, _ =	vpop (xrf1);
	v6 =	vmax.f32 v31, v8;
	(xrf1) =	vsort.ascd.msk.f32 $0xffff, v38, v38  }
0x91: {  	v40, _, _ =	vpop (xrf1);
	(xrf1) =	vsort.ascd.msk.f32 $0xffff, v6, v6  }
0x92: {  	v41 =	vperm.xlane v39, v1;
	v7 =	vmin.f32 v40, v37  }
0x93: {  	v4 =	vmin.f32 v29, v5;
	v42, _, _ =	vpop (xrf1);
	(xrf1) =	vsort.ascd.msk.f32 $0xffff, v7, v7  }
0x94: {  	v5 =	vmin.f32 v42, v41;
	(xrf1) =	vsort.ascd.msk.f32 $0xffff, v4, v4  }
0x95: {  	(xrf1) =	vsort.ascd.msk.f32 $0xffff, v5, v5  }
0x96: {  	v2 =	vmin.f32 v2, v3  }
0x97: {  	(xrf1) =	vsort.ascd.msk.f32 $0xffff, v2, v2;
	_ =	sdelay $0x4  }
0x98: {  	v2, _, _ =	vpop (xrf1)  }
0x99: {  	v3, _, _ =	vpop (xrf1)  }
0x9a: {  	v43, _, _ =	vpop (xrf1);
	v3 =	vperm.xlane v3, v1  }
0x9b: {  	v44, _, _ =	vpop (xrf1)  }
0x9c: {  	v4 =	vperm.xlane v43, v1;
	v3 =	vmax.f32 v44, v3  }
0x9d: {  	v45, _, _ =	vpop (xrf1)  }
0x9e: {  	v46 =	vperm.xlane v45, v1;
	v47, _, _ =	vpop (xrf1);
	v2 =	vmax.f32 v2, v4  }
0x9f: {  	(xrf1) =	vsort.ascd.msk.f32 $0xffff, v3, v3;
	v3, _, _ =	vpop (xrf1)  }
0xa0: {  	v48 =	vperm.xlane v47, v1;
	(xrf1) =	vsort.ascd.msk.f32 $0xffff, v2, v2;
	v3 =	vmin.f32 v3, v46  }
0xa1: {  	v2, _, _ =	vpop (xrf1);
	(xrf1) =	vsort.ascd.msk.f32 $0xffff, v3, v3  }
0xa2: {  	v2 =	vmin.f32 v2, v48  }
0xa3: {  	(xrf1) =	vsort.ascd.msk.f32 $0xffff, v2, v2;
	_ =	sdelay $0x9  }
0xa4: {  	v2, _, _ =	vpop (xrf1)  }
0xa5: {  	v3, _, _ =	vpop (xrf1)  }
0xa6: {  	v2 =	vperm.xlane v2, v1;
	v49, _, _ =	vpop (xrf1)  }
0xa7: {  	v4 =	vperm.xlane v49, v1  }
0xa8: {  	v2 =	vmax.f32 v3, v2;
	v3, _, _ =	vpop (xrf1)  }
0xa9: {  	(xrf1) =	vsort.ascd.msk.f32 $0xffff, v2, v2;
	v2 =	vmin.f32 v3, v4  }
0xaa: {  	(xrf1) =	vsort.ascd.msk.f32 $0xffff, v2, v2;
	_ =	sdelay $0xc  }
0xab: {  	v2, _, _ =	vpop (xrf1)  }
0xac: {  	(xrf2) =	vadd.scan.msk.f32 $0xffff, v2;
	v2, _, _ =	vpop (xrf1)  }
0xad: {  	(xrf2) =	vadd.scan.msk.f32 $0xffff, v2;
	_ =	sdelay $0x8  }
0xae: {  	v2, _, _ =	vpop (xrf2)  }
0xaf: {  	(v2sf) =	vpush v2, $0xF;
	v2, _, _ =	vpop (xrf2)  }
0xb0: {  	(v2sf) =	vpush v2, $0xF;
	_ =	sdelay $0xd  }
0xb1: {  	s28 =	spop (v2sf)  }
0xb2: {  	s29 =	spop (v2sf)  }
0xb3: {  	s22 =	simm.s32 $0x0;
	s20 =	sadd.f32 s29, s28  }
0xb4: {  	s30 =	smul.u32 $0x5000, s22;
	s31 =	sand.u32 $0xF, s26  }
0xb5: {  	s19 =	simm.s32 $0x80;
	v2 =	vmov s31;
	s23 =	smul.f32 $3.125000000e-02, s20  }
0xb6: {  	s24 =	sand.u32 $0x380, s19;
	v3 =	vimm.f32 $0.0e+00;
	vm0 =	veq.s32 v2, v0  }
0xb7: {  	p0 =	sne.s32 s31, $0xF;
	s21 =	sshra.s32 s30, $0x2;
	s20 =	simm.s32 $0x13FF1;
	v2 =	vsel vm0, s23, v3  }
0xb8: {  	s21 =	sor.u32 s24, s21;
	[tilespmem:s20+$0x0] =	vst @!p0 v2  }
0xb9: {  	v3 =	vld [tilespmem:s21+$0x0]  }
0xba: {  	v50 =	vld [tilespmem:s21+$0x10]  }
0xbb: {  	v51 =	vld [tilespmem:s21+$0x30]  }
0xbc: {  	v52 =	vld [tilespmem:s21+$0x20]  }
0xbd: {  	v53 =	vld [tilespmem:s21+$0x50]  }
0xbe: {  	(xrf1) =	vsort.ascd.msk.f32 $0xffff, v3, v3  }
0xbf: {  	v54 =	vld [tilespmem:s21+$0x40];
	(xrf1) =	vsort.ascd.msk.f32 $0xffff, v50, v50  }
0xc0: {  	v3 =	vld [tilespmem:s21+$0x410];
	(xrf1) =	vsort.ascd.msk.f32 $0xffff, v51, v51  }
0xc1: {  	v55 =	vld [tilespmem:s21+$0x810];
	(xrf1) =	vsort.ascd.msk.f32 $0xffff, v52, v52  }
0xc2: {  	v56 =	vld [tilespmem:s21+$0x400];
	(xrf1) =	vsort.ascd.msk.f32 $0xffff, v53, v53  }
0xc3: {  	v57 =	vld [tilespmem:s21+$0x800]  }
0xc4: {  	(xrf1) =	vsort.ascd.msk.f32 $0xffff, v54, v54  }
0xc5: {  	(xrf1) =	vsort.ascd.msk.f32 $0xffff, v3, v3  }
0xc6: {  	(xrf1) =	vsort.ascd.msk.f32 $0xffff, v55, v55  }
0xc7: {  	(xrf1) =	vsort.ascd.msk.f32 $0xffff, v56, v56  }
0xc8: {  	(xrf1) =	vsort.ascd.msk.f32 $0xffff, v57, v57  }
0xc9: {  	v58 =	vld [tilespmem:s21+$0x70];
	_ =	sdelay $0x1  }
0xca: {  	v59 =	vld [tilespmem:s21+$0x60]  }
0xcb: {  	v3, _, _ =	vpop (xrf1)  }
0xcc: {  	v60, _, _ =	vpop (xrf1)  }
0xcd: {  	(xrf1) =	vsort.ascd.msk.f32 $0xffff, v58, v58;
	v61, _, _ =	vpop (xrf1)  }
0xce: {  	v5 =	vperm.xlane v60, v1;
	v62, _, _ =	vpop (xrf1)  }
0xcf: {  	(xrf1) =	vsort.ascd.msk.f32 $0xffff, v59, v59;
	v4 =	vperm.xlane v61, v1;
	v12, _, _ =	vpop (xrf1)  }
0xd0: {  	v63 =	vmax.f32 v3, v5;
	v8 =	vperm.xlane v12, v1  }
0xd1: {  	v13 =	vmax.f32 v62, v4;
	(xrf1) =	vsort.ascd.msk.f32 $0xffff, v63, v63;
	v14, _, _ =	vpop (xrf1)  }
0xd2: {  	v4 =	vmin.f32 v62, v4;
	(xrf1) =	vsort.ascd.msk.f32 $0xffff, v13, v13;
	v15, _, _ =	vpop (xrf1)  }
0xd3: {  	v17 =	vld [tilespmem:s21+$0x420];
	v16 =	vmax.f32 v14, v8;
	v6 =	vperm.xlane v15, v1;
	(xrf1) =	vsort.ascd.msk.f32 $0xffff, v4, v4;
	v18, _, _ =	vpop (xrf1)  }
0xd4: {  	v19 =	vld [tilespmem:s21+$0x440];
	v10 =	vmin.f32 v14, v8;
	v7 =	vperm.xlane v18, v1;
	(xrf1) =	vsort.ascd.msk.f32 $0xffff, v16, v16;
	v8, _, _ =	vpop (xrf1)  }
0xd5: {  	v21 =	vld [tilespmem:s21+$0x820];
	(xrf1) =	vsort.ascd.msk.f32 $0xffff, v10, v10;
	v20 =	vmax.f32 v8, v6;
	v9, _, _ =	vpop (xrf1)  }
0xd6: {  	v23 =	vld [tilespmem:s21+$0x840];
	v22 =	vmax.f32 v9, v7;
	(xrf1) =	vsort.ascd.msk.f32 $0xffff, v20, v20  }
0xd7: {  	v24 =	vld [tilespmem:s21+$0x430];
	(xrf1) =	vsort.ascd.msk.f32 $0xffff, v22, v22  }
0xd8: {  	v25 =	vld [tilespmem:s21+$0xC00];
	(xrf1) =	vsort.ascd.msk.f32 $0xffff, v17, v17  }
0xd9: {  	v26 =	vld [tilespmem:s21+$0x450];
	(xrf1) =	vsort.ascd.msk.f32 $0xffff, v19, v19  }
0xda: {  	(xrf1) =	vsort.ascd.msk.f32 $0xffff, v21, v21  }
0xdb: {  	v27 =	vld [tilespmem:s21+$0x830];
	v28, _, _ =	vpop (xrf1);
	(xrf1) =	vsort.ascd.msk.f32 $0xffff, v23, v23  }
0xdc: {  	v29 =	vld [tilespmem:s21+$0x850];
	v13 =	vperm.xlane v28, v1;
	(xrf1) =	vsort.ascd.msk.f32 $0xffff, v24, v24  }
0xdd: {  	v30 =	vld [tilespmem:s21+$0xC10];
	v31, _, _ =	vpop (xrf1);
	(xrf1) =	vsort.ascd.msk.f32 $0xffff, v25, v25  }
0xde: {  	v33 =	vld [tilespmem:s21+$0x460];
	v32 =	vmax.f32 v31, v13;
	(xrf1) =	vsort.ascd.msk.f32 $0xffff, v26, v26  }
0xdf: {  	v34 =	vld [tilespmem:s21+$0x470];
	v17, _, _ =	vpop (xrf1);
	(xrf1) =	vsort.ascd.msk.f32 $0xffff, v32, v32  }
0xe0: {  	v35 =	vld [tilespmem:s21+$0x860];
	v19, _, _ =	vpop (xrf1);
	(xrf1) =	vsort.ascd.msk.f32 $0xffff, v27, v27  }
0xe1: {  	v36 =	vld [tilespmem:s21+$0x870];
	v4, _, _ =	vpop (xrf1);
	(xrf1) =	vsort.ascd.msk.f32 $0xffff, v29, v29  }
0xe2: {  	v37 =	vld [tilespmem:s21+$0xC30];
	v20, _, _ =	vpop (xrf1);
	(xrf1) =	vsort.ascd.msk.f32 $0xffff, v30, v30  }
0xe3: {  	v38 =	vld [tilespmem:s21+$0xC70];
	v21, _, _ =	vpop (xrf1);
	(xrf1) =	vsort.ascd.msk.f32 $0xffff, v33, v33  }
0xe4: {  	v39 =	vld [tilespmem:s21+$0xC50];
	v22, _, _ =	vpop (xrf1);
	(xrf1) =	vsort.ascd.msk.f32 $0xffff, v34, v34  }
0xe5: {  	v40 =	vld [tilespmem:s21+$0xC60];
	v23, _, _ =	vpop (xrf1);
	(xrf1) =	vsort.ascd.msk.f32 $0xffff, v35, v35  }
0xe6: {  	v41 =	vld [tilespmem:s21+$0xC20];
	v42, _, _ =	vpop (xrf1);
	(xrf1) =	vsort.ascd.msk.f32 $0xffff, v36, v36  }
0xe7: {  	v43 =	vld [tilespmem:s21+$0xC40];
	v44, _, _ =	vpop (xrf1);
	(xrf1) =	vsort.ascd.msk.f32 $0xffff, v37, v37  }
0xe8: {  	v45, _, _ =	vpop (xrf1);
	(xrf1) =	vsort.ascd.msk.f32 $0xffff, v38, v38  }
0xe9: {  	v46, _, _ =	vpop (xrf1);
	(xrf1) =	vsort.ascd.msk.f32 $0xffff, v39, v39  }
0xea: {  	v47, _, _ =	vpop (xrf1);
	(xrf1) =	vsort.ascd.msk.f32 $0xffff, v40, v40  }
0xeb: {  	v10 =	vperm.xlane v47, v1;
	v48, _, _ =	vpop (xrf1);
	(xrf1) =	vsort.ascd.msk.f32 $0xffff, v41, v41  }
0xec: {  	v13 =	vmin.f32 v31, v13;
	v49, _, _ =	vpop (xrf1);
	(xrf1) =	vsort.ascd.msk.f32 $0xffff, v43, v43  }
0xed: {  	v50 =	vmax.f32 v42, v10;
	v16 =	vperm.xlane v49, v1;
	v51, _, _ =	vpop (xrf1);
	(xrf1) =	vsort.ascd.msk.f32 $0xffff, v13, v13  }
0xee: {  	v10 =	vmin.f32 v42, v10;
	(xrf1) =	vsort.ascd.msk.f32 $0xffff, v50, v50;
	v52, _, _ =	vpop (xrf1)  }
0xef: {  	v53 =	vmax.f32 v44, v16;
	v12 =	vperm.xlane v52, v1;
	(xrf1) =	vsort.ascd.msk.f32 $0xffff, v10, v10;
	v54, _, _ =	vpop (xrf1)  }
0xf0: {  	v16 =	vmin.f32 v44, v16;
	(xrf1) =	vsort.ascd.msk.f32 $0xffff, v53, v53;
	v55, _, _ =	vpop (xrf1)  }
0xf1: {  	v10 =	vperm.xlane v54, v1;
	v56 =	vmax.f32 v45, v12;
	(xrf1) =	vsort.ascd.msk.f32 $0xffff, v16, v16;
	v57, _, _ =	vpop (xrf1)  }
0xf2: {  	v12 =	vmin.f32 v45, v12;
	v13 =	vperm.xlane v55, v1;
	v58, _, _ =	vpop (xrf1);
	(xrf1) =	vsort.ascd.msk.f32 $0xffff, v56, v56  }
0xf3: {  	v59 =	vmax.f32 v46, v10;
	v14 =	vperm.xlane v58, v1;
	(xrf1) =	vsort.ascd.msk.f32 $0xffff, v12, v12;
	v60, _, _ =	vpop (xrf1)  }
0xf4: {  	v61 =	vmax.f32 v48, v13;
	(xrf1) =	vsort.ascd.msk.f32 $0xffff, v59, v59;
	v62, _, _ =	vpop (xrf1)  }
0xf5: {  	v63 =	vmax.f32 v57, v14;
	v24 =	vperm.xlane v62, v1;
	(xrf1) =	vsort.ascd.msk.f32 $0xffff, v61, v61;
	v28, _, _ =	vpop (xrf1)  }
0xf6: {  	v14 =	vmin.f32 v57, v14;
	(xrf1) =	vsort.ascd.msk.f32 $0xffff, v63, v63;
	v29, _, _ =	vpop (xrf1)  }
0xf7: {  	v30 =	vmax.f32 v60, v24;
	v16 =	vperm.xlane v29, v1;
	(xrf1) =	vsort.ascd.msk.f32 $0xffff, v14, v14;
	v31, _, _ =	vpop (xrf1)  }
0xf8: {  	v32 =	vperm.xlane v28, v1;
	v12 =	vmin.f32 v60, v24;
	(xrf1) =	vsort.ascd.msk.f32 $0xffff, v30, v30;
	v33, _, _ =	vpop (xrf1)  }
0xf9: {  	v14 =	vperm.xlane v31, v1;
	v34 =	vmax.f32 v33, v16;
	(xrf1) =	vsort.ascd.msk.f32 $0xffff, v12, v12;
	v35, _, _ =	vpop (xrf1)  }
0xfa: {  	v36 =	vmax.f32 v35, v32;
	v37, _, _ =	vpop (xrf1);
	(xrf1) =	vsort.ascd.msk.f32 $0xffff, v34, v34  }
0xfb: {  	v38 =	vmax.f32 v37, v14;
	v29, _, _ =	vpop (xrf1);
	(xrf1) =	vsort.ascd.msk.f32 $0xffff, v36, v36  }
0xfc: {  	v16 =	vmin.f32 v33, v16;
	v39, _, _ =	vpop (xrf1);
	(xrf1) =	vsort.ascd.msk.f32 $0xffff, v38, v38  }
0xfd: {  	v12 =	vmin.f32 v35, v32;
	v40, _, _ =	vpop (xrf1);
	(xrf1) =	vsort.ascd.msk.f32 $0xffff, v16, v16  }
0xfe: {  	v14 =	vmin.f32 v37, v14;
	v41, _, _ =	vpop (xrf1);
	(xrf1) =	vsort.ascd.msk.f32 $0xffff, v12, v12  }
0xff: {  	v10 =	vmin.f32 v46, v10;
	v42, _, _ =	vpop (xrf1);
	(xrf1) =	vsort.ascd.msk.f32 $0xffff, v14, v14  }
0x100: {  	v3 =	vmin.f32 v3, v5;
	v11 =	vmin.f32 v48, v13;
	v43, _, _ =	vpop (xrf1);
	(xrf1) =	vsort.ascd.msk.f32 $0xffff, v10, v10  }
0x101: {  	v6 =	vmin.f32 v8, v6;
	v47 =	vperm.xlane v51, v1;
	v44, _, _ =	vpop (xrf1);
	(xrf1) =	vsort.ascd.msk.f32 $0xffff, v11, v11  }
0x102: {  	v7 =	vmin.f32 v9, v7;
	v45 =	vperm.xlane v19, v1;
	(xrf1) =	vsort.ascd.msk.f32 $0xffff, v6, v6;
	v46, _, _ =	vpop (xrf1)  }
0x103: {  	v5 =	vmax.f32 v20, v47;
	(xrf1) =	vsort.ascd.msk.f32 $0xffff, v7, v7;
	v48, _, _ =	vpop (xrf1)  }
0x104: {  	v49 =	vmax.f32 v17, v45;
	v50 =	vperm.xlane v29, v1;
	(xrf1) =	vsort.ascd.msk.f32 $0xffff, v3, v3;
	v3, _, _ =	vpop (xrf1)  }
0x105: {  	v51 =	vperm.xlane v39, v1;
	(xrf1) =	vsort.ascd.msk.f32 $0xffff, v49, v49;
	v52, _, _ =	vpop (xrf1);
	v3 =	vperm.xlane v3, v1  }
0x106: {  	v10 =	vmin.f32 v21, v50;
	v13 =	vperm.xlane v43, v1;
	(xrf1) =	vsort.ascd.msk.f32 $0xffff, v5, v5;
	v53, _, _ =	vpop (xrf1)  }
0x107: {  	v11 =	vmax.f32 v22, v51;
	(xrf1) =	vsort.ascd.msk.f32 $0xffff, v10, v10;
	v54, _, _ =	vpop (xrf1);
	v3 =	vmax.f32 v41, v3  }
0x108: {  	v13 =	vmax.f32 v23, v13;
	(xrf1) =	vsort.ascd.msk.f32 $0xffff, v11, v11;
	v55, _, _ =	vpop (xrf1)  }
0x109: {  	v9 =	vperm.xlane v52, v1;
	(xrf1) =	vsort.ascd.msk.f32 $0xffff, v13, v13;
	v56, _, _ =	vpop (xrf1)  }
0x10a: {  	v11 =	vperm.xlane v55, v1;
	(xrf1) =	vsort.ascd.msk.f32 $0xffff, v3, v3;
	v3, _, _ =	vpop (xrf1)  }
0x10b: {  	v63 =	vperm.xlane v40, v1;
	v5 =	vperm.xlane v53, v1;
	v9 =	vmin.f32 v42, v9;
	v58, _, _ =	vpop (xrf1)  }
0x10c: {  	v57 =	vperm.xlane v56, v1;
	v3 =	vmax.f32 v3, v11;
	(xrf1) =	vsort.ascd.msk.f32 $0xffff, v9, v9;
	v60, _, _ =	vpop (xrf1)  }
0x10d: {  	v5 =	vmax.f32 v46, v5;
	v59 =	vperm.xlane v58, v1;
	(xrf1) =	vsort.ascd.msk.f32 $0xffff, v3, v3;
	v61, _, _ =	vpop (xrf1)  }
0x10e: {  	v3 =	vperm.xlane v54, v1;
	v7 =	vmax.f32 v48, v57;
	(xrf1) =	vsort.ascd.msk.f32 $0xffff, v5, v5;
	v62, _, _ =	vpop (xrf1)  }
0x10f: {  	v9 =	vperm.xlane v60, v1;
	v5 =	vmin.f32 v61, v59;
	(xrf1) =	vsort.ascd.msk.f32 $0xffff, v7, v7;
	v11, _, _ =	vpop (xrf1)  }
0x110: {  	v12 =	vperm.xlane v44, v1;
	v3 =	vmin.f32 v62, v3;
	(xrf1) =	vsort.ascd.msk.f32 $0xffff, v5, v5;
	v13, _, _ =	vpop (xrf1)  }
0x111: {  	v6 =	vmin.f32 v11, v9;
	(xrf1) =	vsort.ascd.msk.f32 $0xffff, v3, v3;
	v3 =	vmin.f32 v13, v63  }
0x112: {  	v14, _, _ =	vpop (xrf1);
	(xrf1) =	vsort.ascd.msk.f32 $0xffff, v6, v6  }
0x113: {  	v4 =	vperm.xlane v4, v1;
	v5 =	vmin.f32 v14, v12;
	v15, _, _ =	vpop (xrf1);
	(xrf1) =	vsort.ascd.msk.f32 $0xffff, v3, v3  }
0x114: {  	v3, _, _ =	vpop (xrf1);
	(xrf1) =	vsort.ascd.msk.f32 $0xffff, v5, v5  }
0x115: {  	v16 =	vld [tilespmem:s21+$0x1000];
	v4 =	vmin.f32 v15, v4;
	v17, _, _ =	vpop (xrf1)  }
0x116: {  	v18 =	vld [tilespmem:s21+$0x1010];
	(xrf1) =	vsort.ascd.msk.f32 $0xffff, v4, v4;
	v19, _, _ =	vpop (xrf1)  }
0x117: {  	v20 =	vld [tilespmem:s21+$0x1020];
	v21, _, _ =	vpop (xrf1)  }
0x118: {  	v22 =	vld [tilespmem:s21+$0x1030];
	v23, _, _ =	vpop (xrf1)  }
0x119: {  	v26 =	vperm.xlane v17, v1;
	v24, _, _ =	vpop (xrf1)  }
0x11a: {  	(xrf1) =	vsort.ascd.msk.f32 $0xffff, v16, v16;
	v25, _, _ =	vpop (xrf1)  }
0x11b: {  	(xrf1) =	vsort.ascd.msk.f32 $0xffff, v18, v18;
	v3 =	vmax.f32 v3, v26;
	v27, _, _ =	vpop (xrf1)  }
0x11c: {  	(xrf1) =	vsort.ascd.msk.f32 $0xffff, v20, v20;
	v6 =	vperm.xlane v27, v1;
	v28, _, _ =	vpop (xrf1)  }
0x11d: {  	v29 =	vperm.xlane v24, v1;
	(xrf1) =	vsort.ascd.msk.f32 $0xffff, v22, v22;
	v30, _, _ =	vpop (xrf1)  }
0x11e: {  	(xrf1) =	vsort.ascd.msk.f32 $0xffff, v3, v3;
	v7 =	vperm.xlane v28, v1;
	v6 =	vmax.f32 v30, v6;
	v3, _, _ =	vpop (xrf1)  }
0x11f: {  	v5 =	vmax.f32 v21, v29;
	v3 =	vperm.xlane v3, v1;
	v31, _, _ =	vpop (xrf1);
	(xrf1) =	vsort.ascd.msk.f32 $0xffff, v6, v6  }
0x120: {  	v32 =	vperm.xlane v25, v1;
	v7 =	vmax.f32 v23, v7;
	(xrf1) =	vsort.ascd.msk.f32 $0xffff, v5, v5;
	v33, _, _ =	vpop (xrf1)  }
0x121: {  	v8 =	vperm.xlane v31, v1;
	v3 =	vmin.f32 v33, v3;
	v34, _, _ =	vpop (xrf1);
	(xrf1) =	vsort.ascd.msk.f32 $0xffff, v7, v7  }
0x122: {  	v5 =	vmin.f32 v34, v32;
	v35, _, _ =	vpop (xrf1);
	(xrf1) =	vsort.ascd.msk.f32 $0xffff, v3, v3  }
0x123: {  	v3 =	vperm.xlane v19, v1;
	v36 =	vmin.f32 v35, v8;
	(xrf1) =	vsort.ascd.msk.f32 $0xffff, v5, v5  }
0x124: {  	v37, _, _ =	vpop (xrf1);
	(xrf1) =	vsort.ascd.msk.f32 $0xffff, v36, v36  }
0x125: {  	v3 =	vmin.f32 v37, v3  }
0x126: {  	(xrf1) =	vsort.ascd.msk.f32 $0xffff, v3, v3;
	_ =	sdelay $0x1  }
0x127: {  	v3, _, _ =	vpop (xrf1)  }
0x128: {  	v38, _, _ =	vpop (xrf1)  }
0x129: {  	v39, _, _ =	vpop (xrf1)  }
0x12a: {  	v40, _, _ =	vpop (xrf1)  }
0x12b: {  	v41, _, _ =	vpop (xrf1)  }
0x12c: {  	v4 =	vperm.xlane v38, v1;
	v42, _, _ =	vpop (xrf1)  }
0x12d: {  	v8 =	vperm.xlane v42, v1;
	v43, _, _ =	vpop (xrf1)  }
0x12e: {  	v44 =	vmax.f32 v3, v4;
	v6 =	vperm.xlane v40, v1;
	v45, _, _ =	vpop (xrf1)  }
0x12f: {  	(xrf1) =	vsort.ascd.msk.f32 $0xffff, v44, v44;
	v9 =	vperm.xlane v43, v1;
	v8 =	vmax.f32 v45, v8;
	v46, _, _ =	vpop (xrf1)  }
0x130: {  	v48 =	vmax.f32 v39, v6;
	v47 =	vperm.xlane v46, v1;
	v49, _, _ =	vpop (xrf1);
	(xrf1) =	vsort.ascd.msk.f32 $0xffff, v8, v8  }
0x131: {  	v7 =	vmax.f32 v41, v9;
	v50, _, _ =	vpop (xrf1);
	(xrf1) =	vsort.ascd.msk.f32 $0xffff, v48, v48  }
0x132: {  	v51 =	vperm.xlane v49, v1;
	v8 =	vmin.f32 v50, v47;
	(xrf1) =	vsort.ascd.msk.f32 $0xffff, v7, v7  }
0x133: {  	v5 =	vmin.f32 v39, v6;
	v52, _, _ =	vpop (xrf1);
	(xrf1) =	vsort.ascd.msk.f32 $0xffff, v8, v8  }
0x134: {  	v6 =	vmin.f32 v52, v51;
	(xrf1) =	vsort.ascd.msk.f32 $0xffff, v5, v5  }
0x135: {  	(xrf1) =	vsort.ascd.msk.f32 $0xffff, v6, v6  }
0x136: {  	v3 =	vmin.f32 v3, v4  }
0x137: {  	(xrf1) =	vsort.ascd.msk.f32 $0xffff, v3, v3;
	_ =	sdelay $0x5  }
0x138: {  	v3, _, _ =	vpop (xrf1)  }
0x139: {  	v53, _, _ =	vpop (xrf1)  }
0x13a: {  	v54, _, _ =	vpop (xrf1)  }
0x13b: {  	v4 =	vperm.xlane v53, v1;
	v55, _, _ =	vpop (xrf1);
	v5 =	vperm.xlane v54, v1  }
0x13c: {  	v56, _, _ =	vpop (xrf1)  }
0x13d: {  	v4 =	vmax.f32 v55, v4;
	v57 =	vperm.xlane v56, v1;
	v58, _, _ =	vpop (xrf1);
	v3 =	vmax.f32 v3, v5  }
0x13e: {  	(xrf1) =	vsort.ascd.msk.f32 $0xffff, v4, v4;
	v59, _, _ =	vpop (xrf1)  }
0x13f: {  	v60 =	vperm.xlane v58, v1;
	(xrf1) =	vsort.ascd.msk.f32 $0xffff, v3, v3;
	v4 =	vmin.f32 v59, v57  }
0x140: {  	(xrf1) =	vsort.ascd.msk.f32 $0xffff, v4, v4;
	v3, _, _ =	vpop (xrf1)  }
0x141: {  	v3 =	vmin.f32 v3, v60  }
0x142: {  	(xrf1) =	vsort.ascd.msk.f32 $0xffff, v3, v3;
	_ =	sdelay $0x9  }
0x143: {  	v3, _, _ =	vpop (xrf1)  }
0x144: {  	v61, _, _ =	vpop (xrf1)  }
0x145: {  	v3 =	vperm.xlane v3, v1;
	v62, _, _ =	vpop (xrf1)  }
0x146: {  	v5 =	vperm.xlane v62, v1  }
0x147: {  	v3 =	vmax.f32 v61, v3;
	v63, _, _ =	vpop (xrf1)  }
0x148: {  	(xrf1) =	vsort.ascd.msk.f32 $0xffff, v3, v3;
	v3 =	vmin.f32 v63, v5  }
0x149: {  	(xrf1) =	vsort.ascd.msk.f32 $0xffff, v3, v3;
	_ =	sdelay $0xc  }
0x14a: {  	v3, _, _ =	vpop (xrf1)  }
0x14b: {  	(xrf2) =	vadd.scan.msk.f32 $0xffff, v3;
	v3, _, _ =	vpop (xrf1)  }
0x14c: {  	(xrf2) =	vadd.scan.msk.f32 $0xffff, v3;
	_ =	sdelay $0x8  }
0x14d: {  	v3, _, _ =	vpop (xrf2)  }
0x14e: {  	(v2sf) =	vpush v3, $0xF;
	v3, _, _ =	vpop (xrf2)  }
0x14f: {  	(v2sf) =	vpush v3, $0xF;
	_ =	sdelay $0xd  }
0x150: {  	s23 =	spop (v2sf)  }
0x151: {  	s22 =	simm.s32 $0x2;
	s21 =	simm.s32 $0x1;
	s24 =	spop (v2sf)  }
.LBB2_3:
0x152: {  	s25 =	sshrl.u32 s22, $0x3;
	s23 =	sadd.f32 s24, s23  }
0x153: {  	s24 =	smul.u32 $0x5000, s25;
	s25 =	sand.u32 $0xF, s21;
	s21 =	smov.u32 s22  }
0x154: {  	s23 =	smul.f32 $3.125000000e-02, s23;
	v3 =	vmov s25  }
0x155: {  	s19 =	sadd.s32 $0x80, s19;
	s20 =	sadd.s32 $0x1, s20;
	vm0 =	veq.s32 v3, v0  }
0x156: {  	s26 =	sand.u32 $0x380, s19;
	p0 =	sne.s32 s25, $0xF;
	s24 =	sshra.s32 s24, $0x2;
	v2 =	vsel vm0, s23, v2  }
0x157: {  	s23 =	sor.u32 s26, s24;
	[tilespmem:s20+$0x0] =	vst @!p0 v2  }
0x158: {  	v3 =	vld [tilespmem:s23+$0x0]  }
0x159: {  	v4 =	vld [tilespmem:s23+$0x10]  }
0x15a: {  	v5 =	vld [tilespmem:s23+$0x30]  }
0x15b: {  	v6 =	vld [tilespmem:s23+$0x20]  }
0x15c: {  	v7 =	vld [tilespmem:s23+$0x50]  }
0x15d: {  	v8 =	vld [tilespmem:s23+$0x40];
	(xrf1) =	vsort.ascd.msk.f32 $0xffff, v3, v3  }
0x15e: {  	v3 =	vld [tilespmem:s23+$0x410];
	(xrf1) =	vsort.ascd.msk.f32 $0xffff, v4, v4  }
0x15f: {  	v4 =	vld [tilespmem:s23+$0x810];
	(xrf1) =	vsort.ascd.msk.f32 $0xffff, v5, v5  }
0x160: {  	v5 =	vld [tilespmem:s23+$0x400];
	(xrf1) =	vsort.ascd.msk.f32 $0xffff, v6, v6  }
0x161: {  	v6 =	vld [tilespmem:s23+$0x800];
	(xrf1) =	vsort.ascd.msk.f32 $0xffff, v7, v7  }
0x162: {  	(xrf1) =	vsort.ascd.msk.f32 $0xffff, v8, v8  }
0x163: {  	(xrf1) =	vsort.ascd.msk.f32 $0xffff, v3, v3  }
0x164: {  	(xrf1) =	vsort.ascd.msk.f32 $0xffff, v4, v4  }
0x165: {  	(xrf1) =	vsort.ascd.msk.f32 $0xffff, v5, v5  }
0x166: {  	(xrf1) =	vsort.ascd.msk.f32 $0xffff, v6, v6  }
0x167: {  	v4 =	vld [tilespmem:s23+$0x70];
	_ =	sdelay $0x1  }
0x168: {  	v5 =	vld [tilespmem:s23+$0x60];
	_ =	sdelay $0x1  }
0x169: {  	v3, _, _ =	vpop (xrf1)  }
0x16a: {  	v6, _, _ =	vpop (xrf1);
	(xrf1) =	vsort.ascd.msk.f32 $0xffff, v4, v4  }
0x16b: {  	v4 =	vperm.xlane v6, v1;
	v6, _, _ =	vpop (xrf1)  }
0x16c: {  	v11 =	vperm.xlane v6, v1;
	v7, _, _ =	vpop (xrf1);
	(xrf1) =	vsort.ascd.msk.f32 $0xffff, v5, v5  }
0x16d: {  	v10 =	vmax.f32 v3, v4;
	v8, _, _ =	vpop (xrf1)  }
0x16e: {  	v9 =	vmax.f32 v7, v11;
	v12 =	vperm.xlane v8, v1;
	(xrf1) =	vsort.ascd.msk.f32 $0xffff, v10, v10;
	v5, _, _ =	vpop (xrf1)  }
0x16f: {  	v11 =	vmin.f32 v7, v11;
	(xrf1) =	vsort.ascd.msk.f32 $0xffff, v9, v9;
	v6, _, _ =	vpop (xrf1)  }
0x170: {  	v14 =	vmax.f32 v5, v12;
	v6 =	vperm.xlane v6, v1;
	v10 =	vld [tilespmem:s23+$0x420];
	(xrf1) =	vsort.ascd.msk.f32 $0xffff, v11, v11;
	v7, _, _ =	vpop (xrf1)  }
0x171: {  	v5 =	vmin.f32 v5, v12;
	v11 =	vld [tilespmem:s23+$0x440];
	v7 =	vperm.xlane v7, v1;
	(xrf1) =	vsort.ascd.msk.f32 $0xffff, v14, v14;
	v8, _, _ =	vpop (xrf1)  }
0x172: {  	v12 =	vmax.f32 v8, v6;
	v13 =	vld [tilespmem:s23+$0x820];
	(xrf1) =	vsort.ascd.msk.f32 $0xffff, v5, v5;
	v9, _, _ =	vpop (xrf1)  }
0x173: {  	v5 =	vmax.f32 v9, v7;
	v14 =	vld [tilespmem:s23+$0x840];
	(xrf1) =	vsort.ascd.msk.f32 $0xffff, v12, v12  }
0x174: {  	v12 =	vld [tilespmem:s23+$0x430];
	(xrf1) =	vsort.ascd.msk.f32 $0xffff, v5, v5  }
0x175: {  	v5 =	vld [tilespmem:s23+$0xC00];
	(xrf1) =	vsort.ascd.msk.f32 $0xffff, v10, v10  }
0x176: {  	v10 =	vld [tilespmem:s23+$0x450];
	(xrf1) =	vsort.ascd.msk.f32 $0xffff, v11, v11  }
0x177: {  	(xrf1) =	vsort.ascd.msk.f32 $0xffff, v13, v13  }
0x178: {  	v11 =	vld [tilespmem:s23+$0x830];
	v13, _, _ =	vpop (xrf1);
	(xrf1) =	vsort.ascd.msk.f32 $0xffff, v14, v14  }
0x179: {  	v16 =	vperm.xlane v13, v1;
	v13 =	vld [tilespmem:s23+$0x850];
	(xrf1) =	vsort.ascd.msk.f32 $0xffff, v12, v12  }
0x17a: {  	v12 =	vld [tilespmem:s23+$0xC10];
	v17, _, _ =	vpop (xrf1);
	(xrf1) =	vsort.ascd.msk.f32 $0xffff, v5, v5  }
0x17b: {  	v5 =	vmax.f32 v17, v16;
	v18 =	vld [tilespmem:s23+$0x460];
	(xrf1) =	vsort.ascd.msk.f32 $0xffff, v10, v10  }
0x17c: {  	v19 =	vld [tilespmem:s23+$0x470];
	v10, _, _ =	vpop (xrf1);
	(xrf1) =	vsort.ascd.msk.f32 $0xffff, v5, v5  }
0x17d: {  	v20 =	vld [tilespmem:s23+$0x860];
	v15, _, _ =	vpop (xrf1);
	(xrf1) =	vsort.ascd.msk.f32 $0xffff, v11, v11  }
0x17e: {  	s22 =	sadd.s32 $0x1, s22;
	v21 =	vld [tilespmem:s23+$0x870];
	v5, _, _ =	vpop (xrf1);
	(xrf1) =	vsort.ascd.msk.f32 $0xffff, v13, v13  }
0x17f: {  	p0 =	sne.s32 s22, $0x40;
	v22 =	vld [tilespmem:s23+$0xC30];
	v14, _, _ =	vpop (xrf1);
	(xrf1) =	vsort.ascd.msk.f32 $0xffff, v12, v12  }
0x180: {  	v23 =	vld [tilespmem:s23+$0xC70];
	v13, _, _ =	vpop (xrf1);
	(xrf1) =	vsort.ascd.msk.f32 $0xffff, v18, v18  }
0x181: {  	v18 =	vld [tilespmem:s23+$0xC50];
	v12, _, _ =	vpop (xrf1);
	(xrf1) =	vsort.ascd.msk.f32 $0xffff, v19, v19  }
0x182: {  	v19 =	vld [tilespmem:s23+$0xC60];
	v11, _, _ =	vpop (xrf1);
	(xrf1) =	vsort.ascd.msk.f32 $0xffff, v20, v20  }
0x183: {  	v20 =	vld [tilespmem:s23+$0xC20];
	v24, _, _ =	vpop (xrf1);
	(xrf1) =	vsort.ascd.msk.f32 $0xffff, v21, v21  }
0x184: {  	v21 =	vld [tilespmem:s23+$0xC40];
	v25, _, _ =	vpop (xrf1);
	(xrf1) =	vsort.ascd.msk.f32 $0xffff, v22, v22  }
0x185: {  	v22, _, _ =	vpop (xrf1);
	(xrf1) =	vsort.ascd.msk.f32 $0xffff, v23, v23  }
0x186: {  	v23, _, _ =	vpop (xrf1);
	(xrf1) =	vsort.ascd.msk.f32 $0xffff, v18, v18  }
0x187: {  	v18, _, _ =	vpop (xrf1);
	(xrf1) =	vsort.ascd.msk.f32 $0xffff, v19, v19  }
0x188: {  	v26 =	vperm.xlane v18, v1;
	v19, _, _ =	vpop (xrf1);
	(xrf1) =	vsort.ascd.msk.f32 $0xffff, v20, v20  }
0x189: {  	v16 =	vmin.f32 v17, v16;
	v17, _, _ =	vpop (xrf1);
	(xrf1) =	vsort.ascd.msk.f32 $0xffff, v21, v21  }
0x18a: {  	v20 =	vmax.f32 v24, v26;
	v17 =	vperm.xlane v17, v1;
	v21, _, _ =	vpop (xrf1);
	(xrf1) =	vsort.ascd.msk.f32 $0xffff, v16, v16  }
0x18b: {  	v24 =	vmin.f32 v24, v26;
	(xrf1) =	vsort.ascd.msk.f32 $0xffff, v20, v20;
	v18, _, _ =	vpop (xrf1)  }
0x18c: {  	v26 =	vmax.f32 v25, v17;
	v18 =	vperm.xlane v18, v1;
	(xrf1) =	vsort.ascd.msk.f32 $0xffff, v24, v24;
	v16, _, _ =	vpop (xrf1)  }
0x18d: {  	v25 =	vmin.f32 v25, v17;
	(xrf1) =	vsort.ascd.msk.f32 $0xffff, v26, v26;
	v20, _, _ =	vpop (xrf1)  }
0x18e: {  	v16 =	vperm.xlane v16, v1;
	v24 =	vmax.f32 v22, v18;
	(xrf1) =	vsort.ascd.msk.f32 $0xffff, v25, v25;
	v17, _, _ =	vpop (xrf1)  }
0x18f: {  	v25 =	vmin.f32 v22, v18;
	v20 =	vperm.xlane v20, v1;
	v22, _, _ =	vpop (xrf1);
	(xrf1) =	vsort.ascd.msk.f32 $0xffff, v24, v24  }
0x190: {  	v26 =	vmax.f32 v23, v16;
	v28 =	vperm.xlane v22, v1;
	(xrf1) =	vsort.ascd.msk.f32 $0xffff, v25, v25;
	v18, _, _ =	vpop (xrf1)  }
0x191: {  	v27 =	vmax.f32 v19, v20;
	(xrf1) =	vsort.ascd.msk.f32 $0xffff, v26, v26;
	v24, _, _ =	vpop (xrf1)  }
0x192: {  	v26 =	vmax.f32 v17, v28;
	v24 =	vperm.xlane v24, v1;
	(xrf1) =	vsort.ascd.msk.f32 $0xffff, v27, v27;
	v25, _, _ =	vpop (xrf1)  }
0x193: {  	v27 =	vmin.f32 v17, v28;
	(xrf1) =	vsort.ascd.msk.f32 $0xffff, v26, v26;
	v22, _, _ =	vpop (xrf1)  }
0x194: {  	v26 =	vmax.f32 v18, v24;
	v22 =	vperm.xlane v22, v1;
	(xrf1) =	vsort.ascd.msk.f32 $0xffff, v27, v27;
	v17, _, _ =	vpop (xrf1)  }
0x195: {  	v27 =	vmin.f32 v18, v24;
	v24 =	vperm.xlane v25, v1;
	(xrf1) =	vsort.ascd.msk.f32 $0xffff, v26, v26;
	v25, _, _ =	vpop (xrf1)  }
0x196: {  	v17 =	vperm.xlane v17, v1;
	v26 =	vmax.f32 v25, v22;
	(xrf1) =	vsort.ascd.msk.f32 $0xffff, v27, v27;
	v18, _, _ =	vpop (xrf1)  }
0x197: {  	v27 =	vmax.f32 v18, v24;
	v28, _, _ =	vpop (xrf1);
	(xrf1) =	vsort.ascd.msk.f32 $0xffff, v26, v26  }
0x198: {  	v26 =	vmax.f32 v28, v17;
	v29, _, _ =	vpop (xrf1);
	(xrf1) =	vsort.ascd.msk.f32 $0xffff, v27, v27  }
0x199: {  	v27 =	vmin.f32 v25, v22;
	v25, _, _ =	vpop (xrf1);
	(xrf1) =	vsort.ascd.msk.f32 $0xffff, v26, v26  }
0x19a: {  	v26 =	vmin.f32 v18, v24;
	v24, _, _ =	vpop (xrf1);
	(xrf1) =	vsort.ascd.msk.f32 $0xffff, v27, v27  }
0x19b: {  	v17 =	vmin.f32 v28, v17;
	v22, _, _ =	vpop (xrf1);
	(xrf1) =	vsort.ascd.msk.f32 $0xffff, v26, v26  }
0x19c: {  	v16 =	vmin.f32 v23, v16;
	v18, _, _ =	vpop (xrf1);
	(xrf1) =	vsort.ascd.msk.f32 $0xffff, v17, v17  }
0x19d: {  	v17 =	vmin.f32 v19, v20;
	v19, _, _ =	vpop (xrf1);
	(xrf1) =	vsort.ascd.msk.f32 $0xffff, v16, v16  }
0x19e: {  	v16 =	vmin.f32 v8, v6;
	v8, _, _ =	vpop (xrf1);
	(xrf1) =	vsort.ascd.msk.f32 $0xffff, v17, v17  }
0x19f: {  	v9 =	vmin.f32 v9, v7;
	v15 =	vperm.xlane v15, v1;
	(xrf1) =	vsort.ascd.msk.f32 $0xffff, v16, v16;
	v6, _, _ =	vpop (xrf1)  }
0x1a0: {  	v17 =	vperm.xlane v21, v1;
	v16 =	vmin.f32 v3, v4;
	(xrf1) =	vsort.ascd.msk.f32 $0xffff, v9, v9;
	v7, _, _ =	vpop (xrf1)  }
0x1a1: {  	v15 =	vmax.f32 v10, v15;
	v20 =	vperm.xlane v29, v1;
	(xrf1) =	vsort.ascd.msk.f32 $0xffff, v16, v16;
	v3, _, _ =	vpop (xrf1)  }
0x1a2: {  	v16 =	vmax.f32 v14, v17;
	v14 =	vperm.xlane v25, v1;
	(xrf1) =	vsort.ascd.msk.f32 $0xffff, v15, v15;
	v9, _, _ =	vpop (xrf1)  }
0x1a3: {  	v15 =	vmin.f32 v13, v20;
	v13 =	vperm.xlane v19, v1;
	(xrf1) =	vsort.ascd.msk.f32 $0xffff, v16, v16;
	v4, _, _ =	vpop (xrf1)  }
0x1a4: {  	v14 =	vmax.f32 v12, v14;
	v16 =	vperm.xlane v3, v1;
	(xrf1) =	vsort.ascd.msk.f32 $0xffff, v15, v15;
	v10, _, _ =	vpop (xrf1)  }
0x1a5: {  	v15 =	vperm.xlane v9, v1;
	v13 =	vmax.f32 v11, v13;
	(xrf1) =	vsort.ascd.msk.f32 $0xffff, v14, v14;
	v12, _, _ =	vpop (xrf1)  }
0x1a6: {  	v14 =	vmax.f32 v22, v16;
	v12 =	vperm.xlane v12, v1;
	(xrf1) =	vsort.ascd.msk.f32 $0xffff, v13, v13;
	v11, _, _ =	vpop (xrf1)  }
0x1a7: {  	v13 =	vmin.f32 v18, v15;
	v15 =	vperm.xlane v4, v1;
	(xrf1) =	vsort.ascd.msk.f32 $0xffff, v14, v14;
	v3, _, _ =	vpop (xrf1)  }
0x1a8: {  	v11 =	vperm.xlane v11, v1;
	v3 =	vmax.f32 v3, v12;
	(xrf1) =	vsort.ascd.msk.f32 $0xffff, v13, v13;
	v9, _, _ =	vpop (xrf1)  }
0x1a9: {  	v12 =	vmax.f32 v6, v15;
	v13 =	vperm.xlane v9, v1;
	v9, _, _ =	vpop (xrf1);
	(xrf1) =	vsort.ascd.msk.f32 $0xffff, v3, v3  }
0x1aa: {  	v3 =	vperm.xlane v10, v1;
	v7 =	vmax.f32 v7, v11;
	(xrf1) =	vsort.ascd.msk.f32 $0xffff, v12, v12;
	v4, _, _ =	vpop (xrf1)  }
0x1ab: {  	v9 =	vperm.xlane v9, v1;
	v4 =	vmin.f32 v4, v13;
	v6, _, _ =	vpop (xrf1);
	(xrf1) =	vsort.ascd.msk.f32 $0xffff, v7, v7  }
0x1ac: {  	v10 =	vperm.xlane v24, v1;
	v3 =	vmin.f32 v6, v3;
	v6, _, _ =	vpop (xrf1);
	(xrf1) =	vsort.ascd.msk.f32 $0xffff, v4, v4  }
0x1ad: {  	v4 =	vperm.xlane v8, v1;
	v9 =	vmin.f32 v6, v9;
	v8, _, _ =	vpop (xrf1);
	(xrf1) =	vsort.ascd.msk.f32 $0xffff, v3, v3  }
0x1ae: {  	v8 =	vmin.f32 v8, v10;
	v7, _, _ =	vpop (xrf1);
	(xrf1) =	vsort.ascd.msk.f32 $0xffff, v9, v9  }
0x1af: {  	v5 =	vperm.xlane v5, v1;
	v4 =	vmin.f32 v7, v4;
	v6, _, _ =	vpop (xrf1);
	(xrf1) =	vsort.ascd.msk.f32 $0xffff, v8, v8  }
0x1b0: {  	v3, _, _ =	vpop (xrf1);
	(xrf1) =	vsort.ascd.msk.f32 $0xffff, v4, v4  }
0x1b1: {  	v8 =	vmin.f32 v6, v5;
	v5 =	vld [tilespmem:s23+$0x1000];
	v6, _, _ =	vpop (xrf1)  }
0x1b2: {  	v7 =	vld [tilespmem:s23+$0x1010];
	(xrf1) =	vsort.ascd.msk.f32 $0xffff, v8, v8;
	v4, _, _ =	vpop (xrf1)  }
0x1b3: {  	v8 =	vld [tilespmem:s23+$0x1020];
	v9, _, _ =	vpop (xrf1)  }
0x1b4: {  	v10 =	vld [tilespmem:s23+$0x1030];
	v11, _, _ =	vpop (xrf1)  }
0x1b5: {  	v12, _, _ =	vpop (xrf1)  }
0x1b6: {  	v13, _, _ =	vpop (xrf1);
	(xrf1) =	vsort.ascd.msk.f32 $0xffff, v5, v5  }
0x1b7: {  	v5 =	vperm.xlane v6, v1;
	v6, _, _ =	vpop (xrf1);
	(xrf1) =	vsort.ascd.msk.f32 $0xffff, v7, v7  }
0x1b8: {  	v6 =	vperm.xlane v6, v1;
	v7, _, _ =	vpop (xrf1);
	(xrf1) =	vsort.ascd.msk.f32 $0xffff, v8, v8  }
0x1b9: {  	v12 =	vperm.xlane v12, v1;
	v14 =	vmax.f32 v3, v5;
	v8, _, _ =	vpop (xrf1);
	(xrf1) =	vsort.ascd.msk.f32 $0xffff, v10, v10  }
0x1ba: {  	v7 =	vperm.xlane v7, v1;
	v6 =	vmax.f32 v8, v6;
	(xrf1) =	vsort.ascd.msk.f32 $0xffff, v14, v14;
	v3, _, _ =	vpop (xrf1)  }
0x1bb: {  	v9 =	vmax.f32 v9, v12;
	v3 =	vperm.xlane v3, v1;
	v8, _, _ =	vpop (xrf1);
	(xrf1) =	vsort.ascd.msk.f32 $0xffff, v6, v6  }
0x1bc: {  	v10 =	vperm.xlane v13, v1;
	v7 =	vmax.f32 v11, v7;
	(xrf1) =	vsort.ascd.msk.f32 $0xffff, v9, v9;
	v5, _, _ =	vpop (xrf1)  }
0x1bd: {  	v8 =	vperm.xlane v8, v1;
	v3 =	vmin.f32 v5, v3;
	v5, _, _ =	vpop (xrf1);
	(xrf1) =	vsort.ascd.msk.f32 $0xffff, v7, v7  }
0x1be: {  	v7 =	vmin.f32 v5, v10;
	v6, _, _ =	vpop (xrf1);
	(xrf1) =	vsort.ascd.msk.f32 $0xffff, v3, v3  }
0x1bf: {  	v3 =	vperm.xlane v4, v1;
	v4 =	vmin.f32 v6, v8;
	(xrf1) =	vsort.ascd.msk.f32 $0xffff, v7, v7  }
0x1c0: {  	v5, _, _ =	vpop (xrf1);
	(xrf1) =	vsort.ascd.msk.f32 $0xffff, v4, v4  }
0x1c1: {  	v3 =	vmin.f32 v5, v3  }
0x1c2: {  	(xrf1) =	vsort.ascd.msk.f32 $0xffff, v3, v3;
	_ =	sdelay $0x1  }
0x1c3: {  	v3, _, _ =	vpop (xrf1)  }
0x1c4: {  	v4, _, _ =	vpop (xrf1)  }
0x1c5: {  	v5, _, _ =	vpop (xrf1)  }
0x1c6: {  	v6, _, _ =	vpop (xrf1)  }
0x1c7: {  	v7, _, _ =	vpop (xrf1)  }
0x1c8: {  	v4 =	vperm.xlane v4, v1;
	v8, _, _ =	vpop (xrf1)  }
0x1c9: {  	v8 =	vperm.xlane v8, v1;
	v9, _, _ =	vpop (xrf1)  }
0x1ca: {  	v10 =	vmax.f32 v3, v4;
	v6 =	vperm.xlane v6, v1;
	v11, _, _ =	vpop (xrf1)  }
0x1cb: {  	v9 =	vperm.xlane v9, v1;
	v13 =	vmax.f32 v11, v8;
	v11, _, _ =	vpop (xrf1);
	(xrf1) =	vsort.ascd.msk.f32 $0xffff, v10, v10  }
0x1cc: {  	v10 =	vperm.xlane v11, v1;
	v11 =	vmax.f32 v5, v6;
	v12, _, _ =	vpop (xrf1);
	(xrf1) =	vsort.ascd.msk.f32 $0xffff, v13, v13  }
0x1cd: {  	v7 =	vmax.f32 v7, v9;
	v8, _, _ =	vpop (xrf1);
	(xrf1) =	vsort.ascd.msk.f32 $0xffff, v11, v11  }
0x1ce: {  	v9 =	vperm.xlane v12, v1;
	v8 =	vmin.f32 v8, v10;
	(xrf1) =	vsort.ascd.msk.f32 $0xffff, v7, v7  }
0x1cf: {  	v5 =	vmin.f32 v5, v6;
	v6, _, _ =	vpop (xrf1);
	(xrf1) =	vsort.ascd.msk.f32 $0xffff, v8, v8  }
0x1d0: {  	v6 =	vmin.f32 v6, v9;
	(xrf1) =	vsort.ascd.msk.f32 $0xffff, v5, v5  }
0x1d1: {  	(xrf1) =	vsort.ascd.msk.f32 $0xffff, v6, v6  }
0x1d2: {  	v3 =	vmin.f32 v3, v4  }
0x1d3: {  	(xrf1) =	vsort.ascd.msk.f32 $0xffff, v3, v3;
	_ =	sdelay $0x5  }
0x1d4: {  	v3, _, _ =	vpop (xrf1)  }
0x1d5: {  	v4, _, _ =	vpop (xrf1)  }
0x1d6: {  	v9 =	vperm.xlane v4, v1;
	v5, _, _ =	vpop (xrf1)  }
0x1d7: {  	v6, _, _ =	vpop (xrf1)  }
0x1d8: {  	v8 =	vperm.xlane v5, v1;
	v7 =	vmax.f32 v6, v9;
	v6, _, _ =	vpop (xrf1)  }
0x1d9: {  	v6 =	vperm.xlane v6, v1;
	(xrf1) =	vsort.ascd.msk.f32 $0xffff, v7, v7;
	v4, _, _ =	vpop (xrf1)  }
0x1da: {  	v7 =	vmax.f32 v3, v8;
	v5, _, _ =	vpop (xrf1)  }
0x1db: {  	v4 =	vperm.xlane v4, v1;
	v5 =	vmin.f32 v5, v6;
	(xrf1) =	vsort.ascd.msk.f32 $0xffff, v7, v7  }
0x1dc: {  	(xrf1) =	vsort.ascd.msk.f32 $0xffff, v5, v5;
	v3, _, _ =	vpop (xrf1)  }
0x1dd: {  	v3 =	vmin.f32 v3, v4  }
0x1de: {  	(xrf1) =	vsort.ascd.msk.f32 $0xffff, v3, v3;
	_ =	sdelay $0x8  }
0x1df: {  	v3, _, _ =	vpop (xrf1)  }
0x1e0: {  	v3 =	vperm.xlane v3, v1  }
0x1e1: {  	v4, _, _ =	vpop (xrf1)  }
0x1e2: {  	v5 =	vmax.f32 v4, v3;
	v4, _, _ =	vpop (xrf1)  }
0x1e3: {  	v4 =	vperm.xlane v4, v1;
	(xrf1) =	vsort.ascd.msk.f32 $0xffff, v5, v5  }
0x1e4: {  	v3, _, _ =	vpop (xrf1)  }
0x1e5: {  	v3 =	vmin.f32 v3, v4  }
0x1e6: {  	(xrf1) =	vsort.ascd.msk.f32 $0xffff, v3, v3;
	_ =	sdelay $0xa  }
0x1e7: {  	v3, _, _ =	vpop (xrf1)  }
0x1e8: {  	(xrf2) =	vadd.scan.msk.f32 $0xffff, v3;
	_ =	sdelay $0x1  }
0x1e9: {  	v3, _, _ =	vpop (xrf1)  }
0x1ea: {  	(xrf2) =	vadd.scan.msk.f32 $0xffff, v3;
	_ =	sdelay $0x6  }
0x1eb: {  	v3, _, _ =	vpop (xrf2);
	_ =	sdelay $0x2  }
0x1ec: {  	(v2sf) =	vpush v3, $0xF;
	v3, _, _ =	vpop (xrf2)  }
0x1ed: {  	(v2sf) =	vpush v3, $0xF;
	_ =	sdelay $0xa  }
.Ltmp2:
0x1ee: {  	(pc) =	sbr.rel @p0 .LBB2_3-.Ltmp2, $3  }
0x1ef: {  	_ =	sdelay $0x1  }
0x1f0: {  	s23 =	spop (v2sf)  }
0x1f1: {  	s24 =	spop (v2sf)  }
0x1f2: {  	s19 =	sadd.f32 s24, s23  }
0x1f3: {  	s21 =	sand.u32 $0xF, s21  }
0x1f4: {  	v3 =	vmov s21;
	s22 =	smul.f32 $3.125000000e-02, s19;
	s19 =	sshll.u32 s18, $0x7  }
0x1f5: {  	vm0 =	veq.s32 v3, v0;
	s25 =	sadd.s32 s2, s19  }
0x1f6: {  	s20 =	sadd.s32 $0x1, s20;
	p0 =	sne.s32 s21, $0xF;
	v2 =	vsel vm0, s22, v2;
	s26 =	sshrl.u32 s25, $0x3  }
0x1f7: {  	[tilespmem:s20+$0x0] =	vst @!p0 v2;
	s28 =	sadd.s32 s3, s26;
	p0 =	seq.s32 s18, $0x8  }
0x1f8: {  	[hbm4b:s28+s4] =	stream.linear.scatter [tilespmem:s14], [sflag:$0x3], $0x40, $0x38;
	[tilespmem:$0x14080] =	vst v63  }
0x1f9: {  	s20 =	sadd.s32 @!p0 s19, s8  }
0x1fa: {  	s20 =	sshrl.u32 @!p0 s20, $0x3  }
0x1fb: {  	s29 =	simm.s32 $0x0;
	_ =	swait.ge [sflag:s15], $0x40;
	s20 =	smul.u32 @!p0 $0x280, s20  }
0x1fc: {  	s30 =	smul.u32 $0x5000, s29;
	[sflag:s15] =	ssyncset.done $0x0  }
0x1fd: {  	s21 =	simm.s32 @!p0 $0x0;
	[sflag:s15] =	ssyncadd.s32 $0xFFFFFFC0;
	s20 =	sadd.s32 @!p0 s5, s20  }
0x1fe: {  	[tilespmem:s21], [sflag:$0x1] =	stream.linear.gather @!p0 [hbm4b:s20+s21], $0xA000, $0x38;
	[tilespmem:$0x14080] =	vst v63  }
0x1ff: {  	s31 =	simm.s32 $0x0;
	_ =	swait.ge [sflag:s16], $0xA000  }
0x200: {  	s24 =	sand.u32 $0x380, s31;
	s21 =	sshra.s32 s30, $0x2;
	[sflag:s16] =	ssyncset.done $0x0  }
0x201: {  	s21 =	sor.u32 s24, s21;
	[sflag:s16] =	ssyncadd.s32 $0xFFFF6000  }
0x202: {  	v2 =	vld [tilespmem:s21+$0xA000]  }
0x203: {  	v3 =	vld [tilespmem:s21+$0xA010]  }
0x204: {  	v4 =	vld [tilespmem:s21+$0xA030]  }
0x205: {  	v5 =	vld [tilespmem:s21+$0xA020]  }
0x206: {  	v6 =	vld [tilespmem:s21+$0xA050]  }
0x207: {  	v7 =	vld [tilespmem:s21+$0xA040];
	(xrf1) =	vsort.ascd.msk.f32 $0xffff, v2, v2  }
0x208: {  	v13 =	vld [tilespmem:s21+$0xA400];
	(xrf1) =	vsort.ascd.msk.f32 $0xffff, v3, v3  }
0x209: {  	v2 =	vld [tilespmem:s21+$0xA410];
	(xrf1) =	vsort.ascd.msk.f32 $0xffff, v4, v4  }
0x20a: {  	v3 =	vld [tilespmem:s21+$0xA810];
	(xrf1) =	vsort.ascd.msk.f32 $0xffff, v5, v5  }
0x20b: {  	v5 =	vld [tilespmem:s21+$0xA800];
	(xrf1) =	vsort.ascd.msk.f32 $0xffff, v6, v6;
	_ =	sdelay $0x1  }
0x20c: {  	(xrf1) =	vsort.ascd.msk.f32 $0xffff, v7, v7  }
0x20d: {  	(xrf1) =	vsort.ascd.msk.f32 $0xffff, v2, v2  }
0x20e: {  	(xrf1) =	vsort.ascd.msk.f32 $0xffff, v3, v3  }
0x20f: {  	(xrf1) =	vsort.ascd.msk.f32 $0xffff, v13, v13  }
0x210: {  	(xrf1) =	vsort.ascd.msk.f32 $0xffff, v5, v5  }
0x211: {  	v3 =	vld [tilespmem:s21+$0xA070];
	_ =	sdelay $0x1  }
0x212: {  	v14 =	vld [tilespmem:s21+$0xA060]  }
0x213: {  	v2, _, _ =	vpop (xrf1)  }
0x214: {  	v15, _, _ =	vpop (xrf1)  }
0x215: {  	(xrf1) =	vsort.ascd.msk.f32 $0xffff, v3, v3;
	v4 =	vperm.xlane v15, v1;
	v3, _, _ =	vpop (xrf1)  }
0x216: {  	v3 =	vperm.xlane v3, v1;
	v16, _, _ =	vpop (xrf1)  }
0x217: {  	(xrf1) =	vsort.ascd.msk.f32 $0xffff, v14, v14;
	v17 =	vmax.f32 v2, v4;
	v18, _, _ =	vpop (xrf1)  }
0x218: {  	v8 =	vmax.f32 v16, v3;
	v7 =	vperm.xlane v18, v1;
	v3 =	vmin.f32 v16, v3  }
0x219: {  	(xrf1) =	vsort.ascd.msk.f32 $0xffff, v17, v17;
	v9, _, _ =	vpop (xrf1)  }
0x21a: {  	(xrf1) =	vsort.ascd.msk.f32 $0xffff, v8, v8;
	v19, _, _ =	vpop (xrf1)  }
0x21b: {  	v10 =	vld [tilespmem:s21+$0xA420];
	v20 =	vmax.f32 v9, v7;
	v5 =	vperm.xlane v19, v1;
	(xrf1) =	vsort.ascd.msk.f32 $0xffff, v3, v3;
	v3, _, _ =	vpop (xrf1)  }
0x21c: {  	v11 =	vld [tilespmem:s21+$0xA440];
	v9 =	vmin.f32 v9, v7;
	(xrf1) =	vsort.ascd.msk.f32 $0xffff, v20, v20;
	v6 =	vperm.xlane v3, v1;
	v7, _, _ =	vpop (xrf1)  }
0x21d: {  	v12 =	vld [tilespmem:s21+$0xA820];
	(xrf1) =	vsort.ascd.msk.f32 $0xffff, v9, v9;
	v3 =	vmax.f32 v7, v5;
	v8, _, _ =	vpop (xrf1)  }
0x21e: {  	v13 =	vld [tilespmem:s21+$0xA840];
	v21 =	vmax.f32 v8, v6;
	(xrf1) =	vsort.ascd.msk.f32 $0xffff, v3, v3  }
0x21f: {  	v3 =	vld [tilespmem:s21+$0xA430];
	(xrf1) =	vsort.ascd.msk.f32 $0xffff, v21, v21  }
0x220: {  	v22 =	vld [tilespmem:s21+$0xAC00];
	(xrf1) =	vsort.ascd.msk.f32 $0xffff, v10, v10  }
0x221: {  	v23 =	vld [tilespmem:s21+$0xA450];
	(xrf1) =	vsort.ascd.msk.f32 $0xffff, v11, v11  }
0x222: {  	(xrf1) =	vsort.ascd.msk.f32 $0xffff, v12, v12  }
0x223: {  	v24 =	vld [tilespmem:s21+$0xA830];
	v25, _, _ =	vpop (xrf1);
	(xrf1) =	vsort.ascd.msk.f32 $0xffff, v13, v13  }
0x224: {  	v26 =	vld [tilespmem:s21+$0xA850];
	v12 =	vperm.xlane v25, v1;
	(xrf1) =	vsort.ascd.msk.f32 $0xffff, v3, v3  }
0x225: {  	v14 =	vld [tilespmem:s21+$0xAC10];
	v15, _, _ =	vpop (xrf1);
	(xrf1) =	vsort.ascd.msk.f32 $0xffff, v22, v22  }
0x226: {  	v27 =	vld [tilespmem:s21+$0xA460];
	v3 =	vmax.f32 v15, v12;
	(xrf1) =	vsort.ascd.msk.f32 $0xffff, v23, v23  }
0x227: {  	v28 =	vld [tilespmem:s21+$0xA470];
	v16, _, _ =	vpop (xrf1);
	(xrf1) =	vsort.ascd.msk.f32 $0xffff, v3, v3  }
0x228: {  	v17 =	vld [tilespmem:s21+$0xA860];
	v18, _, _ =	vpop (xrf1);
	(xrf1) =	vsort.ascd.msk.f32 $0xffff, v24, v24  }
0x229: {  	v29 =	vld [tilespmem:s21+$0xA870];
	v3, _, _ =	vpop (xrf1);
	(xrf1) =	vsort.ascd.msk.f32 $0xffff, v26, v26  }
0x22a: {  	v30 =	vld [tilespmem:s21+$0xAC30];
	v19, _, _ =	vpop (xrf1);
	(xrf1) =	vsort.ascd.msk.f32 $0xffff, v14, v14  }
0x22b: {  	v31 =	vld [tilespmem:s21+$0xAC70];
	v20, _, _ =	vpop (xrf1);
	(xrf1) =	vsort.ascd.msk.f32 $0xffff, v27, v27  }
0x22c: {  	v32 =	vld [tilespmem:s21+$0xAC50];
	v21, _, _ =	vpop (xrf1);
	(xrf1) =	vsort.ascd.msk.f32 $0xffff, v28, v28  }
0x22d: {  	v33 =	vld [tilespmem:s21+$0xAC60];
	v22, _, _ =	vpop (xrf1);
	(xrf1) =	vsort.ascd.msk.f32 $0xffff, v17, v17  }
0x22e: {  	v34 =	vld [tilespmem:s21+$0xAC20];
	v23, _, _ =	vpop (xrf1);
	(xrf1) =	vsort.ascd.msk.f32 $0xffff, v29, v29  }
0x22f: {  	v35 =	vld [tilespmem:s21+$0xAC40];
	v24, _, _ =	vpop (xrf1);
	(xrf1) =	vsort.ascd.msk.f32 $0xffff, v30, v30  }
0x230: {  	v36, _, _ =	vpop (xrf1);
	(xrf1) =	vsort.ascd.msk.f32 $0xffff, v31, v31  }
0x231: {  	v37, _, _ =	vpop (xrf1);
	(xrf1) =	vsort.ascd.msk.f32 $0xffff, v32, v32  }
0x232: {  	v38, _, _ =	vpop (xrf1);
	(xrf1) =	vsort.ascd.msk.f32 $0xffff, v33, v33  }
0x233: {  	v9 =	vperm.xlane v38, v1;
	v39, _, _ =	vpop (xrf1);
	(xrf1) =	vsort.ascd.msk.f32 $0xffff, v34, v34  }
0x234: {  	v12 =	vmin.f32 v15, v12;
	v40, _, _ =	vpop (xrf1);
	(xrf1) =	vsort.ascd.msk.f32 $0xffff, v35, v35  }
0x235: {  	v41 =	vmax.f32 v23, v9;
	v15 =	vperm.xlane v40, v1;
	v42, _, _ =	vpop (xrf1);
	(xrf1) =	vsort.ascd.msk.f32 $0xffff, v12, v12  }
0x236: {  	v9 =	vmin.f32 v23, v9;
	(xrf1) =	vsort.ascd.msk.f32 $0xffff, v41, v41;
	v43, _, _ =	vpop (xrf1)  }
0x237: {  	v44 =	vmax.f32 v24, v15;
	v11 =	vperm.xlane v43, v1;
	(xrf1) =	vsort.ascd.msk.f32 $0xffff, v9, v9;
	v45, _, _ =	vpop (xrf1)  }
0x238: {  	v15 =	vmin.f32 v24, v15;
	(xrf1) =	vsort.ascd.msk.f32 $0xffff, v44, v44;
	v46, _, _ =	vpop (xrf1)  }
0x239: {  	v9 =	vperm.xlane v45, v1;
	v47 =	vmax.f32 v36, v11;
	(xrf1) =	vsort.ascd.msk.f32 $0xffff, v15, v15;
	v48, _, _ =	vpop (xrf1)  }
0x23a: {  	v11 =	vmin.f32 v36, v11;
	v12 =	vperm.xlane v46, v1;
	v49, _, _ =	vpop (xrf1);
	(xrf1) =	vsort.ascd.msk.f32 $0xffff, v47, v47  }
0x23b: {  	v50 =	vmax.f32 v37, v9;
	v13 =	vperm.xlane v49, v1;
	(xrf1) =	vsort.ascd.msk.f32 $0xffff, v11, v11;
	v51, _, _ =	vpop (xrf1)  }
0x23c: {  	v52 =	vmax.f32 v39, v12;
	(xrf1) =	vsort.ascd.msk.f32 $0xffff, v50, v50;
	v53, _, _ =	vpop (xrf1)  }
0x23d: {  	v25 =	vmax.f32 v48, v13;
	v23 =	vperm.xlane v53, v1;
	(xrf1) =	vsort.ascd.msk.f32 $0xffff, v52, v52;
	v54, _, _ =	vpop (xrf1)  }
0x23e: {  	v13 =	vmin.f32 v48, v13;
	(xrf1) =	vsort.ascd.msk.f32 $0xffff, v25, v25;
	v55, _, _ =	vpop (xrf1)  }
0x23f: {  	v56 =	vmax.f32 v51, v23;
	v15 =	vperm.xlane v55, v1;
	(xrf1) =	vsort.ascd.msk.f32 $0xffff, v13, v13;
	v57, _, _ =	vpop (xrf1)  }
0x240: {  	v58 =	vperm.xlane v54, v1;
	v11 =	vmin.f32 v51, v23;
	(xrf1) =	vsort.ascd.msk.f32 $0xffff, v56, v56;
	v59, _, _ =	vpop (xrf1)  }
0x241: {  	v13 =	vperm.xlane v57, v1;
	v60 =	vmax.f32 v59, v15;
	(xrf1) =	vsort.ascd.msk.f32 $0xffff, v11, v11;
	v61, _, _ =	vpop (xrf1)  }
0x242: {  	v26 =	vmax.f32 v61, v58;
	v27, _, _ =	vpop (xrf1);
	(xrf1) =	vsort.ascd.msk.f32 $0xffff, v60, v60  }
0x243: {  	v62 =	vmax.f32 v27, v13;
	v28, _, _ =	vpop (xrf1);
	(xrf1) =	vsort.ascd.msk.f32 $0xffff, v26, v26  }
0x244: {  	v15 =	vmin.f32 v59, v15;
	v63, _, _ =	vpop (xrf1);
	(xrf1) =	vsort.ascd.msk.f32 $0xffff, v62, v62  }
0x245: {  	v11 =	vmin.f32 v61, v58;
	v26, _, _ =	vpop (xrf1);
	(xrf1) =	vsort.ascd.msk.f32 $0xffff, v15, v15  }
0x246: {  	v13 =	vmin.f32 v27, v13;
	v29, _, _ =	vpop (xrf1);
	(xrf1) =	vsort.ascd.msk.f32 $0xffff, v11, v11  }
0x247: {  	v9 =	vmin.f32 v37, v9;
	v30, _, _ =	vpop (xrf1);
	(xrf1) =	vsort.ascd.msk.f32 $0xffff, v13, v13  }
0x248: {  	v2 =	vmin.f32 v2, v4;
	v10 =	vmin.f32 v39, v12;
	v31, _, _ =	vpop (xrf1);
	(xrf1) =	vsort.ascd.msk.f32 $0xffff, v9, v9  }
0x249: {  	v5 =	vmin.f32 v7, v5;
	v35 =	vperm.xlane v42, v1;
	v32, _, _ =	vpop (xrf1);
	(xrf1) =	vsort.ascd.msk.f32 $0xffff, v10, v10  }
0x24a: {  	v6 =	vmin.f32 v8, v6;
	v33 =	vperm.xlane v18, v1;
	(xrf1) =	vsort.ascd.msk.f32 $0xffff, v5, v5;
	v34, _, _ =	vpop (xrf1)  }
0x24b: {  	v4 =	vmax.f32 v19, v35;
	(xrf1) =	vsort.ascd.msk.f32 $0xffff, v6, v6;
	v36, _, _ =	vpop (xrf1)  }
0x24c: {  	v37 =	vmax.f32 v16, v33;
	v38 =	vperm.xlane v28, v1;
	(xrf1) =	vsort.ascd.msk.f32 $0xffff, v2, v2;
	v2, _, _ =	vpop (xrf1)  }
0x24d: {  	v39 =	vperm.xlane v63, v1;
	(xrf1) =	vsort.ascd.msk.f32 $0xffff, v37, v37;
	v40, _, _ =	vpop (xrf1);
	v2 =	vperm.xlane v2, v1  }
0x24e: {  	v9 =	vmin.f32 v20, v38;
	v12 =	vperm.xlane v31, v1;
	(xrf1) =	vsort.ascd.msk.f32 $0xffff, v4, v4;
	v41, _, _ =	vpop (xrf1)  }
0x24f: {  	v10 =	vmax.f32 v21, v39;
	(xrf1) =	vsort.ascd.msk.f32 $0xffff, v9, v9;
	v42, _, _ =	vpop (xrf1);
	v2 =	vmax.f32 v29, v2  }
0x250: {  	v12 =	vmax.f32 v22, v12;
	(xrf1) =	vsort.ascd.msk.f32 $0xffff, v10, v10;
	v43, _, _ =	vpop (xrf1)  }
0x251: {  	v8 =	vperm.xlane v40, v1;
	(xrf1) =	vsort.ascd.msk.f32 $0xffff, v12, v12;
	v44, _, _ =	vpop (xrf1)  }
0x252: {  	v10 =	vperm.xlane v43, v1;
	(xrf1) =	vsort.ascd.msk.f32 $0xffff, v2, v2;
	v2, _, _ =	vpop (xrf1)  }
0x253: {  	v51 =	vperm.xlane v26, v1;
	v4 =	vperm.xlane v41, v1;
	v8 =	vmin.f32 v30, v8;
	v46, _, _ =	vpop (xrf1)  }
0x254: {  	v45 =	vperm.xlane v44, v1;
	v2 =	vmax.f32 v2, v10;
	(xrf1) =	vsort.ascd.msk.f32 $0xffff, v8, v8;
	v48, _, _ =	vpop (xrf1)  }
0x255: {  	v4 =	vmax.f32 v34, v4;
	v47 =	vperm.xlane v46, v1;
	(xrf1) =	vsort.ascd.msk.f32 $0xffff, v2, v2;
	v49, _, _ =	vpop (xrf1)  }
0x256: {  	v2 =	vperm.xlane v42, v1;
	v6 =	vmax.f32 v36, v45;
	(xrf1) =	vsort.ascd.msk.f32 $0xffff, v4, v4;
	v50, _, _ =	vpop (xrf1)  }
0x257: {  	v8 =	vperm.xlane v48, v1;
	v4 =	vmin.f32 v49, v47;
	(xrf1) =	vsort.ascd.msk.f32 $0xffff, v6, v6;
	v52, _, _ =	vpop (xrf1)  }
0x258: {  	v3 =	vperm.xlane v3, v1;
	v2 =	vmin.f32 v50, v2;
	(xrf1) =	vsort.ascd.msk.f32 $0xffff, v4, v4;
	v54, _, _ =	vpop (xrf1)  }
0x259: {  	v5 =	vmin.f32 v52, v8;
	(xrf1) =	vsort.ascd.msk.f32 $0xffff, v2, v2;
	v2 =	vmin.f32 v54, v51;
	v55, _, _ =	vpop (xrf1)  }
0x25a: {  	v53 =	vperm.xlane v32, v1;
	(xrf1) =	vsort.ascd.msk.f32 $0xffff, v5, v5;
	v56, _, _ =	vpop (xrf1)  }
0x25b: {  	(xrf1) =	vsort.ascd.msk.f32 $0xffff, v2, v2;
	v3 =	vmin.f32 v56, v3  }
0x25c: {  	v4 =	vmin.f32 v55, v53;
	v2, _, _ =	vpop (xrf1)  }
0x25d: {  	v57 =	vld [tilespmem:s21+$0xB000];
	(xrf1) =	vsort.ascd.msk.f32 $0xffff, v4, v4;
	v58, _, _ =	vpop (xrf1)  }
0x25e: {  	v59 =	vld [tilespmem:s21+$0xB010];
	(xrf1) =	vsort.ascd.msk.f32 $0xffff, v3, v3;
	v3, _, _ =	vpop (xrf1)  }
0x25f: {  	v60 =	vld [tilespmem:s21+$0xB020];
	v61, _, _ =	vpop (xrf1)  }
0x260: {  	v62 =	vld [tilespmem:s21+$0xB030];
	v63, _, _ =	vpop (xrf1)  }
0x261: {  	v18 =	vperm.xlane v58, v1;
	v16, _, _ =	vpop (xrf1)  }
0x262: {  	(xrf1) =	vsort.ascd.msk.f32 $0xffff, v57, v57;
	v17, _, _ =	vpop (xrf1)  }
0x263: {  	v2 =	vmax.f32 v2, v18;
	(xrf1) =	vsort.ascd.msk.f32 $0xffff, v59, v59;
	v19, _, _ =	vpop (xrf1)  }
0x264: {  	(xrf1) =	vsort.ascd.msk.f32 $0xffff, v60, v60;
	v5 =	vperm.xlane v19, v1;
	v20, _, _ =	vpop (xrf1)  }
0x265: {  	v21 =	vperm.xlane v16, v1;
	(xrf1) =	vsort.ascd.msk.f32 $0xffff, v62, v62;
	v22, _, _ =	vpop (xrf1)  }
0x266: {  	v6 =	vperm.xlane v20, v1;
	(xrf1) =	vsort.ascd.msk.f32 $0xffff, v2, v2;
	v5 =	vmax.f32 v22, v5;
	v2, _, _ =	vpop (xrf1)  }
0x267: {  	v4 =	vmax.f32 v61, v21;
	v23, _, _ =	vpop (xrf1);
	(xrf1) =	vsort.ascd.msk.f32 $0xffff, v5, v5  }
0x268: {  	v2 =	vperm.xlane v2, v1;
	v6 =	vmax.f32 v63, v6;
	(xrf1) =	vsort.ascd.msk.f32 $0xffff, v4, v4;
	v25, _, _ =	vpop (xrf1)  }
0x269: {  	v24 =	vperm.xlane v17, v1;
	v26, _, _ =	vpop (xrf1);
	(xrf1) =	vsort.ascd.msk.f32 $0xffff, v6, v6  }
0x26a: {  	v7 =	vperm.xlane v23, v1;
	v2 =	vmin.f32 v25, v2  }
0x26b: {  	v4 =	vmin.f32 v26, v24;
	v27, _, _ =	vpop (xrf1);
	(xrf1) =	vsort.ascd.msk.f32 $0xffff, v2, v2;
	v2 =	vperm.xlane v3, v1  }
0x26c: {  	v3 =	vmin.f32 v27, v7;
	(xrf1) =	vsort.ascd.msk.f32 $0xffff, v4, v4;
	v28, _, _ =	vpop (xrf1)  }
0x26d: {  	(xrf1) =	vsort.ascd.msk.f32 $0xffff, v3, v3;
	v2 =	vmin.f32 v28, v2;
	_ =	sdelay $0x1  }
0x26e: {  	(xrf1) =	vsort.ascd.msk.f32 $0xffff, v2, v2  }
0x26f: {  	v2, _, _ =	vpop (xrf1)  }
0x270: {  	v3, _, _ =	vpop (xrf1)  }
0x271: {  	v29, _, _ =	vpop (xrf1)  }
0x272: {  	v30, _, _ =	vpop (xrf1)  }
0x273: {  	v31, _, _ =	vpop (xrf1)  }
0x274: {  	v3 =	vperm.xlane v3, v1;
	v32, _, _ =	vpop (xrf1)  }
0x275: {  	v7 =	vperm.xlane v32, v1;
	v33, _, _ =	vpop (xrf1)  }
0x276: {  	v34 =	vmax.f32 v2, v3;
	v5 =	vperm.xlane v30, v1;
	v35, _, _ =	vpop (xrf1)  }
0x277: {  	(xrf1) =	vsort.ascd.msk.f32 $0xffff, v34, v34;
	v8 =	vperm.xlane v33, v1;
	v7 =	vmax.f32 v35, v7  }
0x278: {  	v38 =	vmax.f32 v29, v5;
	v36, _, _ =	vpop (xrf1);
	(xrf1) =	vsort.ascd.msk.f32 $0xffff, v7, v7  }
0x279: {  	v37 =	vperm.xlane v36, v1;
	v39, _, _ =	vpop (xrf1);
	v6 =	vmax.f32 v31, v8;
	(xrf1) =	vsort.ascd.msk.f32 $0xffff, v38, v38  }
0x27a: {  	v40, _, _ =	vpop (xrf1);
	(xrf1) =	vsort.ascd.msk.f32 $0xffff, v6, v6  }
0x27b: {  	v41 =	vperm.xlane v39, v1;
	v7 =	vmin.f32 v40, v37  }
0x27c: {  	v4 =	vmin.f32 v29, v5;
	v42, _, _ =	vpop (xrf1);
	(xrf1) =	vsort.ascd.msk.f32 $0xffff, v7, v7  }
0x27d: {  	v5 =	vmin.f32 v42, v41;
	(xrf1) =	vsort.ascd.msk.f32 $0xffff, v4, v4  }
0x27e: {  	(xrf1) =	vsort.ascd.msk.f32 $0xffff, v5, v5  }
0x27f: {  	v2 =	vmin.f32 v2, v3  }
0x280: {  	(xrf1) =	vsort.ascd.msk.f32 $0xffff, v2, v2;
	_ =	sdelay $0x4  }
0x281: {  	v2, _, _ =	vpop (xrf1)  }
0x282: {  	v3, _, _ =	vpop (xrf1)  }
0x283: {  	v43, _, _ =	vpop (xrf1);
	v3 =	vperm.xlane v3, v1  }
0x284: {  	v44, _, _ =	vpop (xrf1)  }
0x285: {  	v4 =	vperm.xlane v43, v1;
	v3 =	vmax.f32 v44, v3  }
0x286: {  	v45, _, _ =	vpop (xrf1)  }
0x287: {  	v46 =	vperm.xlane v45, v1;
	v47, _, _ =	vpop (xrf1);
	v2 =	vmax.f32 v2, v4  }
0x288: {  	(xrf1) =	vsort.ascd.msk.f32 $0xffff, v3, v3;
	v3, _, _ =	vpop (xrf1)  }
0x289: {  	v48 =	vperm.xlane v47, v1;
	(xrf1) =	vsort.ascd.msk.f32 $0xffff, v2, v2;
	v3 =	vmin.f32 v3, v46  }
0x28a: {  	v2, _, _ =	vpop (xrf1);
	(xrf1) =	vsort.ascd.msk.f32 $0xffff, v3, v3  }
0x28b: {  	v2 =	vmin.f32 v2, v48  }
0x28c: {  	(xrf1) =	vsort.ascd.msk.f32 $0xffff, v2, v2;
	_ =	sdelay $0x9  }
0x28d: {  	v2, _, _ =	vpop (xrf1)  }
0x28e: {  	v3, _, _ =	vpop (xrf1)  }
0x28f: {  	v2 =	vperm.xlane v2, v1;
	v49, _, _ =	vpop (xrf1)  }
0x290: {  	v4 =	vperm.xlane v49, v1  }
0x291: {  	v2 =	vmax.f32 v3, v2;
	v3, _, _ =	vpop (xrf1)  }
0x292: {  	(xrf1) =	vsort.ascd.msk.f32 $0xffff, v2, v2;
	v2 =	vmin.f32 v3, v4  }
0x293: {  	(xrf1) =	vsort.ascd.msk.f32 $0xffff, v2, v2;
	_ =	sdelay $0xc  }
0x294: {  	v2, _, _ =	vpop (xrf1)  }
0x295: {  	(xrf2) =	vadd.scan.msk.f32 $0xffff, v2;
	v2, _, _ =	vpop (xrf1)  }
0x296: {  	(xrf2) =	vadd.scan.msk.f32 $0xffff, v2;
	_ =	sdelay $0x8  }
0x297: {  	v2, _, _ =	vpop (xrf2)  }
0x298: {  	(v2sf) =	vpush v2, $0xF;
	v2, _, _ =	vpop (xrf2)  }
0x299: {  	(v2sf) =	vpush v2, $0xF;
	_ =	sdelay $0xd  }
0x29a: {  	s25 =	spop (v2sf)  }
0x29b: {  	s26 =	spop (v2sf)  }
0x29c: {  	s28 =	simm.s32 $0x0;
	s21 =	sadd.f32 s26, s25  }
0x29d: {  	s29 =	smul.u32 $0x5000, s28;
	s30 =	sand.u32 $0xF, s31  }
0x29e: {  	v2 =	vmov s30;
	s31 =	smul.f32 $3.125000000e-02, s21  }
0x29f: {  	s22 =	sshra.s32 s29, $0x2;
	v3 =	vimm.f32 $0.0e+00;
	vm15 =	veq.s32 v2, v0;
	s21 =	simm.s32 $0x80  }
0x2a0: {  	s20 =	simm.s32 $0x13FF1;
	p1 =	sne.s32 s30, $0xF;
	s25 =	sand.u32 $0x380, s21;
	v2 =	vsel vm15, s31, v3  }
0x2a1: {  	s22 =	sor.u32 s25, s22;
	[tilespmem:s20+$0x0] =	vst @!p1 v2  }
0x2a2: {  	v3 =	vld [tilespmem:s22+$0xA000]  }
0x2a3: {  	v50 =	vld [tilespmem:s22+$0xA010]  }
0x2a4: {  	v51 =	vld [tilespmem:s22+$0xA030]  }
0x2a5: {  	v52 =	vld [tilespmem:s22+$0xA020]  }
0x2a6: {  	v53 =	vld [tilespmem:s22+$0xA050]  }
0x2a7: {  	(xrf1) =	vsort.ascd.msk.f32 $0xffff, v3, v3  }
0x2a8: {  	v54 =	vld [tilespmem:s22+$0xA040];
	(xrf1) =	vsort.ascd.msk.f32 $0xffff, v50, v50  }
0x2a9: {  	v3 =	vld [tilespmem:s22+$0xA410];
	(xrf1) =	vsort.ascd.msk.f32 $0xffff, v51, v51  }
0x2aa: {  	v55 =	vld [tilespmem:s22+$0xA810];
	(xrf1) =	vsort.ascd.msk.f32 $0xffff, v52, v52  }
0x2ab: {  	v56 =	vld [tilespmem:s22+$0xA400];
	(xrf1) =	vsort.ascd.msk.f32 $0xffff, v53, v53  }
0x2ac: {  	v57 =	vld [tilespmem:s22+$0xA800]  }
0x2ad: {  	(xrf1) =	vsort.ascd.msk.f32 $0xffff, v54, v54  }
0x2ae: {  	(xrf1) =	vsort.ascd.msk.f32 $0xffff, v3, v3  }
0x2af: {  	(xrf1) =	vsort.ascd.msk.f32 $0xffff, v55, v55  }
0x2b0: {  	(xrf1) =	vsort.ascd.msk.f32 $0xffff, v56, v56  }
0x2b1: {  	(xrf1) =	vsort.ascd.msk.f32 $0xffff, v57, v57  }
0x2b2: {  	v58 =	vld [tilespmem:s22+$0xA070];
	_ =	sdelay $0x1  }
0x2b3: {  	v59 =	vld [tilespmem:s22+$0xA060]  }
0x2b4: {  	v3, _, _ =	vpop (xrf1)  }
0x2b5: {  	v60, _, _ =	vpop (xrf1)  }
0x2b6: {  	(xrf1) =	vsort.ascd.msk.f32 $0xffff, v58, v58;
	v61, _, _ =	vpop (xrf1)  }
0x2b7: {  	v5 =	vperm.xlane v60, v1;
	v62, _, _ =	vpop (xrf1)  }
0x2b8: {  	(xrf1) =	vsort.ascd.msk.f32 $0xffff, v59, v59;
	v4 =	vperm.xlane v61, v1;
	v12, _, _ =	vpop (xrf1)  }
0x2b9: {  	v63 =	vmax.f32 v3, v5;
	v8 =	vperm.xlane v12, v1  }
0x2ba: {  	v13 =	vmax.f32 v62, v4;
	(xrf1) =	vsort.ascd.msk.f32 $0xffff, v63, v63;
	v14, _, _ =	vpop (xrf1)  }
0x2bb: {  	v4 =	vmin.f32 v62, v4;
	(xrf1) =	vsort.ascd.msk.f32 $0xffff, v13, v13;
	v15, _, _ =	vpop (xrf1)  }
0x2bc: {  	v17 =	vld [tilespmem:s22+$0xA420];
	v16 =	vmax.f32 v14, v8;
	v6 =	vperm.xlane v15, v1;
	(xrf1) =	vsort.ascd.msk.f32 $0xffff, v4, v4;
	v18, _, _ =	vpop (xrf1)  }
0x2bd: {  	v19 =	vld [tilespmem:s22+$0xA440];
	v10 =	vmin.f32 v14, v8;
	v7 =	vperm.xlane v18, v1;
	(xrf1) =	vsort.ascd.msk.f32 $0xffff, v16, v16;
	v8, _, _ =	vpop (xrf1)  }
0x2be: {  	v21 =	vld [tilespmem:s22+$0xA820];
	(xrf1) =	vsort.ascd.msk.f32 $0xffff, v10, v10;
	v20 =	vmax.f32 v8, v6;
	v9, _, _ =	vpop (xrf1)  }
0x2bf: {  	v23 =	vld [tilespmem:s22+$0xA840];
	v22 =	vmax.f32 v9, v7;
	(xrf1) =	vsort.ascd.msk.f32 $0xffff, v20, v20  }
0x2c0: {  	v24 =	vld [tilespmem:s22+$0xA430];
	(xrf1) =	vsort.ascd.msk.f32 $0xffff, v22, v22  }
0x2c1: {  	v25 =	vld [tilespmem:s22+$0xAC00];
	(xrf1) =	vsort.ascd.msk.f32 $0xffff, v17, v17  }
0x2c2: {  	v26 =	vld [tilespmem:s22+$0xA450];
	(xrf1) =	vsort.ascd.msk.f32 $0xffff, v19, v19  }
0x2c3: {  	(xrf1) =	vsort.ascd.msk.f32 $0xffff, v21, v21  }
0x2c4: {  	v27 =	vld [tilespmem:s22+$0xA830];
	v28, _, _ =	vpop (xrf1);
	(xrf1) =	vsort.ascd.msk.f32 $0xffff, v23, v23  }
0x2c5: {  	v29 =	vld [tilespmem:s22+$0xA850];
	v13 =	vperm.xlane v28, v1;
	(xrf1) =	vsort.ascd.msk.f32 $0xffff, v24, v24  }
0x2c6: {  	v30 =	vld [tilespmem:s22+$0xAC10];
	v31, _, _ =	vpop (xrf1);
	(xrf1) =	vsort.ascd.msk.f32 $0xffff, v25, v25  }
0x2c7: {  	v33 =	vld [tilespmem:s22+$0xA460];
	v32 =	vmax.f32 v31, v13;
	(xrf1) =	vsort.ascd.msk.f32 $0xffff, v26, v26  }
0x2c8: {  	v34 =	vld [tilespmem:s22+$0xA470];
	v17, _, _ =	vpop (xrf1);
	(xrf1) =	vsort.ascd.msk.f32 $0xffff, v32, v32  }
0x2c9: {  	v35 =	vld [tilespmem:s22+$0xA860];
	v19, _, _ =	vpop (xrf1);
	(xrf1) =	vsort.ascd.msk.f32 $0xffff, v27, v27  }
0x2ca: {  	v36 =	vld [tilespmem:s22+$0xA870];
	v4, _, _ =	vpop (xrf1);
	(xrf1) =	vsort.ascd.msk.f32 $0xffff, v29, v29  }
0x2cb: {  	v37 =	vld [tilespmem:s22+$0xAC30];
	v20, _, _ =	vpop (xrf1);
	(xrf1) =	vsort.ascd.msk.f32 $0xffff, v30, v30  }
0x2cc: {  	v38 =	vld [tilespmem:s22+$0xAC70];
	v21, _, _ =	vpop (xrf1);
	(xrf1) =	vsort.ascd.msk.f32 $0xffff, v33, v33  }
0x2cd: {  	v39 =	vld [tilespmem:s22+$0xAC50];
	v22, _, _ =	vpop (xrf1);
	(xrf1) =	vsort.ascd.msk.f32 $0xffff, v34, v34  }
0x2ce: {  	v40 =	vld [tilespmem:s22+$0xAC60];
	v23, _, _ =	vpop (xrf1);
	(xrf1) =	vsort.ascd.msk.f32 $0xffff, v35, v35  }
0x2cf: {  	v41 =	vld [tilespmem:s22+$0xAC20];
	v42, _, _ =	vpop (xrf1);
	(xrf1) =	vsort.ascd.msk.f32 $0xffff, v36, v36  }
0x2d0: {  	v43 =	vld [tilespmem:s22+$0xAC40];
	v44, _, _ =	vpop (xrf1);
	(xrf1) =	vsort.ascd.msk.f32 $0xffff, v37, v37  }
0x2d1: {  	v45, _, _ =	vpop (xrf1);
	(xrf1) =	vsort.ascd.msk.f32 $0xffff, v38, v38  }
0x2d2: {  	v46, _, _ =	vpop (xrf1);
	(xrf1) =	vsort.ascd.msk.f32 $0xffff, v39, v39  }
0x2d3: {  	v47, _, _ =	vpop (xrf1);
	(xrf1) =	vsort.ascd.msk.f32 $0xffff, v40, v40  }
0x2d4: {  	v10 =	vperm.xlane v47, v1;
	v48, _, _ =	vpop (xrf1);
	(xrf1) =	vsort.ascd.msk.f32 $0xffff, v41, v41  }
0x2d5: {  	v13 =	vmin.f32 v31, v13;
	v49, _, _ =	vpop (xrf1);
	(xrf1) =	vsort.ascd.msk.f32 $0xffff, v43, v43  }
0x2d6: {  	v50 =	vmax.f32 v42, v10;
	v16 =	vperm.xlane v49, v1;
	v51, _, _ =	vpop (xrf1);
	(xrf1) =	vsort.ascd.msk.f32 $0xffff, v13, v13  }
0x2d7: {  	v10 =	vmin.f32 v42, v10;
	(xrf1) =	vsort.ascd.msk.f32 $0xffff, v50, v50;
	v52, _, _ =	vpop (xrf1)  }
0x2d8: {  	v53 =	vmax.f32 v44, v16;
	v12 =	vperm.xlane v52, v1;
	(xrf1) =	vsort.ascd.msk.f32 $0xffff, v10, v10;
	v54, _, _ =	vpop (xrf1)  }
0x2d9: {  	v16 =	vmin.f32 v44, v16;
	(xrf1) =	vsort.ascd.msk.f32 $0xffff, v53, v53;
	v55, _, _ =	vpop (xrf1)  }
0x2da: {  	v10 =	vperm.xlane v54, v1;
	v56 =	vmax.f32 v45, v12;
	(xrf1) =	vsort.ascd.msk.f32 $0xffff, v16, v16;
	v57, _, _ =	vpop (xrf1)  }
0x2db: {  	v12 =	vmin.f32 v45, v12;
	v13 =	vperm.xlane v55, v1;
	v58, _, _ =	vpop (xrf1);
	(xrf1) =	vsort.ascd.msk.f32 $0xffff, v56, v56  }
0x2dc: {  	v59 =	vmax.f32 v46, v10;
	v14 =	vperm.xlane v58, v1;
	(xrf1) =	vsort.ascd.msk.f32 $0xffff, v12, v12;
	v60, _, _ =	vpop (xrf1)  }
0x2dd: {  	v61 =	vmax.f32 v48, v13;
	(xrf1) =	vsort.ascd.msk.f32 $0xffff, v59, v59;
	v62, _, _ =	vpop (xrf1)  }
0x2de: {  	v63 =	vmax.f32 v57, v14;
	v24 =	vperm.xlane v62, v1;
	(xrf1) =	vsort.ascd.msk.f32 $0xffff, v61, v61;
	v28, _, _ =	vpop (xrf1)  }
0x2df: {  	v14 =	vmin.f32 v57, v14;
	(xrf1) =	vsort.ascd.msk.f32 $0xffff, v63, v63;
	v29, _, _ =	vpop (xrf1)  }
0x2e0: {  	v30 =	vmax.f32 v60, v24;
	v16 =	vperm.xlane v29, v1;
	(xrf1) =	vsort.ascd.msk.f32 $0xffff, v14, v14;
	v31, _, _ =	vpop (xrf1)  }
0x2e1: {  	v32 =	vperm.xlane v28, v1;
	v12 =	vmin.f32 v60, v24;
	(xrf1) =	vsort.ascd.msk.f32 $0xffff, v30, v30;
	v33, _, _ =	vpop (xrf1)  }
0x2e2: {  	v14 =	vperm.xlane v31, v1;
	v34 =	vmax.f32 v33, v16;
	(xrf1) =	vsort.ascd.msk.f32 $0xffff, v12, v12;
	v35, _, _ =	vpop (xrf1)  }
0x2e3: {  	v36 =	vmax.f32 v35, v32;
	v37, _, _ =	vpop (xrf1);
	(xrf1) =	vsort.ascd.msk.f32 $0xffff, v34, v34  }
0x2e4: {  	v38 =	vmax.f32 v37, v14;
	v29, _, _ =	vpop (xrf1);
	(xrf1) =	vsort.ascd.msk.f32 $0xffff, v36, v36  }
0x2e5: {  	v16 =	vmin.f32 v33, v16;
	v39, _, _ =	vpop (xrf1);
	(xrf1) =	vsort.ascd.msk.f32 $0xffff, v38, v38  }
0x2e6: {  	v12 =	vmin.f32 v35, v32;
	v40, _, _ =	vpop (xrf1);
	(xrf1) =	vsort.ascd.msk.f32 $0xffff, v16, v16  }
0x2e7: {  	v14 =	vmin.f32 v37, v14;
	v41, _, _ =	vpop (xrf1);
	(xrf1) =	vsort.ascd.msk.f32 $0xffff, v12, v12  }
0x2e8: {  	v10 =	vmin.f32 v46, v10;
	v42, _, _ =	vpop (xrf1);
	(xrf1) =	vsort.ascd.msk.f32 $0xffff, v14, v14  }
0x2e9: {  	v3 =	vmin.f32 v3, v5;
	v11 =	vmin.f32 v48, v13;
	v43, _, _ =	vpop (xrf1);
	(xrf1) =	vsort.ascd.msk.f32 $0xffff, v10, v10  }
0x2ea: {  	v6 =	vmin.f32 v8, v6;
	v47 =	vperm.xlane v51, v1;
	v44, _, _ =	vpop (xrf1);
	(xrf1) =	vsort.ascd.msk.f32 $0xffff, v11, v11  }
0x2eb: {  	v7 =	vmin.f32 v9, v7;
	v45 =	vperm.xlane v19, v1;
	(xrf1) =	vsort.ascd.msk.f32 $0xffff, v6, v6;
	v46, _, _ =	vpop (xrf1)  }
0x2ec: {  	v5 =	vmax.f32 v20, v47;
	(xrf1) =	vsort.ascd.msk.f32 $0xffff, v7, v7;
	v48, _, _ =	vpop (xrf1)  }
0x2ed: {  	v49 =	vmax.f32 v17, v45;
	v50 =	vperm.xlane v29, v1;
	(xrf1) =	vsort.ascd.msk.f32 $0xffff, v3, v3;
	v3, _, _ =	vpop (xrf1)  }
0x2ee: {  	v51 =	vperm.xlane v39, v1;
	(xrf1) =	vsort.ascd.msk.f32 $0xffff, v49, v49;
	v52, _, _ =	vpop (xrf1);
	v3 =	vperm.xlane v3, v1  }
0x2ef: {  	v10 =	vmin.f32 v21, v50;
	v13 =	vperm.xlane v43, v1;
	(xrf1) =	vsort.ascd.msk.f32 $0xffff, v5, v5;
	v53, _, _ =	vpop (xrf1)  }
0x2f0: {  	v11 =	vmax.f32 v22, v51;
	(xrf1) =	vsort.ascd.msk.f32 $0xffff, v10, v10;
	v54, _, _ =	vpop (xrf1);
	v3 =	vmax.f32 v41, v3  }
0x2f1: {  	v13 =	vmax.f32 v23, v13;
	(xrf1) =	vsort.ascd.msk.f32 $0xffff, v11, v11;
	v55, _, _ =	vpop (xrf1)  }
0x2f2: {  	v9 =	vperm.xlane v52, v1;
	(xrf1) =	vsort.ascd.msk.f32 $0xffff, v13, v13;
	v56, _, _ =	vpop (xrf1)  }
0x2f3: {  	v11 =	vperm.xlane v55, v1;
	(xrf1) =	vsort.ascd.msk.f32 $0xffff, v3, v3;
	v3, _, _ =	vpop (xrf1)  }
0x2f4: {  	v63 =	vperm.xlane v40, v1;
	v5 =	vperm.xlane v53, v1;
	v9 =	vmin.f32 v42, v9;
	v58, _, _ =	vpop (xrf1)  }
0x2f5: {  	v57 =	vperm.xlane v56, v1;
	v3 =	vmax.f32 v3, v11;
	(xrf1) =	vsort.ascd.msk.f32 $0xffff, v9, v9;
	v60, _, _ =	vpop (xrf1)  }
0x2f6: {  	v5 =	vmax.f32 v46, v5;
	v59 =	vperm.xlane v58, v1;
	(xrf1) =	vsort.ascd.msk.f32 $0xffff, v3, v3;
	v61, _, _ =	vpop (xrf1)  }
0x2f7: {  	v3 =	vperm.xlane v54, v1;
	v7 =	vmax.f32 v48, v57;
	(xrf1) =	vsort.ascd.msk.f32 $0xffff, v5, v5;
	v62, _, _ =	vpop (xrf1)  }
0x2f8: {  	v9 =	vperm.xlane v60, v1;
	v5 =	vmin.f32 v61, v59;
	(xrf1) =	vsort.ascd.msk.f32 $0xffff, v7, v7;
	v11, _, _ =	vpop (xrf1)  }
0x2f9: {  	v12 =	vperm.xlane v44, v1;
	v3 =	vmin.f32 v62, v3;
	(xrf1) =	vsort.ascd.msk.f32 $0xffff, v5, v5;
	v13, _, _ =	vpop (xrf1)  }
0x2fa: {  	v6 =	vmin.f32 v11, v9;
	(xrf1) =	vsort.ascd.msk.f32 $0xffff, v3, v3;
	v3 =	vmin.f32 v13, v63  }
0x2fb: {  	v14, _, _ =	vpop (xrf1);
	(xrf1) =	vsort.ascd.msk.f32 $0xffff, v6, v6  }
0x2fc: {  	v4 =	vperm.xlane v4, v1;
	v5 =	vmin.f32 v14, v12;
	v15, _, _ =	vpop (xrf1);
	(xrf1) =	vsort.ascd.msk.f32 $0xffff, v3, v3  }
0x2fd: {  	v3, _, _ =	vpop (xrf1);
	(xrf1) =	vsort.ascd.msk.f32 $0xffff, v5, v5  }
0x2fe: {  	v16 =	vld [tilespmem:s22+$0xB000];
	v4 =	vmin.f32 v15, v4;
	v17, _, _ =	vpop (xrf1)  }
0x2ff: {  	v18 =	vld [tilespmem:s22+$0xB010];
	(xrf1) =	vsort.ascd.msk.f32 $0xffff, v4, v4;
	v19, _, _ =	vpop (xrf1)  }
0x300: {  	v20 =	vld [tilespmem:s22+$0xB020];
	v21, _, _ =	vpop (xrf1)  }
0x301: {  	v22 =	vld [tilespmem:s22+$0xB030];
	v23, _, _ =	vpop (xrf1)  }
0x302: {  	v26 =	vperm.xlane v17, v1;
	v24, _, _ =	vpop (xrf1)  }
0x303: {  	(xrf1) =	vsort.ascd.msk.f32 $0xffff, v16, v16;
	v25, _, _ =	vpop (xrf1)  }
0x304: {  	(xrf1) =	vsort.ascd.msk.f32 $0xffff, v18, v18;
	v3 =	vmax.f32 v3, v26;
	v27, _, _ =	vpop (xrf1)  }
0x305: {  	(xrf1) =	vsort.ascd.msk.f32 $0xffff, v20, v20;
	v6 =	vperm.xlane v27, v1;
	v28, _, _ =	vpop (xrf1)  }
0x306: {  	v29 =	vperm.xlane v24, v1;
	(xrf1) =	vsort.ascd.msk.f32 $0xffff, v22, v22;
	v30, _, _ =	vpop (xrf1)  }
0x307: {  	(xrf1) =	vsort.ascd.msk.f32 $0xffff, v3, v3;
	v7 =	vperm.xlane v28, v1;
	v6 =	vmax.f32 v30, v6;
	v3, _, _ =	vpop (xrf1)  }
0x308: {  	v5 =	vmax.f32 v21, v29;
	v3 =	vperm.xlane v3, v1;
	v31, _, _ =	vpop (xrf1);
	(xrf1) =	vsort.ascd.msk.f32 $0xffff, v6, v6  }
0x309: {  	v32 =	vperm.xlane v25, v1;
	v7 =	vmax.f32 v23, v7;
	(xrf1) =	vsort.ascd.msk.f32 $0xffff, v5, v5;
	v33, _, _ =	vpop (xrf1)  }
0x30a: {  	v8 =	vperm.xlane v31, v1;
	v3 =	vmin.f32 v33, v3;
	v34, _, _ =	vpop (xrf1);
	(xrf1) =	vsort.ascd.msk.f32 $0xffff, v7, v7  }
0x30b: {  	v5 =	vmin.f32 v34, v32;
	v35, _, _ =	vpop (xrf1);
	(xrf1) =	vsort.ascd.msk.f32 $0xffff, v3, v3  }
0x30c: {  	v3 =	vperm.xlane v19, v1;
	v36 =	vmin.f32 v35, v8;
	(xrf1) =	vsort.ascd.msk.f32 $0xffff, v5, v5  }
0x30d: {  	v37, _, _ =	vpop (xrf1);
	(xrf1) =	vsort.ascd.msk.f32 $0xffff, v36, v36  }
0x30e: {  	v3 =	vmin.f32 v37, v3  }
0x30f: {  	(xrf1) =	vsort.ascd.msk.f32 $0xffff, v3, v3;
	_ =	sdelay $0x1  }
0x310: {  	v3, _, _ =	vpop (xrf1)  }
0x311: {  	v38, _, _ =	vpop (xrf1)  }
0x312: {  	v39, _, _ =	vpop (xrf1)  }
0x313: {  	v40, _, _ =	vpop (xrf1)  }
0x314: {  	v41, _, _ =	vpop (xrf1)  }
0x315: {  	v4 =	vperm.xlane v38, v1;
	v42, _, _ =	vpop (xrf1)  }
0x316: {  	v8 =	vperm.xlane v42, v1;
	v43, _, _ =	vpop (xrf1)  }
0x317: {  	v44 =	vmax.f32 v3, v4;
	v6 =	vperm.xlane v40, v1;
	v45, _, _ =	vpop (xrf1)  }
0x318: {  	(xrf1) =	vsort.ascd.msk.f32 $0xffff, v44, v44;
	v9 =	vperm.xlane v43, v1;
	v8 =	vmax.f32 v45, v8;
	v46, _, _ =	vpop (xrf1)  }
0x319: {  	v48 =	vmax.f32 v39, v6;
	v47 =	vperm.xlane v46, v1;
	v49, _, _ =	vpop (xrf1);
	(xrf1) =	vsort.ascd.msk.f32 $0xffff, v8, v8  }
0x31a: {  	v7 =	vmax.f32 v41, v9;
	v50, _, _ =	vpop (xrf1);
	(xrf1) =	vsort.ascd.msk.f32 $0xffff, v48, v48  }
0x31b: {  	v51 =	vperm.xlane v49, v1;
	v8 =	vmin.f32 v50, v47;
	(xrf1) =	vsort.ascd.msk.f32 $0xffff, v7, v7  }
0x31c: {  	v5 =	vmin.f32 v39, v6;
	v52, _, _ =	vpop (xrf1);
	(xrf1) =	vsort.ascd.msk.f32 $0xffff, v8, v8  }
0x31d: {  	v6 =	vmin.f32 v52, v51;
	(xrf1) =	vsort.ascd.msk.f32 $0xffff, v5, v5  }
0x31e: {  	(xrf1) =	vsort.ascd.msk.f32 $0xffff, v6, v6  }
0x31f: {  	v3 =	vmin.f32 v3, v4  }
0x320: {  	(xrf1) =	vsort.ascd.msk.f32 $0xffff, v3, v3;
	_ =	sdelay $0x5  }
0x321: {  	v3, _, _ =	vpop (xrf1)  }
0x322: {  	v53, _, _ =	vpop (xrf1)  }
0x323: {  	v54, _, _ =	vpop (xrf1)  }
0x324: {  	v4 =	vperm.xlane v53, v1;
	v55, _, _ =	vpop (xrf1);
	v5 =	vperm.xlane v54, v1  }
0x325: {  	v56, _, _ =	vpop (xrf1)  }
0x326: {  	v4 =	vmax.f32 v55, v4;
	v57 =	vperm.xlane v56, v1;
	v58, _, _ =	vpop (xrf1);
	v3 =	vmax.f32 v3, v5  }
0x327: {  	(xrf1) =	vsort.ascd.msk.f32 $0xffff, v4, v4;
	v59, _, _ =	vpop (xrf1)  }
0x328: {  	v60 =	vperm.xlane v58, v1;
	(xrf1) =	vsort.ascd.msk.f32 $0xffff, v3, v3;
	v4 =	vmin.f32 v59, v57  }
0x329: {  	(xrf1) =	vsort.ascd.msk.f32 $0xffff, v4, v4;
	v3, _, _ =	vpop (xrf1)  }
0x32a: {  	v3 =	vmin.f32 v3, v60  }
0x32b: {  	(xrf1) =	vsort.ascd.msk.f32 $0xffff, v3, v3;
	_ =	sdelay $0x9  }
0x32c: {  	v3, _, _ =	vpop (xrf1)  }
0x32d: {  	v61, _, _ =	vpop (xrf1)  }
0x32e: {  	v3 =	vperm.xlane v3, v1;
	v62, _, _ =	vpop (xrf1)  }
0x32f: {  	v5 =	vperm.xlane v62, v1  }
0x330: {  	v3 =	vmax.f32 v61, v3;
	v63, _, _ =	vpop (xrf1)  }
0x331: {  	(xrf1) =	vsort.ascd.msk.f32 $0xffff, v3, v3;
	v3 =	vmin.f32 v63, v5  }
0x332: {  	(xrf1) =	vsort.ascd.msk.f32 $0xffff, v3, v3;
	_ =	sdelay $0xc  }
0x333: {  	v3, _, _ =	vpop (xrf1)  }
0x334: {  	(xrf2) =	vadd.scan.msk.f32 $0xffff, v3;
	v3, _, _ =	vpop (xrf1)  }
0x335: {  	(xrf2) =	vadd.scan.msk.f32 $0xffff, v3;
	_ =	sdelay $0x8  }
0x336: {  	v3, _, _ =	vpop (xrf2)  }
0x337: {  	(v2sf) =	vpush v3, $0xF;
	v3, _, _ =	vpop (xrf2)  }
0x338: {  	(v2sf) =	vpush v3, $0xF;
	_ =	sdelay $0xd  }
0x339: {  	s24 =	spop (v2sf)  }
0x33a: {  	s23 =	simm.s32 $0x2;
	s22 =	simm.s32 $0x1;
	s25 =	spop (v2sf)  }
.LBB2_5:
0x33b: {  	s26 =	sshrl.u32 s23, $0x3;
	s24 =	sadd.f32 s25, s24  }
0x33c: {  	s25 =	smul.u32 $0x5000, s26;
	s26 =	sand.u32 $0xF, s22;
	s22 =	smov.u32 s23  }
0x33d: {  	s24 =	smul.f32 $3.125000000e-02, s24;
	v3 =	vmov s26  }
0x33e: {  	s21 =	sadd.s32 $0x80, s21;
	s20 =	sadd.s32 $0x1, s20;
	vm0 =	veq.s32 v3, v0  }
0x33f: {  	s28 =	sand.u32 $0x380, s21;
	p1 =	sne.s32 s26, $0xF;
	s25 =	sshra.s32 s25, $0x2;
	v2 =	vsel vm0, s24, v2  }
0x340: {  	s24 =	sor.u32 s28, s25;
	[tilespmem:s20+$0x0] =	vst @!p1 v2  }
0x341: {  	v3 =	vld [tilespmem:s24+$0xA000]  }
0x342: {  	v4 =	vld [tilespmem:s24+$0xA010]  }
0x343: {  	v5 =	vld [tilespmem:s24+$0xA030]  }
0x344: {  	v6 =	vld [tilespmem:s24+$0xA020]  }
0x345: {  	v7 =	vld [tilespmem:s24+$0xA050]  }
0x346: {  	v8 =	vld [tilespmem:s24+$0xA040];
	(xrf1) =	vsort.ascd.msk.f32 $0xffff, v3, v3  }
0x347: {  	v3 =	vld [tilespmem:s24+$0xA410];
	(xrf1) =	vsort.ascd.msk.f32 $0xffff, v4, v4  }
0x348: {  	v4 =	vld [tilespmem:s24+$0xA810];
	(xrf1) =	vsort.ascd.msk.f32 $0xffff, v5, v5  }
0x349: {  	v5 =	vld [tilespmem:s24+$0xA400];
	(xrf1) =	vsort.ascd.msk.f32 $0xffff, v6, v6  }
0x34a: {  	v6 =	vld [tilespmem:s24+$0xA800];
	(xrf1) =	vsort.ascd.msk.f32 $0xffff, v7, v7  }
0x34b: {  	(xrf1) =	vsort.ascd.msk.f32 $0xffff, v8, v8  }
0x34c: {  	(xrf1) =	vsort.ascd.msk.f32 $0xffff, v3, v3  }
0x34d: {  	(xrf1) =	vsort.ascd.msk.f32 $0xffff, v4, v4  }
0x34e: {  	(xrf1) =	vsort.ascd.msk.f32 $0xffff, v5, v5  }
0x34f: {  	(xrf1) =	vsort.ascd.msk.f32 $0xffff, v6, v6  }
0x350: {  	v4 =	vld [tilespmem:s24+$0xA070];
	_ =	sdelay $0x1  }
0x351: {  	v5 =	vld [tilespmem:s24+$0xA060];
	_ =	sdelay $0x1  }
0x352: {  	v3, _, _ =	vpop (xrf1)  }
0x353: {  	v6, _, _ =	vpop (xrf1);
	(xrf1) =	vsort.ascd.msk.f32 $0xffff, v4, v4  }
0x354: {  	v4 =	vperm.xlane v6, v1;
	v6, _, _ =	vpop (xrf1)  }
0x355: {  	v11 =	vperm.xlane v6, v1;
	v7, _, _ =	vpop (xrf1);
	(xrf1) =	vsort.ascd.msk.f32 $0xffff, v5, v5  }
0x356: {  	v10 =	vmax.f32 v3, v4;
	v8, _, _ =	vpop (xrf1)  }
0x357: {  	v9 =	vmax.f32 v7, v11;
	v12 =	vperm.xlane v8, v1;
	(xrf1) =	vsort.ascd.msk.f32 $0xffff, v10, v10;
	v5, _, _ =	vpop (xrf1)  }
0x358: {  	v11 =	vmin.f32 v7, v11;
	(xrf1) =	vsort.ascd.msk.f32 $0xffff, v9, v9;
	v6, _, _ =	vpop (xrf1)  }
0x359: {  	v14 =	vmax.f32 v5, v12;
	v6 =	vperm.xlane v6, v1;
	v10 =	vld [tilespmem:s24+$0xA420];
	(xrf1) =	vsort.ascd.msk.f32 $0xffff, v11, v11;
	v7, _, _ =	vpop (xrf1)  }
0x35a: {  	v5 =	vmin.f32 v5, v12;
	v11 =	vld [tilespmem:s24+$0xA440];
	v7 =	vperm.xlane v7, v1;
	(xrf1) =	vsort.ascd.msk.f32 $0xffff, v14, v14;
	v8, _, _ =	vpop (xrf1)  }
0x35b: {  	v12 =	vmax.f32 v8, v6;
	v13 =	vld [tilespmem:s24+$0xA820];
	(xrf1) =	vsort.ascd.msk.f32 $0xffff, v5, v5;
	v9, _, _ =	vpop (xrf1)  }
0x35c: {  	v5 =	vmax.f32 v9, v7;
	v14 =	vld [tilespmem:s24+$0xA840];
	(xrf1) =	vsort.ascd.msk.f32 $0xffff, v12, v12  }
0x35d: {  	v12 =	vld [tilespmem:s24+$0xA430];
	(xrf1) =	vsort.ascd.msk.f32 $0xffff, v5, v5  }
0x35e: {  	v5 =	vld [tilespmem:s24+$0xAC00];
	(xrf1) =	vsort.ascd.msk.f32 $0xffff, v10, v10  }
0x35f: {  	v10 =	vld [tilespmem:s24+$0xA450];
	(xrf1) =	vsort.ascd.msk.f32 $0xffff, v11, v11  }
0x360: {  	(xrf1) =	vsort.ascd.msk.f32 $0xffff, v13, v13  }
0x361: {  	v11 =	vld [tilespmem:s24+$0xA830];
	v13, _, _ =	vpop (xrf1);
	(xrf1) =	vsort.ascd.msk.f32 $0xffff, v14, v14  }
0x362: {  	v16 =	vperm.xlane v13, v1;
	v13 =	vld [tilespmem:s24+$0xA850];
	(xrf1) =	vsort.ascd.msk.f32 $0xffff, v12, v12  }
0x363: {  	v12 =	vld [tilespmem:s24+$0xAC10];
	v17, _, _ =	vpop (xrf1);
	(xrf1) =	vsort.ascd.msk.f32 $0xffff, v5, v5  }
0x364: {  	v5 =	vmax.f32 v17, v16;
	v18 =	vld [tilespmem:s24+$0xA460];
	(xrf1) =	vsort.ascd.msk.f32 $0xffff, v10, v10  }
0x365: {  	v19 =	vld [tilespmem:s24+$0xA470];
	v10, _, _ =	vpop (xrf1);
	(xrf1) =	vsort.ascd.msk.f32 $0xffff, v5, v5  }
0x366: {  	v20 =	vld [tilespmem:s24+$0xA860];
	v15, _, _ =	vpop (xrf1);
	(xrf1) =	vsort.ascd.msk.f32 $0xffff, v11, v11  }
0x367: {  	s23 =	sadd.s32 $0x1, s23;
	v21 =	vld [tilespmem:s24+$0xA870];
	v5, _, _ =	vpop (xrf1);
	(xrf1) =	vsort.ascd.msk.f32 $0xffff, v13, v13  }
0x368: {  	p1 =	sne.s32 s23, $0x40;
	v22 =	vld [tilespmem:s24+$0xAC30];
	v14, _, _ =	vpop (xrf1);
	(xrf1) =	vsort.ascd.msk.f32 $0xffff, v12, v12  }
0x369: {  	v23 =	vld [tilespmem:s24+$0xAC70];
	v13, _, _ =	vpop (xrf1);
	(xrf1) =	vsort.ascd.msk.f32 $0xffff, v18, v18  }
0x36a: {  	v18 =	vld [tilespmem:s24+$0xAC50];
	v12, _, _ =	vpop (xrf1);
	(xrf1) =	vsort.ascd.msk.f32 $0xffff, v19, v19  }
0x36b: {  	v19 =	vld [tilespmem:s24+$0xAC60];
	v11, _, _ =	vpop (xrf1);
	(xrf1) =	vsort.ascd.msk.f32 $0xffff, v20, v20  }
0x36c: {  	v20 =	vld [tilespmem:s24+$0xAC20];
	v24, _, _ =	vpop (xrf1);
	(xrf1) =	vsort.ascd.msk.f32 $0xffff, v21, v21  }
0x36d: {  	v21 =	vld [tilespmem:s24+$0xAC40];
	v25, _, _ =	vpop (xrf1);
	(xrf1) =	vsort.ascd.msk.f32 $0xffff, v22, v22  }
0x36e: {  	v22, _, _ =	vpop (xrf1);
	(xrf1) =	vsort.ascd.msk.f32 $0xffff, v23, v23  }
0x36f: {  	v23, _, _ =	vpop (xrf1);
	(xrf1) =	vsort.ascd.msk.f32 $0xffff, v18, v18  }
0x370: {  	v18, _, _ =	vpop (xrf1);
	(xrf1) =	vsort.ascd.msk.f32 $0xffff, v19, v19  }
0x371: {  	v26 =	vperm.xlane v18, v1;
	v19, _, _ =	vpop (xrf1);
	(xrf1) =	vsort.ascd.msk.f32 $0xffff, v20, v20  }
0x372: {  	v16 =	vmin.f32 v17, v16;
	v17, _, _ =	vpop (xrf1);
	(xrf1) =	vsort.ascd.msk.f32 $0xffff, v21, v21  }
0x373: {  	v20 =	vmax.f32 v24, v26;
	v17 =	vperm.xlane v17, v1;
	v21, _, _ =	vpop (xrf1);
	(xrf1) =	vsort.ascd.msk.f32 $0xffff, v16, v16  }
0x374: {  	v24 =	vmin.f32 v24, v26;
	(xrf1) =	vsort.ascd.msk.f32 $0xffff, v20, v20;
	v18, _, _ =	vpop (xrf1)  }
0x375: {  	v26 =	vmax.f32 v25, v17;
	v18 =	vperm.xlane v18, v1;
	(xrf1) =	vsort.ascd.msk.f32 $0xffff, v24, v24;
	v16, _, _ =	vpop (xrf1)  }
0x376: {  	v25 =	vmin.f32 v25, v17;
	(xrf1) =	vsort.ascd.msk.f32 $0xffff, v26, v26;
	v20, _, _ =	vpop (xrf1)  }
0x377: {  	v16 =	vperm.xlane v16, v1;
	v24 =	vmax.f32 v22, v18;
	(xrf1) =	vsort.ascd.msk.f32 $0xffff, v25, v25;
	v17, _, _ =	vpop (xrf1)  }
0x378: {  	v25 =	vmin.f32 v22, v18;
	v20 =	vperm.xlane v20, v1;
	v22, _, _ =	vpop (xrf1);
	(xrf1) =	vsort.ascd.msk.f32 $0xffff, v24, v24  }
0x379: {  	v26 =	vmax.f32 v23, v16;
	v28 =	vperm.xlane v22, v1;
	(xrf1) =	vsort.ascd.msk.f32 $0xffff, v25, v25;
	v18, _, _ =	vpop (xrf1)  }
0x37a: {  	v27 =	vmax.f32 v19, v20;
	(xrf1) =	vsort.ascd.msk.f32 $0xffff, v26, v26;
	v24, _, _ =	vpop (xrf1)  }
0x37b: {  	v26 =	vmax.f32 v17, v28;
	v24 =	vperm.xlane v24, v1;
	(xrf1) =	vsort.ascd.msk.f32 $0xffff, v27, v27;
	v25, _, _ =	vpop (xrf1)  }
0x37c: {  	v27 =	vmin.f32 v17, v28;
	(xrf1) =	vsort.ascd.msk.f32 $0xffff, v26, v26;
	v22, _, _ =	vpop (xrf1)  }
0x37d: {  	v26 =	vmax.f32 v18, v24;
	v22 =	vperm.xlane v22, v1;
	(xrf1) =	vsort.ascd.msk.f32 $0xffff, v27, v27;
	v17, _, _ =	vpop (xrf1)  }
0x37e: {  	v27 =	vmin.f32 v18, v24;
	v24 =	vperm.xlane v25, v1;
	(xrf1) =	vsort.ascd.msk.f32 $0xffff, v26, v26;
	v25, _, _ =	vpop (xrf1)  }
0x37f: {  	v17 =	vperm.xlane v17, v1;
	v26 =	vmax.f32 v25, v22;
	(xrf1) =	vsort.ascd.msk.f32 $0xffff, v27, v27;
	v18, _, _ =	vpop (xrf1)  }
0x380: {  	v27 =	vmax.f32 v18, v24;
	v28, _, _ =	vpop (xrf1);
	(xrf1) =	vsort.ascd.msk.f32 $0xffff, v26, v26  }
0x381: {  	v26 =	vmax.f32 v28, v17;
	v29, _, _ =	vpop (xrf1);
	(xrf1) =	vsort.ascd.msk.f32 $0xffff, v27, v27  }
0x382: {  	v27 =	vmin.f32 v25, v22;
	v25, _, _ =	vpop (xrf1);
	(xrf1) =	vsort.ascd.msk.f32 $0xffff, v26, v26  }
0x383: {  	v26 =	vmin.f32 v18, v24;
	v24, _, _ =	vpop (xrf1);
	(xrf1) =	vsort.ascd.msk.f32 $0xffff, v27, v27  }
0x384: {  	v17 =	vmin.f32 v28, v17;
	v22, _, _ =	vpop (xrf1);
	(xrf1) =	vsort.ascd.msk.f32 $0xffff, v26, v26  }
0x385: {  	v16 =	vmin.f32 v23, v16;
	v18, _, _ =	vpop (xrf1);
	(xrf1) =	vsort.ascd.msk.f32 $0xffff, v17, v17  }
0x386: {  	v17 =	vmin.f32 v19, v20;
	v19, _, _ =	vpop (xrf1);
	(xrf1) =	vsort.ascd.msk.f32 $0xffff, v16, v16  }
0x387: {  	v16 =	vmin.f32 v8, v6;
	v8, _, _ =	vpop (xrf1);
	(xrf1) =	vsort.ascd.msk.f32 $0xffff, v17, v17  }
0x388: {  	v9 =	vmin.f32 v9, v7;
	v15 =	vperm.xlane v15, v1;
	(xrf1) =	vsort.ascd.msk.f32 $0xffff, v16, v16;
	v6, _, _ =	vpop (xrf1)  }
0x389: {  	v17 =	vperm.xlane v21, v1;
	v16 =	vmin.f32 v3, v4;
	(xrf1) =	vsort.ascd.msk.f32 $0xffff, v9, v9;
	v7, _, _ =	vpop (xrf1)  }
0x38a: {  	v15 =	vmax.f32 v10, v15;
	v20 =	vperm.xlane v29, v1;
	(xrf1) =	vsort.ascd.msk.f32 $0xffff, v16, v16;
	v3, _, _ =	vpop (xrf1)  }
0x38b: {  	v16 =	vmax.f32 v14, v17;
	v14 =	vperm.xlane v25, v1;
	(xrf1) =	vsort.ascd.msk.f32 $0xffff, v15, v15;
	v9, _, _ =	vpop (xrf1)  }
0x38c: {  	v15 =	vmin.f32 v13, v20;
	v13 =	vperm.xlane v19, v1;
	(xrf1) =	vsort.ascd.msk.f32 $0xffff, v16, v16;
	v4, _, _ =	vpop (xrf1)  }
0x38d: {  	v14 =	vmax.f32 v12, v14;
	v16 =	vperm.xlane v3, v1;
	(xrf1) =	vsort.ascd.msk.f32 $0xffff, v15, v15;
	v10, _, _ =	vpop (xrf1)  }
0x38e: {  	v15 =	vperm.xlane v9, v1;
	v13 =	vmax.f32 v11, v13;
	(xrf1) =	vsort.ascd.msk.f32 $0xffff, v14, v14;
	v12, _, _ =	vpop (xrf1)  }
0x38f: {  	v14 =	vmax.f32 v22, v16;
	v12 =	vperm.xlane v12, v1;
	(xrf1) =	vsort.ascd.msk.f32 $0xffff, v13, v13;
	v11, _, _ =	vpop (xrf1)  }
0x390: {  	v13 =	vmin.f32 v18, v15;
	v15 =	vperm.xlane v4, v1;
	(xrf1) =	vsort.ascd.msk.f32 $0xffff, v14, v14;
	v3, _, _ =	vpop (xrf1)  }
0x391: {  	v11 =	vperm.xlane v11, v1;
	v3 =	vmax.f32 v3, v12;
	(xrf1) =	vsort.ascd.msk.f32 $0xffff, v13, v13;
	v9, _, _ =	vpop (xrf1)  }
0x392: {  	v12 =	vmax.f32 v6, v15;
	v13 =	vperm.xlane v9, v1;
	v9, _, _ =	vpop (xrf1);
	(xrf1) =	vsort.ascd.msk.f32 $0xffff, v3, v3  }
0x393: {  	v3 =	vperm.xlane v10, v1;
	v7 =	vmax.f32 v7, v11;
	(xrf1) =	vsort.ascd.msk.f32 $0xffff, v12, v12;
	v4, _, _ =	vpop (xrf1)  }
0x394: {  	v9 =	vperm.xlane v9, v1;
	v4 =	vmin.f32 v4, v13;
	v6, _, _ =	vpop (xrf1);
	(xrf1) =	vsort.ascd.msk.f32 $0xffff, v7, v7  }
0x395: {  	v10 =	vperm.xlane v24, v1;
	v3 =	vmin.f32 v6, v3;
	v6, _, _ =	vpop (xrf1);
	(xrf1) =	vsort.ascd.msk.f32 $0xffff, v4, v4  }
0x396: {  	v4 =	vperm.xlane v8, v1;
	v9 =	vmin.f32 v6, v9;
	v8, _, _ =	vpop (xrf1);
	(xrf1) =	vsort.ascd.msk.f32 $0xffff, v3, v3  }
0x397: {  	v8 =	vmin.f32 v8, v10;
	v7, _, _ =	vpop (xrf1);
	(xrf1) =	vsort.ascd.msk.f32 $0xffff, v9, v9  }
0x398: {  	v5 =	vperm.xlane v5, v1;
	v4 =	vmin.f32 v7, v4;
	v6, _, _ =	vpop (xrf1);
	(xrf1) =	vsort.ascd.msk.f32 $0xffff, v8, v8  }
0x399: {  	v3, _, _ =	vpop (xrf1);
	(xrf1) =	vsort.ascd.msk.f32 $0xffff, v4, v4  }
0x39a: {  	v8 =	vmin.f32 v6, v5;
	v5 =	vld [tilespmem:s24+$0xB000];
	v6, _, _ =	vpop (xrf1)  }
0x39b: {  	v7 =	vld [tilespmem:s24+$0xB010];
	(xrf1) =	vsort.ascd.msk.f32 $0xffff, v8, v8;
	v4, _, _ =	vpop (xrf1)  }
0x39c: {  	v8 =	vld [tilespmem:s24+$0xB020];
	v9, _, _ =	vpop (xrf1)  }
0x39d: {  	v10 =	vld [tilespmem:s24+$0xB030];
	v11, _, _ =	vpop (xrf1)  }
0x39e: {  	v12, _, _ =	vpop (xrf1)  }
0x39f: {  	v13, _, _ =	vpop (xrf1);
	(xrf1) =	vsort.ascd.msk.f32 $0xffff, v5, v5  }
0x3a0: {  	v5 =	vperm.xlane v6, v1;
	v6, _, _ =	vpop (xrf1);
	(xrf1) =	vsort.ascd.msk.f32 $0xffff, v7, v7  }
0x3a1: {  	v6 =	vperm.xlane v6, v1;
	v7, _, _ =	vpop (xrf1);
	(xrf1) =	vsort.ascd.msk.f32 $0xffff, v8, v8  }
0x3a2: {  	v12 =	vperm.xlane v12, v1;
	v14 =	vmax.f32 v3, v5;
	v8, _, _ =	vpop (xrf1);
	(xrf1) =	vsort.ascd.msk.f32 $0xffff, v10, v10  }
0x3a3: {  	v7 =	vperm.xlane v7, v1;
	v6 =	vmax.f32 v8, v6;
	(xrf1) =	vsort.ascd.msk.f32 $0xffff, v14, v14;
	v3, _, _ =	vpop (xrf1)  }
0x3a4: {  	v9 =	vmax.f32 v9, v12;
	v3 =	vperm.xlane v3, v1;
	v8, _, _ =	vpop (xrf1);
	(xrf1) =	vsort.ascd.msk.f32 $0xffff, v6, v6  }
0x3a5: {  	v10 =	vperm.xlane v13, v1;
	v7 =	vmax.f32 v11, v7;
	(xrf1) =	vsort.ascd.msk.f32 $0xffff, v9, v9;
	v5, _, _ =	vpop (xrf1)  }
0x3a6: {  	v8 =	vperm.xlane v8, v1;
	v3 =	vmin.f32 v5, v3;
	v5, _, _ =	vpop (xrf1);
	(xrf1) =	vsort.ascd.msk.f32 $0xffff, v7, v7  }
0x3a7: {  	v7 =	vmin.f32 v5, v10;
	v6, _, _ =	vpop (xrf1);
	(xrf1) =	vsort.ascd.msk.f32 $0xffff, v3, v3  }
0x3a8: {  	v3 =	vperm.xlane v4, v1;
	v4 =	vmin.f32 v6, v8;
	(xrf1) =	vsort.ascd.msk.f32 $0xffff, v7, v7  }
0x3a9: {  	v5, _, _ =	vpop (xrf1);
	(xrf1) =	vsort.ascd.msk.f32 $0xffff, v4, v4  }
0x3aa: {  	v3 =	vmin.f32 v5, v3  }
0x3ab: {  	(xrf1) =	vsort.ascd.msk.f32 $0xffff, v3, v3;
	_ =	sdelay $0x1  }
0x3ac: {  	v3, _, _ =	vpop (xrf1)  }
0x3ad: {  	v4, _, _ =	vpop (xrf1)  }
0x3ae: {  	v5, _, _ =	vpop (xrf1)  }
0x3af: {  	v6, _, _ =	vpop (xrf1)  }
0x3b0: {  	v7, _, _ =	vpop (xrf1)  }
0x3b1: {  	v4 =	vperm.xlane v4, v1;
	v8, _, _ =	vpop (xrf1)  }
0x3b2: {  	v8 =	vperm.xlane v8, v1;
	v9, _, _ =	vpop (xrf1)  }
0x3b3: {  	v10 =	vmax.f32 v3, v4;
	v6 =	vperm.xlane v6, v1;
	v11, _, _ =	vpop (xrf1)  }
0x3b4: {  	v9 =	vperm.xlane v9, v1;
	v13 =	vmax.f32 v11, v8;
	v11, _, _ =	vpop (xrf1);
	(xrf1) =	vsort.ascd.msk.f32 $0xffff, v10, v10  }
0x3b5: {  	v10 =	vperm.xlane v11, v1;
	v11 =	vmax.f32 v5, v6;
	v12, _, _ =	vpop (xrf1);
	(xrf1) =	vsort.ascd.msk.f32 $0xffff, v13, v13  }
0x3b6: {  	v7 =	vmax.f32 v7, v9;
	v8, _, _ =	vpop (xrf1);
	(xrf1) =	vsort.ascd.msk.f32 $0xffff, v11, v11  }
0x3b7: {  	v9 =	vperm.xlane v12, v1;
	v8 =	vmin.f32 v8, v10;
	(xrf1) =	vsort.ascd.msk.f32 $0xffff, v7, v7  }
0x3b8: {  	v5 =	vmin.f32 v5, v6;
	v6, _, _ =	vpop (xrf1);
	(xrf1) =	vsort.ascd.msk.f32 $0xffff, v8, v8  }
0x3b9: {  	v6 =	vmin.f32 v6, v9;
	(xrf1) =	vsort.ascd.msk.f32 $0xffff, v5, v5  }
0x3ba: {  	(xrf1) =	vsort.ascd.msk.f32 $0xffff, v6, v6  }
0x3bb: {  	v3 =	vmin.f32 v3, v4  }
0x3bc: {  	(xrf1) =	vsort.ascd.msk.f32 $0xffff, v3, v3;
	_ =	sdelay $0x5  }
0x3bd: {  	v3, _, _ =	vpop (xrf1)  }
0x3be: {  	v4, _, _ =	vpop (xrf1)  }
0x3bf: {  	v9 =	vperm.xlane v4, v1;
	v5, _, _ =	vpop (xrf1)  }
0x3c0: {  	v6, _, _ =	vpop (xrf1)  }
0x3c1: {  	v8 =	vperm.xlane v5, v1;
	v7 =	vmax.f32 v6, v9;
	v6, _, _ =	vpop (xrf1)  }
0x3c2: {  	v6 =	vperm.xlane v6, v1;
	(xrf1) =	vsort.ascd.msk.f32 $0xffff, v7, v7;
	v4, _, _ =	vpop (xrf1)  }
0x3c3: {  	v7 =	vmax.f32 v3, v8;
	v5, _, _ =	vpop (xrf1)  }
0x3c4: {  	v4 =	vperm.xlane v4, v1;
	v5 =	vmin.f32 v5, v6;
	(xrf1) =	vsort.ascd.msk.f32 $0xffff, v7, v7  }
0x3c5: {  	(xrf1) =	vsort.ascd.msk.f32 $0xffff, v5, v5;
	v3, _, _ =	vpop (xrf1)  }
0x3c6: {  	v3 =	vmin.f32 v3, v4  }
0x3c7: {  	(xrf1) =	vsort.ascd.msk.f32 $0xffff, v3, v3;
	_ =	sdelay $0x8  }
0x3c8: {  	v3, _, _ =	vpop (xrf1)  }
0x3c9: {  	v3 =	vperm.xlane v3, v1  }
0x3ca: {  	v4, _, _ =	vpop (xrf1)  }
0x3cb: {  	v5 =	vmax.f32 v4, v3;
	v4, _, _ =	vpop (xrf1)  }
0x3cc: {  	v4 =	vperm.xlane v4, v1;
	(xrf1) =	vsort.ascd.msk.f32 $0xffff, v5, v5  }
0x3cd: {  	v3, _, _ =	vpop (xrf1)  }
0x3ce: {  	v3 =	vmin.f32 v3, v4  }
0x3cf: {  	(xrf1) =	vsort.ascd.msk.f32 $0xffff, v3, v3;
	_ =	sdelay $0xa  }
0x3d0: {  	v3, _, _ =	vpop (xrf1)  }
0x3d1: {  	(xrf2) =	vadd.scan.msk.f32 $0xffff, v3;
	_ =	sdelay $0x1  }
0x3d2: {  	v3, _, _ =	vpop (xrf1)  }
0x3d3: {  	(xrf2) =	vadd.scan.msk.f32 $0xffff, v3;
	_ =	sdelay $0x6  }
0x3d4: {  	v3, _, _ =	vpop (xrf2);
	_ =	sdelay $0x2  }
0x3d5: {  	(v2sf) =	vpush v3, $0xF;
	v3, _, _ =	vpop (xrf2)  }
0x3d6: {  	(v2sf) =	vpush v3, $0xF;
	_ =	sdelay $0xa  }
.Ltmp3:
0x3d7: {  	(pc) =	sbr.rel @p1 .LBB2_5-.Ltmp3, $3  }
0x3d8: {  	_ =	sdelay $0x1  }
0x3d9: {  	s24 =	spop (v2sf)  }
0x3da: {  	s25 =	spop (v2sf)  }
0x3db: {  	s21 =	sadd.f32 s25, s24  }
0x3dc: {  	s22 =	sand.u32 $0xF, s22  }
0x3dd: {  	v3 =	vmov s22;
	s21 =	smul.f32 $3.125000000e-02, s21  }
0x3de: {  	s23 =	sadd.s32 s19, s9;
	vm0 =	veq.s32 v3, v0  }
0x3df: {  	s20 =	sadd.s32 $0x1, s20;
	p1 =	sne.s32 s22, $0xF;
	s30 =	sshrl.u32 s23, $0x3;
	v2 =	vsel vm0, s21, v2  }
.Ltmp4:
0x3e0: {  	s31 =	sadd.s32 s3, s30;
	[tilespmem:s20+$0x0] =	vst @!p1 v2;
	(pc) =	sbr.rel @p0 .LBB2_8-.Ltmp4, $4  }
0x3e1: {  	[hbm4b:s31+s4] =	stream.linear.scatter [tilespmem:s14], [sflag:$0x3], $0x40, $0x38;
	[tilespmem:$0x14080] =	vst v63  }
0x3e2: {  	_ =	swait.ge [sflag:s15], $0x40  }
0x3e3: {  	[sflag:s15] =	ssyncset.done $0x0  }
0x3e4: {  	[sflag:s15] =	ssyncadd.s32 $0xFFFFFFC0  }
0x3e5: {  	s19 =	sadd.s32 s19, s10  }
.Ltmp5:
0x3e6: {  	s19 =	sshrl.u32 s19, $0x3;
	(pc) =	sbr.rel .LBB2_2-.Ltmp5, $3  }
0x3e7: {  	s19 =	smul.u32 $0x280, s19;
	_ =	sdelay $0x1  }
0x3e8: {  	s18 =	sadd.s32 $0x1, s18;
	s19 =	sadd.s32 s5, s19  }
0x3e9: {  	[tilespmem:s12], [sflag:$0x2] =	stream.linear.gather [hbm4b:s19+s4], $0xA000, $0x38;
	[tilespmem:$0x14080] =	vst v63  }
.LBB2_9:
0x3ea: {  	_ =	sfence.sel $0x180000  }
0x3eb: {  	[bflag:$0x0] =	sbarrier.arrive $0xFFFF  }
0x3ec: {  	p0 =	sne.s32 s0, $0x0;
	_ =	strace $0x9000004A  }
0x3ed: {  	s0 =	sadd.s32 @!p0 $0x100000, s1;
	[bflag:$0x2] =	sbarrier.arrive $0xFFFF  }
0x3ee: {  	[sflag:s0] =	ssyncadd.tile.s32 @!p0 $0x1;
	_ =	shalt  }
.Lfunc_end2:
_tile_overlayer_lowered:
.L_overlay_start_2:
0x3ef: {  	(tag) =	ssettag $0x2  }
0x3f0: {  	s0 =	rddreg [dreg:$0x0];
	s2 =	stileid.u32  }
0x3f1: {  	s1 =	rddreg [dreg:$0x1];
	p0 =	sne.s32 s2, $0x0  }
0x3f2: {  	s3 =	rddreg [dreg:$0x2];
	[bflag:$0x3] =	sbarrier.arrive $0xFFFF;
	s2 =	simm.s32 @!p0 $0x1C03  }
0x3f3: {  	[timem:s3], [sflag:s2] =	dma.local @!p0 [hbm:s0], s1  }
0x3f4: {  	s0 =	simm.s32 @!p0 $0x3  }
0x3f5: {  	_ =	swait.ge @!p0 [sflag:s0], s1  }
0x3f6: {  	s1 =	ssub.s32 @!p0 $0x0, s1;
	[sflag:s0] =	ssyncset.done @!p0 $0x0  }
0x3f7: {  	[sflag:s0] =	ssyncadd.s32 @!p0 s1  }
0x3f8: {  	[bflag:$0x3] =	sbarrier.arrive $0xFFFF  }
0x3f9: {  	_ =	shalt  }

// kernel: sparse-core-data-format-call.cloned.1.call-start
scs
called_computation_lowered:
.L_overlay_start_0:
0x0: {  	s1 =	sld [smem:$0x3FD9]  }
0x1: {  	s2 =	sld [smem:$0x3FFE];
	_ =	sdelay $0x1  }
0x2: {  	s3 =	srdreg.scid  }
0x3: {  	s0 =	sand.u32 $0x1, s3  }
0x4: {  	s17 =	sshll.u32 s0, $0xA;
	s1 =	sadd.s32 s2, s1  }
0x5: {  	s1 =	sadd.s32 s1, s17  }
0x6: {  	[smem:$0x3FC7] =	sst s1  }
0x7: {  	_ = 	snop  }
0x8: {  	(tm) =	ssettm $0x1  }
0x9: {  	s18 =	sld [smem:$0x3FFB];
	_ =	sdelay $0x3  }
0xa: {  	_ =	strace s18  }
0xb: {  	s1 =	sld [smem:$0x3FFC];
	_ =	sdelay $0x3  }
0xc: {  	_ =	strace s1  }
0xd: {  	s1 =	sld [smem:$0x3FFD];
	_ =	sdelay $0x3  }
0xe: {  	_ =	strace s1  }
0xf: {  	_ =	strace $0x8FFFFFFF  }
0x10: {  	s19 =	sld [smem:$0x3FDB];
	_ =	sdelay $0x1  }
0x11: {  	s20 =	simm.s32 $_scs_section_size  }
0x12: {  	s4 =	simm.s32 $_size__tile_overlayer_lowered;
	s5 =	simm.s32 $_tile_overlayer_lowered  }
0x13: {  	s23 =	simm.s32 $0x1BFF;
	s22 =	sshll.u32 s5, $0x1;
	s1 =	sadd.s32 s20, s19  }
0x14: {  	s6 =	simm.s32 $0x0;
	s21 =	sshll.u32 s4, $0x1;
	s4 =	sadd.s32 s22, s1  }
0x15: {  	[timem:s6], [sflag:s23] =	dma.local [hbm:s4], s21  }
0x16: {  	_ =	swait.ge [sflag:s23], s21  }
0x17: {  	s2 =	ssub.s32 $0x0, s21;
	[sflag:s23] =	ssyncset.done $0x0  }
0x18: {  	[sflag:s23] =	ssyncadd.s32 s2;
	_ =	sdelay $0x1  }
0x19: {  	s24 =	simm.s32 $0x1B8B  }
0x1a: {  	_ =	swait.ge [sflag:s24], $0x1  }
0x1b: {  	[sflag:s24] =	ssyncset.done $0x0  }
0x1c: {  	s26 =	simm.s32 $0x1B8E;
	s25 =	sld [smem:$0x3FFE];
	[sflag:s24] =	ssyncadd.s32 $0xFFFFFFFF  }
0x1d: {  	s27 =	simm.s32 $execute0_lowered;
	[smem:$0x3FD2] =	sst s26  }
0x1e: {  	s4 =	sshll.u32 s27, $0x1;
	_ =	strace $0x80000046;
	[dreg:$0x1] =	wrdreg $0xFFFFFFFF  }
0x1f: {  	s28 =	simm.s32 $_size_execute0_lowered;
	s1 =	sadd.s32 s1, s4;
	[dreg:$0x0] =	wrdreg $0x0  }
0x20: {  	s4 =	sshll.u32 s28, $0x1;
	[dreg:$0x2] =	wrdreg s1  }
0x21: {  	[dreg:$0x3] =	wrdreg s4  }
0x22: {  	[dreg:$0x4] =	wrdreg $0xC0  }
0x23: {  	_ =	task [dreg:s6], $0x5FFFF  }
0x24: {  	[dreg:$0x1] =	wrdreg $0xFFFFFFFF  }
0x25: {  	[dreg:$0x0] =	wrdreg $0x60  }
0x26: {  	[dreg:$0x2] =	wrdreg s25  }
0x27: {  	[dreg:$0x3] =	wrdreg $0x9  }
0x28: {  	_ =	task.clear_ibuf [dreg:s6], $0x4FFFF;
	_ =	strace $0x90000046  }
0x29: {  	s29 =	simm.s32 $0x9;
	_ =	strace $0x80000048  }
0x2a: {  	_ =	swait.ge [sflag:s29], $0x1  }
0x2b: {  	[sflag:s29] =	ssyncadd.s32 $0xFFFFFFFF  }
0x2c: {  	_ =	strace $0x90000048  }
0x2d: {  	_ =	sfence  }
0x2e: {  	s30 =	sld [smem:$0x0];
	_ =	sdelay $0x2  }
0x2f: {  	s31 =	sshll.u32 s3, $0xD;
	s3 =	sshrl.u32 s3, $0x2  }
0x30: {  	s2 =	sand.u32 $0x4000, s31;
	s1 =	sadd.s32 s3, s30  }
0x31: {  	s0 =	sor.u32 s2, s0;
	s1 =	sshll.u32 s1, $0x11  }
0x32: {  	s0 =	sor.u32 s1, s0  }
0x33: {  	s0 =	sadd.s32 $0x8F2B, s0  }
0x34: {  	[sflag:s0] =	ssyncadd.remote.s32 $0x1  }
0x35: {  	_ =	sfence.sel $0xFFFF  }
0x36: {  	[dreg:$0x0] =	wrdreg $0xFFFFFFFF;
	(pc) =	sbr.abs _section_cstart, $3  }
0x37: {  	[dreg:$0x1] =	wrdreg $0xFFFFFFFF  }
0x38: {  	_ =	task.clear_ibuf [dreg:s6], $0x2FFFF;
	_ =	strace $0x9FFFFFFF  }
0x39: {  	(tm) =	ssettm $0x7FFFFFFF  }
tec
execute0_lowered:
.L_overlay_start_1:
0x0: {  	(tag) =	ssettag $0x1  }
0x1: {  	s1 =	srdreg.scid;
	s0 =	stileid.u32  }
0x2: {  	s6 =	rddreg [dreg:$0x0];
	s4 =	simm.s32 $0x1;
	s1 =	sshll.u32 s1, $0x4  }
0x3: {  	s8 =	simm.s32 $0x2;
	s17 =	simm.s32 $0x0;
	s1 =	sor.u32 s0, s1  }
0x4: {  	s9 =	simm.s32 $0x1800;
	s10 =	simm.s32 $0x0;
	s1 =	sshrl.u32 s1, $0x2  }
0x5: {  	s16 =	simm.s32 $0x0;
	s19 =	simm.s32 $0x0;
	s2 =	sand.u32 $0x6, s1  }
0x6: {  	s18 =	simm.s32 $0x0;
	s11 =	simm.s32 $0x0;
	s3 =	ssub.s32 $0x8, s2  }
0x7: {  	s12 =	simm.s32 $0x0;
	s15 =	simm.s32 $0x0;
	s31 =	sand.u32 $0x6, s3  }
0x8: {  	s26 =	simm.s32 $0x0;
	s7 =	sand.u32 $0x7, s0;
	p0 =	sne.s32 s31, $0x0  }
.Ltmp0:
0x9: {  	s3 =	sshrl.u32 s3, $0x3;
	s4 =	simm.s32 @!p0 $0x0;
	(pc) =	sbr.rel .LBB1_1-.Ltmp0, $4  }
0xa: {  	s14 =	smov.u32 s7;
	s1 =	rddreg [dreg:$0x1];
	s5 =	sadd.s32 s4, s3  }
0xb: {  	_ =	strace $0x80000047;
	s4 =	simm.s32 $0x1;
	s5 =	smul.u32 $0x36, s5  }
0xc: {  	s13 =	smov.u32 s2;
	s3 =	sadd.s32 $0x800, s6;
	[sflag:s4] =	ssyncpa.u1 $0x0  }
0xd: {  	s6 =	sadd.s32 $0x360800, s6;
	[sflag:s8] =	ssyncpa.u1 $0x0;
	s8 =	sor.u32 $0x1, s5  }
.LBB1_7:
0xe: {  	s20 =	sadd.s32 $0x80, s11  }
0xf: {  	s16 =	sadd.s32 $0x40, s12;
	s21 =	smov.u32 s12;
	p1 =	sgt.s32 s20, $0x2FF  }
0x10: {  	s21 =	smov.u32 @p1 s16  }
0x11: {  	s22 =	smov.u32 s13;
	s16 =	sadd.s32 $0x8, s13;
	p2 =	sgt.s32 s21, $0x3F  }
0x12: {  	s22 =	smov.u32 @p2 s16  }
0x13: {  	s23 =	smov.u32 s14;
	s16 =	sadd.s32 $0x8, s14;
	p3 =	sgt.s32 s22, $0x7  }
0x14: {  	p0 =	slt.u32 s15, $0x2;
	s23 =	smov.u32 @p3 s16  }
0x15: {  	s17 =	smov.u32 s11;
	s20 =	simm.s32 @p1 $0x0;
	p1 =	sgt.s32 s23, $0x47  }
0x16: {  	s24 =	simm.s32 @!p0 $0x2;
	s23 =	smov.u32 @p1 s7;
	p1 =	sne.s32 s15, s8  }
.Ltmp1:
0x17: {  	s19 =	smov.u32 s13;
	_ =	swait.ge @!p0 [sflag:s24], $0x4000;
	(pc) =	sbr.rel @!p1 .LBB1_8-.Ltmp1, $4  }
0x18: {  	s18 =	smov.u32 s14;
	s10 =	sadd.s32 $0x4000, s10;
	[sflag:s24] =	ssyncset.done @!p0 $0x0  }
0x19: {  	s11 =	smov.u32 s20;
	s21 =	simm.s32 @p2 $0x0;
	[sflag:s24] =	ssyncadd.s32 @!p0 $0xFFFFC000  }
0x1a: {  	s22 =	smov.u32 @p3 s2;
	s16 =	smov.u32 s12;
	s12 =	smov.u32 s21  }
0x1b: {  	s13 =	smov.u32 s22;
	s15 =	sadd.s32 $0x1, s15;
	s14 =	smov.u32 s23  }
.LBB1_1:
0x1c: {  	p0 =	sge.u32 s15, s5  }
0x1d: {  	s20 =	sshrl.u32 @!p0 s12, $0x3  }
0x1e: {  	s21 =	sshll.u32 @!p0 s11, $0x3;
	s20 =	smul.u32 @!p0 $0x1800, s20  }
0x1f: {  	s22 =	sshll.u32 @!p0 s12, $0x7;
	s21 =	sand.u32 @!p0 $0xFFFFFC00, s21  }
0x20: {  	s20 =	sadd.s32 @!p0 s20, s21;
	s21 =	sand.u32 @!p0 $0x380, s22  }
0x21: {  	s22 =	sand.u32 @!p0 $0x7F, s11;
	s20 =	sor.u32 @!p0 s21, s20  }
0x22: {  	s21 =	sor.u32 @!p0 s22, s20  }
0x23: {  	s22 =	smulhi.u32 @!p0 $0xAAAAAAAB, s21  }
0x24: {  	s20 =	smulhi.u32 @!p0 $0xAAAAAAAB, s20  }
0x25: {  	s31 =	sadd.s32 $0xFFFFFFFF, s15;
	s24 =	smul.u32 @!p0 $0xC000, s14;
	s22 =	sshrl.u32 @!p0 s22, $0x9  }
0x26: {  	s23 =	sxor.u32 @!p0 $0xFFFFFFFF, s15;
	s20 =	sshrl.u32 @!p0 s20, $0x9;
	s22 =	smul.u32 @!p0 $0x300, s22  }
0x27: {  	s25 =	smul.u32 @!p0 $0x1800, s13;
	s23 =	sshll.u32 @!p0 s23, $0xE;
	s20 =	sand.u32 @!p0 $0x3F, s20  }
0x28: {  	s20 =	smul.u32 @!p0 $0x60, s20;
	s21 =	ssub.s32 @!p0 s21, s22;
	s22 =	sadd.s32 @!p0 s3, s24  }
0x29: {  	s23 =	sand.u32 @!p0 $0x4000, s23;
	s22 =	sadd.s32 @!p0 s25, s22;
	s24 =	sand.u32 @!p0 $0x7, s21  }
0x2a: {  	s21 =	sshrl.u32 @!p0 s21, $0x3;
	s20 =	sadd.s32 @!p0 s20, s22;
	s22 =	sshll.u32 @!p0 s24, $0x12  }
0x2b: {  	s20 =	sadd.s32 @!p0 s21, s20;
	s21 =	sor.u32 @!p0 $0x400, s22;
	s22 =	simm.s32 @!p0 $0x1800  }
0x2c: {  	[tilespmem:s23], [sflag:$0x1] =	stream.strided.gather @!p0 [hbm4b:s20+s21], $0x4000, s22, s21, $0x38;
	[tilespmem:$0x10000] =	vst v63  }
0x2d: {  	p0 =	sge.u32 s31, s5  }
.Ltmp2:
0x2e: {  	_ = 	snop;
	(pc) =	sbr.rel @p0 .LBB1_7-.Ltmp2, $1  }
0x2f: {  	_ =	sdelay $0x3  }
0x30: {  	s20 =	sshll.u32 s10, $0x2  }
0x31: {  	_ =	swait.ge [sflag:s4], $0x4000;
	s21 =	sshll.u32 s15, $0xE;
	s23 =	simm.s32 $0x0  }
0x32: {  	p1 =	por $0x1, $0x1;
	s20 =	sand.u32 $0x10000, s20;
	[sflag:s4] =	ssyncset.done $0x0  }
0x33: {  	s21 =	sand.u32 $0x4000, s21;
	s22 =	sshrl.u32 s20, $0x2;
	[sflag:s4] =	ssyncadd.s32 $0xFFFFC000  }
0x34: {  	s20 =	sor.u32 $0x8000, s21;
	s21 =	sadd.s32 $0x8040, s22;
	s22 =	sadd.s32 $0x40, s22  }
.LBB1_3:
0x35: {  	s24 =	sshll.u32 s23, $0xD  }
0x36: {  	s24 =	sand.u32 $0x3FFFE000, s24  }
0x37: {  	s24 =	sadd.s32 s24, s22  }
0x38: {  	v0 =	vmov s24;
	_ =	sdelay $0x4  }
0x39: {  	v6 =	vld.idx.msk [tilespmem:v0+s26+$0x30 ss:$0x1], $0xffff  }
0x3a: {  	v7 =	vld.idx.msk [tilespmem:v0+s26+$0xFFFFFFC0 ss:$0x1], $0xffff  }
0x3b: {  	v1 =	vld.idx.msk [tilespmem:v0+s26+$0xFFFFFFD0 ss:$0x1], $0xffff  }
0x3c: {  	s31 =	sshll.u32 s23, $0x7;
	v2 =	vld.idx.msk [tilespmem:v0+s26+$0xFFFFFFE0 ss:$0x1], $0xffff  }
0x3d: {  	s23 =	sand.u32 $0x3FFFFF80, s31;
	v3 =	vld.idx.msk [tilespmem:v0+s26+$0xFFFFFFF0 ss:$0x1], $0xffff  }
0x3e: {  	s23 =	sadd.s32 s23, s21;
	v4 =	vld.idx.msk [tilespmem:v0+s26+$0x0 ss:$0x1], $0xffff  }
0x3f: {  	v5 =	vld.idx.msk [tilespmem:v0+s26+$0x10 ss:$0x1], $0xffff;
	[tilespmem:s23+$0x30] =	vst v6  }
0x40: {  	p0 =	por p1, p1;
	s25 =	simm.s32 $0x400;
	s24 =	simm.s32 $0x80;
	[tilespmem:s23+$0xFFFFFFC0] =	vst v7;
	v6 =	vld.idx.msk [tilespmem:v0+s26+$0x20 ss:$0x1], $0xffff  }
.LBB1_4:
0x41: {  	p1 =	sne.s32 s25, $0x7E00;
	v7 =	vld.idx.msk [tilespmem:v0+s24+$0x30 ss:$0x1], $0xffff;
	[tilespmem:s23+$0xFFFFFFD0] =	vst v1  }
0x42: {  	v8 =	vld.idx.msk [tilespmem:v0+s24+$0xFFFFFFC0 ss:$0x1], $0xffff;
	[tilespmem:s23+$0xFFFFFFE0] =	vst v2  }
0x43: {  	v1 =	vld.idx.msk [tilespmem:v0+s24+$0xFFFFFFD0 ss:$0x1], $0xffff;
	[tilespmem:s23+$0xFFFFFFF0] =	vst v3  }
.Ltmp3:
0x44: {  	v2 =	vld.idx.msk [tilespmem:v0+s24+$0xFFFFFFE0 ss:$0x1], $0xffff;
	[tilespmem:s23+$0x0] =	vst v4;
	(pc) =	sbr.rel @p1 .LBB1_4-.Ltmp3, $4  }
0x45: {  	v3 =	vld.idx.msk [tilespmem:v0+s24+$0xFFFFFFF0 ss:$0x1], $0xffff;
	[tilespmem:s23+$0x10] =	vst v5  }
0x46: {  	v4 =	vld.idx.msk [tilespmem:v0+s24+$0x0 ss:$0x1], $0xffff;
	[tilespmem:s23+$0x20] =	vst v6;
	s23 =	sadd.s32 $0x100, s23  }
0x47: {  	v5 =	vld.idx.msk [tilespmem:v0+s24+$0x10 ss:$0x1], $0xffff;
	[tilespmem:s23+$0x30] =	vst v7  }
0x48: {  	[tilespmem:s23+$0xFFFFFFC0] =	vst v8;
	v6 =	vld.idx.msk [tilespmem:v0+s24+$0x20 ss:$0x1], $0xffff;
	s24 =	sshra.s32 s25, $0x2;
	s25 =	sadd.s32 $0x200, s25  }
0x49: {  	_ =	sdelay $0x2  }
0x4a: {  	[tilespmem:s23+$0xFFFFFFD0] =	vst v1  }
0x4b: {  	v56 =	vld.idx.msk [tilespmem:v0+s24+$0x30 ss:$0x1], $0xffff;
	[tilespmem:s23+$0xFFFFFFE0] =	vst v2  }
0x4c: {  	v57 =	vld.idx.msk [tilespmem:v0+s24+$0xFFFFFFC0 ss:$0x1], $0xffff;
	[tilespmem:s23+$0xFFFFFFF0] =	vst v3  }
0x4d: {  	v58 =	vld.idx.msk [tilespmem:v0+s24+$0xFFFFFFD0 ss:$0x1], $0xffff;
	[tilespmem:s23+$0x0] =	vst v4  }
0x4e: {  	v59 =	vld.idx.msk [tilespmem:v0+s24+$0xFFFFFFE0 ss:$0x1], $0xffff;
	[tilespmem:s23+$0x10] =	vst v5  }
0x4f: {  	v60 =	vld.idx.msk [tilespmem:v0+s24+$0xFFFFFFF0 ss:$0x1], $0xffff;
	s31 =	sadd.s32 $0x100, s23;
	[tilespmem:s23+$0x20] =	vst v6  }
0x50: {  	v61 =	vld.idx.msk [tilespmem:v0+s24+$0x0 ss:$0x1], $0xffff;
	[tilespmem:s31+$0x30] =	vst v56  }
0x51: {  	v62 =	vld.idx.msk [tilespmem:v0+s24+$0x10 ss:$0x1], $0xffff;
	[tilespmem:s31+$0xFFFFFFC0] =	vst v57  }
0x52: {  	v63 =	vld.idx.msk [tilespmem:v0+s24+$0x20 ss:$0x1], $0xffff;
	[tilespmem:s31+$0xFFFFFFD0] =	vst v58  }
.Ltmp4:
0x53: {  	[tilespmem:s31+$0xFFFFFFE0] =	vst v59;
	(pc) =	sbr.rel @p0 .LBB1_3-.Ltmp4, $4  }
0x54: {  	[tilespmem:s31+$0xFFFFFFF0] =	vst v60  }
0x55: {  	[tilespmem:s31+$0x0] =	vst v61  }
0x56: {  	[tilespmem:s31+$0x10] =	vst v62  }
0x57: {  	p1 =	por $0x0, $0x0;
	s23 =	simm.s32 $0x1;
	[tilespmem:s31+$0x20] =	vst v63  }
0x58: {  	s21 =	sshrl.u32 s19, $0x3  }
0x59: {  	s22 =	sshll.u32 s17, $0x3;
	s21 =	smul.u32 $0x1800, s21  }
0x5a: {  	s27 =	sshll.u32 s19, $0x7;
	s22 =	sand.u32 $0xFFFFFC00, s22  }
0x5b: {  	s19 =	sand.u32 $0x380, s27;
	s21 =	sadd.s32 s21, s22  }
0x5c: {  	s28 =	sand.u32 $0x7F, s17;
	s19 =	sor.u32 s19, s21  }
0x5d: {  	s17 =	sor.u32 s28, s19;
	s19 =	smulhi.u32 $0xAAAAAAAB, s19  }
0x5e: {  	s29 =	smulhi.u32 $0xAAAAAAAB, s17  }
0x5f: {  	s18 =	smul.u32 $0xC000, s18  }
0x60: {  	s16 =	smul.u32 $0x300, s16;
	s19 =	sshrl.u32 s19, $0x9;
	s21 =	sshrl.u32 s29, $0x9  }
0x61: {  	s19 =	sand.u32 $0x7, s19;
	s21 =	smul.u32 $0x300, s21  }
0x62: {  	s19 =	smul.u32 $0x60, s19  }
.Ltmp5:
0x63: {  	s18 =	sadd.s32 s6, s18;
	s17 =	ssub.s32 s17, s21;
	(pc) =	sbr.rel .LBB1_7-.Ltmp5, $4  }
0x64: {  	s16 =	sadd.s32 s16, s18;
	s30 =	sand.u32 $0x7, s17  }
0x65: {  	s16 =	sadd.s32 s19, s16;
	s17 =	sshrl.u32 s17, $0x3;
	s18 =	sshll.u32 s30, $0x12  }
0x66: {  	s16 =	sadd.s32 s17, s16;
	s31 =	sor.u32 $0x100, s18  }
0x67: {  	[hbm4b:s16+s31] =	stream.strided.scatter [tilespmem:s20], [sflag:$0x2], $0x4000, s9, s31, $0x38;
	[tilespmem:$0x10000] =	vst v63  }
.LBB1_8:
0x68: {  	_ =	sfence.sel $0x180000  }
0x69: {  	s2 =	simm.s32 $0x1;
	[bflag:$0x0] =	sbarrier.arrive $0xFFFF  }
0x6a: {  	s31 =	simm.s32 $0x2;
	[sflag:s2] =	ssyncpa.u1 $0x1  }
0x6b: {  	[sflag:s31] =	ssyncpa.u1 $0x1  }
0x6c: {  	p0 =	sne.s32 s0, $0x0;
	_ =	strace $0x90000047  }
0x6d: {  	s0 =	sadd.s32 @!p0 $0x100000, s1;
	[bflag:$0x2] =	sbarrier.arrive $0xFFFF  }
0x6e: {  	[sflag:s0] =	ssyncadd.tile.s32 @!p0 $0x1;
	_ =	shalt  }
.Lfunc_end1:
_tile_overlayer_lowered:
.L_overlay_start_2:
0x6f: {  	(tag) =	ssettag $0x2  }
0x70: {  	s0 =	rddreg [dreg:$0x0];
	s2 =	stileid.u32  }
0x71: {  	s1 =	rddreg [dreg:$0x1];
	p0 =	sne.s32 s2, $0x0  }
0x72: {  	s3 =	rddreg [dreg:$0x2];
	[bflag:$0x3] =	sbarrier.arrive $0xFFFF;
	s2 =	simm.s32 @!p0 $0x1C01  }
0x73: {  	[timem:s3], [sflag:s2] =	dma.local @!p0 [hbm:s0], s1  }
0x74: {  	s0 =	simm.s32 @!p0 $0x1  }
0x75: {  	_ =	swait.ge @!p0 [sflag:s0], s1  }
0x76: {  	s1 =	ssub.s32 @!p0 $0x0, s1;
	[sflag:s0] =	ssyncset.done @!p0 $0x0  }
0x77: {  	[sflag:s0] =	ssyncadd.s32 @!p0 s1  }
0x78: {  	[bflag:$0x3] =	sbarrier.arrive $0xFFFF  }
0x79: {  	_ =	shalt  }

</sc_bundles>
